<compile_context>
chip_gen: v7x
topology: tpu7x:2x2x1
jax: 0.10.2.dev20260603
libtpu: 0.0.44.dev20260713+nightly
codegen_flags: <defaults>
</compile_context>

<pallas_src>
import functools

import jax
import jax.numpy as jnp
from jax import lax
from jax.experimental import pallas as pl
from jax.experimental.pallas import tpu as pltpu
from jax.experimental.pallas import tpu_sc as plsc

_NC = 2
_NS = 16
_NW = _NC * _NS
_LANES = 16
_STRIPE = 128


def _sc_stripe_gather(relation, sample_idx):
  n = relation.shape[1]
  s = sample_idx.shape[0]
  nstripe = n // _STRIPE
  rows_per_w = s // _NW

  mesh = plsc.VectorSubcoreMesh(core_axis_name="c", subcore_axis_name="s")
  nbuf = 4
  nquad = nstripe // nbuf
  rest = nstripe - nbuf * nquad

  @functools.partial(
      pl.kernel,
      out_type=jax.ShapeDtypeStruct((nstripe, s, _STRIPE), jnp.float32),
      mesh=mesh,
      scratch_types=[
          pltpu.VMEM((s,), jnp.int32),
          pltpu.VMEM((nbuf, rows_per_w, _STRIPE), jnp.float32),
          [pltpu.SemaphoreType.DMA] * nbuf,
          [pltpu.SemaphoreType.DMA] * nbuf,
      ],
  )
  def k(rel_hbm, idx_hbm, g2_hbm, idx_v, buf, gsems, wsems):
    wid = lax.axis_index("s") * _NC + lax.axis_index("c")
    base = wid * rows_per_w
    my_idx = idx_v.at[pl.ds(base, rows_per_w)]

    pltpu.sync_copy(idx_hbm, idx_v)

    def gather(t, b):
      stripe = rel_hbm.at[:, pl.ds(t * _STRIPE, _STRIPE)]
      return pltpu.async_copy(stripe.at[my_idx], buf.at[b], gsems[b])

    def write(t, b):
      return pltpu.async_copy(
          buf.at[b], g2_hbm.at[t].at[pl.ds(base, rows_per_w)], wsems[b])

    def drain_write(b):
      pltpu.make_async_copy(
          buf.at[b], g2_hbm.at[0].at[pl.ds(base, rows_per_w)],
          wsems[b]).wait()

    gcps = [gather(t, t) for t in range(nbuf)]
    for b in range(nbuf):
      gcps[b].wait()
      write(b, b)

    def quad(q, carry):
      t0 = nbuf * q
      gs = []
      for b in range(nbuf):
        drain_write(b)
        gs.append(gather(t0 + b, b))
      for b in range(nbuf):
        gs[b].wait()
        write(t0 + b, b)
      return carry

    lax.fori_loop(1, nquad, quad, 0)
    for b in range(nbuf):
      drain_write(b)
    gcps = [gather(nbuf * nquad + r, r) for r in range(rest)]
    wcps = []
    for r in range(rest):
      gcps[r].wait()
      wcps.append(write(nbuf * nquad + r, r))
    for cp in wcps:
      cp.wait()

  return k(relation, sample_idx)


def _sc_col_gather(g2, tail, sample_idx, latent_z):
  nstripe, s, _ = g2.shape
  ntail = tail.shape[1]
  d = latent_z.shape[1]
  rows_per_w = s // _NW
  chunk = 4
  nchunk = rows_per_w // chunk
  split = nstripe * _STRIPE

  mesh = plsc.VectorSubcoreMesh(core_axis_name="c", subcore_axis_name="s")

  @functools.partial(
      pl.kernel,
      out_type=(
          jax.ShapeDtypeStruct((s, s), jnp.float32),
          jax.ShapeDtypeStruct((s, d), jnp.float32),
      ),
      mesh=mesh,
      scratch_types=[
          pltpu.VMEM((s,), jnp.int32),
          pltpu.VMEM((2, nstripe, chunk, _STRIPE), jnp.float32),
          pltpu.VMEM((rows_per_w, ntail), jnp.float32),
          pltpu.VMEM((chunk, s), jnp.float32),
          pltpu.VMEM((rows_per_w, d), jnp.float32),
          pltpu.SemaphoreType.DMA,
          pltpu.SemaphoreType.DMA,
          pltpu.SemaphoreType.DMA,
          pltpu.SemaphoreType.DMA,
      ],
      compiler_params=pltpu.CompilerParams(use_tc_tiling_on_sc=False),
  )
  def k(g2_hbm, tail_hbm, idx_hbm, z_hbm, r_hbm, zs_hbm,
        idx_v, rows_v, tail_v, out_v, zs_v, sem0, sem1, tsem, sem_z):
    wid = lax.axis_index("s") * _NC + lax.axis_index("c")
    base = wid * rows_per_w
    sems = (sem0, sem1)

    pltpu.sync_copy(idx_hbm, idx_v)

    z_cp = pltpu.async_copy(z_hbm.at[idx_v.at[pl.ds(base, rows_per_w)]],
                            zs_v, sem_z)
    t_cp = pltpu.async_copy(
        tail_hbm.at[idx_v.at[pl.ds(base, rows_per_w)]], tail_v, tsem)

    def fetch(c):
      buf = c % 2
      row0 = base + c * chunk
      return pltpu.async_copy(
          g2_hbm.at[:, pl.ds(row0, chunk), :], rows_v.at[buf], sems[buf])

    cps = {0: fetch(0)}
    t_cp.wait()
    for c in range(nchunk):
      cur = c % 2
      if c + 1 < nchunk:
        cps[c + 1] = fetch(c + 1)
      cps[c].wait()
      for r in range(chunk):
        @functools.partial(plsc.parallel_loop, 0, s // _LANES, unroll=4)
        def _(kk, _cur=cur, _r=r, _wr=c * chunk + r):
          cols = idx_v[pl.ds(kk * _LANES, _LANES)]
          curv = jnp.full((_LANES,), _cur, jnp.int32)
          rv = jnp.full((_LANES,), _r, jnp.int32)
          wrv = jnp.full((_LANES,), _wr, jnp.int32)
          tv = jnp.minimum(lax.shift_right_logical(cols, 7), nstripe - 1)
          cv = lax.bitwise_and(cols, _STRIPE - 1)
          main = plsc.load_gather(rows_v, [curv, tv, rv, cv])
          tcol = jnp.maximum(cols - split, 0)
          tailv = plsc.load_gather(tail_v, [wrv, tcol])
          out_v[_r, pl.ds(kk * _LANES, _LANES)] = jnp.where(
              cols >= split, tailv, main)

      pltpu.sync_copy(out_v, r_hbm.at[pl.ds(base + c * chunk, chunk)])

    z_cp.wait()
    pltpu.sync_copy(zs_v, zs_hbm.at[pl.ds(base, rows_per_w)])

  return k(g2, tail, sample_idx, latent_z)


def _tc_loss(r_mat, zs):
  s, d = zs.shape
  bm = 256
  grid = s // bm

  def body(r_ref, zs_ref, out_ref):
    i = pl.program_id(0)
    zall = zs_ref[...]
    zsb = zs_ref[pl.ds(i * bm, bm), :]
    g = lax.dot_general(zsb, zall, (((1,), (1,)), ((), ())),
                        preferred_element_type=jnp.float32)
    nb = jnp.sum(zsb * zsb, axis=1)[:, None]
    nz = jnp.sum(zall * zall, axis=1)[None, :]
    d2 = nb + nz - 2.0 * g
    dm = jnp.where(d2 > 0, jnp.sqrt(jnp.where(d2 > 0, d2, 1.0)), 0.0)
    rows = i * bm + lax.broadcasted_iota(jnp.int32, (bm, s), 0)
    cols = lax.broadcasted_iota(jnp.int32, (bm, s), 1)
    diag = rows == cols
    dm = jnp.where(diag, 0.0, dm)
    rb = r_ref[...]
    rd = jnp.where(diag, 5.0, rb)
    num = dm - rb
    part = jnp.sum(num * num / rd)

    @pl.when(i == 0)
    def _():
      out_ref[0, 0] = 0.0

    out_ref[0, 0] += part

    @pl.when(i == grid - 1)
    def _():
      out_ref[0, 0] = jnp.sqrt(out_ref[0, 0])

  out = pl.pallas_call(
      body,
      grid=(grid,),
      in_specs=[
          pl.BlockSpec((bm, s), lambda i: (i, 0)),
          pl.BlockSpec((s, d), lambda i: (0, 0)),
      ],
      out_specs=pl.BlockSpec(memory_space=pltpu.SMEM),
      out_shape=jax.ShapeDtypeStruct((1, 1), jnp.float32),
  )(r_mat, zs)
  return out[0, 0]


@jax.jit
def kernel(latent_z, relation, gamma, sample_idx, epoch):
  del gamma, epoch
  idx = sample_idx.astype(jnp.int32)
  n = relation.shape[0]
  split = (n // _STRIPE) * _STRIPE
  tail = relation[:, split:]
  g2 = _sc_stripe_gather(relation, idx)
  r_mat, zs = _sc_col_gather(g2, tail, idx, latent_z)
  return _tc_loss(r_mat, zs)

# --- scband reference (transcript-rebuilt; emitter-appended) ---
"""Pipeline reference for scband-mds-37263136260291 (READ-ONLY COPY).

The authoritative reference and input builder live on the scoring server;
editing this copy changes nothing except your own understanding.
"""

import jax, jax.numpy as jnp
import numpy as np

N = 10000
LATENT_DIM = 16
SAMPLE_SIZE = 2048


def setup_inputs(seed: int = 0) -> dict:
    key = jax.random.key(seed)
    k1, k2, k3, k4 = jax.random.split(key, 4)
    latent_z = jax.random.normal(k1, (N, LATENT_DIM), dtype=jnp.float32)
    # relation is a dissimilarity matrix: positive values, bounded away from 0
    # to keep the division in the likelihood numerically tame
    relation = jax.random.uniform(k2, (N, N), dtype=jnp.float32, minval=0.5, maxval=2.0)
    gamma = jax.random.normal(k3, (N,), dtype=jnp.float32)
    sample_idx = jax.random.randint(k4, (SAMPLE_SIZE,), 0, N)
    return {
        "latent_z": latent_z,
        "relation": relation,
        "gamma": gamma,
        "sample_idx": sample_idx,
        "epoch": 0,
    }


def reference(latent_z, relation, gamma, sample_idx, epoch):
    # MDS_likelihood with the internal torch.multinomial sample externalized
    # as sample_idx (an int64[sample_size] tensor of node ids).
    zs = jnp.take(latent_z, sample_idx, axis=0)  # [S, d]
    diff = zs[:, None, :] - zs[None, :, :]
    d2 = jnp.sum(diff * diff, axis=-1)  # [S, S]
    # safe sqrt: torch.cdist produces 0 on the diagonal with zero subgradient
    Dm = jnp.where(d2 > 0, jnp.sqrt(jnp.where(d2 > 0, d2, 1.0)), 0.0)
    # relation[sample_idx][:, sample_idx] -> fresh copy (numerator, original diag)
    R = jnp.take(jnp.take(relation, sample_idx, axis=0), sample_idx, axis=1)
    # second fresh copy with fill_diagonal_(5) (denominator)
    i = jnp.arange(sample_idx.shape[0])
    Rd = R.at[i, i].set(5.0)
    log_likelihood = jnp.sum((Dm - R) ** 2 / Rd) ** 0.5
    return log_likelihood

if __name__ == "__main__":
    import jax
    _d = setup_inputs()
    print(jax.jit(kernel)(*tuple(_d.values())))

</pallas_src>

<mosaic_0001>
#map = affine_map<(d0, d1) -> (0, 0)>
#map1 = affine_map<(d0, d1) -> (0)>
#map2 = affine_map<(d0, d1) -> (0, 0, 0)>
module attributes {stable_mosaic.version = 14 : i64} {
  func.func @k(%arg0: i32, %arg1: i32, %arg2: memref<10000x10000xf32, #tpu.memory_space<hbm>>, %arg3: memref<2048xi32, #tpu.memory_space<hbm>>, %arg4: memref<78x2048x128xf32, #tpu.memory_space<hbm>>, %arg5: memref<2048xi32, #tpu.memory_space<vmem>>, %arg6: memref<4x64x128xf32, #tpu.memory_space<vmem>>, %arg7: memref<!tpu.dma_semaphore, #tpu.memory_space<semaphore_mem>>, %arg8: memref<!tpu.dma_semaphore, #tpu.memory_space<semaphore_mem>>, %arg9: memref<!tpu.dma_semaphore, #tpu.memory_space<semaphore_mem>>, %arg10: memref<!tpu.dma_semaphore, #tpu.memory_space<semaphore_mem>>, %arg11: memref<!tpu.dma_semaphore, #tpu.memory_space<semaphore_mem>>, %arg12: memref<!tpu.dma_semaphore, #tpu.memory_space<semaphore_mem>>, %arg13: memref<!tpu.dma_semaphore, #tpu.memory_space<semaphore_mem>>, %arg14: memref<!tpu.dma_semaphore, #tpu.memory_space<semaphore_mem>>) attributes {dimension_semantics = [#tpu.dimension_semantics<core_parallel>, #tpu.dimension_semantics<subcore_parallel>], iteration_bounds = array<i64: 2, 16>, scalar_prefetch = 0 : i64, scratch_operands = 10 : i64, tpu.core_type = #tpu.core_type<sc_vector_subcore>, window_params = [{transform_indices = #map}, {transform_indices = #map1}, {transform_indices = #map2}]} {
    %mul3A = arith.constant 2 : i32
    %mul3A_0 = arith.muli %arg1, %mul3A : i32
    %add3A = arith.addi %mul3A_0, %arg0 : i32
    %mul3A_1 = arith.constant 64 : i32
    %mul3A_2 = arith.muli %add3A, %mul3A_1 : i32
    "tpu.region"() ({
      %run_scoped3A = tpu.sem_alloc : memref<!tpu.dma_semaphore, #tpu.memory_space<semaphore_mem>>
      tpu.enqueue_dma source(%arg3 : memref<2048xi32, #tpu.memory_space<hbm>>) target(%arg5 : memref<2048xi32, #tpu.memory_space<vmem>>) target_semaphore(%run_scoped3A : memref<!tpu.dma_semaphore, #tpu.memory_space<semaphore_mem>>)
      tpu.wait_dma2 semaphore(%run_scoped3A : memref<!tpu.dma_semaphore, #tpu.memory_space<semaphore_mem>>) src(%arg3 : memref<2048xi32, #tpu.memory_space<hbm>>) dst(%arg5 : memref<2048xi32, #tpu.memory_space<vmem>>)
      tpu.yield
    }) : () -> ()
    %dma_start3A = arith.constant 0 : i32
    %dma_start3A_3 = arith.constant 0 : i32
    %dma_start3A_4 = arith.constant 0 : i32
    %dma_start3A_5 = tpu.memref_slice %arg6[%dma_start3A, %dma_start3A_3, %dma_start3A_4] : memref<4x64x128xf32, #tpu.memory_space<vmem>> -> memref<1x64x128xf32, #tpu.memory_space<vmem>>
    %dma_start3A_6 = tpu.memref_squeeze %dma_start3A_5 : memref<1x64x128xf32, #tpu.memory_space<vmem>> -> memref<64x128xf32, #tpu.memory_space<vmem>>
    %dma_start3A_7 = tpu.memref_slice %arg5[%mul3A_2] : memref<2048xi32, #tpu.memory_space<vmem>> -> memref<64xi32, #tpu.memory_space<vmem>>
    %dma_start3A_8 = arith.constant 0 : i32
    %dma_start3A_9 = arith.constant 0 : i32
    %dma_start3A_10 = tpu.memref_slice %arg2[%dma_start3A_8, %dma_start3A_9] : memref<10000x10000xf32, #tpu.memory_space<hbm>> -> memref<10000x128xf32, #tpu.memory_space<hbm>>
    %dma_start3A_11 = arith.constant 0 : i32
    %dma_start3A_12 = arith.constant 0 : i32
    %dma_start3A_13 = tpu.memref_slice %dma_start3A_10[%dma_start3A_11, %dma_start3A_12] : memref<10000x128xf32, #tpu.memory_space<hbm>> -> memref<10000x128xf32, #tpu.memory_space<hbm>>
    tpu.enqueue_indirect_dma source(%dma_start3A_13 : memref<10000x128xf32, #tpu.memory_space<hbm>>) target(%dma_start3A_6 : memref<64x128xf32, #tpu.memory_space<vmem>>) offsets(%dma_start3A_7 : memref<64xi32, #tpu.memory_space<vmem>>) semaphore(%arg7 : memref<!tpu.dma_semaphore, #tpu.memory_space<semaphore_mem>>)
    %dma_start3A_14 = arith.constant 1 : i32
    %dma_start3A_15 = arith.constant 0 : i32
    %dma_start3A_16 = arith.constant 0 : i32
    %dma_start3A_17 = tpu.memref_slice %arg6[%dma_start3A_14, %dma_start3A_15, %dma_start3A_16] : memref<4x64x128xf32, #tpu.memory_space<vmem>> -> memref<1x64x128xf32, #tpu.memory_space<vmem>>
    %dma_start3A_18 = tpu.memref_squeeze %dma_start3A_17 : memref<1x64x128xf32, #tpu.memory_space<vmem>> -> memref<64x128xf32, #tpu.memory_space<vmem>>
    %dma_start3A_19 = tpu.memref_slice %arg5[%mul3A_2] : memref<2048xi32, #tpu.memory_space<vmem>> -> memref<64xi32, #tpu.memory_space<vmem>>
    %dma_start3A_20 = arith.constant 0 : i32
    %dma_start3A_21 = arith.constant 128 : i32
    %dma_start3A_22 = tpu.memref_slice %arg2[%dma_start3A_20, %dma_start3A_21] : memref<10000x10000xf32, #tpu.memory_space<hbm>> -> memref<10000x128xf32, #tpu.memory_space<hbm>>
    %dma_start3A_23 = arith.constant 0 : i32
    %dma_start3A_24 = arith.constant 0 : i32
    %dma_start3A_25 = tpu.memref_slice %dma_start3A_22[%dma_start3A_23, %dma_start3A_24] : memref<10000x128xf32, #tpu.memory_space<hbm>> -> memref<10000x128xf32, #tpu.memory_space<hbm>>
    tpu.enqueue_indirect_dma source(%dma_start3A_25 : memref<10000x128xf32, #tpu.memory_space<hbm>>) target(%dma_start3A_18 : memref<64x128xf32, #tpu.memory_space<vmem>>) offsets(%dma_start3A_19 : memref<64xi32, #tpu.memory_space<vmem>>) semaphore(%arg8 : memref<!tpu.dma_semaphore, #tpu.memory_space<semaphore_mem>>)
    %dma_start3A_26 = arith.constant 2 : i32
    %dma_start3A_27 = arith.constant 0 : i32
    %dma_start3A_28 = arith.constant 0 : i32
    %dma_start3A_29 = tpu.memref_slice %arg6[%dma_start3A_26, %dma_start3A_27, %dma_start3A_28] : memref<4x64x128xf32, #tpu.memory_space<vmem>> -> memref<1x64x128xf32, #tpu.memory_space<vmem>>
    %dma_start3A_30 = tpu.memref_squeeze %dma_start3A_29 : memref<1x64x128xf32, #tpu.memory_space<vmem>> -> memref<64x128xf32, #tpu.memory_space<vmem>>
    %dma_start3A_31 = tpu.memref_slice %arg5[%mul3A_2] : memref<2048xi32, #tpu.memory_space<vmem>> -> memref<64xi32, #tpu.memory_space<vmem>>
    %dma_start3A_32 = arith.constant 0 : i32
    %dma_start3A_33 = arith.constant 256 : i32
    %dma_start3A_34 = tpu.memref_slice %arg2[%dma_start3A_32, %dma_start3A_33] : memref<10000x10000xf32, #tpu.memory_space<hbm>> -> memref<10000x128xf32, #tpu.memory_space<hbm>>
    %dma_start3A_35 = arith.constant 0 : i32
    %dma_start3A_36 = arith.constant 0 : i32
    %dma_start3A_37 = tpu.memref_slice %dma_start3A_34[%dma_start3A_35, %dma_start3A_36] : memref<10000x128xf32, #tpu.memory_space<hbm>> -> memref<10000x128xf32, #tpu.memory_space<hbm>>
    tpu.enqueue_indirect_dma source(%dma_start3A_37 : memref<10000x128xf32, #tpu.memory_space<hbm>>) target(%dma_start3A_30 : memref<64x128xf32, #tpu.memory_space<vmem>>) offsets(%dma_start3A_31 : memref<64xi32, #tpu.memory_space<vmem>>) semaphore(%arg9 : memref<!tpu.dma_semaphore, #tpu.memory_space<semaphore_mem>>)
    %dma_start3A_38 = arith.constant 3 : i32
    %dma_start3A_39 = arith.constant 0 : i32
    %dma_start3A_40 = arith.constant 0 : i32
    %dma_start3A_41 = tpu.memref_slice %arg6[%dma_start3A_38, %dma_start3A_39, %dma_start3A_40] : memref<4x64x128xf32, #tpu.memory_space<vmem>> -> memref<1x64x128xf32, #tpu.memory_space<vmem>>
    %dma_start3A_42 = tpu.memref_squeeze %dma_start3A_41 : memref<1x64x128xf32, #tpu.memory_space<vmem>> -> memref<64x128xf32, #tpu.memory_space<vmem>>
    %dma_start3A_43 = tpu.memref_slice %arg5[%mul3A_2] : memref<2048xi32, #tpu.memory_space<vmem>> -> memref<64xi32, #tpu.memory_space<vmem>>
    %dma_start3A_44 = arith.constant 0 : i32
    %dma_start3A_45 = arith.constant 384 : i32
    %dma_start3A_46 = tpu.memref_slice %arg2[%dma_start3A_44, %dma_start3A_45] : memref<10000x10000xf32, #tpu.memory_space<hbm>> -> memref<10000x128xf32, #tpu.memory_space<hbm>>
    %dma_start3A_47 = arith.constant 0 : i32
    %dma_start3A_48 = arith.constant 0 : i32
    %dma_start3A_49 = tpu.memref_slice %dma_start3A_46[%dma_start3A_47, %dma_start3A_48] : memref<10000x128xf32, #tpu.memory_space<hbm>> -> memref<10000x128xf32, #tpu.memory_space<hbm>>
    tpu.enqueue_indirect_dma source(%dma_start3A_49 : memref<10000x128xf32, #tpu.memory_space<hbm>>) target(%dma_start3A_42 : memref<64x128xf32, #tpu.memory_space<vmem>>) offsets(%dma_start3A_43 : memref<64xi32, #tpu.memory_space<vmem>>) semaphore(%arg10 : memref<!tpu.dma_semaphore, #tpu.memory_space<semaphore_mem>>)
    %dma_wait3A = arith.constant 0 : i32
    %dma_wait3A_50 = arith.constant 0 : i32
    %dma_wait3A_51 = arith.constant 0 : i32
    %dma_wait3A_52 = tpu.memref_slice %arg6[%dma_wait3A, %dma_wait3A_50, %dma_wait3A_51] : memref<4x64x128xf32, #tpu.memory_space<vmem>> -> memref<1x64x128xf32, #tpu.memory_space<vmem>>
    %dma_wait3A_53 = tpu.memref_squeeze %dma_wait3A_52 : memref<1x64x128xf32, #tpu.memory_space<vmem>> -> memref<64x128xf32, #tpu.memory_space<vmem>>
    %dma_wait3A_54 = tpu.memref_slice %arg5[%mul3A_2] : memref<2048xi32, #tpu.memory_space<vmem>> -> memref<64xi32, #tpu.memory_space<vmem>>
    %dma_wait3A_55 = arith.constant 0 : i32
    %dma_wait3A_56 = arith.constant 0 : i32
    %dma_wait3A_57 = tpu.memref_slice %arg2[%dma_wait3A_55, %dma_wait3A_56] : memref<10000x10000xf32, #tpu.memory_space<hbm>> -> memref<10000x128xf32, #tpu.memory_space<hbm>>
    %dma_wait3A_58 = arith.constant 0 : i32
    %dma_wait3A_59 = arith.constant 0 : i32
    %dma_wait3A_60 = tpu.memref_slice %dma_wait3A_57[%dma_wait3A_58, %dma_wait3A_59] : memref<10000x128xf32, #tpu.memory_space<hbm>> -> memref<10000x128xf32, #tpu.memory_space<hbm>>
    tpu.wait_indirect_dma semaphore(%arg7 : memref<!tpu.dma_semaphore, #tpu.memory_space<semaphore_mem>>) src(%dma_wait3A_60 : memref<10000x128xf32, #tpu.memory_space<hbm>>) dst(%dma_wait3A_53 : memref<64x128xf32, #tpu.memory_space<vmem>>)
    %dma_start3A_61 = arith.constant 0 : i32
    %dma_start3A_62 = arith.constant 0 : i32
    %dma_start3A_63 = arith.constant 0 : i32
    %dma_start3A_64 = arith.constant 0 : i32
    %dma_start3A_65 = tpu.memref_slice %arg6[%dma_start3A_61, %dma_start3A_63, %dma_start3A_64] : memref<4x64x128xf32, #tpu.memory_space<vmem>> -> memref<1x64x128xf32, #tpu.memory_space<vmem>>
    %dma_start3A_66 = tpu.memref_squeeze %dma_start3A_65 : memref<1x64x128xf32, #tpu.memory_space<vmem>> -> memref<64x128xf32, #tpu.memory_space<vmem>>
    %dma_start3A_67 = arith.constant 0 : i32
    %dma_start3A_68 = arith.constant 0 : i32
    %dma_start3A_69 = tpu.memref_slice %arg4[%dma_start3A_62, %dma_start3A_67, %dma_start3A_68] : memref<78x2048x128xf32, #tpu.memory_space<hbm>> -> memref<1x2048x128xf32, #tpu.memory_space<hbm>>
    %dma_start3A_70 = tpu.memref_squeeze %dma_start3A_69 : memref<1x2048x128xf32, #tpu.memory_space<hbm>> -> memref<2048x128xf32, #tpu.memory_space<hbm>>
    %dma_start3A_71 = arith.constant 0 : i32
    %dma_start3A_72 = tpu.memref_slice %dma_start3A_70[%mul3A_2, %dma_start3A_71] : memref<2048x128xf32, #tpu.memory_space<hbm>> -> memref<64x128xf32, #tpu.memory_space<hbm>>
    %dma_start3A_73 = arith.constant 0 : i32
    %dma_start3A_74 = arith.constant 0 : i32
    %dma_start3A_75 = tpu.memref_slice %arg4[%dma_start3A_62, %dma_start3A_73, %dma_start3A_74] : memref<78x2048x128xf32, #tpu.memory_space<hbm>> -> memref<1x2048x128xf32, #tpu.memory_space<hbm>>
    %dma_start3A_76 = tpu.memref_squeeze %dma_start3A_75 : memref<1x2048x128xf32, #tpu.memory_space<hbm>> -> memref<2048x128xf32, #tpu.memory_space<hbm>>
    %dma_start3A_77 = arith.constant 0 : i32
    %dma_start3A_78 = tpu.memref_slice %dma_start3A_76[%mul3A_2, %dma_start3A_77] : memref<2048x128xf32, #tpu.memory_space<hbm>> -> memref<64x128xf32, #tpu.memory_space<hbm>>
    %dma_start3A_79 = arith.constant 0 : i32
    %dma_start3A_80 = arith.constant 0 : i32
    %dma_start3A_81 = tpu.memref_slice %arg6[%dma_start3A_61, %dma_start3A_79, %dma_start3A_80] : memref<4x64x128xf32, #tpu.memory_space<vmem>> -> memref<1x64x128xf32, #tpu.memory_space<vmem>>
    %dma_start3A_82 = tpu.memref_squeeze %dma_start3A_81 : memref<1x64x128xf32, #tpu.memory_space<vmem>> -> memref<64x128xf32, #tpu.memory_space<vmem>>
    tpu.enqueue_dma source(%dma_start3A_82 : memref<64x128xf32, #tpu.memory_space<vmem>>) target(%dma_start3A_78 : memref<64x128xf32, #tpu.memory_space<hbm>>) target_semaphore(%arg11 : memref<!tpu.dma_semaphore, #tpu.memory_space<semaphore_mem>>)
    %dma_wait3A_83 = arith.constant 1 : i32
    %dma_wait3A_84 = arith.constant 0 : i32
    %dma_wait3A_85 = arith.constant 0 : i32
    %dma_wait3A_86 = tpu.memref_slice %arg6[%dma_wait3A_83, %dma_wait3A_84, %dma_wait3A_85] : memref<4x64x128xf32, #tpu.memory_space<vmem>> -> memref<1x64x128xf32, #tpu.memory_space<vmem>>
    %dma_wait3A_87 = tpu.memref_squeeze %dma_wait3A_86 : memref<1x64x128xf32, #tpu.memory_space<vmem>> -> memref<64x128xf32, #tpu.memory_space<vmem>>
    %dma_wait3A_88 = tpu.memref_slice %arg5[%mul3A_2] : memref<2048xi32, #tpu.memory_space<vmem>> -> memref<64xi32, #tpu.memory_space<vmem>>
    %dma_wait3A_89 = arith.constant 0 : i32
    %dma_wait3A_90 = arith.constant 128 : i32
    %dma_wait3A_91 = tpu.memref_slice %arg2[%dma_wait3A_89, %dma_wait3A_90] : memref<10000x10000xf32, #tpu.memory_space<hbm>> -> memref<10000x128xf32, #tpu.memory_space<hbm>>
    %dma_wait3A_92 = arith.constant 0 : i32
    %dma_wait3A_93 = arith.constant 0 : i32
    %dma_wait3A_94 = tpu.memref_slice %dma_wait3A_91[%dma_wait3A_92, %dma_wait3A_93] : memref<10000x128xf32, #tpu.memory_space<hbm>> -> memref<10000x128xf32, #tpu.memory_space<hbm>>
    tpu.wait_indirect_dma semaphore(%arg8 : memref<!tpu.dma_semaphore, #tpu.memory_space<semaphore_mem>>) src(%dma_wait3A_94 : memref<10000x128xf32, #tpu.memory_space<hbm>>) dst(%dma_wait3A_87 : memref<64x128xf32, #tpu.memory_space<vmem>>)
    %dma_start3A_95 = arith.constant 1 : i32
    %dma_start3A_96 = arith.constant 1 : i32
    %dma_start3A_97 = arith.constant 0 : i32
    %dma_start3A_98 = arith.constant 0 : i32
    %dma_start3A_99 = tpu.memref_slice %arg6[%dma_start3A_95, %dma_start3A_97, %dma_start3A_98] : memref<4x64x128xf32, #tpu.memory_space<vmem>> -> memref<1x64x128xf32, #tpu.memory_space<vmem>>
    %dma_start3A_100 = tpu.memref_squeeze %dma_start3A_99 : memref<1x64x128xf32, #tpu.memory_space<vmem>> -> memref<64x128xf32, #tpu.memory_space<vmem>>
    %dma_start3A_101 = arith.constant 0 : i32
    %dma_start3A_102 = arith.constant 0 : i32
    %dma_start3A_103 = tpu.memref_slice %arg4[%dma_start3A_96, %dma_start3A_101, %dma_start3A_102] : memref<78x2048x128xf32, #tpu.memory_space<hbm>> -> memref<1x2048x128xf32, #tpu.memory_space<hbm>>
    %dma_start3A_104 = tpu.memref_squeeze %dma_start3A_103 : memref<1x2048x128xf32, #tpu.memory_space<hbm>> -> memref<2048x128xf32, #tpu.memory_space<hbm>>
    %dma_start3A_105 = arith.constant 0 : i32
    %dma_start3A_106 = tpu.memref_slice %dma_start3A_104[%mul3A_2, %dma_start3A_105] : memref<2048x128xf32, #tpu.memory_space<hbm>> -> memref<64x128xf32, #tpu.memory_space<hbm>>
    %dma_start3A_107 = arith.constant 0 : i32
    %dma_start3A_108 = arith.constant 0 : i32
    %dma_start3A_109 = tpu.memref_slice %arg4[%dma_start3A_96, %dma_start3A_107, %dma_start3A_108] : memref<78x2048x128xf32, #tpu.memory_space<hbm>> -> memref<1x2048x128xf32, #tpu.memory_space<hbm>>
    %dma_start3A_110 = tpu.memref_squeeze %dma_start3A_109 : memref<1x2048x128xf32, #tpu.memory_space<hbm>> -> memref<2048x128xf32, #tpu.memory_space<hbm>>
    %dma_start3A_111 = arith.constant 0 : i32
    %dma_start3A_112 = tpu.memref_slice %dma_start3A_110[%mul3A_2, %dma_start3A_111] : memref<2048x128xf32, #tpu.memory_space<hbm>> -> memref<64x128xf32, #tpu.memory_space<hbm>>
    %dma_start3A_113 = arith.constant 0 : i32
    %dma_start3A_114 = arith.constant 0 : i32
    %dma_start3A_115 = tpu.memref_slice %arg6[%dma_start3A_95, %dma_start3A_113, %dma_start3A_114] : memref<4x64x128xf32, #tpu.memory_space<vmem>> -> memref<1x64x128xf32, #tpu.memory_space<vmem>>
    %dma_start3A_116 = tpu.memref_squeeze %dma_start3A_115 : memref<1x64x128xf32, #tpu.memory_space<vmem>> -> memref<64x128xf32, #tpu.memory_space<vmem>>
    tpu.enqueue_dma source(%dma_start3A_116 : memref<64x128xf32, #tpu.memory_space<vmem>>) target(%dma_start3A_112 : memref<64x128xf32, #tpu.memory_space<hbm>>) target_semaphore(%arg12 : memref<!tpu.dma_semaphore, #tpu.memory_space<semaphore_mem>>)
    %dma_wait3A_117 = arith.constant 2 : i32
    %dma_wait3A_118 = arith.constant 0 : i32
    %dma_wait3A_119 = arith.constant 0 : i32
    %dma_wait3A_120 = tpu.memref_slice %arg6[%dma_wait3A_117, %dma_wait3A_118, %dma_wait3A_119] : memref<4x64x128xf32, #tpu.memory_space<vmem>> -> memref<1x64x128xf32, #tpu.memory_space<vmem>>
    %dma_wait3A_121 = tpu.memref_squeeze %dma_wait3A_120 : memref<1x64x128xf32, #tpu.memory_space<vmem>> -> memref<64x128xf32, #tpu.memory_space<vmem>>
    %dma_wait3A_122 = tpu.memref_slice %arg5[%mul3A_2] : memref<2048xi32, #tpu.memory_space<vmem>> -> memref<64xi32, #tpu.memory_space<vmem>>
    %dma_wait3A_123 = arith.constant 0 : i32
    %dma_wait3A_124 = arith.constant 256 : i32
    %dma_wait3A_125 = tpu.memref_slice %arg2[%dma_wait3A_123, %dma_wait3A_124] : memref<10000x10000xf32, #tpu.memory_space<hbm>> -> memref<10000x128xf32, #tpu.memory_space<hbm>>
    %dma_wait3A_126 = arith.constant 0 : i32
    %dma_wait3A_127 = arith.constant 0 : i32
    %dma_wait3A_128 = tpu.memref_slice %dma_wait3A_125[%dma_wait3A_126, %dma_wait3A_127] : memref<10000x128xf32, #tpu.memory_space<hbm>> -> memref<10000x128xf32, #tpu.memory_space<hbm>>
    tpu.wait_indirect_dma semaphore(%arg9 : memref<!tpu.dma_semaphore, #tpu.memory_space<semaphore_mem>>) src(%dma_wait3A_128 : memref<10000x128xf32, #tpu.memory_space<hbm>>) dst(%dma_wait3A_121 : memref<64x128xf32, #tpu.memory_space<vmem>>)
    %dma_start3A_129 = arith.constant 2 : i32
    %dma_start3A_130 = arith.constant 2 : i32
    %dma_start3A_131 = arith.constant 0 : i32
    %dma_start3A_132 = arith.constant 0 : i32
    %dma_start3A_133 = tpu.memref_slice %arg6[%dma_start3A_129, %dma_start3A_131, %dma_start3A_132] : memref<4x64x128xf32, #tpu.memory_space<vmem>> -> memref<1x64x128xf32, #tpu.memory_space<vmem>>
    %dma_start3A_134 = tpu.memref_squeeze %dma_start3A_133 : memref<1x64x128xf32, #tpu.memory_space<vmem>> -> memref<64x128xf32, #tpu.memory_space<vmem>>
    %dma_start3A_135 = arith.constant 0 : i32
    %dma_start3A_136 = arith.constant 0 : i32
    %dma_start3A_137 = tpu.memref_slice %arg4[%dma_start3A_130, %dma_start3A_135, %dma_start3A_136] : memref<78x2048x128xf32, #tpu.memory_space<hbm>> -> memref<1x2048x128xf32, #tpu.memory_space<hbm>>
    %dma_start3A_138 = tpu.memref_squeeze %dma_start3A_137 : memref<1x2048x128xf32, #tpu.memory_space<hbm>> -> memref<2048x128xf32, #tpu.memory_space<hbm>>
    %dma_start3A_139 = arith.constant 0 : i32
    %dma_start3A_140 = tpu.memref_slice %dma_start3A_138[%mul3A_2, %dma_start3A_139] : memref<2048x128xf32, #tpu.memory_space<hbm>> -> memref<64x128xf32, #tpu.memory_space<hbm>>
    %dma_start3A_141 = arith.constant 0 : i32
    %dma_start3A_142 = arith.constant 0 : i32
    %dma_start3A_143 = tpu.memref_slice %arg4[%dma_start3A_130, %dma_start3A_141, %dma_start3A_142] : memref<78x2048x128xf32, #tpu.memory_space<hbm>> -> memref<1x2048x128xf32, #tpu.memory_space<hbm>>
    %dma_start3A_144 = tpu.memref_squeeze %dma_start3A_143 : memref<1x2048x128xf32, #tpu.memory_space<hbm>> -> memref<2048x128xf32, #tpu.memory_space<hbm>>
    %dma_start3A_145 = arith.constant 0 : i32
    %dma_start3A_146 = tpu.memref_slice %dma_start3A_144[%mul3A_2, %dma_start3A_145] : memref<2048x128xf32, #tpu.memory_space<hbm>> -> memref<64x128xf32, #tpu.memory_space<hbm>>
    %dma_start3A_147 = arith.constant 0 : i32
    %dma_start3A_148 = arith.constant 0 : i32
    %dma_start3A_149 = tpu.memref_slice %arg6[%dma_start3A_129, %dma_start3A_147, %dma_start3A_148] : memref<4x64x128xf32, #tpu.memory_space<vmem>> -> memref<1x64x128xf32, #tpu.memory_space<vmem>>
    %dma_start3A_150 = tpu.memref_squeeze %dma_start3A_149 : memref<1x64x128xf32, #tpu.memory_space<vmem>> -> memref<64x128xf32, #tpu.memory_space<vmem>>
    tpu.enqueue_dma source(%dma_start3A_150 : memref<64x128xf32, #tpu.memory_space<vmem>>) target(%dma_start3A_146 : memref<64x128xf32, #tpu.memory_space<hbm>>) target_semaphore(%arg13 : memref<!tpu.dma_semaphore, #tpu.memory_space<semaphore_mem>>)
    %dma_wait3A_151 = arith.constant 3 : i32
    %dma_wait3A_152 = arith.constant 0 : i32
    %dma_wait3A_153 = arith.constant 0 : i32
    %dma_wait3A_154 = tpu.memref_slice %arg6[%dma_wait3A_151, %dma_wait3A_152, %dma_wait3A_153] : memref<4x64x128xf32, #tpu.memory_space<vmem>> -> memref<1x64x128xf32, #tpu.memory_space<vmem>>
    %dma_wait3A_155 = tpu.memref_squeeze %dma_wait3A_154 : memref<1x64x128xf32, #tpu.memory_space<vmem>> -> memref<64x128xf32, #tpu.memory_space<vmem>>
    %dma_wait3A_156 = tpu.memref_slice %arg5[%mul3A_2] : memref<2048xi32, #tpu.memory_space<vmem>> -> memref<64xi32, #tpu.memory_space<vmem>>
    %dma_wait3A_157 = arith.constant 0 : i32
    %dma_wait3A_158 = arith.constant 384 : i32
    %dma_wait3A_159 = tpu.memref_slice %arg2[%dma_wait3A_157, %dma_wait3A_158] : memref<10000x10000xf32, #tpu.memory_space<hbm>> -> memref<10000x128xf32, #tpu.memory_space<hbm>>
    %dma_wait3A_160 = arith.constant 0 : i32
    %dma_wait3A_161 = arith.constant 0 : i32
    %dma_wait3A_162 = tpu.memref_slice %dma_wait3A_159[%dma_wait3A_160, %dma_wait3A_161] : memref<10000x128xf32, #tpu.memory_space<hbm>> -> memref<10000x128xf32, #tpu.memory_space<hbm>>
    tpu.wait_indirect_dma semaphore(%arg10 : memref<!tpu.dma_semaphore, #tpu.memory_space<semaphore_mem>>) src(%dma_wait3A_162 : memref<10000x128xf32, #tpu.memory_space<hbm>>) dst(%dma_wait3A_155 : memref<64x128xf32, #tpu.memory_space<vmem>>)
    %dma_start3A_163 = arith.constant 3 : i32
    %dma_start3A_164 = arith.constant 3 : i32
    %dma_start3A_165 = arith.constant 0 : i32
    %dma_start3A_166 = arith.constant 0 : i32
    %dma_start3A_167 = tpu.memref_slice %arg6[%dma_start3A_163, %dma_start3A_165, %dma_start3A_166] : memref<4x64x128xf32, #tpu.memory_space<vmem>> -> memref<1x64x128xf32, #tpu.memory_space<vmem>>
    %dma_start3A_168 = tpu.memref_squeeze %dma_start3A_167 : memref<1x64x128xf32, #tpu.memory_space<vmem>> -> memref<64x128xf32, #tpu.memory_space<vmem>>
    %dma_start3A_169 = arith.constant 0 : i32
    %dma_start3A_170 = arith.constant 0 : i32
    %dma_start3A_171 = tpu.memref_slice %arg4[%dma_start3A_164, %dma_start3A_169, %dma_start3A_170] : memref<78x2048x128xf32, #tpu.memory_space<hbm>> -> memref<1x2048x128xf32, #tpu.memory_space<hbm>>
    %dma_start3A_172 = tpu.memref_squeeze %dma_start3A_171 : memref<1x2048x128xf32, #tpu.memory_space<hbm>> -> memref<2048x128xf32, #tpu.memory_space<hbm>>
    %dma_start3A_173 = arith.constant 0 : i32
    %dma_start3A_174 = tpu.memref_slice %dma_start3A_172[%mul3A_2, %dma_start3A_173] : memref<2048x128xf32, #tpu.memory_space<hbm>> -> memref<64x128xf32, #tpu.memory_space<hbm>>
    %dma_start3A_175 = arith.constant 0 : i32
    %dma_start3A_176 = arith.constant 0 : i32
    %dma_start3A_177 = tpu.memref_slice %arg4[%dma_start3A_164, %dma_start3A_175, %dma_start3A_176] : memref<78x2048x128xf32, #tpu.memory_space<hbm>> -> memref<1x2048x128xf32, #tpu.memory_space<hbm>>
    %dma_start3A_178 = tpu.memref_squeeze %dma_start3A_177 : memref<1x2048x128xf32, #tpu.memory_space<hbm>> -> memref<2048x128xf32, #tpu.memory_space<hbm>>
    %dma_start3A_179 = arith.constant 0 : i32
    %dma_start3A_180 = tpu.memref_slice %dma_start3A_178[%mul3A_2, %dma_start3A_179] : memref<2048x128xf32, #tpu.memory_space<hbm>> -> memref<64x128xf32, #tpu.memory_space<hbm>>
    %dma_start3A_181 = arith.constant 0 : i32
    %dma_start3A_182 = arith.constant 0 : i32
    %dma_start3A_183 = tpu.memref_slice %arg6[%dma_start3A_163, %dma_start3A_181, %dma_start3A_182] : memref<4x64x128xf32, #tpu.memory_space<vmem>> -> memref<1x64x128xf32, #tpu.memory_space<vmem>>
    %dma_start3A_184 = tpu.memref_squeeze %dma_start3A_183 : memref<1x64x128xf32, #tpu.memory_space<vmem>> -> memref<64x128xf32, #tpu.memory_space<vmem>>
    tpu.enqueue_dma source(%dma_start3A_184 : memref<64x128xf32, #tpu.memory_space<vmem>>) target(%dma_start3A_180 : memref<64x128xf32, #tpu.memory_space<hbm>>) target_semaphore(%arg14 : memref<!tpu.dma_semaphore, #tpu.memory_space<semaphore_mem>>)
    %scan3A = arith.constant 0 : i32
    %scan3A_185 = arith.constant 1 : i32
    %scan3A_186 = arith.constant 18 : i32
    %scan3A_187 = arith.addi %scan3A_185, %scan3A_186 : i32
    %scan3A_188 = arith.constant 1 : i32
    scf.for %scan3A_414 = %scan3A_185 to %scan3A_187 step %scan3A_188  : i32 {
      %mul3A_415 = arith.constant 4 : i32
      %mul3A_416 = arith.muli %mul3A_415, %scan3A_414 : i32
      %dma_wait3A_417 = arith.constant 0 : i32
      %dma_wait3A_418 = arith.constant 0 : i32
      %dma_wait3A_419 = arith.constant 0 : i32
      %dma_wait3A_420 = arith.constant 0 : i32
      %dma_wait3A_421 = tpu.memref_slice %arg6[%dma_wait3A_417, %dma_wait3A_419, %dma_wait3A_420] : memref<4x64x128xf32, #tpu.memory_space<vmem>> -> memref<1x64x128xf32, #tpu.memory_space<vmem>>
      %dma_wait3A_422 = tpu.memref_squeeze %dma_wait3A_421 : memref<1x64x128xf32, #tpu.memory_space<vmem>> -> memref<64x128xf32, #tpu.memory_space<vmem>>
      %dma_wait3A_423 = arith.constant 0 : i32
      %dma_wait3A_424 = arith.constant 0 : i32
      %dma_wait3A_425 = tpu.memref_slice %arg4[%dma_wait3A_418, %dma_wait3A_423, %dma_wait3A_424] : memref<78x2048x128xf32, #tpu.memory_space<hbm>> -> memref<1x2048x128xf32, #tpu.memory_space<hbm>>
      %dma_wait3A_426 = tpu.memref_squeeze %dma_wait3A_425 : memref<1x2048x128xf32, #tpu.memory_space<hbm>> -> memref<2048x128xf32, #tpu.memory_space<hbm>>
      %dma_wait3A_427 = arith.constant 0 : i32
      %dma_wait3A_428 = tpu.memref_slice %dma_wait3A_426[%mul3A_2, %dma_wait3A_427] : memref<2048x128xf32, #tpu.memory_space<hbm>> -> memref<64x128xf32, #tpu.memory_space<hbm>>
      %dma_wait3A_429 = arith.constant 0 : i32
      %dma_wait3A_430 = arith.constant 0 : i32
      %dma_wait3A_431 = tpu.memref_slice %arg4[%dma_wait3A_418, %dma_wait3A_429, %dma_wait3A_430] : memref<78x2048x128xf32, #tpu.memory_space<hbm>> -> memref<1x2048x128xf32, #tpu.memory_space<hbm>>
      %dma_wait3A_432 = tpu.memref_squeeze %dma_wait3A_431 : memref<1x2048x128xf32, #tpu.memory_space<hbm>> -> memref<2048x128xf32, #tpu.memory_space<hbm>>
      %dma_wait3A_433 = arith.constant 0 : i32
      %dma_wait3A_434 = tpu.memref_slice %dma_wait3A_432[%mul3A_2, %dma_wait3A_433] : memref<2048x128xf32, #tpu.memory_space<hbm>> -> memref<64x128xf32, #tpu.memory_space<hbm>>
      %dma_wait3A_435 = arith.constant 0 : i32
      %dma_wait3A_436 = arith.constant 0 : i32
      %dma_wait3A_437 = tpu.memref_slice %arg6[%dma_wait3A_417, %dma_wait3A_435, %dma_wait3A_436] : memref<4x64x128xf32, #tpu.memory_space<vmem>> -> memref<1x64x128xf32, #tpu.memory_space<vmem>>
      %dma_wait3A_438 = tpu.memref_squeeze %dma_wait3A_437 : memref<1x64x128xf32, #tpu.memory_space<vmem>> -> memref<64x128xf32, #tpu.memory_space<vmem>>
      tpu.wait_dma2 semaphore(%arg11 : memref<!tpu.dma_semaphore, #tpu.memory_space<semaphore_mem>>) src(%dma_wait3A_438 : memref<64x128xf32, #tpu.memory_space<vmem>>) dst(%dma_wait3A_434 : memref<64x128xf32, #tpu.memory_space<hbm>>)
      %add3A_439 = arith.constant 0 : i32
      %add3A_440 = arith.addi %mul3A_416, %add3A_439 : i32
      %mul3A_441 = arith.constant 128 : i32
      %mul3A_442 = arith.muli %add3A_440, %mul3A_441 : i32
      %dma_start3A_443 = arith.constant 0 : i32
      %dma_start3A_444 = arith.constant 0 : i32
      %dma_start3A_445 = arith.constant 0 : i32
      %dma_start3A_446 = tpu.memref_slice %arg6[%dma_start3A_443, %dma_start3A_444, %dma_start3A_445] : memref<4x64x128xf32, #tpu.memory_space<vmem>> -> memref<1x64x128xf32, #tpu.memory_space<vmem>>
      %dma_start3A_447 = tpu.memref_squeeze %dma_start3A_446 : memref<1x64x128xf32, #tpu.memory_space<vmem>> -> memref<64x128xf32, #tpu.memory_space<vmem>>
      %dma_start3A_448 = tpu.memref_slice %arg5[%mul3A_2] : memref<2048xi32, #tpu.memory_space<vmem>> -> memref<64xi32, #tpu.memory_space<vmem>>
      %dma_start3A_449 = arith.constant 0 : i32
      %dma_start3A_450 = tpu.memref_slice %arg2[%dma_start3A_449, %mul3A_442] : memref<10000x10000xf32, #tpu.memory_space<hbm>> -> memref<10000x128xf32, #tpu.memory_space<hbm>>
      %dma_start3A_451 = arith.constant 0 : i32
      %dma_start3A_452 = arith.constant 0 : i32
      %dma_start3A_453 = tpu.memref_slice %dma_start3A_450[%dma_start3A_451, %dma_start3A_452] : memref<10000x128xf32, #tpu.memory_space<hbm>> -> memref<10000x128xf32, #tpu.memory_space<hbm>>
      tpu.enqueue_indirect_dma source(%dma_start3A_453 : memref<10000x128xf32, #tpu.memory_space<hbm>>) target(%dma_start3A_447 : memref<64x128xf32, #tpu.memory_space<vmem>>) offsets(%dma_start3A_448 : memref<64xi32, #tpu.memory_space<vmem>>) semaphore(%arg7 : memref<!tpu.dma_semaphore, #tpu.memory_space<semaphore_mem>>)
      %dma_wait3A_454 = arith.constant 1 : i32
      %dma_wait3A_455 = arith.constant 0 : i32
      %dma_wait3A_456 = arith.constant 0 : i32
      %dma_wait3A_457 = arith.constant 0 : i32
      %dma_wait3A_458 = tpu.memref_slice %arg6[%dma_wait3A_454, %dma_wait3A_456, %dma_wait3A_457] : memref<4x64x128xf32, #tpu.memory_space<vmem>> -> memref<1x64x128xf32, #tpu.memory_space<vmem>>
      %dma_wait3A_459 = tpu.memref_squeeze %dma_wait3A_458 : memref<1x64x128xf32, #tpu.memory_space<vmem>> -> memref<64x128xf32, #tpu.memory_space<vmem>>
      %dma_wait3A_460 = arith.constant 0 : i32
      %dma_wait3A_461 = arith.constant 0 : i32
      %dma_wait3A_462 = tpu.memref_slice %arg4[%dma_wait3A_455, %dma_wait3A_460, %dma_wait3A_461] : memref<78x2048x128xf32, #tpu.memory_space<hbm>> -> memref<1x2048x128xf32, #tpu.memory_space<hbm>>
      %dma_wait3A_463 = tpu.memref_squeeze %dma_wait3A_462 : memref<1x2048x128xf32, #tpu.memory_space<hbm>> -> memref<2048x128xf32, #tpu.memory_space<hbm>>
      %dma_wait3A_464 = arith.constant 0 : i32
      %dma_wait3A_465 = tpu.memref_slice %dma_wait3A_463[%mul3A_2, %dma_wait3A_464] : memref<2048x128xf32, #tpu.memory_space<hbm>> -> memref<64x128xf32, #tpu.memory_space<hbm>>
      %dma_wait3A_466 = arith.constant 0 : i32
      %dma_wait3A_467 = arith.constant 0 : i32
      %dma_wait3A_468 = tpu.memref_slice %arg4[%dma_wait3A_455, %dma_wait3A_466, %dma_wait3A_467] : memref<78x2048x128xf32, #tpu.memory_space<hbm>> -> memref<1x2048x128xf32, #tpu.memory_space<hbm>>
      %dma_wait3A_469 = tpu.memref_squeeze %dma_wait3A_468 : memref<1x2048x128xf32, #tpu.memory_space<hbm>> -> memref<2048x128xf32, #tpu.memory_space<hbm>>
      %dma_wait3A_470 = arith.constant 0 : i32
      %dma_wait3A_471 = tpu.memref_slice %dma_wait3A_469[%mul3A_2, %dma_wait3A_470] : memref<2048x128xf32, #tpu.memory_space<hbm>> -> memref<64x128xf32, #tpu.memory_space<hbm>>
      %dma_wait3A_472 = arith.constant 0 : i32
      %dma_wait3A_473 = arith.constant 0 : i32
      %dma_wait3A_474 = tpu.memref_slice %arg6[%dma_wait3A_454, %dma_wait3A_472, %dma_wait3A_473] : memref<4x64x128xf32, #tpu.memory_space<vmem>> -> memref<1x64x128xf32, #tpu.memory_space<vmem>>
      %dma_wait3A_475 = tpu.memref_squeeze %dma_wait3A_474 : memref<1x64x128xf32, #tpu.memory_space<vmem>> -> memref<64x128xf32, #tpu.memory_space<vmem>>
      tpu.wait_dma2 semaphore(%arg12 : memref<!tpu.dma_semaphore, #tpu.memory_space<semaphore_mem>>) src(%dma_wait3A_475 : memref<64x128xf32, #tpu.memory_space<vmem>>) dst(%dma_wait3A_471 : memref<64x128xf32, #tpu.memory_space<hbm>>)
      %add3A_476 = arith.constant 1 : i32
      %add3A_477 = arith.addi %mul3A_416, %add3A_476 : i32
      %mul3A_478 = arith.constant 128 : i32
      %mul3A_479 = arith.muli %add3A_477, %mul3A_478 : i32
      %dma_start3A_480 = arith.constant 1 : i32
      %dma_start3A_481 = arith.constant 0 : i32
      %dma_start3A_482 = arith.constant 0 : i32
      %dma_start3A_483 = tpu.memref_slice %arg6[%dma_start3A_480, %dma_start3A_481, %dma_start3A_482] : memref<4x64x128xf32, #tpu.memory_space<vmem>> -> memref<1x64x128xf32, #tpu.memory_space<vmem>>
      %dma_start3A_484 = tpu.memref_squeeze %dma_start3A_483 : memref<1x64x128xf32, #tpu.memory_space<vmem>> -> memref<64x128xf32, #tpu.memory_space<vmem>>
      %dma_start3A_485 = tpu.memref_slice %arg5[%mul3A_2] : memref<2048xi32, #tpu.memory_space<vmem>> -> memref<64xi32, #tpu.memory_space<vmem>>
      %dma_start3A_486 = arith.constant 0 : i32
      %dma_start3A_487 = tpu.memref_slice %arg2[%dma_start3A_486, %mul3A_479] : memref<10000x10000xf32, #tpu.memory_space<hbm>> -> memref<10000x128xf32, #tpu.memory_space<hbm>>
      %dma_start3A_488 = arith.constant 0 : i32
      %dma_start3A_489 = arith.constant 0 : i32
      %dma_start3A_490 = tpu.memref_slice %dma_start3A_487[%dma_start3A_488, %dma_start3A_489] : memref<10000x128xf32, #tpu.memory_space<hbm>> -> memref<10000x128xf32, #tpu.memory_space<hbm>>
      tpu.enqueue_indirect_dma source(%dma_start3A_490 : memref<10000x128xf32, #tpu.memory_space<hbm>>) target(%dma_start3A_484 : memref<64x128xf32, #tpu.memory_space<vmem>>) offsets(%dma_start3A_485 : memref<64xi32, #tpu.memory_space<vmem>>) semaphore(%arg8 : memref<!tpu.dma_semaphore, #tpu.memory_space<semaphore_mem>>)
      %dma_wait3A_491 = arith.constant 2 : i32
      %dma_wait3A_492 = arith.constant 0 : i32
      %dma_wait3A_493 = arith.constant 0 : i32
      %dma_wait3A_494 = arith.constant 0 : i32
      %dma_wait3A_495 = tpu.memref_slice %arg6[%dma_wait3A_491, %dma_wait3A_493, %dma_wait3A_494] : memref<4x64x128xf32, #tpu.memory_space<vmem>> -> memref<1x64x128xf32, #tpu.memory_space<vmem>>
      %dma_wait3A_496 = tpu.memref_squeeze %dma_wait3A_495 : memref<1x64x128xf32, #tpu.memory_space<vmem>> -> memref<64x128xf32, #tpu.memory_space<vmem>>
      %dma_wait3A_497 = arith.constant 0 : i32
      %dma_wait3A_498 = arith.constant 0 : i32
      %dma_wait3A_499 = tpu.memref_slice %arg4[%dma_wait3A_492, %dma_wait3A_497, %dma_wait3A_498] : memref<78x2048x128xf32, #tpu.memory_space<hbm>> -> memref<1x2048x128xf32, #tpu.memory_space<hbm>>
      %dma_wait3A_500 = tpu.memref_squeeze %dma_wait3A_499 : memref<1x2048x128xf32, #tpu.memory_space<hbm>> -> memref<2048x128xf32, #tpu.memory_space<hbm>>
      %dma_wait3A_501 = arith.constant 0 : i32
      %dma_wait3A_502 = tpu.memref_slice %dma_wait3A_500[%mul3A_2, %dma_wait3A_501] : memref<2048x128xf32, #tpu.memory_space<hbm>> -> memref<64x128xf32, #tpu.memory_space<hbm>>
      %dma_wait3A_503 = arith.constant 0 : i32
      %dma_wait3A_504 = arith.constant 0 : i32
      %dma_wait3A_505 = tpu.memref_slice %arg4[%dma_wait3A_492, %dma_wait3A_503, %dma_wait3A_504] : memref<78x2048x128xf32, #tpu.memory_space<hbm>> -> memref<1x2048x128xf32, #tpu.memory_space<hbm>>
      %dma_wait3A_506 = tpu.memref_squeeze %dma_wait3A_505 : memref<1x2048x128xf32, #tpu.memory_space<hbm>> -> memref<2048x128xf32, #tpu.memory_space<hbm>>
      %dma_wait3A_507 = arith.constant 0 : i32
      %dma_wait3A_508 = tpu.memref_slice %dma_wait3A_506[%mul3A_2, %dma_wait3A_507] : memref<2048x128xf32, #tpu.memory_space<hbm>> -> memref<64x128xf32, #tpu.memory_space<hbm>>
      %dma_wait3A_509 = arith.constant 0 : i32
      %dma_wait3A_510 = arith.constant 0 : i32
      %dma_wait3A_511 = tpu.memref_slice %arg6[%dma_wait3A_491, %dma_wait3A_509, %dma_wait3A_510] : memref<4x64x128xf32, #tpu.memory_space<vmem>> -> memref<1x64x128xf32, #tpu.memory_space<vmem>>
      %dma_wait3A_512 = tpu.memref_squeeze %dma_wait3A_511 : memref<1x64x128xf32, #tpu.memory_space<vmem>> -> memref<64x128xf32, #tpu.memory_space<vmem>>
      tpu.wait_dma2 semaphore(%arg13 : memref<!tpu.dma_semaphore, #tpu.memory_space<semaphore_mem>>) src(%dma_wait3A_512 : memref<64x128xf32, #tpu.memory_space<vmem>>) dst(%dma_wait3A_508 : memref<64x128xf32, #tpu.memory_space<hbm>>)
      %add3A_513 = arith.constant 2 : i32
      %add3A_514 = arith.addi %mul3A_416, %add3A_513 : i32
      %mul3A_515 = arith.constant 128 : i32
      %mul3A_516 = arith.muli %add3A_514, %mul3A_515 : i32
      %dma_start3A_517 = arith.constant 2 : i32
      %dma_start3A_518 = arith.constant 0 : i32
      %dma_start3A_519 = arith.constant 0 : i32
      %dma_start3A_520 = tpu.memref_slice %arg6[%dma_start3A_517, %dma_start3A_518, %dma_start3A_519] : memref<4x64x128xf32, #tpu.memory_space<vmem>> -> memref<1x64x128xf32, #tpu.memory_space<vmem>>
      %dma_start3A_521 = tpu.memref_squeeze %dma_start3A_520 : memref<1x64x128xf32, #tpu.memory_space<vmem>> -> memref<64x128xf32, #tpu.memory_space<vmem>>
      %dma_start3A_522 = tpu.memref_slice %arg5[%mul3A_2] : memref<2048xi32, #tpu.memory_space<vmem>> -> memref<64xi32, #tpu.memory_space<vmem>>
      %dma_start3A_523 = arith.constant 0 : i32
      %dma_start3A_524 = tpu.memref_slice %arg2[%dma_start3A_523, %mul3A_516] : memref<10000x10000xf32, #tpu.memory_space<hbm>> -> memref<10000x128xf32, #tpu.memory_space<hbm>>
      %dma_start3A_525 = arith.constant 0 : i32
      %dma_start3A_526 = arith.constant 0 : i32
      %dma_start3A_527 = tpu.memref_slice %dma_start3A_524[%dma_start3A_525, %dma_start3A_526] : memref<10000x128xf32, #tpu.memory_space<hbm>> -> memref<10000x128xf32, #tpu.memory_space<hbm>>
      tpu.enqueue_indirect_dma source(%dma_start3A_527 : memref<10000x128xf32, #tpu.memory_space<hbm>>) target(%dma_start3A_521 : memref<64x128xf32, #tpu.memory_space<vmem>>) offsets(%dma_start3A_522 : memref<64xi32, #tpu.memory_space<vmem>>) semaphore(%arg9 : memref<!tpu.dma_semaphore, #tpu.memory_space<semaphore_mem>>)
      %dma_wait3A_528 = arith.constant 3 : i32
      %dma_wait3A_529 = arith.constant 0 : i32
      %dma_wait3A_530 = arith.constant 0 : i32
      %dma_wait3A_531 = arith.constant 0 : i32
      %dma_wait3A_532 = tpu.memref_slice %arg6[%dma_wait3A_528, %dma_wait3A_530, %dma_wait3A_531] : memref<4x64x128xf32, #tpu.memory_space<vmem>> -> memref<1x64x128xf32, #tpu.memory_space<vmem>>
      %dma_wait3A_533 = tpu.memref_squeeze %dma_wait3A_532 : memref<1x64x128xf32, #tpu.memory_space<vmem>> -> memref<64x128xf32, #tpu.memory_space<vmem>>
      %dma_wait3A_534 = arith.constant 0 : i32
      %dma_wait3A_535 = arith.constant 0 : i32
      %dma_wait3A_536 = tpu.memref_slice %arg4[%dma_wait3A_529, %dma_wait3A_534, %dma_wait3A_535] : memref<78x2048x128xf32, #tpu.memory_space<hbm>> -> memref<1x2048x128xf32, #tpu.memory_space<hbm>>
      %dma_wait3A_537 = tpu.memref_squeeze %dma_wait3A_536 : memref<1x2048x128xf32, #tpu.memory_space<hbm>> -> memref<2048x128xf32, #tpu.memory_space<hbm>>
      %dma_wait3A_538 = arith.constant 0 : i32
      %dma_wait3A_539 = tpu.memref_slice %dma_wait3A_537[%mul3A_2, %dma_wait3A_538] : memref<2048x128xf32, #tpu.memory_space<hbm>> -> memref<64x128xf32, #tpu.memory_space<hbm>>
      %dma_wait3A_540 = arith.constant 0 : i32
      %dma_wait3A_541 = arith.constant 0 : i32
      %dma_wait3A_542 = tpu.memref_slice %arg4[%dma_wait3A_529, %dma_wait3A_540, %dma_wait3A_541] : memref<78x2048x128xf32, #tpu.memory_space<hbm>> -> memref<1x2048x128xf32, #tpu.memory_space<hbm>>
      %dma_wait3A_543 = tpu.memref_squeeze %dma_wait3A_542 : memref<1x2048x128xf32, #tpu.memory_space<hbm>> -> memref<2048x128xf32, #tpu.memory_space<hbm>>
      %dma_wait3A_544 = arith.constant 0 : i32
      %dma_wait3A_545 = tpu.memref_slice %dma_wait3A_543[%mul3A_2, %dma_wait3A_544] : memref<2048x128xf32, #tpu.memory_space<hbm>> -> memref<64x128xf32, #tpu.memory_space<hbm>>
      %dma_wait3A_546 = arith.constant 0 : i32
      %dma_wait3A_547 = arith.constant 0 : i32
      %dma_wait3A_548 = tpu.memref_slice %arg6[%dma_wait3A_528, %dma_wait3A_546, %dma_wait3A_547] : memref<4x64x128xf32, #tpu.memory_space<vmem>> -> memref<1x64x128xf32, #tpu.memory_space<vmem>>
      %dma_wait3A_549 = tpu.memref_squeeze %dma_wait3A_548 : memref<1x64x128xf32, #tpu.memory_space<vmem>> -> memref<64x128xf32, #tpu.memory_space<vmem>>
      tpu.wait_dma2 semaphore(%arg14 : memref<!tpu.dma_semaphore, #tpu.memory_space<semaphore_mem>>) src(%dma_wait3A_549 : memref<64x128xf32, #tpu.memory_space<vmem>>) dst(%dma_wait3A_545 : memref<64x128xf32, #tpu.memory_space<hbm>>)
      %add3A_550 = arith.constant 3 : i32
      %add3A_551 = arith.addi %mul3A_416, %add3A_550 : i32
      %mul3A_552 = arith.constant 128 : i32
      %mul3A_553 = arith.muli %add3A_551, %mul3A_552 : i32
      %dma_start3A_554 = arith.constant 3 : i32
      %dma_start3A_555 = arith.constant 0 : i32
      %dma_start3A_556 = arith.constant 0 : i32
      %dma_start3A_557 = tpu.memref_slice %arg6[%dma_start3A_554, %dma_start3A_555, %dma_start3A_556] : memref<4x64x128xf32, #tpu.memory_space<vmem>> -> memref<1x64x128xf32, #tpu.memory_space<vmem>>
      %dma_start3A_558 = tpu.memref_squeeze %dma_start3A_557 : memref<1x64x128xf32, #tpu.memory_space<vmem>> -> memref<64x128xf32, #tpu.memory_space<vmem>>
      %dma_start3A_559 = tpu.memref_slice %arg5[%mul3A_2] : memref<2048xi32, #tpu.memory_space<vmem>> -> memref<64xi32, #tpu.memory_space<vmem>>
      %dma_start3A_560 = arith.constant 0 : i32
      %dma_start3A_561 = tpu.memref_slice %arg2[%dma_start3A_560, %mul3A_553] : memref<10000x10000xf32, #tpu.memory_space<hbm>> -> memref<10000x128xf32, #tpu.memory_space<hbm>>
      %dma_start3A_562 = arith.constant 0 : i32
      %dma_start3A_563 = arith.constant 0 : i32
      %dma_start3A_564 = tpu.memref_slice %dma_start3A_561[%dma_start3A_562, %dma_start3A_563] : memref<10000x128xf32, #tpu.memory_space<hbm>> -> memref<10000x128xf32, #tpu.memory_space<hbm>>
      tpu.enqueue_indirect_dma source(%dma_start3A_564 : memref<10000x128xf32, #tpu.memory_space<hbm>>) target(%dma_start3A_558 : memref<64x128xf32, #tpu.memory_space<vmem>>) offsets(%dma_start3A_559 : memref<64xi32, #tpu.memory_space<vmem>>) semaphore(%arg10 : memref<!tpu.dma_semaphore, #tpu.memory_space<semaphore_mem>>)
      %dma_wait3A_565 = arith.constant 0 : i32
      %dma_wait3A_566 = arith.constant 0 : i32
      %dma_wait3A_567 = arith.constant 0 : i32
      %dma_wait3A_568 = tpu.memref_slice %arg6[%dma_wait3A_565, %dma_wait3A_566, %dma_wait3A_567] : memref<4x64x128xf32, #tpu.memory_space<vmem>> -> memref<1x64x128xf32, #tpu.memory_space<vmem>>
      %dma_wait3A_569 = tpu.memref_squeeze %dma_wait3A_568 : memref<1x64x128xf32, #tpu.memory_space<vmem>> -> memref<64x128xf32, #tpu.memory_space<vmem>>
      %dma_wait3A_570 = tpu.memref_slice %arg5[%mul3A_2] : memref<2048xi32, #tpu.memory_space<vmem>> -> memref<64xi32, #tpu.memory_space<vmem>>
      %dma_wait3A_571 = arith.constant 0 : i32
      %dma_wait3A_572 = tpu.memref_slice %arg2[%dma_wait3A_571, %mul3A_442] : memref<10000x10000xf32, #tpu.memory_space<hbm>> -> memref<10000x128xf32, #tpu.memory_space<hbm>>
      %dma_wait3A_573 = arith.constant 0 : i32
      %dma_wait3A_574 = arith.constant 0 : i32
      %dma_wait3A_575 = tpu.memref_slice %dma_wait3A_572[%dma_wait3A_573, %dma_wait3A_574] : memref<10000x128xf32, #tpu.memory_space<hbm>> -> memref<10000x128xf32, #tpu.memory_space<hbm>>
      tpu.wait_indirect_dma semaphore(%arg7 : memref<!tpu.dma_semaphore, #tpu.memory_space<semaphore_mem>>) src(%dma_wait3A_575 : memref<10000x128xf32, #tpu.memory_space<hbm>>) dst(%dma_wait3A_569 : memref<64x128xf32, #tpu.memory_space<vmem>>)
      %add3A_576 = arith.constant 0 : i32
      %add3A_577 = arith.addi %mul3A_416, %add3A_576 : i32
      %dma_start3A_578 = arith.constant 0 : i32
      %dma_start3A_579 = arith.constant 0 : i32
      %dma_start3A_580 = arith.constant 0 : i32
      %dma_start3A_581 = tpu.memref_slice %arg6[%dma_start3A_578, %dma_start3A_579, %dma_start3A_580] : memref<4x64x128xf32, #tpu.memory_space<vmem>> -> memref<1x64x128xf32, #tpu.memory_space<vmem>>
      %dma_start3A_582 = tpu.memref_squeeze %dma_start3A_581 : memref<1x64x128xf32, #tpu.memory_space<vmem>> -> memref<64x128xf32, #tpu.memory_space<vmem>>
      %dma_start3A_583 = arith.constant 0 : i32
      %dma_start3A_584 = arith.constant 0 : i32
      %dma_start3A_585 = tpu.memref_slice %arg4[%add3A_577, %dma_start3A_583, %dma_start3A_584] : memref<78x2048x128xf32, #tpu.memory_space<hbm>> -> memref<1x2048x128xf32, #tpu.memory_space<hbm>>
      %dma_start3A_586 = tpu.memref_squeeze %dma_start3A_585 : memref<1x2048x128xf32, #tpu.memory_space<hbm>> -> memref<2048x128xf32, #tpu.memory_space<hbm>>
      %dma_start3A_587 = arith.constant 0 : i32
      %dma_start3A_588 = tpu.memref_slice %dma_start3A_586[%mul3A_2, %dma_start3A_587] : memref<2048x128xf32, #tpu.memory_space<hbm>> -> memref<64x128xf32, #tpu.memory_space<hbm>>
      %dma_start3A_589 = arith.constant 0 : i32
      %dma_start3A_590 = arith.constant 0 : i32
      %dma_start3A_591 = tpu.memref_slice %arg4[%add3A_577, %dma_start3A_589, %dma_start3A_590] : memref<78x2048x128xf32, #tpu.memory_space<hbm>> -> memref<1x2048x128xf32, #tpu.memory_space<hbm>>
      %dma_start3A_592 = tpu.memref_squeeze %dma_start3A_591 : memref<1x2048x128xf32, #tpu.memory_space<hbm>> -> memref<2048x128xf32, #tpu.memory_space<hbm>>
      %dma_start3A_593 = arith.constant 0 : i32
      %dma_start3A_594 = tpu.memref_slice %dma_start3A_592[%mul3A_2, %dma_start3A_593] : memref<2048x128xf32, #tpu.memory_space<hbm>> -> memref<64x128xf32, #tpu.memory_space<hbm>>
      %dma_start3A_595 = arith.constant 0 : i32
      %dma_start3A_596 = arith.constant 0 : i32
      %dma_start3A_597 = tpu.memref_slice %arg6[%dma_start3A_578, %dma_start3A_595, %dma_start3A_596] : memref<4x64x128xf32, #tpu.memory_space<vmem>> -> memref<1x64x128xf32, #tpu.memory_space<vmem>>
      %dma_start3A_598 = tpu.memref_squeeze %dma_start3A_597 : memref<1x64x128xf32, #tpu.memory_space<vmem>> -> memref<64x128xf32, #tpu.memory_space<vmem>>
      tpu.enqueue_dma source(%dma_start3A_598 : memref<64x128xf32, #tpu.memory_space<vmem>>) target(%dma_start3A_594 : memref<64x128xf32, #tpu.memory_space<hbm>>) target_semaphore(%arg11 : memref<!tpu.dma_semaphore, #tpu.memory_space<semaphore_mem>>)
      %dma_wait3A_599 = arith.constant 1 : i32
      %dma_wait3A_600 = arith.constant 0 : i32
      %dma_wait3A_601 = arith.constant 0 : i32
      %dma_wait3A_602 = tpu.memref_slice %arg6[%dma_wait3A_599, %dma_wait3A_600, %dma_wait3A_601] : memref<4x64x128xf32, #tpu.memory_space<vmem>> -> memref<1x64x128xf32, #tpu.memory_space<vmem>>
      %dma_wait3A_603 = tpu.memref_squeeze %dma_wait3A_602 : memref<1x64x128xf32, #tpu.memory_space<vmem>> -> memref<64x128xf32, #tpu.memory_space<vmem>>
      %dma_wait3A_604 = tpu.memref_slice %arg5[%mul3A_2] : memref<2048xi32, #tpu.memory_space<vmem>> -> memref<64xi32, #tpu.memory_space<vmem>>
      %dma_wait3A_605 = arith.constant 0 : i32
      %dma_wait3A_606 = tpu.memref_slice %arg2[%dma_wait3A_605, %mul3A_479] : memref<10000x10000xf32, #tpu.memory_space<hbm>> -> memref<10000x128xf32, #tpu.memory_space<hbm>>
      %dma_wait3A_607 = arith.constant 0 : i32
      %dma_wait3A_608 = arith.constant 0 : i32
      %dma_wait3A_609 = tpu.memref_slice %dma_wait3A_606[%dma_wait3A_607, %dma_wait3A_608] : memref<10000x128xf32, #tpu.memory_space<hbm>> -> memref<10000x128xf32, #tpu.memory_space<hbm>>
      tpu.wait_indirect_dma semaphore(%arg8 : memref<!tpu.dma_semaphore, #tpu.memory_space<semaphore_mem>>) src(%dma_wait3A_609 : memref<10000x128xf32, #tpu.memory_space<hbm>>) dst(%dma_wait3A_603 : memref<64x128xf32, #tpu.memory_space<vmem>>)
      %add3A_610 = arith.constant 1 : i32
      %add3A_611 = arith.addi %mul3A_416, %add3A_610 : i32
      %dma_start3A_612 = arith.constant 1 : i32
      %dma_start3A_613 = arith.constant 0 : i32
      %dma_start3A_614 = arith.constant 0 : i32
      %dma_start3A_615 = tpu.memref_slice %arg6[%dma_start3A_612, %dma_start3A_613, %dma_start3A_614] : memref<4x64x128xf32, #tpu.memory_space<vmem>> -> memref<1x64x128xf32, #tpu.memory_space<vmem>>
      %dma_start3A_616 = tpu.memref_squeeze %dma_start3A_615 : memref<1x64x128xf32, #tpu.memory_space<vmem>> -> memref<64x128xf32, #tpu.memory_space<vmem>>
      %dma_start3A_617 = arith.constant 0 : i32
      %dma_start3A_618 = arith.constant 0 : i32
      %dma_start3A_619 = tpu.memref_slice %arg4[%add3A_611, %dma_start3A_617, %dma_start3A_618] : memref<78x2048x128xf32, #tpu.memory_space<hbm>> -> memref<1x2048x128xf32, #tpu.memory_space<hbm>>
      %dma_start3A_620 = tpu.memref_squeeze %dma_start3A_619 : memref<1x2048x128xf32, #tpu.memory_space<hbm>> -> memref<2048x128xf32, #tpu.memory_space<hbm>>
      %dma_start3A_621 = arith.constant 0 : i32
      %dma_start3A_622 = tpu.memref_slice %dma_start3A_620[%mul3A_2, %dma_start3A_621] : memref<2048x128xf32, #tpu.memory_space<hbm>> -> memref<64x128xf32, #tpu.memory_space<hbm>>
      %dma_start3A_623 = arith.constant 0 : i32
      %dma_start3A_624 = arith.constant 0 : i32
      %dma_start3A_625 = tpu.memref_slice %arg4[%add3A_611, %dma_start3A_623, %dma_start3A_624] : memref<78x2048x128xf32, #tpu.memory_space<hbm>> -> memref<1x2048x128xf32, #tpu.memory_space<hbm>>
      %dma_start3A_626 = tpu.memref_squeeze %dma_start3A_625 : memref<1x2048x128xf32, #tpu.memory_space<hbm>> -> memref<2048x128xf32, #tpu.memory_space<hbm>>
      %dma_start3A_627 = arith.constant 0 : i32
      %dma_start3A_628 = tpu.memref_slice %dma_start3A_626[%mul3A_2, %dma_start3A_627] : memref<2048x128xf32, #tpu.memory_space<hbm>> -> memref<64x128xf32, #tpu.memory_space<hbm>>
      %dma_start3A_629 = arith.constant 0 : i32
      %dma_start3A_630 = arith.constant 0 : i32
      %dma_start3A_631 = tpu.memref_slice %arg6[%dma_start3A_612, %dma_start3A_629, %dma_start3A_630] : memref<4x64x128xf32, #tpu.memory_space<vmem>> -> memref<1x64x128xf32, #tpu.memory_space<vmem>>
      %dma_start3A_632 = tpu.memref_squeeze %dma_start3A_631 : memref<1x64x128xf32, #tpu.memory_space<vmem>> -> memref<64x128xf32, #tpu.memory_space<vmem>>
      tpu.enqueue_dma source(%dma_start3A_632 : memref<64x128xf32, #tpu.memory_space<vmem>>) target(%dma_start3A_628 : memref<64x128xf32, #tpu.memory_space<hbm>>) target_semaphore(%arg12 : memref<!tpu.dma_semaphore, #tpu.memory_space<semaphore_mem>>)
      %dma_wait3A_633 = arith.constant 2 : i32
      %dma_wait3A_634 = arith.constant 0 : i32
      %dma_wait3A_635 = arith.constant 0 : i32
      %dma_wait3A_636 = tpu.memref_slice %arg6[%dma_wait3A_633, %dma_wait3A_634, %dma_wait3A_635] : memref<4x64x128xf32, #tpu.memory_space<vmem>> -> memref<1x64x128xf32, #tpu.memory_space<vmem>>
      %dma_wait3A_637 = tpu.memref_squeeze %dma_wait3A_636 : memref<1x64x128xf32, #tpu.memory_space<vmem>> -> memref<64x128xf32, #tpu.memory_space<vmem>>
      %dma_wait3A_638 = tpu.memref_slice %arg5[%mul3A_2] : memref<2048xi32, #tpu.memory_space<vmem>> -> memref<64xi32, #tpu.memory_space<vmem>>
      %dma_wait3A_639 = arith.constant 0 : i32
      %dma_wait3A_640 = tpu.memref_slice %arg2[%dma_wait3A_639, %mul3A_516] : memref<10000x10000xf32, #tpu.memory_space<hbm>> -> memref<10000x128xf32, #tpu.memory_space<hbm>>
      %dma_wait3A_641 = arith.constant 0 : i32
      %dma_wait3A_642 = arith.constant 0 : i32
      %dma_wait3A_643 = tpu.memref_slice %dma_wait3A_640[%dma_wait3A_641, %dma_wait3A_642] : memref<10000x128xf32, #tpu.memory_space<hbm>> -> memref<10000x128xf32, #tpu.memory_space<hbm>>
      tpu.wait_indirect_dma semaphore(%arg9 : memref<!tpu.dma_semaphore, #tpu.memory_space<semaphore_mem>>) src(%dma_wait3A_643 : memref<10000x128xf32, #tpu.memory_space<hbm>>) dst(%dma_wait3A_637 : memref<64x128xf32, #tpu.memory_space<vmem>>)
      %add3A_644 = arith.constant 2 : i32
      %add3A_645 = arith.addi %mul3A_416, %add3A_644 : i32
      %dma_start3A_646 = arith.constant 2 : i32
      %dma_start3A_647 = arith.constant 0 : i32
      %dma_start3A_648 = arith.constant 0 : i32
      %dma_start3A_649 = tpu.memref_slice %arg6[%dma_start3A_646, %dma_start3A_647, %dma_start3A_648] : memref<4x64x128xf32, #tpu.memory_space<vmem>> -> memref<1x64x128xf32, #tpu.memory_space<vmem>>
      %dma_start3A_650 = tpu.memref_squeeze %dma_start3A_649 : memref<1x64x128xf32, #tpu.memory_space<vmem>> -> memref<64x128xf32, #tpu.memory_space<vmem>>
      %dma_start3A_651 = arith.constant 0 : i32
      %dma_start3A_652 = arith.constant 0 : i32
      %dma_start3A_653 = tpu.memref_slice %arg4[%add3A_645, %dma_start3A_651, %dma_start3A_652] : memref<78x2048x128xf32, #tpu.memory_space<hbm>> -> memref<1x2048x128xf32, #tpu.memory_space<hbm>>
      %dma_start3A_654 = tpu.memref_squeeze %dma_start3A_653 : memref<1x2048x128xf32, #tpu.memory_space<hbm>> -> memref<2048x128xf32, #tpu.memory_space<hbm>>
      %dma_start3A_655 = arith.constant 0 : i32
      %dma_start3A_656 = tpu.memref_slice %dma_start3A_654[%mul3A_2, %dma_start3A_655] : memref<2048x128xf32, #tpu.memory_space<hbm>> -> memref<64x128xf32, #tpu.memory_space<hbm>>
      %dma_start3A_657 = arith.constant 0 : i32
      %dma_start3A_658 = arith.constant 0 : i32
      %dma_start3A_659 = tpu.memref_slice %arg4[%add3A_645, %dma_start3A_657, %dma_start3A_658] : memref<78x2048x128xf32, #tpu.memory_space<hbm>> -> memref<1x2048x128xf32, #tpu.memory_space<hbm>>
      %dma_start3A_660 = tpu.memref_squeeze %dma_start3A_659 : memref<1x2048x128xf32, #tpu.memory_space<hbm>> -> memref<2048x128xf32, #tpu.memory_space<hbm>>
      %dma_start3A_661 = arith.constant 0 : i32
      %dma_start3A_662 = tpu.memref_slice %dma_start3A_660[%mul3A_2, %dma_start3A_661] : memref<2048x128xf32, #tpu.memory_space<hbm>> -> memref<64x128xf32, #tpu.memory_space<hbm>>
      %dma_start3A_663 = arith.constant 0 : i32
      %dma_start3A_664 = arith.constant 0 : i32
      %dma_start3A_665 = tpu.memref_slice %arg6[%dma_start3A_646, %dma_start3A_663, %dma_start3A_664] : memref<4x64x128xf32, #tpu.memory_space<vmem>> -> memref<1x64x128xf32, #tpu.memory_space<vmem>>
      %dma_start3A_666 = tpu.memref_squeeze %dma_start3A_665 : memref<1x64x128xf32, #tpu.memory_space<vmem>> -> memref<64x128xf32, #tpu.memory_space<vmem>>
      tpu.enqueue_dma source(%dma_start3A_666 : memref<64x128xf32, #tpu.memory_space<vmem>>) target(%dma_start3A_662 : memref<64x128xf32, #tpu.memory_space<hbm>>) target_semaphore(%arg13 : memref<!tpu.dma_semaphore, #tpu.memory_space<semaphore_mem>>)
      %dma_wait3A_667 = arith.constant 3 : i32
      %dma_wait3A_668 = arith.constant 0 : i32
      %dma_wait3A_669 = arith.constant 0 : i32
      %dma_wait3A_670 = tpu.memref_slice %arg6[%dma_wait3A_667, %dma_wait3A_668, %dma_wait3A_669] : memref<4x64x128xf32, #tpu.memory_space<vmem>> -> memref<1x64x128xf32, #tpu.memory_space<vmem>>
      %dma_wait3A_671 = tpu.memref_squeeze %dma_wait3A_670 : memref<1x64x128xf32, #tpu.memory_space<vmem>> -> memref<64x128xf32, #tpu.memory_space<vmem>>
      %dma_wait3A_672 = tpu.memref_slice %arg5[%mul3A_2] : memref<2048xi32, #tpu.memory_space<vmem>> -> memref<64xi32, #tpu.memory_space<vmem>>
      %dma_wait3A_673 = arith.constant 0 : i32
      %dma_wait3A_674 = tpu.memref_slice %arg2[%dma_wait3A_673, %mul3A_553] : memref<10000x10000xf32, #tpu.memory_space<hbm>> -> memref<10000x128xf32, #tpu.memory_space<hbm>>
      %dma_wait3A_675 = arith.constant 0 : i32
      %dma_wait3A_676 = arith.constant 0 : i32
      %dma_wait3A_677 = tpu.memref_slice %dma_wait3A_674[%dma_wait3A_675, %dma_wait3A_676] : memref<10000x128xf32, #tpu.memory_space<hbm>> -> memref<10000x128xf32, #tpu.memory_space<hbm>>
      tpu.wait_indirect_dma semaphore(%arg10 : memref<!tpu.dma_semaphore, #tpu.memory_space<semaphore_mem>>) src(%dma_wait3A_677 : memref<10000x128xf32, #tpu.memory_space<hbm>>) dst(%dma_wait3A_671 : memref<64x128xf32, #tpu.memory_space<vmem>>)
      %add3A_678 = arith.constant 3 : i32
      %add3A_679 = arith.addi %mul3A_416, %add3A_678 : i32
      %dma_start3A_680 = arith.constant 3 : i32
      %dma_start3A_681 = arith.constant 0 : i32
      %dma_start3A_682 = arith.constant 0 : i32
      %dma_start3A_683 = tpu.memref_slice %arg6[%dma_start3A_680, %dma_start3A_681, %dma_start3A_682] : memref<4x64x128xf32, #tpu.memory_space<vmem>> -> memref<1x64x128xf32, #tpu.memory_space<vmem>>
      %dma_start3A_684 = tpu.memref_squeeze %dma_start3A_683 : memref<1x64x128xf32, #tpu.memory_space<vmem>> -> memref<64x128xf32, #tpu.memory_space<vmem>>
      %dma_start3A_685 = arith.constant 0 : i32
      %dma_start3A_686 = arith.constant 0 : i32
      %dma_start3A_687 = tpu.memref_slice %arg4[%add3A_679, %dma_start3A_685, %dma_start3A_686] : memref<78x2048x128xf32, #tpu.memory_space<hbm>> -> memref<1x2048x128xf32, #tpu.memory_space<hbm>>
      %dma_start3A_688 = tpu.memref_squeeze %dma_start3A_687 : memref<1x2048x128xf32, #tpu.memory_space<hbm>> -> memref<2048x128xf32, #tpu.memory_space<hbm>>
      %dma_start3A_689 = arith.constant 0 : i32
      %dma_start3A_690 = tpu.memref_slice %dma_start3A_688[%mul3A_2, %dma_start3A_689] : memref<2048x128xf32, #tpu.memory_space<hbm>> -> memref<64x128xf32, #tpu.memory_space<hbm>>
      %dma_start3A_691 = arith.constant 0 : i32
      %dma_start3A_692 = arith.constant 0 : i32
      %dma_start3A_693 = tpu.memref_slice %arg4[%add3A_679, %dma_start3A_691, %dma_start3A_692] : memref<78x2048x128xf32, #tpu.memory_space<hbm>> -> memref<1x2048x128xf32, #tpu.memory_space<hbm>>
      %dma_start3A_694 = tpu.memref_squeeze %dma_start3A_693 : memref<1x2048x128xf32, #tpu.memory_space<hbm>> -> memref<2048x128xf32, #tpu.memory_space<hbm>>
      %dma_start3A_695 = arith.constant 0 : i32
      %dma_start3A_696 = tpu.memref_slice %dma_start3A_694[%mul3A_2, %dma_start3A_695] : memref<2048x128xf32, #tpu.memory_space<hbm>> -> memref<64x128xf32, #tpu.memory_space<hbm>>
      %dma_start3A_697 = arith.constant 0 : i32
      %dma_start3A_698 = arith.constant 0 : i32
      %dma_start3A_699 = tpu.memref_slice %arg6[%dma_start3A_680, %dma_start3A_697, %dma_start3A_698] : memref<4x64x128xf32, #tpu.memory_space<vmem>> -> memref<1x64x128xf32, #tpu.memory_space<vmem>>
      %dma_start3A_700 = tpu.memref_squeeze %dma_start3A_699 : memref<1x64x128xf32, #tpu.memory_space<vmem>> -> memref<64x128xf32, #tpu.memory_space<vmem>>
      tpu.enqueue_dma source(%dma_start3A_700 : memref<64x128xf32, #tpu.memory_space<vmem>>) target(%dma_start3A_696 : memref<64x128xf32, #tpu.memory_space<hbm>>) target_semaphore(%arg14 : memref<!tpu.dma_semaphore, #tpu.memory_space<semaphore_mem>>)
    }
    %scan3A_189 = arith.constant 18 : i32
    %dma_wait3A_190 = arith.constant 0 : i32
    %dma_wait3A_191 = arith.constant 0 : i32
    %dma_wait3A_192 = arith.constant 0 : i32
    %dma_wait3A_193 = arith.constant 0 : i32
    %dma_wait3A_194 = tpu.memref_slice %arg6[%dma_wait3A_190, %dma_wait3A_192, %dma_wait3A_193] : memref<4x64x128xf32, #tpu.memory_space<vmem>> -> memref<1x64x128xf32, #tpu.memory_space<vmem>>
    %dma_wait3A_195 = tpu.memref_squeeze %dma_wait3A_194 : memref<1x64x128xf32, #tpu.memory_space<vmem>> -> memref<64x128xf32, #tpu.memory_space<vmem>>
    %dma_wait3A_196 = arith.constant 0 : i32
    %dma_wait3A_197 = arith.constant 0 : i32
    %dma_wait3A_198 = tpu.memref_slice %arg4[%dma_wait3A_191, %dma_wait3A_196, %dma_wait3A_197] : memref<78x2048x128xf32, #tpu.memory_space<hbm>> -> memref<1x2048x128xf32, #tpu.memory_space<hbm>>
    %dma_wait3A_199 = tpu.memref_squeeze %dma_wait3A_198 : memref<1x2048x128xf32, #tpu.memory_space<hbm>> -> memref<2048x128xf32, #tpu.memory_space<hbm>>
    %dma_wait3A_200 = arith.constant 0 : i32
    %dma_wait3A_201 = tpu.memref_slice %dma_wait3A_199[%mul3A_2, %dma_wait3A_200] : memref<2048x128xf32, #tpu.memory_space<hbm>> -> memref<64x128xf32, #tpu.memory_space<hbm>>
    %dma_wait3A_202 = arith.constant 0 : i32
    %dma_wait3A_203 = arith.constant 0 : i32
    %dma_wait3A_204 = tpu.memref_slice %arg4[%dma_wait3A_191, %dma_wait3A_202, %dma_wait3A_203] : memref<78x2048x128xf32, #tpu.memory_space<hbm>> -> memref<1x2048x128xf32, #tpu.memory_space<hbm>>
    %dma_wait3A_205 = tpu.memref_squeeze %dma_wait3A_204 : memref<1x2048x128xf32, #tpu.memory_space<hbm>> -> memref<2048x128xf32, #tpu.memory_space<hbm>>
    %dma_wait3A_206 = arith.constant 0 : i32
    %dma_wait3A_207 = tpu.memref_slice %dma_wait3A_205[%mul3A_2, %dma_wait3A_206] : memref<2048x128xf32, #tpu.memory_space<hbm>> -> memref<64x128xf32, #tpu.memory_space<hbm>>
    %dma_wait3A_208 = arith.constant 0 : i32
    %dma_wait3A_209 = arith.constant 0 : i32
    %dma_wait3A_210 = tpu.memref_slice %arg6[%dma_wait3A_190, %dma_wait3A_208, %dma_wait3A_209] : memref<4x64x128xf32, #tpu.memory_space<vmem>> -> memref<1x64x128xf32, #tpu.memory_space<vmem>>
    %dma_wait3A_211 = tpu.memref_squeeze %dma_wait3A_210 : memref<1x64x128xf32, #tpu.memory_space<vmem>> -> memref<64x128xf32, #tpu.memory_space<vmem>>
    tpu.wait_dma2 semaphore(%arg11 : memref<!tpu.dma_semaphore, #tpu.memory_space<semaphore_mem>>) src(%dma_wait3A_211 : memref<64x128xf32, #tpu.memory_space<vmem>>) dst(%dma_wait3A_207 : memref<64x128xf32, #tpu.memory_space<hbm>>)
    %dma_wait3A_212 = arith.constant 1 : i32
    %dma_wait3A_213 = arith.constant 0 : i32
    %dma_wait3A_214 = arith.constant 0 : i32
    %dma_wait3A_215 = arith.constant 0 : i32
    %dma_wait3A_216 = tpu.memref_slice %arg6[%dma_wait3A_212, %dma_wait3A_214, %dma_wait3A_215] : memref<4x64x128xf32, #tpu.memory_space<vmem>> -> memref<1x64x128xf32, #tpu.memory_space<vmem>>
    %dma_wait3A_217 = tpu.memref_squeeze %dma_wait3A_216 : memref<1x64x128xf32, #tpu.memory_space<vmem>> -> memref<64x128xf32, #tpu.memory_space<vmem>>
    %dma_wait3A_218 = arith.constant 0 : i32
    %dma_wait3A_219 = arith.constant 0 : i32
    %dma_wait3A_220 = tpu.memref_slice %arg4[%dma_wait3A_213, %dma_wait3A_218, %dma_wait3A_219] : memref<78x2048x128xf32, #tpu.memory_space<hbm>> -> memref<1x2048x128xf32, #tpu.memory_space<hbm>>
    %dma_wait3A_221 = tpu.memref_squeeze %dma_wait3A_220 : memref<1x2048x128xf32, #tpu.memory_space<hbm>> -> memref<2048x128xf32, #tpu.memory_space<hbm>>
    %dma_wait3A_222 = arith.constant 0 : i32
    %dma_wait3A_223 = tpu.memref_slice %dma_wait3A_221[%mul3A_2, %dma_wait3A_222] : memref<2048x128xf32, #tpu.memory_space<hbm>> -> memref<64x128xf32, #tpu.memory_space<hbm>>
    %dma_wait3A_224 = arith.constant 0 : i32
    %dma_wait3A_225 = arith.constant 0 : i32
    %dma_wait3A_226 = tpu.memref_slice %arg4[%dma_wait3A_213, %dma_wait3A_224, %dma_wait3A_225] : memref<78x2048x128xf32, #tpu.memory_space<hbm>> -> memref<1x2048x128xf32, #tpu.memory_space<hbm>>
    %dma_wait3A_227 = tpu.memref_squeeze %dma_wait3A_226 : memref<1x2048x128xf32, #tpu.memory_space<hbm>> -> memref<2048x128xf32, #tpu.memory_space<hbm>>
    %dma_wait3A_228 = arith.constant 0 : i32
    %dma_wait3A_229 = tpu.memref_slice %dma_wait3A_227[%mul3A_2, %dma_wait3A_228] : memref<2048x128xf32, #tpu.memory_space<hbm>> -> memref<64x128xf32, #tpu.memory_space<hbm>>
    %dma_wait3A_230 = arith.constant 0 : i32
    %dma_wait3A_231 = arith.constant 0 : i32
    %dma_wait3A_232 = tpu.memref_slice %arg6[%dma_wait3A_212, %dma_wait3A_230, %dma_wait3A_231] : memref<4x64x128xf32, #tpu.memory_space<vmem>> -> memref<1x64x128xf32, #tpu.memory_space<vmem>>
    %dma_wait3A_233 = tpu.memref_squeeze %dma_wait3A_232 : memref<1x64x128xf32, #tpu.memory_space<vmem>> -> memref<64x128xf32, #tpu.memory_space<vmem>>
    tpu.wait_dma2 semaphore(%arg12 : memref<!tpu.dma_semaphore, #tpu.memory_space<semaphore_mem>>) src(%dma_wait3A_233 : memref<64x128xf32, #tpu.memory_space<vmem>>) dst(%dma_wait3A_229 : memref<64x128xf32, #tpu.memory_space<hbm>>)
    %dma_wait3A_234 = arith.constant 2 : i32
    %dma_wait3A_235 = arith.constant 0 : i32
    %dma_wait3A_236 = arith.constant 0 : i32
    %dma_wait3A_237 = arith.constant 0 : i32
    %dma_wait3A_238 = tpu.memref_slice %arg6[%dma_wait3A_234, %dma_wait3A_236, %dma_wait3A_237] : memref<4x64x128xf32, #tpu.memory_space<vmem>> -> memref<1x64x128xf32, #tpu.memory_space<vmem>>
    %dma_wait3A_239 = tpu.memref_squeeze %dma_wait3A_238 : memref<1x64x128xf32, #tpu.memory_space<vmem>> -> memref<64x128xf32, #tpu.memory_space<vmem>>
    %dma_wait3A_240 = arith.constant 0 : i32
    %dma_wait3A_241 = arith.constant 0 : i32
    %dma_wait3A_242 = tpu.memref_slice %arg4[%dma_wait3A_235, %dma_wait3A_240, %dma_wait3A_241] : memref<78x2048x128xf32, #tpu.memory_space<hbm>> -> memref<1x2048x128xf32, #tpu.memory_space<hbm>>
    %dma_wait3A_243 = tpu.memref_squeeze %dma_wait3A_242 : memref<1x2048x128xf32, #tpu.memory_space<hbm>> -> memref<2048x128xf32, #tpu.memory_space<hbm>>
    %dma_wait3A_244 = arith.constant 0 : i32
    %dma_wait3A_245 = tpu.memref_slice %dma_wait3A_243[%mul3A_2, %dma_wait3A_244] : memref<2048x128xf32, #tpu.memory_space<hbm>> -> memref<64x128xf32, #tpu.memory_space<hbm>>
    %dma_wait3A_246 = arith.constant 0 : i32
    %dma_wait3A_247 = arith.constant 0 : i32
    %dma_wait3A_248 = tpu.memref_slice %arg4[%dma_wait3A_235, %dma_wait3A_246, %dma_wait3A_247] : memref<78x2048x128xf32, #tpu.memory_space<hbm>> -> memref<1x2048x128xf32, #tpu.memory_space<hbm>>
    %dma_wait3A_249 = tpu.memref_squeeze %dma_wait3A_248 : memref<1x2048x128xf32, #tpu.memory_space<hbm>> -> memref<2048x128xf32, #tpu.memory_space<hbm>>
    %dma_wait3A_250 = arith.constant 0 : i32
    %dma_wait3A_251 = tpu.memref_slice %dma_wait3A_249[%mul3A_2, %dma_wait3A_250] : memref<2048x128xf32, #tpu.memory_space<hbm>> -> memref<64x128xf32, #tpu.memory_space<hbm>>
    %dma_wait3A_252 = arith.constant 0 : i32
    %dma_wait3A_253 = arith.constant 0 : i32
    %dma_wait3A_254 = tpu.memref_slice %arg6[%dma_wait3A_234, %dma_wait3A_252, %dma_wait3A_253] : memref<4x64x128xf32, #tpu.memory_space<vmem>> -> memref<1x64x128xf32, #tpu.memory_space<vmem>>
    %dma_wait3A_255 = tpu.memref_squeeze %dma_wait3A_254 : memref<1x64x128xf32, #tpu.memory_space<vmem>> -> memref<64x128xf32, #tpu.memory_space<vmem>>
    tpu.wait_dma2 semaphore(%arg13 : memref<!tpu.dma_semaphore, #tpu.memory_space<semaphore_mem>>) src(%dma_wait3A_255 : memref<64x128xf32, #tpu.memory_space<vmem>>) dst(%dma_wait3A_251 : memref<64x128xf32, #tpu.memory_space<hbm>>)
    %dma_wait3A_256 = arith.constant 3 : i32
    %dma_wait3A_257 = arith.constant 0 : i32
    %dma_wait3A_258 = arith.constant 0 : i32
    %dma_wait3A_259 = arith.constant 0 : i32
    %dma_wait3A_260 = tpu.memref_slice %arg6[%dma_wait3A_256, %dma_wait3A_258, %dma_wait3A_259] : memref<4x64x128xf32, #tpu.memory_space<vmem>> -> memref<1x64x128xf32, #tpu.memory_space<vmem>>
    %dma_wait3A_261 = tpu.memref_squeeze %dma_wait3A_260 : memref<1x64x128xf32, #tpu.memory_space<vmem>> -> memref<64x128xf32, #tpu.memory_space<vmem>>
    %dma_wait3A_262 = arith.constant 0 : i32
    %dma_wait3A_263 = arith.constant 0 : i32
    %dma_wait3A_264 = tpu.memref_slice %arg4[%dma_wait3A_257, %dma_wait3A_262, %dma_wait3A_263] : memref<78x2048x128xf32, #tpu.memory_space<hbm>> -> memref<1x2048x128xf32, #tpu.memory_space<hbm>>
    %dma_wait3A_265 = tpu.memref_squeeze %dma_wait3A_264 : memref<1x2048x128xf32, #tpu.memory_space<hbm>> -> memref<2048x128xf32, #tpu.memory_space<hbm>>
    %dma_wait3A_266 = arith.constant 0 : i32
    %dma_wait3A_267 = tpu.memref_slice %dma_wait3A_265[%mul3A_2, %dma_wait3A_266] : memref<2048x128xf32, #tpu.memory_space<hbm>> -> memref<64x128xf32, #tpu.memory_space<hbm>>
    %dma_wait3A_268 = arith.constant 0 : i32
    %dma_wait3A_269 = arith.constant 0 : i32
    %dma_wait3A_270 = tpu.memref_slice %arg4[%dma_wait3A_257, %dma_wait3A_268, %dma_wait3A_269] : memref<78x2048x128xf32, #tpu.memory_space<hbm>> -> memref<1x2048x128xf32, #tpu.memory_space<hbm>>
    %dma_wait3A_271 = tpu.memref_squeeze %dma_wait3A_270 : memref<1x2048x128xf32, #tpu.memory_space<hbm>> -> memref<2048x128xf32, #tpu.memory_space<hbm>>
    %dma_wait3A_272 = arith.constant 0 : i32
    %dma_wait3A_273 = tpu.memref_slice %dma_wait3A_271[%mul3A_2, %dma_wait3A_272] : memref<2048x128xf32, #tpu.memory_space<hbm>> -> memref<64x128xf32, #tpu.memory_space<hbm>>
    %dma_wait3A_274 = arith.constant 0 : i32
    %dma_wait3A_275 = arith.constant 0 : i32
    %dma_wait3A_276 = tpu.memref_slice %arg6[%dma_wait3A_256, %dma_wait3A_274, %dma_wait3A_275] : memref<4x64x128xf32, #tpu.memory_space<vmem>> -> memref<1x64x128xf32, #tpu.memory_space<vmem>>
    %dma_wait3A_277 = tpu.memref_squeeze %dma_wait3A_276 : memref<1x64x128xf32, #tpu.memory_space<vmem>> -> memref<64x128xf32, #tpu.memory_space<vmem>>
    tpu.wait_dma2 semaphore(%arg14 : memref<!tpu.dma_semaphore, #tpu.memory_space<semaphore_mem>>) src(%dma_wait3A_277 : memref<64x128xf32, #tpu.memory_space<vmem>>) dst(%dma_wait3A_273 : memref<64x128xf32, #tpu.memory_space<hbm>>)
    %dma_start3A_278 = arith.constant 0 : i32
    %dma_start3A_279 = arith.constant 0 : i32
    %dma_start3A_280 = arith.constant 0 : i32
    %dma_start3A_281 = tpu.memref_slice %arg6[%dma_start3A_278, %dma_start3A_279, %dma_start3A_280] : memref<4x64x128xf32, #tpu.memory_space<vmem>> -> memref<1x64x128xf32, #tpu.memory_space<vmem>>
    %dma_start3A_282 = tpu.memref_squeeze %dma_start3A_281 : memref<1x64x128xf32, #tpu.memory_space<vmem>> -> memref<64x128xf32, #tpu.memory_space<vmem>>
    %dma_start3A_283 = tpu.memref_slice %arg5[%mul3A_2] : memref<2048xi32, #tpu.memory_space<vmem>> -> memref<64xi32, #tpu.memory_space<vmem>>
    %dma_start3A_284 = arith.constant 0 : i32
    %dma_start3A_285 = arith.constant 9728 : i32
    %dma_start3A_286 = tpu.memref_slice %arg2[%dma_start3A_284, %dma_start3A_285] : memref<10000x10000xf32, #tpu.memory_space<hbm>> -> memref<10000x128xf32, #tpu.memory_space<hbm>>
    %dma_start3A_287 = arith.constant 0 : i32
    %dma_start3A_288 = arith.constant 0 : i32
    %dma_start3A_289 = tpu.memref_slice %dma_start3A_286[%dma_start3A_287, %dma_start3A_288] : memref<10000x128xf32, #tpu.memory_space<hbm>> -> memref<10000x128xf32, #tpu.memory_space<hbm>>
    tpu.enqueue_indirect_dma source(%dma_start3A_289 : memref<10000x128xf32, #tpu.memory_space<hbm>>) target(%dma_start3A_282 : memref<64x128xf32, #tpu.memory_space<vmem>>) offsets(%dma_start3A_283 : memref<64xi32, #tpu.memory_space<vmem>>) semaphore(%arg7 : memref<!tpu.dma_semaphore, #tpu.memory_space<semaphore_mem>>)
    %dma_start3A_290 = arith.constant 1 : i32
    %dma_start3A_291 = arith.constant 0 : i32
    %dma_start3A_292 = arith.constant 0 : i32
    %dma_start3A_293 = tpu.memref_slice %arg6[%dma_start3A_290, %dma_start3A_291, %dma_start3A_292] : memref<4x64x128xf32, #tpu.memory_space<vmem>> -> memref<1x64x128xf32, #tpu.memory_space<vmem>>
    %dma_start3A_294 = tpu.memref_squeeze %dma_start3A_293 : memref<1x64x128xf32, #tpu.memory_space<vmem>> -> memref<64x128xf32, #tpu.memory_space<vmem>>
    %dma_start3A_295 = tpu.memref_slice %arg5[%mul3A_2] : memref<2048xi32, #tpu.memory_space<vmem>> -> memref<64xi32, #tpu.memory_space<vmem>>
    %dma_start3A_296 = arith.constant 0 : i32
    %dma_start3A_297 = arith.constant 9856 : i32
    %dma_start3A_298 = tpu.memref_slice %arg2[%dma_start3A_296, %dma_start3A_297] : memref<10000x10000xf32, #tpu.memory_space<hbm>> -> memref<10000x128xf32, #tpu.memory_space<hbm>>
    %dma_start3A_299 = arith.constant 0 : i32
    %dma_start3A_300 = arith.constant 0 : i32
    %dma_start3A_301 = tpu.memref_slice %dma_start3A_298[%dma_start3A_299, %dma_start3A_300] : memref<10000x128xf32, #tpu.memory_space<hbm>> -> memref<10000x128xf32, #tpu.memory_space<hbm>>
    tpu.enqueue_indirect_dma source(%dma_start3A_301 : memref<10000x128xf32, #tpu.memory_space<hbm>>) target(%dma_start3A_294 : memref<64x128xf32, #tpu.memory_space<vmem>>) offsets(%dma_start3A_295 : memref<64xi32, #tpu.memory_space<vmem>>) semaphore(%arg8 : memref<!tpu.dma_semaphore, #tpu.memory_space<semaphore_mem>>)
    %dma_wait3A_302 = arith.constant 0 : i32
    %dma_wait3A_303 = arith.constant 0 : i32
    %dma_wait3A_304 = arith.constant 0 : i32
    %dma_wait3A_305 = tpu.memref_slice %arg6[%dma_wait3A_302, %dma_wait3A_303, %dma_wait3A_304] : memref<4x64x128xf32, #tpu.memory_space<vmem>> -> memref<1x64x128xf32, #tpu.memory_space<vmem>>
    %dma_wait3A_306 = tpu.memref_squeeze %dma_wait3A_305 : memref<1x64x128xf32, #tpu.memory_space<vmem>> -> memref<64x128xf32, #tpu.memory_space<vmem>>
    %dma_wait3A_307 = tpu.memref_slice %arg5[%mul3A_2] : memref<2048xi32, #tpu.memory_space<vmem>> -> memref<64xi32, #tpu.memory_space<vmem>>
    %dma_wait3A_308 = arith.constant 0 : i32
    %dma_wait3A_309 = arith.constant 9728 : i32
    %dma_wait3A_310 = tpu.memref_slice %arg2[%dma_wait3A_308, %dma_wait3A_309] : memref<10000x10000xf32, #tpu.memory_space<hbm>> -> memref<10000x128xf32, #tpu.memory_space<hbm>>
    %dma_wait3A_311 = arith.constant 0 : i32
    %dma_wait3A_312 = arith.constant 0 : i32
    %dma_wait3A_313 = tpu.memref_slice %dma_wait3A_310[%dma_wait3A_311, %dma_wait3A_312] : memref<10000x128xf32, #tpu.memory_space<hbm>> -> memref<10000x128xf32, #tpu.memory_space<hbm>>
    tpu.wait_indirect_dma semaphore(%arg7 : memref<!tpu.dma_semaphore, #tpu.memory_space<semaphore_mem>>) src(%dma_wait3A_313 : memref<10000x128xf32, #tpu.memory_space<hbm>>) dst(%dma_wait3A_306 : memref<64x128xf32, #tpu.memory_space<vmem>>)
    %dma_start3A_314 = arith.constant 0 : i32
    %dma_start3A_315 = arith.constant 76 : i32
    %dma_start3A_316 = arith.constant 0 : i32
    %dma_start3A_317 = arith.constant 0 : i32
    %dma_start3A_318 = tpu.memref_slice %arg6[%dma_start3A_314, %dma_start3A_316, %dma_start3A_317] : memref<4x64x128xf32, #tpu.memory_space<vmem>> -> memref<1x64x128xf32, #tpu.memory_space<vmem>>
    %dma_start3A_319 = tpu.memref_squeeze %dma_start3A_318 : memref<1x64x128xf32, #tpu.memory_space<vmem>> -> memref<64x128xf32, #tpu.memory_space<vmem>>
    %dma_start3A_320 = arith.constant 0 : i32
    %dma_start3A_321 = arith.constant 0 : i32
    %dma_start3A_322 = tpu.memref_slice %arg4[%dma_start3A_315, %dma_start3A_320, %dma_start3A_321] : memref<78x2048x128xf32, #tpu.memory_space<hbm>> -> memref<1x2048x128xf32, #tpu.memory_space<hbm>>
    %dma_start3A_323 = tpu.memref_squeeze %dma_start3A_322 : memref<1x2048x128xf32, #tpu.memory_space<hbm>> -> memref<2048x128xf32, #tpu.memory_space<hbm>>
    %dma_start3A_324 = arith.constant 0 : i32
    %dma_start3A_325 = tpu.memref_slice %dma_start3A_323[%mul3A_2, %dma_start3A_324] : memref<2048x128xf32, #tpu.memory_space<hbm>> -> memref<64x128xf32, #tpu.memory_space<hbm>>
    %dma_start3A_326 = arith.constant 0 : i32
    %dma_start3A_327 = arith.constant 0 : i32
    %dma_start3A_328 = tpu.memref_slice %arg4[%dma_start3A_315, %dma_start3A_326, %dma_start3A_327] : memref<78x2048x128xf32, #tpu.memory_space<hbm>> -> memref<1x2048x128xf32, #tpu.memory_space<hbm>>
    %dma_start3A_329 = tpu.memref_squeeze %dma_start3A_328 : memref<1x2048x128xf32, #tpu.memory_space<hbm>> -> memref<2048x128xf32, #tpu.memory_space<hbm>>
    %dma_start3A_330 = arith.constant 0 : i32
    %dma_start3A_331 = tpu.memref_slice %dma_start3A_329[%mul3A_2, %dma_start3A_330] : memref<2048x128xf32, #tpu.memory_space<hbm>> -> memref<64x128xf32, #tpu.memory_space<hbm>>
    %dma_start3A_332 = arith.constant 0 : i32
    %dma_start3A_333 = arith.constant 0 : i32
    %dma_start3A_334 = tpu.memref_slice %arg6[%dma_start3A_314, %dma_start3A_332, %dma_start3A_333] : memref<4x64x128xf32, #tpu.memory_space<vmem>> -> memref<1x64x128xf32, #tpu.memory_space<vmem>>
    %dma_start3A_335 = tpu.memref_squeeze %dma_start3A_334 : memref<1x64x128xf32, #tpu.memory_space<vmem>> -> memref<64x128xf32, #tpu.memory_space<vmem>>
    tpu.enqueue_dma source(%dma_start3A_335 : memref<64x128xf32, #tpu.memory_space<vmem>>) target(%dma_start3A_331 : memref<64x128xf32, #tpu.memory_space<hbm>>) target_semaphore(%arg11 : memref<!tpu.dma_semaphore, #tpu.memory_space<semaphore_mem>>)
    %dma_wait3A_336 = arith.constant 1 : i32
    %dma_wait3A_337 = arith.constant 0 : i32
    %dma_wait3A_338 = arith.constant 0 : i32
    %dma_wait3A_339 = tpu.memref_slice %arg6[%dma_wait3A_336, %dma_wait3A_337, %dma_wait3A_338] : memref<4x64x128xf32, #tpu.memory_space<vmem>> -> memref<1x64x128xf32, #tpu.memory_space<vmem>>
    %dma_wait3A_340 = tpu.memref_squeeze %dma_wait3A_339 : memref<1x64x128xf32, #tpu.memory_space<vmem>> -> memref<64x128xf32, #tpu.memory_space<vmem>>
    %dma_wait3A_341 = tpu.memref_slice %arg5[%mul3A_2] : memref<2048xi32, #tpu.memory_space<vmem>> -> memref<64xi32, #tpu.memory_space<vmem>>
    %dma_wait3A_342 = arith.constant 0 : i32
    %dma_wait3A_343 = arith.constant 9856 : i32
    %dma_wait3A_344 = tpu.memref_slice %arg2[%dma_wait3A_342, %dma_wait3A_343] : memref<10000x10000xf32, #tpu.memory_space<hbm>> -> memref<10000x128xf32, #tpu.memory_space<hbm>>
    %dma_wait3A_345 = arith.constant 0 : i32
    %dma_wait3A_346 = arith.constant 0 : i32
    %dma_wait3A_347 = tpu.memref_slice %dma_wait3A_344[%dma_wait3A_345, %dma_wait3A_346] : memref<10000x128xf32, #tpu.memory_space<hbm>> -> memref<10000x128xf32, #tpu.memory_space<hbm>>
    tpu.wait_indirect_dma semaphore(%arg8 : memref<!tpu.dma_semaphore, #tpu.memory_space<semaphore_mem>>) src(%dma_wait3A_347 : memref<10000x128xf32, #tpu.memory_space<hbm>>) dst(%dma_wait3A_340 : memref<64x128xf32, #tpu.memory_space<vmem>>)
    %dma_start3A_348 = arith.constant 1 : i32
    %dma_start3A_349 = arith.constant 77 : i32
    %dma_start3A_350 = arith.constant 0 : i32
    %dma_start3A_351 = arith.constant 0 : i32
    %dma_start3A_352 = tpu.memref_slice %arg6[%dma_start3A_348, %dma_start3A_350, %dma_start3A_351] : memref<4x64x128xf32, #tpu.memory_space<vmem>> -> memref<1x64x128xf32, #tpu.memory_space<vmem>>
    %dma_start3A_353 = tpu.memref_squeeze %dma_start3A_352 : memref<1x64x128xf32, #tpu.memory_space<vmem>> -> memref<64x128xf32, #tpu.memory_space<vmem>>
    %dma_start3A_354 = arith.constant 0 : i32
    %dma_start3A_355 = arith.constant 0 : i32
    %dma_start3A_356 = tpu.memref_slice %arg4[%dma_start3A_349, %dma_start3A_354, %dma_start3A_355] : memref<78x2048x128xf32, #tpu.memory_space<hbm>> -> memref<1x2048x128xf32, #tpu.memory_space<hbm>>
    %dma_start3A_357 = tpu.memref_squeeze %dma_start3A_356 : memref<1x2048x128xf32, #tpu.memory_space<hbm>> -> memref<2048x128xf32, #tpu.memory_space<hbm>>
    %dma_start3A_358 = arith.constant 0 : i32
    %dma_start3A_359 = tpu.memref_slice %dma_start3A_357[%mul3A_2, %dma_start3A_358] : memref<2048x128xf32, #tpu.memory_space<hbm>> -> memref<64x128xf32, #tpu.memory_space<hbm>>
    %dma_start3A_360 = arith.constant 0 : i32
    %dma_start3A_361 = arith.constant 0 : i32
    %dma_start3A_362 = tpu.memref_slice %arg4[%dma_start3A_349, %dma_start3A_360, %dma_start3A_361] : memref<78x2048x128xf32, #tpu.memory_space<hbm>> -> memref<1x2048x128xf32, #tpu.memory_space<hbm>>
    %dma_start3A_363 = tpu.memref_squeeze %dma_start3A_362 : memref<1x2048x128xf32, #tpu.memory_space<hbm>> -> memref<2048x128xf32, #tpu.memory_space<hbm>>
    %dma_start3A_364 = arith.constant 0 : i32
    %dma_start3A_365 = tpu.memref_slice %dma_start3A_363[%mul3A_2, %dma_start3A_364] : memref<2048x128xf32, #tpu.memory_space<hbm>> -> memref<64x128xf32, #tpu.memory_space<hbm>>
    %dma_start3A_366 = arith.constant 0 : i32
    %dma_start3A_367 = arith.constant 0 : i32
    %dma_start3A_368 = tpu.memref_slice %arg6[%dma_start3A_348, %dma_start3A_366, %dma_start3A_367] : memref<4x64x128xf32, #tpu.memory_space<vmem>> -> memref<1x64x128xf32, #tpu.memory_space<vmem>>
    %dma_start3A_369 = tpu.memref_squeeze %dma_start3A_368 : memref<1x64x128xf32, #tpu.memory_space<vmem>> -> memref<64x128xf32, #tpu.memory_space<vmem>>
    tpu.enqueue_dma source(%dma_start3A_369 : memref<64x128xf32, #tpu.memory_space<vmem>>) target(%dma_start3A_365 : memref<64x128xf32, #tpu.memory_space<hbm>>) target_semaphore(%arg12 : memref<!tpu.dma_semaphore, #tpu.memory_space<semaphore_mem>>)
    %dma_wait3A_370 = arith.constant 0 : i32
    %dma_wait3A_371 = arith.constant 76 : i32
    %dma_wait3A_372 = arith.constant 0 : i32
    %dma_wait3A_373 = arith.constant 0 : i32
    %dma_wait3A_374 = tpu.memref_slice %arg6[%dma_wait3A_370, %dma_wait3A_372, %dma_wait3A_373] : memref<4x64x128xf32, #tpu.memory_space<vmem>> -> memref<1x64x128xf32, #tpu.memory_space<vmem>>
    %dma_wait3A_375 = tpu.memref_squeeze %dma_wait3A_374 : memref<1x64x128xf32, #tpu.memory_space<vmem>> -> memref<64x128xf32, #tpu.memory_space<vmem>>
    %dma_wait3A_376 = arith.constant 0 : i32
    %dma_wait3A_377 = arith.constant 0 : i32
    %dma_wait3A_378 = tpu.memref_slice %arg4[%dma_wait3A_371, %dma_wait3A_376, %dma_wait3A_377] : memref<78x2048x128xf32, #tpu.memory_space<hbm>> -> memref<1x2048x128xf32, #tpu.memory_space<hbm>>
    %dma_wait3A_379 = tpu.memref_squeeze %dma_wait3A_378 : memref<1x2048x128xf32, #tpu.memory_space<hbm>> -> memref<2048x128xf32, #tpu.memory_space<hbm>>
    %dma_wait3A_380 = arith.constant 0 : i32
    %dma_wait3A_381 = tpu.memref_slice %dma_wait3A_379[%mul3A_2, %dma_wait3A_380] : memref<2048x128xf32, #tpu.memory_space<hbm>> -> memref<64x128xf32, #tpu.memory_space<hbm>>
    %dma_wait3A_382 = arith.constant 0 : i32
    %dma_wait3A_383 = arith.constant 0 : i32
    %dma_wait3A_384 = tpu.memref_slice %arg4[%dma_wait3A_371, %dma_wait3A_382, %dma_wait3A_383] : memref<78x2048x128xf32, #tpu.memory_space<hbm>> -> memref<1x2048x128xf32, #tpu.memory_space<hbm>>
    %dma_wait3A_385 = tpu.memref_squeeze %dma_wait3A_384 : memref<1x2048x128xf32, #tpu.memory_space<hbm>> -> memref<2048x128xf32, #tpu.memory_space<hbm>>
    %dma_wait3A_386 = arith.constant 0 : i32
    %dma_wait3A_387 = tpu.memref_slice %dma_wait3A_385[%mul3A_2, %dma_wait3A_386] : memref<2048x128xf32, #tpu.memory_space<hbm>> -> memref<64x128xf32, #tpu.memory_space<hbm>>
    %dma_wait3A_388 = arith.constant 0 : i32
    %dma_wait3A_389 = arith.constant 0 : i32
    %dma_wait3A_390 = tpu.memref_slice %arg6[%dma_wait3A_370, %dma_wait3A_388, %dma_wait3A_389] : memref<4x64x128xf32, #tpu.memory_space<vmem>> -> memref<1x64x128xf32, #tpu.memory_space<vmem>>
    %dma_wait3A_391 = tpu.memref_squeeze %dma_wait3A_390 : memref<1x64x128xf32, #tpu.memory_space<vmem>> -> memref<64x128xf32, #tpu.memory_space<vmem>>
    tpu.wait_dma2 semaphore(%arg11 : memref<!tpu.dma_semaphore, #tpu.memory_space<semaphore_mem>>) src(%dma_wait3A_391 : memref<64x128xf32, #tpu.memory_space<vmem>>) dst(%dma_wait3A_387 : memref<64x128xf32, #tpu.memory_space<hbm>>)
    %dma_wait3A_392 = arith.constant 1 : i32
    %dma_wait3A_393 = arith.constant 77 : i32
    %dma_wait3A_394 = arith.constant 0 : i32
    %dma_wait3A_395 = arith.constant 0 : i32
    %dma_wait3A_396 = tpu.memref_slice %arg6[%dma_wait3A_392, %dma_wait3A_394, %dma_wait3A_395] : memref<4x64x128xf32, #tpu.memory_space<vmem>> -> memref<1x64x128xf32, #tpu.memory_space<vmem>>
    %dma_wait3A_397 = tpu.memref_squeeze %dma_wait3A_396 : memref<1x64x128xf32, #tpu.memory_space<vmem>> -> memref<64x128xf32, #tpu.memory_space<vmem>>
    %dma_wait3A_398 = arith.constant 0 : i32
    %dma_wait3A_399 = arith.constant 0 : i32
    %dma_wait3A_400 = tpu.memref_slice %arg4[%dma_wait3A_393, %dma_wait3A_398, %dma_wait3A_399] : memref<78x2048x128xf32, #tpu.memory_space<hbm>> -> memref<1x2048x128xf32, #tpu.memory_space<hbm>>
    %dma_wait3A_401 = tpu.memref_squeeze %dma_wait3A_400 : memref<1x2048x128xf32, #tpu.memory_space<hbm>> -> memref<2048x128xf32, #tpu.memory_space<hbm>>
    %dma_wait3A_402 = arith.constant 0 : i32
    %dma_wait3A_403 = tpu.memref_slice %dma_wait3A_401[%mul3A_2, %dma_wait3A_402] : memref<2048x128xf32, #tpu.memory_space<hbm>> -> memref<64x128xf32, #tpu.memory_space<hbm>>
    %dma_wait3A_404 = arith.constant 0 : i32
    %dma_wait3A_405 = arith.constant 0 : i32
    %dma_wait3A_406 = tpu.memref_slice %arg4[%dma_wait3A_393, %dma_wait3A_404, %dma_wait3A_405] : memref<78x2048x128xf32, #tpu.memory_space<hbm>> -> memref<1x2048x128xf32, #tpu.memory_space<hbm>>
    %dma_wait3A_407 = tpu.memref_squeeze %dma_wait3A_406 : memref<1x2048x128xf32, #tpu.memory_space<hbm>> -> memref<2048x128xf32, #tpu.memory_space<hbm>>
    %dma_wait3A_408 = arith.constant 0 : i32
    %dma_wait3A_409 = tpu.memref_slice %dma_wait3A_407[%mul3A_2, %dma_wait3A_408] : memref<2048x128xf32, #tpu.memory_space<hbm>> -> memref<64x128xf32, #tpu.memory_space<hbm>>
    %dma_wait3A_410 = arith.constant 0 : i32
    %dma_wait3A_411 = arith.constant 0 : i32
    %dma_wait3A_412 = tpu.memref_slice %arg6[%dma_wait3A_392, %dma_wait3A_410, %dma_wait3A_411] : memref<4x64x128xf32, #tpu.memory_space<vmem>> -> memref<1x64x128xf32, #tpu.memory_space<vmem>>
    %dma_wait3A_413 = tpu.memref_squeeze %dma_wait3A_412 : memref<1x64x128xf32, #tpu.memory_space<vmem>> -> memref<64x128xf32, #tpu.memory_space<vmem>>
    tpu.wait_dma2 semaphore(%arg12 : memref<!tpu.dma_semaphore, #tpu.memory_space<semaphore_mem>>) src(%dma_wait3A_413 : memref<64x128xf32, #tpu.memory_space<vmem>>) dst(%dma_wait3A_409 : memref<64x128xf32, #tpu.memory_space<hbm>>)
    return
  }
}

#map = affine_map<(d0, d1) -> (0, 0, 0)>
#map1 = affine_map<(d0, d1) -> (0, 0)>
#map2 = affine_map<(d0, d1) -> (0)>
module attributes {stable_mosaic.version = 14 : i64} {
  func.func @k(%arg0: i32, %arg1: i32, %arg2: memref<78x2048x128xf32, #tpu.memory_space<hbm>>, %arg3: memref<10000x16xf32, #tpu.memory_space<hbm>>, %arg4: memref<2048xi32, #tpu.memory_space<hbm>>, %arg5: memref<10000x16xf32, #tpu.memory_space<hbm>>, %arg6: memref<2048x2048xf32, #tpu.memory_space<hbm>>, %arg7: memref<2048x16xf32, #tpu.memory_space<hbm>>, %arg8: memref<2048xi32, #tpu.memory_space<vmem>>, %arg9: memref<2x78x4x128xf32, #tpu.memory_space<vmem>>, %arg10: memref<64x16xf32, #tpu.memory_space<vmem>>, %arg11: memref<4x2048xf32, #tpu.memory_space<vmem>>, %arg12: memref<64x16xf32, #tpu.memory_space<vmem>>, %arg13: memref<!tpu.dma_semaphore, #tpu.memory_space<semaphore_mem>>, %arg14: memref<!tpu.dma_semaphore, #tpu.memory_space<semaphore_mem>>, %arg15: memref<!tpu.dma_semaphore, #tpu.memory_space<semaphore_mem>>, %arg16: memref<!tpu.dma_semaphore, #tpu.memory_space<semaphore_mem>>) attributes {dimension_semantics = [#tpu.dimension_semantics<core_parallel>, #tpu.dimension_semantics<subcore_parallel>], iteration_bounds = array<i64: 2, 16>, scalar_prefetch = 0 : i64, scratch_operands = 9 : i64, tpu.core_type = #tpu.core_type<sc_vector_subcore>, window_params = [{transform_indices = #map}, {transform_indices = #map1}, {transform_indices = #map2}, {transform_indices = #map1}, {transform_indices = #map1}, {transform_indices = #map1}]} {
    %mul3A = arith.constant 2 : i32
    %mul3A_0 = arith.muli %arg1, %mul3A : i32
    %add3A = arith.addi %mul3A_0, %arg0 : i32
    %mul3A_1 = arith.constant 64 : i32
    %mul3A_2 = arith.muli %add3A, %mul3A_1 : i32
    "tpu.region"() ({
      %run_scoped3A = tpu.sem_alloc : memref<!tpu.dma_semaphore, #tpu.memory_space<semaphore_mem>>
      tpu.enqueue_dma source(%arg4 : memref<2048xi32, #tpu.memory_space<hbm>>) target(%arg8 : memref<2048xi32, #tpu.memory_space<vmem>>) target_semaphore(%run_scoped3A : memref<!tpu.dma_semaphore, #tpu.memory_space<semaphore_mem>>)
      tpu.wait_dma2 semaphore(%run_scoped3A : memref<!tpu.dma_semaphore, #tpu.memory_space<semaphore_mem>>) src(%arg4 : memref<2048xi32, #tpu.memory_space<hbm>>) dst(%arg8 : memref<2048xi32, #tpu.memory_space<vmem>>)
      tpu.yield
    }) : () -> ()
    %dma_start3A = tpu.memref_slice %arg8[%mul3A_2] : memref<2048xi32, #tpu.memory_space<vmem>> -> memref<64xi32, #tpu.memory_space<vmem>>
    %dma_start3A_3 = arith.constant 0 : i32
    %dma_start3A_4 = arith.constant 0 : i32
    %dma_start3A_5 = tpu.memref_slice %arg5[%dma_start3A_3, %dma_start3A_4] : memref<10000x16xf32, #tpu.memory_space<hbm>> -> memref<10000x16xf32, #tpu.memory_space<hbm>>
    tpu.enqueue_indirect_dma source(%dma_start3A_5 : memref<10000x16xf32, #tpu.memory_space<hbm>>) target(%arg12 : memref<64x16xf32, #tpu.memory_space<vmem>>) offsets(%dma_start3A : memref<64xi32, #tpu.memory_space<vmem>>) semaphore(%arg16 : memref<!tpu.dma_semaphore, #tpu.memory_space<semaphore_mem>>)
    %dma_start3A_6 = tpu.memref_slice %arg8[%mul3A_2] : memref<2048xi32, #tpu.memory_space<vmem>> -> memref<64xi32, #tpu.memory_space<vmem>>
    %dma_start3A_7 = arith.constant 0 : i32
    %dma_start3A_8 = arith.constant 0 : i32
    %dma_start3A_9 = tpu.memref_slice %arg3[%dma_start3A_7, %dma_start3A_8] : memref<10000x16xf32, #tpu.memory_space<hbm>> -> memref<10000x16xf32, #tpu.memory_space<hbm>>
    tpu.enqueue_indirect_dma source(%dma_start3A_9 : memref<10000x16xf32, #tpu.memory_space<hbm>>) target(%arg10 : memref<64x16xf32, #tpu.memory_space<vmem>>) offsets(%dma_start3A_6 : memref<64xi32, #tpu.memory_space<vmem>>) semaphore(%arg15 : memref<!tpu.dma_semaphore, #tpu.memory_space<semaphore_mem>>)
    %add3A_10 = arith.constant 0 : i32
    %add3A_11 = arith.addi %mul3A_2, %add3A_10 : i32
    %dma_start3A_12 = arith.constant 0 : i32
    %dma_start3A_13 = arith.constant 0 : i32
    %dma_start3A_14 = arith.constant 0 : i32
    %dma_start3A_15 = arith.constant 0 : i32
    %dma_start3A_16 = tpu.memref_slice %arg9[%dma_start3A_12, %dma_start3A_13, %dma_start3A_14, %dma_start3A_15] : memref<2x78x4x128xf32, #tpu.memory_space<vmem>> -> memref<1x78x4x128xf32, #tpu.memory_space<vmem>>
    %dma_start3A_17 = tpu.memref_squeeze %dma_start3A_16 : memref<1x78x4x128xf32, #tpu.memory_space<vmem>> -> memref<78x4x128xf32, #tpu.memory_space<vmem>>
    %dma_start3A_18 = arith.constant 0 : i32
    %dma_start3A_19 = arith.constant 0 : i32
    %dma_start3A_20 = tpu.memref_slice %arg2[%dma_start3A_18, %add3A_11, %dma_start3A_19] : memref<78x2048x128xf32, #tpu.memory_space<hbm>> -> memref<78x4x128xf32, #tpu.memory_space<hbm>>
    %dma_start3A_21 = arith.constant 0 : i32
    %dma_start3A_22 = arith.constant 0 : i32
    %dma_start3A_23 = arith.constant 0 : i32
    %dma_start3A_24 = tpu.memref_slice %arg9[%dma_start3A_12, %dma_start3A_21, %dma_start3A_22, %dma_start3A_23] : memref<2x78x4x128xf32, #tpu.memory_space<vmem>> -> memref<1x78x4x128xf32, #tpu.memory_space<vmem>>
    %dma_start3A_25 = tpu.memref_squeeze %dma_start3A_24 : memref<1x78x4x128xf32, #tpu.memory_space<vmem>> -> memref<78x4x128xf32, #tpu.memory_space<vmem>>
    %dma_start3A_26 = arith.constant 0 : i32
    %dma_start3A_27 = arith.constant 0 : i32
    %dma_start3A_28 = tpu.memref_slice %arg2[%dma_start3A_26, %add3A_11, %dma_start3A_27] : memref<78x2048x128xf32, #tpu.memory_space<hbm>> -> memref<78x4x128xf32, #tpu.memory_space<hbm>>
    tpu.enqueue_dma source(%dma_start3A_28 : memref<78x4x128xf32, #tpu.memory_space<hbm>>) target(%dma_start3A_25 : memref<78x4x128xf32, #tpu.memory_space<vmem>>) target_semaphore(%arg13 : memref<!tpu.dma_semaphore, #tpu.memory_space<semaphore_mem>>)
    %dma_wait3A = tpu.memref_slice %arg8[%mul3A_2] : memref<2048xi32, #tpu.memory_space<vmem>> -> memref<64xi32, #tpu.memory_space<vmem>>
    %dma_wait3A_29 = arith.constant 0 : i32
    %dma_wait3A_30 = arith.constant 0 : i32
    %dma_wait3A_31 = tpu.memref_slice %arg3[%dma_wait3A_29, %dma_wait3A_30] : memref<10000x16xf32, #tpu.memory_space<hbm>> -> memref<10000x16xf32, #tpu.memory_space<hbm>>
    tpu.wait_indirect_dma semaphore(%arg15 : memref<!tpu.dma_semaphore, #tpu.memory_space<semaphore_mem>>) src(%dma_wait3A_31 : memref<10000x16xf32, #tpu.memory_space<hbm>>) dst(%arg10 : memref<64x16xf32, #tpu.memory_space<vmem>>)
    %add3A_32 = arith.constant 4 : i32
    %add3A_33 = arith.addi %mul3A_2, %add3A_32 : i32
    %dma_start3A_34 = arith.constant 1 : i32
    %dma_start3A_35 = arith.constant 0 : i32
    %dma_start3A_36 = arith.constant 0 : i32
    %dma_start3A_37 = arith.constant 0 : i32
    %dma_start3A_38 = tpu.memref_slice %arg9[%dma_start3A_34, %dma_start3A_35, %dma_start3A_36, %dma_start3A_37] : memref<2x78x4x128xf32, #tpu.memory_space<vmem>> -> memref<1x78x4x128xf32, #tpu.memory_space<vmem>>
    %dma_start3A_39 = tpu.memref_squeeze %dma_start3A_38 : memref<1x78x4x128xf32, #tpu.memory_space<vmem>> -> memref<78x4x128xf32, #tpu.memory_space<vmem>>
    %dma_start3A_40 = arith.constant 0 : i32
    %dma_start3A_41 = arith.constant 0 : i32
    %dma_start3A_42 = tpu.memref_slice %arg2[%dma_start3A_40, %add3A_33, %dma_start3A_41] : memref<78x2048x128xf32, #tpu.memory_space<hbm>> -> memref<78x4x128xf32, #tpu.memory_space<hbm>>
    %dma_start3A_43 = arith.constant 0 : i32
    %dma_start3A_44 = arith.constant 0 : i32
    %dma_start3A_45 = arith.constant 0 : i32
    %dma_start3A_46 = tpu.memref_slice %arg9[%dma_start3A_34, %dma_start3A_43, %dma_start3A_44, %dma_start3A_45] : memref<2x78x4x128xf32, #tpu.memory_space<vmem>> -> memref<1x78x4x128xf32, #tpu.memory_space<vmem>>
    %dma_start3A_47 = tpu.memref_squeeze %dma_start3A_46 : memref<1x78x4x128xf32, #tpu.memory_space<vmem>> -> memref<78x4x128xf32, #tpu.memory_space<vmem>>
    %dma_start3A_48 = arith.constant 0 : i32
    %dma_start3A_49 = arith.constant 0 : i32
    %dma_start3A_50 = tpu.memref_slice %arg2[%dma_start3A_48, %add3A_33, %dma_start3A_49] : memref<78x2048x128xf32, #tpu.memory_space<hbm>> -> memref<78x4x128xf32, #tpu.memory_space<hbm>>
    tpu.enqueue_dma source(%dma_start3A_50 : memref<78x4x128xf32, #tpu.memory_space<hbm>>) target(%dma_start3A_47 : memref<78x4x128xf32, #tpu.memory_space<vmem>>) target_semaphore(%arg14 : memref<!tpu.dma_semaphore, #tpu.memory_space<semaphore_mem>>)
    %dma_wait3A_51 = arith.constant 0 : i32
    %dma_wait3A_52 = arith.constant 0 : i32
    %dma_wait3A_53 = arith.constant 0 : i32
    %dma_wait3A_54 = arith.constant 0 : i32
    %dma_wait3A_55 = tpu.memref_slice %arg9[%dma_wait3A_51, %dma_wait3A_52, %dma_wait3A_53, %dma_wait3A_54] : memref<2x78x4x128xf32, #tpu.memory_space<vmem>> -> memref<1x78x4x128xf32, #tpu.memory_space<vmem>>
    %dma_wait3A_56 = tpu.memref_squeeze %dma_wait3A_55 : memref<1x78x4x128xf32, #tpu.memory_space<vmem>> -> memref<78x4x128xf32, #tpu.memory_space<vmem>>
    %dma_wait3A_57 = arith.constant 0 : i32
    %dma_wait3A_58 = arith.constant 0 : i32
    %dma_wait3A_59 = tpu.memref_slice %arg2[%dma_wait3A_57, %add3A_11, %dma_wait3A_58] : memref<78x2048x128xf32, #tpu.memory_space<hbm>> -> memref<78x4x128xf32, #tpu.memory_space<hbm>>
    %dma_wait3A_60 = arith.constant 0 : i32
    %dma_wait3A_61 = arith.constant 0 : i32
    %dma_wait3A_62 = arith.constant 0 : i32
    %dma_wait3A_63 = tpu.memref_slice %arg9[%dma_wait3A_51, %dma_wait3A_60, %dma_wait3A_61, %dma_wait3A_62] : memref<2x78x4x128xf32, #tpu.memory_space<vmem>> -> memref<1x78x4x128xf32, #tpu.memory_space<vmem>>
    %dma_wait3A_64 = tpu.memref_squeeze %dma_wait3A_63 : memref<1x78x4x128xf32, #tpu.memory_space<vmem>> -> memref<78x4x128xf32, #tpu.memory_space<vmem>>
    %dma_wait3A_65 = arith.constant 0 : i32
    %dma_wait3A_66 = arith.constant 0 : i32
    %dma_wait3A_67 = tpu.memref_slice %arg2[%dma_wait3A_65, %add3A_11, %dma_wait3A_66] : memref<78x2048x128xf32, #tpu.memory_space<hbm>> -> memref<78x4x128xf32, #tpu.memory_space<hbm>>
    tpu.wait_dma2 semaphore(%arg13 : memref<!tpu.dma_semaphore, #tpu.memory_space<semaphore_mem>>) src(%dma_wait3A_67 : memref<78x4x128xf32, #tpu.memory_space<hbm>>) dst(%dma_wait3A_64 : memref<78x4x128xf32, #tpu.memory_space<vmem>>)
    %add3A_68 = arith.constant 0 : i32
    %add3A_69 = arith.addi %mul3A_2, %add3A_68 : i32
    "tpu.region"() ({
      %run_scoped3A = tpu.sem_alloc : memref<!tpu.dma_semaphore, #tpu.memory_space<semaphore_mem>>
      %dma_start3A_625 = arith.constant 0 : i32
      %dma_start3A_626 = tpu.memref_slice %arg6[%add3A_69, %dma_start3A_625] : memref<2048x2048xf32, #tpu.memory_space<hbm>> -> memref<4x2048xf32, #tpu.memory_space<hbm>>
      %dma_start3A_627 = arith.constant 0 : i32
      %dma_start3A_628 = tpu.memref_slice %arg6[%add3A_69, %dma_start3A_627] : memref<2048x2048xf32, #tpu.memory_space<hbm>> -> memref<4x2048xf32, #tpu.memory_space<hbm>>
      tpu.enqueue_dma source(%arg11 : memref<4x2048xf32, #tpu.memory_space<vmem>>) target(%dma_start3A_628 : memref<4x2048xf32, #tpu.memory_space<hbm>>) target_semaphore(%run_scoped3A : memref<!tpu.dma_semaphore, #tpu.memory_space<semaphore_mem>>)
      %dma_wait3A_629 = arith.constant 0 : i32
      %dma_wait3A_630 = tpu.memref_slice %arg6[%add3A_69, %dma_wait3A_629] : memref<2048x2048xf32, #tpu.memory_space<hbm>> -> memref<4x2048xf32, #tpu.memory_space<hbm>>
      %dma_wait3A_631 = arith.constant 0 : i32
      %dma_wait3A_632 = tpu.memref_slice %arg6[%add3A_69, %dma_wait3A_631] : memref<2048x2048xf32, #tpu.memory_space<hbm>> -> memref<4x2048xf32, #tpu.memory_space<hbm>>
      tpu.wait_dma2 semaphore(%run_scoped3A : memref<!tpu.dma_semaphore, #tpu.memory_space<semaphore_mem>>) src(%arg11 : memref<4x2048xf32, #tpu.memory_space<vmem>>) dst(%dma_wait3A_632 : memref<4x2048xf32, #tpu.memory_space<hbm>>)
      tpu.yield
    }) : () -> ()
    %add3A_70 = arith.constant 8 : i32
    %add3A_71 = arith.addi %mul3A_2, %add3A_70 : i32
    %dma_start3A_72 = arith.constant 0 : i32
    %dma_start3A_73 = arith.constant 0 : i32
    %dma_start3A_74 = arith.constant 0 : i32
    %dma_start3A_75 = arith.constant 0 : i32
    %dma_start3A_76 = tpu.memref_slice %arg9[%dma_start3A_72, %dma_start3A_73, %dma_start3A_74, %dma_start3A_75] : memref<2x78x4x128xf32, #tpu.memory_space<vmem>> -> memref<1x78x4x128xf32, #tpu.memory_space<vmem>>
    %dma_start3A_77 = tpu.memref_squeeze %dma_start3A_76 : memref<1x78x4x128xf32, #tpu.memory_space<vmem>> -> memref<78x4x128xf32, #tpu.memory_space<vmem>>
    %dma_start3A_78 = arith.constant 0 : i32
    %dma_start3A_79 = arith.constant 0 : i32
    %dma_start3A_80 = tpu.memref_slice %arg2[%dma_start3A_78, %add3A_71, %dma_start3A_79] : memref<78x2048x128xf32, #tpu.memory_space<hbm>> -> memref<78x4x128xf32, #tpu.memory_space<hbm>>
    %dma_start3A_81 = arith.constant 0 : i32
    %dma_start3A_82 = arith.constant 0 : i32
    %dma_start3A_83 = arith.constant 0 : i32
    %dma_start3A_84 = tpu.memref_slice %arg9[%dma_start3A_72, %dma_start3A_81, %dma_start3A_82, %dma_start3A_83] : memref<2x78x4x128xf32, #tpu.memory_space<vmem>> -> memref<1x78x4x128xf32, #tpu.memory_space<vmem>>
    %dma_start3A_85 = tpu.memref_squeeze %dma_start3A_84 : memref<1x78x4x128xf32, #tpu.memory_space<vmem>> -> memref<78x4x128xf32, #tpu.memory_space<vmem>>
    %dma_start3A_86 = arith.constant 0 : i32
    %dma_start3A_87 = arith.constant 0 : i32
    %dma_start3A_88 = tpu.memref_slice %arg2[%dma_start3A_86, %add3A_71, %dma_start3A_87] : memref<78x2048x128xf32, #tpu.memory_space<hbm>> -> memref<78x4x128xf32, #tpu.memory_space<hbm>>
    tpu.enqueue_dma source(%dma_start3A_88 : memref<78x4x128xf32, #tpu.memory_space<hbm>>) target(%dma_start3A_85 : memref<78x4x128xf32, #tpu.memory_space<vmem>>) target_semaphore(%arg13 : memref<!tpu.dma_semaphore, #tpu.memory_space<semaphore_mem>>)
    %dma_wait3A_89 = arith.constant 1 : i32
    %dma_wait3A_90 = arith.constant 0 : i32
    %dma_wait3A_91 = arith.constant 0 : i32
    %dma_wait3A_92 = arith.constant 0 : i32
    %dma_wait3A_93 = tpu.memref_slice %arg9[%dma_wait3A_89, %dma_wait3A_90, %dma_wait3A_91, %dma_wait3A_92] : memref<2x78x4x128xf32, #tpu.memory_space<vmem>> -> memref<1x78x4x128xf32, #tpu.memory_space<vmem>>
    %dma_wait3A_94 = tpu.memref_squeeze %dma_wait3A_93 : memref<1x78x4x128xf32, #tpu.memory_space<vmem>> -> memref<78x4x128xf32, #tpu.memory_space<vmem>>
    %dma_wait3A_95 = arith.constant 0 : i32
    %dma_wait3A_96 = arith.constant 0 : i32
    %dma_wait3A_97 = tpu.memref_slice %arg2[%dma_wait3A_95, %add3A_33, %dma_wait3A_96] : memref<78x2048x128xf32, #tpu.memory_space<hbm>> -> memref<78x4x128xf32, #tpu.memory_space<hbm>>
    %dma_wait3A_98 = arith.constant 0 : i32
    %dma_wait3A_99 = arith.constant 0 : i32
    %dma_wait3A_100 = arith.constant 0 : i32
    %dma_wait3A_101 = tpu.memref_slice %arg9[%dma_wait3A_89, %dma_wait3A_98, %dma_wait3A_99, %dma_wait3A_100] : memref<2x78x4x128xf32, #tpu.memory_space<vmem>> -> memref<1x78x4x128xf32, #tpu.memory_space<vmem>>
    %dma_wait3A_102 = tpu.memref_squeeze %dma_wait3A_101 : memref<1x78x4x128xf32, #tpu.memory_space<vmem>> -> memref<78x4x128xf32, #tpu.memory_space<vmem>>
    %dma_wait3A_103 = arith.constant 0 : i32
    %dma_wait3A_104 = arith.constant 0 : i32
    %dma_wait3A_105 = tpu.memref_slice %arg2[%dma_wait3A_103, %add3A_33, %dma_wait3A_104] : memref<78x2048x128xf32, #tpu.memory_space<hbm>> -> memref<78x4x128xf32, #tpu.memory_space<hbm>>
    tpu.wait_dma2 semaphore(%arg14 : memref<!tpu.dma_semaphore, #tpu.memory_space<semaphore_mem>>) src(%dma_wait3A_105 : memref<78x4x128xf32, #tpu.memory_space<hbm>>) dst(%dma_wait3A_102 : memref<78x4x128xf32, #tpu.memory_space<vmem>>)
    %add3A_106 = arith.constant 4 : i32
    %add3A_107 = arith.addi %mul3A_2, %add3A_106 : i32
    "tpu.region"() ({
      %run_scoped3A = tpu.sem_alloc : memref<!tpu.dma_semaphore, #tpu.memory_space<semaphore_mem>>
      %dma_start3A_625 = arith.constant 0 : i32
      %dma_start3A_626 = tpu.memref_slice %arg6[%add3A_107, %dma_start3A_625] : memref<2048x2048xf32, #tpu.memory_space<hbm>> -> memref<4x2048xf32, #tpu.memory_space<hbm>>
      %dma_start3A_627 = arith.constant 0 : i32
      %dma_start3A_628 = tpu.memref_slice %arg6[%add3A_107, %dma_start3A_627] : memref<2048x2048xf32, #tpu.memory_space<hbm>> -> memref<4x2048xf32, #tpu.memory_space<hbm>>
      tpu.enqueue_dma source(%arg11 : memref<4x2048xf32, #tpu.memory_space<vmem>>) target(%dma_start3A_628 : memref<4x2048xf32, #tpu.memory_space<hbm>>) target_semaphore(%run_scoped3A : memref<!tpu.dma_semaphore, #tpu.memory_space<semaphore_mem>>)
      %dma_wait3A_629 = arith.constant 0 : i32
      %dma_wait3A_630 = tpu.memref_slice %arg6[%add3A_107, %dma_wait3A_629] : memref<2048x2048xf32, #tpu.memory_space<hbm>> -> memref<4x2048xf32, #tpu.memory_space<hbm>>
      %dma_wait3A_631 = arith.constant 0 : i32
      %dma_wait3A_632 = tpu.memref_slice %arg6[%add3A_107, %dma_wait3A_631] : memref<2048x2048xf32, #tpu.memory_space<hbm>> -> memref<4x2048xf32, #tpu.memory_space<hbm>>
      tpu.wait_dma2 semaphore(%run_scoped3A : memref<!tpu.dma_semaphore, #tpu.memory_space<semaphore_mem>>) src(%arg11 : memref<4x2048xf32, #tpu.memory_space<vmem>>) dst(%dma_wait3A_632 : memref<4x2048xf32, #tpu.memory_space<hbm>>)
      tpu.yield
    }) : () -> ()
    %add3A_108 = arith.constant 12 : i32
    %add3A_109 = arith.addi %mul3A_2, %add3A_108 : i32
    %dma_start3A_110 = arith.constant 1 : i32
    %dma_start3A_111 = arith.constant 0 : i32
    %dma_start3A_112 = arith.constant 0 : i32
    %dma_start3A_113 = arith.constant 0 : i32
    %dma_start3A_114 = tpu.memref_slice %arg9[%dma_start3A_110, %dma_start3A_111, %dma_start3A_112, %dma_start3A_113] : memref<2x78x4x128xf32, #tpu.memory_space<vmem>> -> memref<1x78x4x128xf32, #tpu.memory_space<vmem>>
    %dma_start3A_115 = tpu.memref_squeeze %dma_start3A_114 : memref<1x78x4x128xf32, #tpu.memory_space<vmem>> -> memref<78x4x128xf32, #tpu.memory_space<vmem>>
    %dma_start3A_116 = arith.constant 0 : i32
    %dma_start3A_117 = arith.constant 0 : i32
    %dma_start3A_118 = tpu.memref_slice %arg2[%dma_start3A_116, %add3A_109, %dma_start3A_117] : memref<78x2048x128xf32, #tpu.memory_space<hbm>> -> memref<78x4x128xf32, #tpu.memory_space<hbm>>
    %dma_start3A_119 = arith.constant 0 : i32
    %dma_start3A_120 = arith.constant 0 : i32
    %dma_start3A_121 = arith.constant 0 : i32
    %dma_start3A_122 = tpu.memref_slice %arg9[%dma_start3A_110, %dma_start3A_119, %dma_start3A_120, %dma_start3A_121] : memref<2x78x4x128xf32, #tpu.memory_space<vmem>> -> memref<1x78x4x128xf32, #tpu.memory_space<vmem>>
    %dma_start3A_123 = tpu.memref_squeeze %dma_start3A_122 : memref<1x78x4x128xf32, #tpu.memory_space<vmem>> -> memref<78x4x128xf32, #tpu.memory_space<vmem>>
    %dma_start3A_124 = arith.constant 0 : i32
    %dma_start3A_125 = arith.constant 0 : i32
    %dma_start3A_126 = tpu.memref_slice %arg2[%dma_start3A_124, %add3A_109, %dma_start3A_125] : memref<78x2048x128xf32, #tpu.memory_space<hbm>> -> memref<78x4x128xf32, #tpu.memory_space<hbm>>
    tpu.enqueue_dma source(%dma_start3A_126 : memref<78x4x128xf32, #tpu.memory_space<hbm>>) target(%dma_start3A_123 : memref<78x4x128xf32, #tpu.memory_space<vmem>>) target_semaphore(%arg14 : memref<!tpu.dma_semaphore, #tpu.memory_space<semaphore_mem>>)
    %dma_wait3A_127 = arith.constant 0 : i32
    %dma_wait3A_128 = arith.constant 0 : i32
    %dma_wait3A_129 = arith.constant 0 : i32
    %dma_wait3A_130 = arith.constant 0 : i32
    %dma_wait3A_131 = tpu.memref_slice %arg9[%dma_wait3A_127, %dma_wait3A_128, %dma_wait3A_129, %dma_wait3A_130] : memref<2x78x4x128xf32, #tpu.memory_space<vmem>> -> memref<1x78x4x128xf32, #tpu.memory_space<vmem>>
    %dma_wait3A_132 = tpu.memref_squeeze %dma_wait3A_131 : memref<1x78x4x128xf32, #tpu.memory_space<vmem>> -> memref<78x4x128xf32, #tpu.memory_space<vmem>>
    %dma_wait3A_133 = arith.constant 0 : i32
    %dma_wait3A_134 = arith.constant 0 : i32
    %dma_wait3A_135 = tpu.memref_slice %arg2[%dma_wait3A_133, %add3A_71, %dma_wait3A_134] : memref<78x2048x128xf32, #tpu.memory_space<hbm>> -> memref<78x4x128xf32, #tpu.memory_space<hbm>>
    %dma_wait3A_136 = arith.constant 0 : i32
    %dma_wait3A_137 = arith.constant 0 : i32
    %dma_wait3A_138 = arith.constant 0 : i32
    %dma_wait3A_139 = tpu.memref_slice %arg9[%dma_wait3A_127, %dma_wait3A_136, %dma_wait3A_137, %dma_wait3A_138] : memref<2x78x4x128xf32, #tpu.memory_space<vmem>> -> memref<1x78x4x128xf32, #tpu.memory_space<vmem>>
    %dma_wait3A_140 = tpu.memref_squeeze %dma_wait3A_139 : memref<1x78x4x128xf32, #tpu.memory_space<vmem>> -> memref<78x4x128xf32, #tpu.memory_space<vmem>>
    %dma_wait3A_141 = arith.constant 0 : i32
    %dma_wait3A_142 = arith.constant 0 : i32
    %dma_wait3A_143 = tpu.memref_slice %arg2[%dma_wait3A_141, %add3A_71, %dma_wait3A_142] : memref<78x2048x128xf32, #tpu.memory_space<hbm>> -> memref<78x4x128xf32, #tpu.memory_space<hbm>>
    tpu.wait_dma2 semaphore(%arg13 : memref<!tpu.dma_semaphore, #tpu.memory_space<semaphore_mem>>) src(%dma_wait3A_143 : memref<78x4x128xf32, #tpu.memory_space<hbm>>) dst(%dma_wait3A_140 : memref<78x4x128xf32, #tpu.memory_space<vmem>>)
    %add3A_144 = arith.constant 8 : i32
    %add3A_145 = arith.addi %mul3A_2, %add3A_144 : i32
    "tpu.region"() ({
      %run_scoped3A = tpu.sem_alloc : memref<!tpu.dma_semaphore, #tpu.memory_space<semaphore_mem>>
      %dma_start3A_625 = arith.constant 0 : i32
      %dma_start3A_626 = tpu.memref_slice %arg6[%add3A_145, %dma_start3A_625] : memref<2048x2048xf32, #tpu.memory_space<hbm>> -> memref<4x2048xf32, #tpu.memory_space<hbm>>
      %dma_start3A_627 = arith.constant 0 : i32
      %dma_start3A_628 = tpu.memref_slice %arg6[%add3A_145, %dma_start3A_627] : memref<2048x2048xf32, #tpu.memory_space<hbm>> -> memref<4x2048xf32, #tpu.memory_space<hbm>>
      tpu.enqueue_dma source(%arg11 : memref<4x2048xf32, #tpu.memory_space<vmem>>) target(%dma_start3A_628 : memref<4x2048xf32, #tpu.memory_space<hbm>>) target_semaphore(%run_scoped3A : memref<!tpu.dma_semaphore, #tpu.memory_space<semaphore_mem>>)
      %dma_wait3A_629 = arith.constant 0 : i32
      %dma_wait3A_630 = tpu.memref_slice %arg6[%add3A_145, %dma_wait3A_629] : memref<2048x2048xf32, #tpu.memory_space<hbm>> -> memref<4x2048xf32, #tpu.memory_space<hbm>>
      %dma_wait3A_631 = arith.constant 0 : i32
      %dma_wait3A_632 = tpu.memref_slice %arg6[%add3A_145, %dma_wait3A_631] : memref<2048x2048xf32, #tpu.memory_space<hbm>> -> memref<4x2048xf32, #tpu.memory_space<hbm>>
      tpu.wait_dma2 semaphore(%run_scoped3A : memref<!tpu.dma_semaphore, #tpu.memory_space<semaphore_mem>>) src(%arg11 : memref<4x2048xf32, #tpu.memory_space<vmem>>) dst(%dma_wait3A_632 : memref<4x2048xf32, #tpu.memory_space<hbm>>)
      tpu.yield
    }) : () -> ()
    %add3A_146 = arith.constant 16 : i32
    %add3A_147 = arith.addi %mul3A_2, %add3A_146 : i32
    %dma_start3A_148 = arith.constant 0 : i32
    %dma_start3A_149 = arith.constant 0 : i32
    %dma_start3A_150 = arith.constant 0 : i32
    %dma_start3A_151 = arith.constant 0 : i32
    %dma_start3A_152 = tpu.memref_slice %arg9[%dma_start3A_148, %dma_start3A_149, %dma_start3A_150, %dma_start3A_151] : memref<2x78x4x128xf32, #tpu.memory_space<vmem>> -> memref<1x78x4x128xf32, #tpu.memory_space<vmem>>
    %dma_start3A_153 = tpu.memref_squeeze %dma_start3A_152 : memref<1x78x4x128xf32, #tpu.memory_space<vmem>> -> memref<78x4x128xf32, #tpu.memory_space<vmem>>
    %dma_start3A_154 = arith.constant 0 : i32
    %dma_start3A_155 = arith.constant 0 : i32
    %dma_start3A_156 = tpu.memref_slice %arg2[%dma_start3A_154, %add3A_147, %dma_start3A_155] : memref<78x2048x128xf32, #tpu.memory_space<hbm>> -> memref<78x4x128xf32, #tpu.memory_space<hbm>>
    %dma_start3A_157 = arith.constant 0 : i32
    %dma_start3A_158 = arith.constant 0 : i32
    %dma_start3A_159 = arith.constant 0 : i32
    %dma_start3A_160 = tpu.memref_slice %arg9[%dma_start3A_148, %dma_start3A_157, %dma_start3A_158, %dma_start3A_159] : memref<2x78x4x128xf32, #tpu.memory_space<vmem>> -> memref<1x78x4x128xf32, #tpu.memory_space<vmem>>
    %dma_start3A_161 = tpu.memref_squeeze %dma_start3A_160 : memref<1x78x4x128xf32, #tpu.memory_space<vmem>> -> memref<78x4x128xf32, #tpu.memory_space<vmem>>
    %dma_start3A_162 = arith.constant 0 : i32
    %dma_start3A_163 = arith.constant 0 : i32
    %dma_start3A_164 = tpu.memref_slice %arg2[%dma_start3A_162, %add3A_147, %dma_start3A_163] : memref<78x2048x128xf32, #tpu.memory_space<hbm>> -> memref<78x4x128xf32, #tpu.memory_space<hbm>>
    tpu.enqueue_dma source(%dma_start3A_164 : memref<78x4x128xf32, #tpu.memory_space<hbm>>) target(%dma_start3A_161 : memref<78x4x128xf32, #tpu.memory_space<vmem>>) target_semaphore(%arg13 : memref<!tpu.dma_semaphore, #tpu.memory_space<semaphore_mem>>)
    %dma_wait3A_165 = arith.constant 1 : i32
    %dma_wait3A_166 = arith.constant 0 : i32
    %dma_wait3A_167 = arith.constant 0 : i32
    %dma_wait3A_168 = arith.constant 0 : i32
    %dma_wait3A_169 = tpu.memref_slice %arg9[%dma_wait3A_165, %dma_wait3A_166, %dma_wait3A_167, %dma_wait3A_168] : memref<2x78x4x128xf32, #tpu.memory_space<vmem>> -> memref<1x78x4x128xf32, #tpu.memory_space<vmem>>
    %dma_wait3A_170 = tpu.memref_squeeze %dma_wait3A_169 : memref<1x78x4x128xf32, #tpu.memory_space<vmem>> -> memref<78x4x128xf32, #tpu.memory_space<vmem>>
    %dma_wait3A_171 = arith.constant 0 : i32
    %dma_wait3A_172 = arith.constant 0 : i32
    %dma_wait3A_173 = tpu.memref_slice %arg2[%dma_wait3A_171, %add3A_109, %dma_wait3A_172] : memref<78x2048x128xf32, #tpu.memory_space<hbm>> -> memref<78x4x128xf32, #tpu.memory_space<hbm>>
    %dma_wait3A_174 = arith.constant 0 : i32
    %dma_wait3A_175 = arith.constant 0 : i32
    %dma_wait3A_176 = arith.constant 0 : i32
    %dma_wait3A_177 = tpu.memref_slice %arg9[%dma_wait3A_165, %dma_wait3A_174, %dma_wait3A_175, %dma_wait3A_176] : memref<2x78x4x128xf32, #tpu.memory_space<vmem>> -> memref<1x78x4x128xf32, #tpu.memory_space<vmem>>
    %dma_wait3A_178 = tpu.memref_squeeze %dma_wait3A_177 : memref<1x78x4x128xf32, #tpu.memory_space<vmem>> -> memref<78x4x128xf32, #tpu.memory_space<vmem>>
    %dma_wait3A_179 = arith.constant 0 : i32
    %dma_wait3A_180 = arith.constant 0 : i32
    %dma_wait3A_181 = tpu.memref_slice %arg2[%dma_wait3A_179, %add3A_109, %dma_wait3A_180] : memref<78x2048x128xf32, #tpu.memory_space<hbm>> -> memref<78x4x128xf32, #tpu.memory_space<hbm>>
    tpu.wait_dma2 semaphore(%arg14 : memref<!tpu.dma_semaphore, #tpu.memory_space<semaphore_mem>>) src(%dma_wait3A_181 : memref<78x4x128xf32, #tpu.memory_space<hbm>>) dst(%dma_wait3A_178 : memref<78x4x128xf32, #tpu.memory_space<vmem>>)
    %add3A_182 = arith.constant 12 : i32
    %add3A_183 = arith.addi %mul3A_2, %add3A_182 : i32
    "tpu.region"() ({
      %run_scoped3A = tpu.sem_alloc : memref<!tpu.dma_semaphore, #tpu.memory_space<semaphore_mem>>
      %dma_start3A_625 = arith.constant 0 : i32
      %dma_start3A_626 = tpu.memref_slice %arg6[%add3A_183, %dma_start3A_625] : memref<2048x2048xf32, #tpu.memory_space<hbm>> -> memref<4x2048xf32, #tpu.memory_space<hbm>>
      %dma_start3A_627 = arith.constant 0 : i32
      %dma_start3A_628 = tpu.memref_slice %arg6[%add3A_183, %dma_start3A_627] : memref<2048x2048xf32, #tpu.memory_space<hbm>> -> memref<4x2048xf32, #tpu.memory_space<hbm>>
      tpu.enqueue_dma source(%arg11 : memref<4x2048xf32, #tpu.memory_space<vmem>>) target(%dma_start3A_628 : memref<4x2048xf32, #tpu.memory_space<hbm>>) target_semaphore(%run_scoped3A : memref<!tpu.dma_semaphore, #tpu.memory_space<semaphore_mem>>)
      %dma_wait3A_629 = arith.constant 0 : i32
      %dma_wait3A_630 = tpu.memref_slice %arg6[%add3A_183, %dma_wait3A_629] : memref<2048x2048xf32, #tpu.memory_space<hbm>> -> memref<4x2048xf32, #tpu.memory_space<hbm>>
      %dma_wait3A_631 = arith.constant 0 : i32
      %dma_wait3A_632 = tpu.memref_slice %arg6[%add3A_183, %dma_wait3A_631] : memref<2048x2048xf32, #tpu.memory_space<hbm>> -> memref<4x2048xf32, #tpu.memory_space<hbm>>
      tpu.wait_dma2 semaphore(%run_scoped3A : memref<!tpu.dma_semaphore, #tpu.memory_space<semaphore_mem>>) src(%arg11 : memref<4x2048xf32, #tpu.memory_space<vmem>>) dst(%dma_wait3A_632 : memref<4x2048xf32, #tpu.memory_space<hbm>>)
      tpu.yield
    }) : () -> ()
    %add3A_184 = arith.constant 20 : i32
    %add3A_185 = arith.addi %mul3A_2, %add3A_184 : i32
    %dma_start3A_186 = arith.constant 1 : i32
    %dma_start3A_187 = arith.constant 0 : i32
    %dma_start3A_188 = arith.constant 0 : i32
    %dma_start3A_189 = arith.constant 0 : i32
    %dma_start3A_190 = tpu.memref_slice %arg9[%dma_start3A_186, %dma_start3A_187, %dma_start3A_188, %dma_start3A_189] : memref<2x78x4x128xf32, #tpu.memory_space<vmem>> -> memref<1x78x4x128xf32, #tpu.memory_space<vmem>>
    %dma_start3A_191 = tpu.memref_squeeze %dma_start3A_190 : memref<1x78x4x128xf32, #tpu.memory_space<vmem>> -> memref<78x4x128xf32, #tpu.memory_space<vmem>>
    %dma_start3A_192 = arith.constant 0 : i32
    %dma_start3A_193 = arith.constant 0 : i32
    %dma_start3A_194 = tpu.memref_slice %arg2[%dma_start3A_192, %add3A_185, %dma_start3A_193] : memref<78x2048x128xf32, #tpu.memory_space<hbm>> -> memref<78x4x128xf32, #tpu.memory_space<hbm>>
    %dma_start3A_195 = arith.constant 0 : i32
    %dma_start3A_196 = arith.constant 0 : i32
    %dma_start3A_197 = arith.constant 0 : i32
    %dma_start3A_198 = tpu.memref_slice %arg9[%dma_start3A_186, %dma_start3A_195, %dma_start3A_196, %dma_start3A_197] : memref<2x78x4x128xf32, #tpu.memory_space<vmem>> -> memref<1x78x4x128xf32, #tpu.memory_space<vmem>>
    %dma_start3A_199 = tpu.memref_squeeze %dma_start3A_198 : memref<1x78x4x128xf32, #tpu.memory_space<vmem>> -> memref<78x4x128xf32, #tpu.memory_space<vmem>>
    %dma_start3A_200 = arith.constant 0 : i32
    %dma_start3A_201 = arith.constant 0 : i32
    %dma_start3A_202 = tpu.memref_slice %arg2[%dma_start3A_200, %add3A_185, %dma_start3A_201] : memref<78x2048x128xf32, #tpu.memory_space<hbm>> -> memref<78x4x128xf32, #tpu.memory_space<hbm>>
    tpu.enqueue_dma source(%dma_start3A_202 : memref<78x4x128xf32, #tpu.memory_space<hbm>>) target(%dma_start3A_199 : memref<78x4x128xf32, #tpu.memory_space<vmem>>) target_semaphore(%arg14 : memref<!tpu.dma_semaphore, #tpu.memory_space<semaphore_mem>>)
    %dma_wait3A_203 = arith.constant 0 : i32
    %dma_wait3A_204 = arith.constant 0 : i32
    %dma_wait3A_205 = arith.constant 0 : i32
    %dma_wait3A_206 = arith.constant 0 : i32
    %dma_wait3A_207 = tpu.memref_slice %arg9[%dma_wait3A_203, %dma_wait3A_204, %dma_wait3A_205, %dma_wait3A_206] : memref<2x78x4x128xf32, #tpu.memory_space<vmem>> -> memref<1x78x4x128xf32, #tpu.memory_space<vmem>>
    %dma_wait3A_208 = tpu.memref_squeeze %dma_wait3A_207 : memref<1x78x4x128xf32, #tpu.memory_space<vmem>> -> memref<78x4x128xf32, #tpu.memory_space<vmem>>
    %dma_wait3A_209 = arith.constant 0 : i32
    %dma_wait3A_210 = arith.constant 0 : i32
    %dma_wait3A_211 = tpu.memref_slice %arg2[%dma_wait3A_209, %add3A_147, %dma_wait3A_210] : memref<78x2048x128xf32, #tpu.memory_space<hbm>> -> memref<78x4x128xf32, #tpu.memory_space<hbm>>
    %dma_wait3A_212 = arith.constant 0 : i32
    %dma_wait3A_213 = arith.constant 0 : i32
    %dma_wait3A_214 = arith.constant 0 : i32
    %dma_wait3A_215 = tpu.memref_slice %arg9[%dma_wait3A_203, %dma_wait3A_212, %dma_wait3A_213, %dma_wait3A_214] : memref<2x78x4x128xf32, #tpu.memory_space<vmem>> -> memref<1x78x4x128xf32, #tpu.memory_space<vmem>>
    %dma_wait3A_216 = tpu.memref_squeeze %dma_wait3A_215 : memref<1x78x4x128xf32, #tpu.memory_space<vmem>> -> memref<78x4x128xf32, #tpu.memory_space<vmem>>
    %dma_wait3A_217 = arith.constant 0 : i32
    %dma_wait3A_218 = arith.constant 0 : i32
    %dma_wait3A_219 = tpu.memref_slice %arg2[%dma_wait3A_217, %add3A_147, %dma_wait3A_218] : memref<78x2048x128xf32, #tpu.memory_space<hbm>> -> memref<78x4x128xf32, #tpu.memory_space<hbm>>
    tpu.wait_dma2 semaphore(%arg13 : memref<!tpu.dma_semaphore, #tpu.memory_space<semaphore_mem>>) src(%dma_wait3A_219 : memref<78x4x128xf32, #tpu.memory_space<hbm>>) dst(%dma_wait3A_216 : memref<78x4x128xf32, #tpu.memory_space<vmem>>)
    %add3A_220 = arith.constant 16 : i32
    %add3A_221 = arith.addi %mul3A_2, %add3A_220 : i32
    "tpu.region"() ({
      %run_scoped3A = tpu.sem_alloc : memref<!tpu.dma_semaphore, #tpu.memory_space<semaphore_mem>>
      %dma_start3A_625 = arith.constant 0 : i32
      %dma_start3A_626 = tpu.memref_slice %arg6[%add3A_221, %dma_start3A_625] : memref<2048x2048xf32, #tpu.memory_space<hbm>> -> memref<4x2048xf32, #tpu.memory_space<hbm>>
      %dma_start3A_627 = arith.constant 0 : i32
      %dma_start3A_628 = tpu.memref_slice %arg6[%add3A_221, %dma_start3A_627] : memref<2048x2048xf32, #tpu.memory_space<hbm>> -> memref<4x2048xf32, #tpu.memory_space<hbm>>
      tpu.enqueue_dma source(%arg11 : memref<4x2048xf32, #tpu.memory_space<vmem>>) target(%dma_start3A_628 : memref<4x2048xf32, #tpu.memory_space<hbm>>) target_semaphore(%run_scoped3A : memref<!tpu.dma_semaphore, #tpu.memory_space<semaphore_mem>>)
      %dma_wait3A_629 = arith.constant 0 : i32
      %dma_wait3A_630 = tpu.memref_slice %arg6[%add3A_221, %dma_wait3A_629] : memref<2048x2048xf32, #tpu.memory_space<hbm>> -> memref<4x2048xf32, #tpu.memory_space<hbm>>
      %dma_wait3A_631 = arith.constant 0 : i32
      %dma_wait3A_632 = tpu.memref_slice %arg6[%add3A_221, %dma_wait3A_631] : memref<2048x2048xf32, #tpu.memory_space<hbm>> -> memref<4x2048xf32, #tpu.memory_space<hbm>>
      tpu.wait_dma2 semaphore(%run_scoped3A : memref<!tpu.dma_semaphore, #tpu.memory_space<semaphore_mem>>) src(%arg11 : memref<4x2048xf32, #tpu.memory_space<vmem>>) dst(%dma_wait3A_632 : memref<4x2048xf32, #tpu.memory_space<hbm>>)
      tpu.yield
    }) : () -> ()
    %add3A_222 = arith.constant 24 : i32
    %add3A_223 = arith.addi %mul3A_2, %add3A_222 : i32
    %dma_start3A_224 = arith.constant 0 : i32
    %dma_start3A_225 = arith.constant 0 : i32
    %dma_start3A_226 = arith.constant 0 : i32
    %dma_start3A_227 = arith.constant 0 : i32
    %dma_start3A_228 = tpu.memref_slice %arg9[%dma_start3A_224, %dma_start3A_225, %dma_start3A_226, %dma_start3A_227] : memref<2x78x4x128xf32, #tpu.memory_space<vmem>> -> memref<1x78x4x128xf32, #tpu.memory_space<vmem>>
    %dma_start3A_229 = tpu.memref_squeeze %dma_start3A_228 : memref<1x78x4x128xf32, #tpu.memory_space<vmem>> -> memref<78x4x128xf32, #tpu.memory_space<vmem>>
    %dma_start3A_230 = arith.constant 0 : i32
    %dma_start3A_231 = arith.constant 0 : i32
    %dma_start3A_232 = tpu.memref_slice %arg2[%dma_start3A_230, %add3A_223, %dma_start3A_231] : memref<78x2048x128xf32, #tpu.memory_space<hbm>> -> memref<78x4x128xf32, #tpu.memory_space<hbm>>
    %dma_start3A_233 = arith.constant 0 : i32
    %dma_start3A_234 = arith.constant 0 : i32
    %dma_start3A_235 = arith.constant 0 : i32
    %dma_start3A_236 = tpu.memref_slice %arg9[%dma_start3A_224, %dma_start3A_233, %dma_start3A_234, %dma_start3A_235] : memref<2x78x4x128xf32, #tpu.memory_space<vmem>> -> memref<1x78x4x128xf32, #tpu.memory_space<vmem>>
    %dma_start3A_237 = tpu.memref_squeeze %dma_start3A_236 : memref<1x78x4x128xf32, #tpu.memory_space<vmem>> -> memref<78x4x128xf32, #tpu.memory_space<vmem>>
    %dma_start3A_238 = arith.constant 0 : i32
    %dma_start3A_239 = arith.constant 0 : i32
    %dma_start3A_240 = tpu.memref_slice %arg2[%dma_start3A_238, %add3A_223, %dma_start3A_239] : memref<78x2048x128xf32, #tpu.memory_space<hbm>> -> memref<78x4x128xf32, #tpu.memory_space<hbm>>
    tpu.enqueue_dma source(%dma_start3A_240 : memref<78x4x128xf32, #tpu.memory_space<hbm>>) target(%dma_start3A_237 : memref<78x4x128xf32, #tpu.memory_space<vmem>>) target_semaphore(%arg13 : memref<!tpu.dma_semaphore, #tpu.memory_space<semaphore_mem>>)
    %dma_wait3A_241 = arith.constant 1 : i32
    %dma_wait3A_242 = arith.constant 0 : i32
    %dma_wait3A_243 = arith.constant 0 : i32
    %dma_wait3A_244 = arith.constant 0 : i32
    %dma_wait3A_245 = tpu.memref_slice %arg9[%dma_wait3A_241, %dma_wait3A_242, %dma_wait3A_243, %dma_wait3A_244] : memref<2x78x4x128xf32, #tpu.memory_space<vmem>> -> memref<1x78x4x128xf32, #tpu.memory_space<vmem>>
    %dma_wait3A_246 = tpu.memref_squeeze %dma_wait3A_245 : memref<1x78x4x128xf32, #tpu.memory_space<vmem>> -> memref<78x4x128xf32, #tpu.memory_space<vmem>>
    %dma_wait3A_247 = arith.constant 0 : i32
    %dma_wait3A_248 = arith.constant 0 : i32
    %dma_wait3A_249 = tpu.memref_slice %arg2[%dma_wait3A_247, %add3A_185, %dma_wait3A_248] : memref<78x2048x128xf32, #tpu.memory_space<hbm>> -> memref<78x4x128xf32, #tpu.memory_space<hbm>>
    %dma_wait3A_250 = arith.constant 0 : i32
    %dma_wait3A_251 = arith.constant 0 : i32
    %dma_wait3A_252 = arith.constant 0 : i32
    %dma_wait3A_253 = tpu.memref_slice %arg9[%dma_wait3A_241, %dma_wait3A_250, %dma_wait3A_251, %dma_wait3A_252] : memref<2x78x4x128xf32, #tpu.memory_space<vmem>> -> memref<1x78x4x128xf32, #tpu.memory_space<vmem>>
    %dma_wait3A_254 = tpu.memref_squeeze %dma_wait3A_253 : memref<1x78x4x128xf32, #tpu.memory_space<vmem>> -> memref<78x4x128xf32, #tpu.memory_space<vmem>>
    %dma_wait3A_255 = arith.constant 0 : i32
    %dma_wait3A_256 = arith.constant 0 : i32
    %dma_wait3A_257 = tpu.memref_slice %arg2[%dma_wait3A_255, %add3A_185, %dma_wait3A_256] : memref<78x2048x128xf32, #tpu.memory_space<hbm>> -> memref<78x4x128xf32, #tpu.memory_space<hbm>>
    tpu.wait_dma2 semaphore(%arg14 : memref<!tpu.dma_semaphore, #tpu.memory_space<semaphore_mem>>) src(%dma_wait3A_257 : memref<78x4x128xf32, #tpu.memory_space<hbm>>) dst(%dma_wait3A_254 : memref<78x4x128xf32, #tpu.memory_space<vmem>>)
    %add3A_258 = arith.constant 20 : i32
    %add3A_259 = arith.addi %mul3A_2, %add3A_258 : i32
    "tpu.region"() ({
      %run_scoped3A = tpu.sem_alloc : memref<!tpu.dma_semaphore, #tpu.memory_space<semaphore_mem>>
      %dma_start3A_625 = arith.constant 0 : i32
      %dma_start3A_626 = tpu.memref_slice %arg6[%add3A_259, %dma_start3A_625] : memref<2048x2048xf32, #tpu.memory_space<hbm>> -> memref<4x2048xf32, #tpu.memory_space<hbm>>
      %dma_start3A_627 = arith.constant 0 : i32
      %dma_start3A_628 = tpu.memref_slice %arg6[%add3A_259, %dma_start3A_627] : memref<2048x2048xf32, #tpu.memory_space<hbm>> -> memref<4x2048xf32, #tpu.memory_space<hbm>>
      tpu.enqueue_dma source(%arg11 : memref<4x2048xf32, #tpu.memory_space<vmem>>) target(%dma_start3A_628 : memref<4x2048xf32, #tpu.memory_space<hbm>>) target_semaphore(%run_scoped3A : memref<!tpu.dma_semaphore, #tpu.memory_space<semaphore_mem>>)
      %dma_wait3A_629 = arith.constant 0 : i32
      %dma_wait3A_630 = tpu.memref_slice %arg6[%add3A_259, %dma_wait3A_629] : memref<2048x2048xf32, #tpu.memory_space<hbm>> -> memref<4x2048xf32, #tpu.memory_space<hbm>>
      %dma_wait3A_631 = arith.constant 0 : i32
      %dma_wait3A_632 = tpu.memref_slice %arg6[%add3A_259, %dma_wait3A_631] : memref<2048x2048xf32, #tpu.memory_space<hbm>> -> memref<4x2048xf32, #tpu.memory_space<hbm>>
      tpu.wait_dma2 semaphore(%run_scoped3A : memref<!tpu.dma_semaphore, #tpu.memory_space<semaphore_mem>>) src(%arg11 : memref<4x2048xf32, #tpu.memory_space<vmem>>) dst(%dma_wait3A_632 : memref<4x2048xf32, #tpu.memory_space<hbm>>)
      tpu.yield
    }) : () -> ()
    %add3A_260 = arith.constant 28 : i32
    %add3A_261 = arith.addi %mul3A_2, %add3A_260 : i32
    %dma_start3A_262 = arith.constant 1 : i32
    %dma_start3A_263 = arith.constant 0 : i32
    %dma_start3A_264 = arith.constant 0 : i32
    %dma_start3A_265 = arith.constant 0 : i32
    %dma_start3A_266 = tpu.memref_slice %arg9[%dma_start3A_262, %dma_start3A_263, %dma_start3A_264, %dma_start3A_265] : memref<2x78x4x128xf32, #tpu.memory_space<vmem>> -> memref<1x78x4x128xf32, #tpu.memory_space<vmem>>
    %dma_start3A_267 = tpu.memref_squeeze %dma_start3A_266 : memref<1x78x4x128xf32, #tpu.memory_space<vmem>> -> memref<78x4x128xf32, #tpu.memory_space<vmem>>
    %dma_start3A_268 = arith.constant 0 : i32
    %dma_start3A_269 = arith.constant 0 : i32
    %dma_start3A_270 = tpu.memref_slice %arg2[%dma_start3A_268, %add3A_261, %dma_start3A_269] : memref<78x2048x128xf32, #tpu.memory_space<hbm>> -> memref<78x4x128xf32, #tpu.memory_space<hbm>>
    %dma_start3A_271 = arith.constant 0 : i32
    %dma_start3A_272 = arith.constant 0 : i32
    %dma_start3A_273 = arith.constant 0 : i32
    %dma_start3A_274 = tpu.memref_slice %arg9[%dma_start3A_262, %dma_start3A_271, %dma_start3A_272, %dma_start3A_273] : memref<2x78x4x128xf32, #tpu.memory_space<vmem>> -> memref<1x78x4x128xf32, #tpu.memory_space<vmem>>
    %dma_start3A_275 = tpu.memref_squeeze %dma_start3A_274 : memref<1x78x4x128xf32, #tpu.memory_space<vmem>> -> memref<78x4x128xf32, #tpu.memory_space<vmem>>
    %dma_start3A_276 = arith.constant 0 : i32
    %dma_start3A_277 = arith.constant 0 : i32
    %dma_start3A_278 = tpu.memref_slice %arg2[%dma_start3A_276, %add3A_261, %dma_start3A_277] : memref<78x2048x128xf32, #tpu.memory_space<hbm>> -> memref<78x4x128xf32, #tpu.memory_space<hbm>>
    tpu.enqueue_dma source(%dma_start3A_278 : memref<78x4x128xf32, #tpu.memory_space<hbm>>) target(%dma_start3A_275 : memref<78x4x128xf32, #tpu.memory_space<vmem>>) target_semaphore(%arg14 : memref<!tpu.dma_semaphore, #tpu.memory_space<semaphore_mem>>)
    %dma_wait3A_279 = arith.constant 0 : i32
    %dma_wait3A_280 = arith.constant 0 : i32
    %dma_wait3A_281 = arith.constant 0 : i32
    %dma_wait3A_282 = arith.constant 0 : i32
    %dma_wait3A_283 = tpu.memref_slice %arg9[%dma_wait3A_279, %dma_wait3A_280, %dma_wait3A_281, %dma_wait3A_282] : memref<2x78x4x128xf32, #tpu.memory_space<vmem>> -> memref<1x78x4x128xf32, #tpu.memory_space<vmem>>
    %dma_wait3A_284 = tpu.memref_squeeze %dma_wait3A_283 : memref<1x78x4x128xf32, #tpu.memory_space<vmem>> -> memref<78x4x128xf32, #tpu.memory_space<vmem>>
    %dma_wait3A_285 = arith.constant 0 : i32
    %dma_wait3A_286 = arith.constant 0 : i32
    %dma_wait3A_287 = tpu.memref_slice %arg2[%dma_wait3A_285, %add3A_223, %dma_wait3A_286] : memref<78x2048x128xf32, #tpu.memory_space<hbm>> -> memref<78x4x128xf32, #tpu.memory_space<hbm>>
    %dma_wait3A_288 = arith.constant 0 : i32
    %dma_wait3A_289 = arith.constant 0 : i32
    %dma_wait3A_290 = arith.constant 0 : i32
    %dma_wait3A_291 = tpu.memref_slice %arg9[%dma_wait3A_279, %dma_wait3A_288, %dma_wait3A_289, %dma_wait3A_290] : memref<2x78x4x128xf32, #tpu.memory_space<vmem>> -> memref<1x78x4x128xf32, #tpu.memory_space<vmem>>
    %dma_wait3A_292 = tpu.memref_squeeze %dma_wait3A_291 : memref<1x78x4x128xf32, #tpu.memory_space<vmem>> -> memref<78x4x128xf32, #tpu.memory_space<vmem>>
    %dma_wait3A_293 = arith.constant 0 : i32
    %dma_wait3A_294 = arith.constant 0 : i32
    %dma_wait3A_295 = tpu.memref_slice %arg2[%dma_wait3A_293, %add3A_223, %dma_wait3A_294] : memref<78x2048x128xf32, #tpu.memory_space<hbm>> -> memref<78x4x128xf32, #tpu.memory_space<hbm>>
    tpu.wait_dma2 semaphore(%arg13 : memref<!tpu.dma_semaphore, #tpu.memory_space<semaphore_mem>>) src(%dma_wait3A_295 : memref<78x4x128xf32, #tpu.memory_space<hbm>>) dst(%dma_wait3A_292 : memref<78x4x128xf32, #tpu.memory_space<vmem>>)
    %add3A_296 = arith.constant 24 : i32
    %add3A_297 = arith.addi %mul3A_2, %add3A_296 : i32
    "tpu.region"() ({
      %run_scoped3A = tpu.sem_alloc : memref<!tpu.dma_semaphore, #tpu.memory_space<semaphore_mem>>
      %dma_start3A_625 = arith.constant 0 : i32
      %dma_start3A_626 = tpu.memref_slice %arg6[%add3A_297, %dma_start3A_625] : memref<2048x2048xf32, #tpu.memory_space<hbm>> -> memref<4x2048xf32, #tpu.memory_space<hbm>>
      %dma_start3A_627 = arith.constant 0 : i32
      %dma_start3A_628 = tpu.memref_slice %arg6[%add3A_297, %dma_start3A_627] : memref<2048x2048xf32, #tpu.memory_space<hbm>> -> memref<4x2048xf32, #tpu.memory_space<hbm>>
      tpu.enqueue_dma source(%arg11 : memref<4x2048xf32, #tpu.memory_space<vmem>>) target(%dma_start3A_628 : memref<4x2048xf32, #tpu.memory_space<hbm>>) target_semaphore(%run_scoped3A : memref<!tpu.dma_semaphore, #tpu.memory_space<semaphore_mem>>)
      %dma_wait3A_629 = arith.constant 0 : i32
      %dma_wait3A_630 = tpu.memref_slice %arg6[%add3A_297, %dma_wait3A_629] : memref<2048x2048xf32, #tpu.memory_space<hbm>> -> memref<4x2048xf32, #tpu.memory_space<hbm>>
      %dma_wait3A_631 = arith.constant 0 : i32
      %dma_wait3A_632 = tpu.memref_slice %arg6[%add3A_297, %dma_wait3A_631] : memref<2048x2048xf32, #tpu.memory_space<hbm>> -> memref<4x2048xf32, #tpu.memory_space<hbm>>
      tpu.wait_dma2 semaphore(%run_scoped3A : memref<!tpu.dma_semaphore, #tpu.memory_space<semaphore_mem>>) src(%arg11 : memref<4x2048xf32, #tpu.memory_space<vmem>>) dst(%dma_wait3A_632 : memref<4x2048xf32, #tpu.memory_space<hbm>>)
      tpu.yield
    }) : () -> ()
    %add3A_298 = arith.constant 32 : i32
    %add3A_299 = arith.addi %mul3A_2, %add3A_298 : i32
    %dma_start3A_300 = arith.constant 0 : i32
    %dma_start3A_301 = arith.constant 0 : i32
    %dma_start3A_302 = arith.constant 0 : i32
    %dma_start3A_303 = arith.constant 0 : i32
    %dma_start3A_304 = tpu.memref_slice %arg9[%dma_start3A_300, %dma_start3A_301, %dma_start3A_302, %dma_start3A_303] : memref<2x78x4x128xf32, #tpu.memory_space<vmem>> -> memref<1x78x4x128xf32, #tpu.memory_space<vmem>>
    %dma_start3A_305 = tpu.memref_squeeze %dma_start3A_304 : memref<1x78x4x128xf32, #tpu.memory_space<vmem>> -> memref<78x4x128xf32, #tpu.memory_space<vmem>>
    %dma_start3A_306 = arith.constant 0 : i32
    %dma_start3A_307 = arith.constant 0 : i32
    %dma_start3A_308 = tpu.memref_slice %arg2[%dma_start3A_306, %add3A_299, %dma_start3A_307] : memref<78x2048x128xf32, #tpu.memory_space<hbm>> -> memref<78x4x128xf32, #tpu.memory_space<hbm>>
    %dma_start3A_309 = arith.constant 0 : i32
    %dma_start3A_310 = arith.constant 0 : i32
    %dma_start3A_311 = arith.constant 0 : i32
    %dma_start3A_312 = tpu.memref_slice %arg9[%dma_start3A_300, %dma_start3A_309, %dma_start3A_310, %dma_start3A_311] : memref<2x78x4x128xf32, #tpu.memory_space<vmem>> -> memref<1x78x4x128xf32, #tpu.memory_space<vmem>>
    %dma_start3A_313 = tpu.memref_squeeze %dma_start3A_312 : memref<1x78x4x128xf32, #tpu.memory_space<vmem>> -> memref<78x4x128xf32, #tpu.memory_space<vmem>>
    %dma_start3A_314 = arith.constant 0 : i32
    %dma_start3A_315 = arith.constant 0 : i32
    %dma_start3A_316 = tpu.memref_slice %arg2[%dma_start3A_314, %add3A_299, %dma_start3A_315] : memref<78x2048x128xf32, #tpu.memory_space<hbm>> -> memref<78x4x128xf32, #tpu.memory_space<hbm>>
    tpu.enqueue_dma source(%dma_start3A_316 : memref<78x4x128xf32, #tpu.memory_space<hbm>>) target(%dma_start3A_313 : memref<78x4x128xf32, #tpu.memory_space<vmem>>) target_semaphore(%arg13 : memref<!tpu.dma_semaphore, #tpu.memory_space<semaphore_mem>>)
    %dma_wait3A_317 = arith.constant 1 : i32
    %dma_wait3A_318 = arith.constant 0 : i32
    %dma_wait3A_319 = arith.constant 0 : i32
    %dma_wait3A_320 = arith.constant 0 : i32
    %dma_wait3A_321 = tpu.memref_slice %arg9[%dma_wait3A_317, %dma_wait3A_318, %dma_wait3A_319, %dma_wait3A_320] : memref<2x78x4x128xf32, #tpu.memory_space<vmem>> -> memref<1x78x4x128xf32, #tpu.memory_space<vmem>>
    %dma_wait3A_322 = tpu.memref_squeeze %dma_wait3A_321 : memref<1x78x4x128xf32, #tpu.memory_space<vmem>> -> memref<78x4x128xf32, #tpu.memory_space<vmem>>
    %dma_wait3A_323 = arith.constant 0 : i32
    %dma_wait3A_324 = arith.constant 0 : i32
    %dma_wait3A_325 = tpu.memref_slice %arg2[%dma_wait3A_323, %add3A_261, %dma_wait3A_324] : memref<78x2048x128xf32, #tpu.memory_space<hbm>> -> memref<78x4x128xf32, #tpu.memory_space<hbm>>
    %dma_wait3A_326 = arith.constant 0 : i32
    %dma_wait3A_327 = arith.constant 0 : i32
    %dma_wait3A_328 = arith.constant 0 : i32
    %dma_wait3A_329 = tpu.memref_slice %arg9[%dma_wait3A_317, %dma_wait3A_326, %dma_wait3A_327, %dma_wait3A_328] : memref<2x78x4x128xf32, #tpu.memory_space<vmem>> -> memref<1x78x4x128xf32, #tpu.memory_space<vmem>>
    %dma_wait3A_330 = tpu.memref_squeeze %dma_wait3A_329 : memref<1x78x4x128xf32, #tpu.memory_space<vmem>> -> memref<78x4x128xf32, #tpu.memory_space<vmem>>
    %dma_wait3A_331 = arith.constant 0 : i32
    %dma_wait3A_332 = arith.constant 0 : i32
    %dma_wait3A_333 = tpu.memref_slice %arg2[%dma_wait3A_331, %add3A_261, %dma_wait3A_332] : memref<78x2048x128xf32, #tpu.memory_space<hbm>> -> memref<78x4x128xf32, #tpu.memory_space<hbm>>
    tpu.wait_dma2 semaphore(%arg14 : memref<!tpu.dma_semaphore, #tpu.memory_space<semaphore_mem>>) src(%dma_wait3A_333 : memref<78x4x128xf32, #tpu.memory_space<hbm>>) dst(%dma_wait3A_330 : memref<78x4x128xf32, #tpu.memory_space<vmem>>)
    %add3A_334 = arith.constant 28 : i32
    %add3A_335 = arith.addi %mul3A_2, %add3A_334 : i32
    "tpu.region"() ({
      %run_scoped3A = tpu.sem_alloc : memref<!tpu.dma_semaphore, #tpu.memory_space<semaphore_mem>>
      %dma_start3A_625 = arith.constant 0 : i32
      %dma_start3A_626 = tpu.memref_slice %arg6[%add3A_335, %dma_start3A_625] : memref<2048x2048xf32, #tpu.memory_space<hbm>> -> memref<4x2048xf32, #tpu.memory_space<hbm>>
      %dma_start3A_627 = arith.constant 0 : i32
      %dma_start3A_628 = tpu.memref_slice %arg6[%add3A_335, %dma_start3A_627] : memref<2048x2048xf32, #tpu.memory_space<hbm>> -> memref<4x2048xf32, #tpu.memory_space<hbm>>
      tpu.enqueue_dma source(%arg11 : memref<4x2048xf32, #tpu.memory_space<vmem>>) target(%dma_start3A_628 : memref<4x2048xf32, #tpu.memory_space<hbm>>) target_semaphore(%run_scoped3A : memref<!tpu.dma_semaphore, #tpu.memory_space<semaphore_mem>>)
      %dma_wait3A_629 = arith.constant 0 : i32
      %dma_wait3A_630 = tpu.memref_slice %arg6[%add3A_335, %dma_wait3A_629] : memref<2048x2048xf32, #tpu.memory_space<hbm>> -> memref<4x2048xf32, #tpu.memory_space<hbm>>
      %dma_wait3A_631 = arith.constant 0 : i32
      %dma_wait3A_632 = tpu.memref_slice %arg6[%add3A_335, %dma_wait3A_631] : memref<2048x2048xf32, #tpu.memory_space<hbm>> -> memref<4x2048xf32, #tpu.memory_space<hbm>>
      tpu.wait_dma2 semaphore(%run_scoped3A : memref<!tpu.dma_semaphore, #tpu.memory_space<semaphore_mem>>) src(%arg11 : memref<4x2048xf32, #tpu.memory_space<vmem>>) dst(%dma_wait3A_632 : memref<4x2048xf32, #tpu.memory_space<hbm>>)
      tpu.yield
    }) : () -> ()
    %add3A_336 = arith.constant 36 : i32
    %add3A_337 = arith.addi %mul3A_2, %add3A_336 : i32
    %dma_start3A_338 = arith.constant 1 : i32
    %dma_start3A_339 = arith.constant 0 : i32
    %dma_start3A_340 = arith.constant 0 : i32
    %dma_start3A_341 = arith.constant 0 : i32
    %dma_start3A_342 = tpu.memref_slice %arg9[%dma_start3A_338, %dma_start3A_339, %dma_start3A_340, %dma_start3A_341] : memref<2x78x4x128xf32, #tpu.memory_space<vmem>> -> memref<1x78x4x128xf32, #tpu.memory_space<vmem>>
    %dma_start3A_343 = tpu.memref_squeeze %dma_start3A_342 : memref<1x78x4x128xf32, #tpu.memory_space<vmem>> -> memref<78x4x128xf32, #tpu.memory_space<vmem>>
    %dma_start3A_344 = arith.constant 0 : i32
    %dma_start3A_345 = arith.constant 0 : i32
    %dma_start3A_346 = tpu.memref_slice %arg2[%dma_start3A_344, %add3A_337, %dma_start3A_345] : memref<78x2048x128xf32, #tpu.memory_space<hbm>> -> memref<78x4x128xf32, #tpu.memory_space<hbm>>
    %dma_start3A_347 = arith.constant 0 : i32
    %dma_start3A_348 = arith.constant 0 : i32
    %dma_start3A_349 = arith.constant 0 : i32
    %dma_start3A_350 = tpu.memref_slice %arg9[%dma_start3A_338, %dma_start3A_347, %dma_start3A_348, %dma_start3A_349] : memref<2x78x4x128xf32, #tpu.memory_space<vmem>> -> memref<1x78x4x128xf32, #tpu.memory_space<vmem>>
    %dma_start3A_351 = tpu.memref_squeeze %dma_start3A_350 : memref<1x78x4x128xf32, #tpu.memory_space<vmem>> -> memref<78x4x128xf32, #tpu.memory_space<vmem>>
    %dma_start3A_352 = arith.constant 0 : i32
    %dma_start3A_353 = arith.constant 0 : i32
    %dma_start3A_354 = tpu.memref_slice %arg2[%dma_start3A_352, %add3A_337, %dma_start3A_353] : memref<78x2048x128xf32, #tpu.memory_space<hbm>> -> memref<78x4x128xf32, #tpu.memory_space<hbm>>
    tpu.enqueue_dma source(%dma_start3A_354 : memref<78x4x128xf32, #tpu.memory_space<hbm>>) target(%dma_start3A_351 : memref<78x4x128xf32, #tpu.memory_space<vmem>>) target_semaphore(%arg14 : memref<!tpu.dma_semaphore, #tpu.memory_space<semaphore_mem>>)
    %dma_wait3A_355 = arith.constant 0 : i32
    %dma_wait3A_356 = arith.constant 0 : i32
    %dma_wait3A_357 = arith.constant 0 : i32
    %dma_wait3A_358 = arith.constant 0 : i32
    %dma_wait3A_359 = tpu.memref_slice %arg9[%dma_wait3A_355, %dma_wait3A_356, %dma_wait3A_357, %dma_wait3A_358] : memref<2x78x4x128xf32, #tpu.memory_space<vmem>> -> memref<1x78x4x128xf32, #tpu.memory_space<vmem>>
    %dma_wait3A_360 = tpu.memref_squeeze %dma_wait3A_359 : memref<1x78x4x128xf32, #tpu.memory_space<vmem>> -> memref<78x4x128xf32, #tpu.memory_space<vmem>>
    %dma_wait3A_361 = arith.constant 0 : i32
    %dma_wait3A_362 = arith.constant 0 : i32
    %dma_wait3A_363 = tpu.memref_slice %arg2[%dma_wait3A_361, %add3A_299, %dma_wait3A_362] : memref<78x2048x128xf32, #tpu.memory_space<hbm>> -> memref<78x4x128xf32, #tpu.memory_space<hbm>>
    %dma_wait3A_364 = arith.constant 0 : i32
    %dma_wait3A_365 = arith.constant 0 : i32
    %dma_wait3A_366 = arith.constant 0 : i32
    %dma_wait3A_367 = tpu.memref_slice %arg9[%dma_wait3A_355, %dma_wait3A_364, %dma_wait3A_365, %dma_wait3A_366] : memref<2x78x4x128xf32, #tpu.memory_space<vmem>> -> memref<1x78x4x128xf32, #tpu.memory_space<vmem>>
    %dma_wait3A_368 = tpu.memref_squeeze %dma_wait3A_367 : memref<1x78x4x128xf32, #tpu.memory_space<vmem>> -> memref<78x4x128xf32, #tpu.memory_space<vmem>>
    %dma_wait3A_369 = arith.constant 0 : i32
    %dma_wait3A_370 = arith.constant 0 : i32
    %dma_wait3A_371 = tpu.memref_slice %arg2[%dma_wait3A_369, %add3A_299, %dma_wait3A_370] : memref<78x2048x128xf32, #tpu.memory_space<hbm>> -> memref<78x4x128xf32, #tpu.memory_space<hbm>>
    tpu.wait_dma2 semaphore(%arg13 : memref<!tpu.dma_semaphore, #tpu.memory_space<semaphore_mem>>) src(%dma_wait3A_371 : memref<78x4x128xf32, #tpu.memory_space<hbm>>) dst(%dma_wait3A_368 : memref<78x4x128xf32, #tpu.memory_space<vmem>>)
    %add3A_372 = arith.constant 32 : i32
    %add3A_373 = arith.addi %mul3A_2, %add3A_372 : i32
    "tpu.region"() ({
      %run_scoped3A = tpu.sem_alloc : memref<!tpu.dma_semaphore, #tpu.memory_space<semaphore_mem>>
      %dma_start3A_625 = arith.constant 0 : i32
      %dma_start3A_626 = tpu.memref_slice %arg6[%add3A_373, %dma_start3A_625] : memref<2048x2048xf32, #tpu.memory_space<hbm>> -> memref<4x2048xf32, #tpu.memory_space<hbm>>
      %dma_start3A_627 = arith.constant 0 : i32
      %dma_start3A_628 = tpu.memref_slice %arg6[%add3A_373, %dma_start3A_627] : memref<2048x2048xf32, #tpu.memory_space<hbm>> -> memref<4x2048xf32, #tpu.memory_space<hbm>>
      tpu.enqueue_dma source(%arg11 : memref<4x2048xf32, #tpu.memory_space<vmem>>) target(%dma_start3A_628 : memref<4x2048xf32, #tpu.memory_space<hbm>>) target_semaphore(%run_scoped3A : memref<!tpu.dma_semaphore, #tpu.memory_space<semaphore_mem>>)
      %dma_wait3A_629 = arith.constant 0 : i32
      %dma_wait3A_630 = tpu.memref_slice %arg6[%add3A_373, %dma_wait3A_629] : memref<2048x2048xf32, #tpu.memory_space<hbm>> -> memref<4x2048xf32, #tpu.memory_space<hbm>>
      %dma_wait3A_631 = arith.constant 0 : i32
      %dma_wait3A_632 = tpu.memref_slice %arg6[%add3A_373, %dma_wait3A_631] : memref<2048x2048xf32, #tpu.memory_space<hbm>> -> memref<4x2048xf32, #tpu.memory_space<hbm>>
      tpu.wait_dma2 semaphore(%run_scoped3A : memref<!tpu.dma_semaphore, #tpu.memory_space<semaphore_mem>>) src(%arg11 : memref<4x2048xf32, #tpu.memory_space<vmem>>) dst(%dma_wait3A_632 : memref<4x2048xf32, #tpu.memory_space<hbm>>)
      tpu.yield
    }) : () -> ()
    %add3A_374 = arith.constant 40 : i32
    %add3A_375 = arith.addi %mul3A_2, %add3A_374 : i32
    %dma_start3A_376 = arith.constant 0 : i32
    %dma_start3A_377 = arith.constant 0 : i32
    %dma_start3A_378 = arith.constant 0 : i32
    %dma_start3A_379 = arith.constant 0 : i32
    %dma_start3A_380 = tpu.memref_slice %arg9[%dma_start3A_376, %dma_start3A_377, %dma_start3A_378, %dma_start3A_379] : memref<2x78x4x128xf32, #tpu.memory_space<vmem>> -> memref<1x78x4x128xf32, #tpu.memory_space<vmem>>
    %dma_start3A_381 = tpu.memref_squeeze %dma_start3A_380 : memref<1x78x4x128xf32, #tpu.memory_space<vmem>> -> memref<78x4x128xf32, #tpu.memory_space<vmem>>
    %dma_start3A_382 = arith.constant 0 : i32
    %dma_start3A_383 = arith.constant 0 : i32
    %dma_start3A_384 = tpu.memref_slice %arg2[%dma_start3A_382, %add3A_375, %dma_start3A_383] : memref<78x2048x128xf32, #tpu.memory_space<hbm>> -> memref<78x4x128xf32, #tpu.memory_space<hbm>>
    %dma_start3A_385 = arith.constant 0 : i32
    %dma_start3A_386 = arith.constant 0 : i32
    %dma_start3A_387 = arith.constant 0 : i32
    %dma_start3A_388 = tpu.memref_slice %arg9[%dma_start3A_376, %dma_start3A_385, %dma_start3A_386, %dma_start3A_387] : memref<2x78x4x128xf32, #tpu.memory_space<vmem>> -> memref<1x78x4x128xf32, #tpu.memory_space<vmem>>
    %dma_start3A_389 = tpu.memref_squeeze %dma_start3A_388 : memref<1x78x4x128xf32, #tpu.memory_space<vmem>> -> memref<78x4x128xf32, #tpu.memory_space<vmem>>
    %dma_start3A_390 = arith.constant 0 : i32
    %dma_start3A_391 = arith.constant 0 : i32
    %dma_start3A_392 = tpu.memref_slice %arg2[%dma_start3A_390, %add3A_375, %dma_start3A_391] : memref<78x2048x128xf32, #tpu.memory_space<hbm>> -> memref<78x4x128xf32, #tpu.memory_space<hbm>>
    tpu.enqueue_dma source(%dma_start3A_392 : memref<78x4x128xf32, #tpu.memory_space<hbm>>) target(%dma_start3A_389 : memref<78x4x128xf32, #tpu.memory_space<vmem>>) target_semaphore(%arg13 : memref<!tpu.dma_semaphore, #tpu.memory_space<semaphore_mem>>)
    %dma_wait3A_393 = arith.constant 1 : i32
    %dma_wait3A_394 = arith.constant 0 : i32
    %dma_wait3A_395 = arith.constant 0 : i32
    %dma_wait3A_396 = arith.constant 0 : i32
    %dma_wait3A_397 = tpu.memref_slice %arg9[%dma_wait3A_393, %dma_wait3A_394, %dma_wait3A_395, %dma_wait3A_396] : memref<2x78x4x128xf32, #tpu.memory_space<vmem>> -> memref<1x78x4x128xf32, #tpu.memory_space<vmem>>
    %dma_wait3A_398 = tpu.memref_squeeze %dma_wait3A_397 : memref<1x78x4x128xf32, #tpu.memory_space<vmem>> -> memref<78x4x128xf32, #tpu.memory_space<vmem>>
    %dma_wait3A_399 = arith.constant 0 : i32
    %dma_wait3A_400 = arith.constant 0 : i32
    %dma_wait3A_401 = tpu.memref_slice %arg2[%dma_wait3A_399, %add3A_337, %dma_wait3A_400] : memref<78x2048x128xf32, #tpu.memory_space<hbm>> -> memref<78x4x128xf32, #tpu.memory_space<hbm>>
    %dma_wait3A_402 = arith.constant 0 : i32
    %dma_wait3A_403 = arith.constant 0 : i32
    %dma_wait3A_404 = arith.constant 0 : i32
    %dma_wait3A_405 = tpu.memref_slice %arg9[%dma_wait3A_393, %dma_wait3A_402, %dma_wait3A_403, %dma_wait3A_404] : memref<2x78x4x128xf32, #tpu.memory_space<vmem>> -> memref<1x78x4x128xf32, #tpu.memory_space<vmem>>
    %dma_wait3A_406 = tpu.memref_squeeze %dma_wait3A_405 : memref<1x78x4x128xf32, #tpu.memory_space<vmem>> -> memref<78x4x128xf32, #tpu.memory_space<vmem>>
    %dma_wait3A_407 = arith.constant 0 : i32
    %dma_wait3A_408 = arith.constant 0 : i32
    %dma_wait3A_409 = tpu.memref_slice %arg2[%dma_wait3A_407, %add3A_337, %dma_wait3A_408] : memref<78x2048x128xf32, #tpu.memory_space<hbm>> -> memref<78x4x128xf32, #tpu.memory_space<hbm>>
    tpu.wait_dma2 semaphore(%arg14 : memref<!tpu.dma_semaphore, #tpu.memory_space<semaphore_mem>>) src(%dma_wait3A_409 : memref<78x4x128xf32, #tpu.memory_space<hbm>>) dst(%dma_wait3A_406 : memref<78x4x128xf32, #tpu.memory_space<vmem>>)
    %add3A_410 = arith.constant 36 : i32
    %add3A_411 = arith.addi %mul3A_2, %add3A_410 : i32
    "tpu.region"() ({
      %run_scoped3A = tpu.sem_alloc : memref<!tpu.dma_semaphore, #tpu.memory_space<semaphore_mem>>
      %dma_start3A_625 = arith.constant 0 : i32
      %dma_start3A_626 = tpu.memref_slice %arg6[%add3A_411, %dma_start3A_625] : memref<2048x2048xf32, #tpu.memory_space<hbm>> -> memref<4x2048xf32, #tpu.memory_space<hbm>>
      %dma_start3A_627 = arith.constant 0 : i32
      %dma_start3A_628 = tpu.memref_slice %arg6[%add3A_411, %dma_start3A_627] : memref<2048x2048xf32, #tpu.memory_space<hbm>> -> memref<4x2048xf32, #tpu.memory_space<hbm>>
      tpu.enqueue_dma source(%arg11 : memref<4x2048xf32, #tpu.memory_space<vmem>>) target(%dma_start3A_628 : memref<4x2048xf32, #tpu.memory_space<hbm>>) target_semaphore(%run_scoped3A : memref<!tpu.dma_semaphore, #tpu.memory_space<semaphore_mem>>)
      %dma_wait3A_629 = arith.constant 0 : i32
      %dma_wait3A_630 = tpu.memref_slice %arg6[%add3A_411, %dma_wait3A_629] : memref<2048x2048xf32, #tpu.memory_space<hbm>> -> memref<4x2048xf32, #tpu.memory_space<hbm>>
      %dma_wait3A_631 = arith.constant 0 : i32
      %dma_wait3A_632 = tpu.memref_slice %arg6[%add3A_411, %dma_wait3A_631] : memref<2048x2048xf32, #tpu.memory_space<hbm>> -> memref<4x2048xf32, #tpu.memory_space<hbm>>
      tpu.wait_dma2 semaphore(%run_scoped3A : memref<!tpu.dma_semaphore, #tpu.memory_space<semaphore_mem>>) src(%arg11 : memref<4x2048xf32, #tpu.memory_space<vmem>>) dst(%dma_wait3A_632 : memref<4x2048xf32, #tpu.memory_space<hbm>>)
      tpu.yield
    }) : () -> ()
    %add3A_412 = arith.constant 44 : i32
    %add3A_413 = arith.addi %mul3A_2, %add3A_412 : i32
    %dma_start3A_414 = arith.constant 1 : i32
    %dma_start3A_415 = arith.constant 0 : i32
    %dma_start3A_416 = arith.constant 0 : i32
    %dma_start3A_417 = arith.constant 0 : i32
    %dma_start3A_418 = tpu.memref_slice %arg9[%dma_start3A_414, %dma_start3A_415, %dma_start3A_416, %dma_start3A_417] : memref<2x78x4x128xf32, #tpu.memory_space<vmem>> -> memref<1x78x4x128xf32, #tpu.memory_space<vmem>>
    %dma_start3A_419 = tpu.memref_squeeze %dma_start3A_418 : memref<1x78x4x128xf32, #tpu.memory_space<vmem>> -> memref<78x4x128xf32, #tpu.memory_space<vmem>>
    %dma_start3A_420 = arith.constant 0 : i32
    %dma_start3A_421 = arith.constant 0 : i32
    %dma_start3A_422 = tpu.memref_slice %arg2[%dma_start3A_420, %add3A_413, %dma_start3A_421] : memref<78x2048x128xf32, #tpu.memory_space<hbm>> -> memref<78x4x128xf32, #tpu.memory_space<hbm>>
    %dma_start3A_423 = arith.constant 0 : i32
    %dma_start3A_424 = arith.constant 0 : i32
    %dma_start3A_425 = arith.constant 0 : i32
    %dma_start3A_426 = tpu.memref_slice %arg9[%dma_start3A_414, %dma_start3A_423, %dma_start3A_424, %dma_start3A_425] : memref<2x78x4x128xf32, #tpu.memory_space<vmem>> -> memref<1x78x4x128xf32, #tpu.memory_space<vmem>>
    %dma_start3A_427 = tpu.memref_squeeze %dma_start3A_426 : memref<1x78x4x128xf32, #tpu.memory_space<vmem>> -> memref<78x4x128xf32, #tpu.memory_space<vmem>>
    %dma_start3A_428 = arith.constant 0 : i32
    %dma_start3A_429 = arith.constant 0 : i32
    %dma_start3A_430 = tpu.memref_slice %arg2[%dma_start3A_428, %add3A_413, %dma_start3A_429] : memref<78x2048x128xf32, #tpu.memory_space<hbm>> -> memref<78x4x128xf32, #tpu.memory_space<hbm>>
    tpu.enqueue_dma source(%dma_start3A_430 : memref<78x4x128xf32, #tpu.memory_space<hbm>>) target(%dma_start3A_427 : memref<78x4x128xf32, #tpu.memory_space<vmem>>) target_semaphore(%arg14 : memref<!tpu.dma_semaphore, #tpu.memory_space<semaphore_mem>>)
    %dma_wait3A_431 = arith.constant 0 : i32
    %dma_wait3A_432 = arith.constant 0 : i32
    %dma_wait3A_433 = arith.constant 0 : i32
    %dma_wait3A_434 = arith.constant 0 : i32
    %dma_wait3A_435 = tpu.memref_slice %arg9[%dma_wait3A_431, %dma_wait3A_432, %dma_wait3A_433, %dma_wait3A_434] : memref<2x78x4x128xf32, #tpu.memory_space<vmem>> -> memref<1x78x4x128xf32, #tpu.memory_space<vmem>>
    %dma_wait3A_436 = tpu.memref_squeeze %dma_wait3A_435 : memref<1x78x4x128xf32, #tpu.memory_space<vmem>> -> memref<78x4x128xf32, #tpu.memory_space<vmem>>
    %dma_wait3A_437 = arith.constant 0 : i32
    %dma_wait3A_438 = arith.constant 0 : i32
    %dma_wait3A_439 = tpu.memref_slice %arg2[%dma_wait3A_437, %add3A_375, %dma_wait3A_438] : memref<78x2048x128xf32, #tpu.memory_space<hbm>> -> memref<78x4x128xf32, #tpu.memory_space<hbm>>
    %dma_wait3A_440 = arith.constant 0 : i32
    %dma_wait3A_441 = arith.constant 0 : i32
    %dma_wait3A_442 = arith.constant 0 : i32
    %dma_wait3A_443 = tpu.memref_slice %arg9[%dma_wait3A_431, %dma_wait3A_440, %dma_wait3A_441, %dma_wait3A_442] : memref<2x78x4x128xf32, #tpu.memory_space<vmem>> -> memref<1x78x4x128xf32, #tpu.memory_space<vmem>>
    %dma_wait3A_444 = tpu.memref_squeeze %dma_wait3A_443 : memref<1x78x4x128xf32, #tpu.memory_space<vmem>> -> memref<78x4x128xf32, #tpu.memory_space<vmem>>
    %dma_wait3A_445 = arith.constant 0 : i32
    %dma_wait3A_446 = arith.constant 0 : i32
    %dma_wait3A_447 = tpu.memref_slice %arg2[%dma_wait3A_445, %add3A_375, %dma_wait3A_446] : memref<78x2048x128xf32, #tpu.memory_space<hbm>> -> memref<78x4x128xf32, #tpu.memory_space<hbm>>
    tpu.wait_dma2 semaphore(%arg13 : memref<!tpu.dma_semaphore, #tpu.memory_space<semaphore_mem>>) src(%dma_wait3A_447 : memref<78x4x128xf32, #tpu.memory_space<hbm>>) dst(%dma_wait3A_444 : memref<78x4x128xf32, #tpu.memory_space<vmem>>)
    %add3A_448 = arith.constant 40 : i32
    %add3A_449 = arith.addi %mul3A_2, %add3A_448 : i32
    "tpu.region"() ({
      %run_scoped3A = tpu.sem_alloc : memref<!tpu.dma_semaphore, #tpu.memory_space<semaphore_mem>>
      %dma_start3A_625 = arith.constant 0 : i32
      %dma_start3A_626 = tpu.memref_slice %arg6[%add3A_449, %dma_start3A_625] : memref<2048x2048xf32, #tpu.memory_space<hbm>> -> memref<4x2048xf32, #tpu.memory_space<hbm>>
      %dma_start3A_627 = arith.constant 0 : i32
      %dma_start3A_628 = tpu.memref_slice %arg6[%add3A_449, %dma_start3A_627] : memref<2048x2048xf32, #tpu.memory_space<hbm>> -> memref<4x2048xf32, #tpu.memory_space<hbm>>
      tpu.enqueue_dma source(%arg11 : memref<4x2048xf32, #tpu.memory_space<vmem>>) target(%dma_start3A_628 : memref<4x2048xf32, #tpu.memory_space<hbm>>) target_semaphore(%run_scoped3A : memref<!tpu.dma_semaphore, #tpu.memory_space<semaphore_mem>>)
      %dma_wait3A_629 = arith.constant 0 : i32
      %dma_wait3A_630 = tpu.memref_slice %arg6[%add3A_449, %dma_wait3A_629] : memref<2048x2048xf32, #tpu.memory_space<hbm>> -> memref<4x2048xf32, #tpu.memory_space<hbm>>
      %dma_wait3A_631 = arith.constant 0 : i32
      %dma_wait3A_632 = tpu.memref_slice %arg6[%add3A_449, %dma_wait3A_631] : memref<2048x2048xf32, #tpu.memory_space<hbm>> -> memref<4x2048xf32, #tpu.memory_space<hbm>>
      tpu.wait_dma2 semaphore(%run_scoped3A : memref<!tpu.dma_semaphore, #tpu.memory_space<semaphore_mem>>) src(%arg11 : memref<4x2048xf32, #tpu.memory_space<vmem>>) dst(%dma_wait3A_632 : memref<4x2048xf32, #tpu.memory_space<hbm>>)
      tpu.yield
    }) : () -> ()
    %add3A_450 = arith.constant 48 : i32
    %add3A_451 = arith.addi %mul3A_2, %add3A_450 : i32
    %dma_start3A_452 = arith.constant 0 : i32
    %dma_start3A_453 = arith.constant 0 : i32
    %dma_start3A_454 = arith.constant 0 : i32
    %dma_start3A_455 = arith.constant 0 : i32
    %dma_start3A_456 = tpu.memref_slice %arg9[%dma_start3A_452, %dma_start3A_453, %dma_start3A_454, %dma_start3A_455] : memref<2x78x4x128xf32, #tpu.memory_space<vmem>> -> memref<1x78x4x128xf32, #tpu.memory_space<vmem>>
    %dma_start3A_457 = tpu.memref_squeeze %dma_start3A_456 : memref<1x78x4x128xf32, #tpu.memory_space<vmem>> -> memref<78x4x128xf32, #tpu.memory_space<vmem>>
    %dma_start3A_458 = arith.constant 0 : i32
    %dma_start3A_459 = arith.constant 0 : i32
    %dma_start3A_460 = tpu.memref_slice %arg2[%dma_start3A_458, %add3A_451, %dma_start3A_459] : memref<78x2048x128xf32, #tpu.memory_space<hbm>> -> memref<78x4x128xf32, #tpu.memory_space<hbm>>
    %dma_start3A_461 = arith.constant 0 : i32
    %dma_start3A_462 = arith.constant 0 : i32
    %dma_start3A_463 = arith.constant 0 : i32
    %dma_start3A_464 = tpu.memref_slice %arg9[%dma_start3A_452, %dma_start3A_461, %dma_start3A_462, %dma_start3A_463] : memref<2x78x4x128xf32, #tpu.memory_space<vmem>> -> memref<1x78x4x128xf32, #tpu.memory_space<vmem>>
    %dma_start3A_465 = tpu.memref_squeeze %dma_start3A_464 : memref<1x78x4x128xf32, #tpu.memory_space<vmem>> -> memref<78x4x128xf32, #tpu.memory_space<vmem>>
    %dma_start3A_466 = arith.constant 0 : i32
    %dma_start3A_467 = arith.constant 0 : i32
    %dma_start3A_468 = tpu.memref_slice %arg2[%dma_start3A_466, %add3A_451, %dma_start3A_467] : memref<78x2048x128xf32, #tpu.memory_space<hbm>> -> memref<78x4x128xf32, #tpu.memory_space<hbm>>
    tpu.enqueue_dma source(%dma_start3A_468 : memref<78x4x128xf32, #tpu.memory_space<hbm>>) target(%dma_start3A_465 : memref<78x4x128xf32, #tpu.memory_space<vmem>>) target_semaphore(%arg13 : memref<!tpu.dma_semaphore, #tpu.memory_space<semaphore_mem>>)
    %dma_wait3A_469 = arith.constant 1 : i32
    %dma_wait3A_470 = arith.constant 0 : i32
    %dma_wait3A_471 = arith.constant 0 : i32
    %dma_wait3A_472 = arith.constant 0 : i32
    %dma_wait3A_473 = tpu.memref_slice %arg9[%dma_wait3A_469, %dma_wait3A_470, %dma_wait3A_471, %dma_wait3A_472] : memref<2x78x4x128xf32, #tpu.memory_space<vmem>> -> memref<1x78x4x128xf32, #tpu.memory_space<vmem>>
    %dma_wait3A_474 = tpu.memref_squeeze %dma_wait3A_473 : memref<1x78x4x128xf32, #tpu.memory_space<vmem>> -> memref<78x4x128xf32, #tpu.memory_space<vmem>>
    %dma_wait3A_475 = arith.constant 0 : i32
    %dma_wait3A_476 = arith.constant 0 : i32
    %dma_wait3A_477 = tpu.memref_slice %arg2[%dma_wait3A_475, %add3A_413, %dma_wait3A_476] : memref<78x2048x128xf32, #tpu.memory_space<hbm>> -> memref<78x4x128xf32, #tpu.memory_space<hbm>>
    %dma_wait3A_478 = arith.constant 0 : i32
    %dma_wait3A_479 = arith.constant 0 : i32
    %dma_wait3A_480 = arith.constant 0 : i32
    %dma_wait3A_481 = tpu.memref_slice %arg9[%dma_wait3A_469, %dma_wait3A_478, %dma_wait3A_479, %dma_wait3A_480] : memref<2x78x4x128xf32, #tpu.memory_space<vmem>> -> memref<1x78x4x128xf32, #tpu.memory_space<vmem>>
    %dma_wait3A_482 = tpu.memref_squeeze %dma_wait3A_481 : memref<1x78x4x128xf32, #tpu.memory_space<vmem>> -> memref<78x4x128xf32, #tpu.memory_space<vmem>>
    %dma_wait3A_483 = arith.constant 0 : i32
    %dma_wait3A_484 = arith.constant 0 : i32
    %dma_wait3A_485 = tpu.memref_slice %arg2[%dma_wait3A_483, %add3A_413, %dma_wait3A_484] : memref<78x2048x128xf32, #tpu.memory_space<hbm>> -> memref<78x4x128xf32, #tpu.memory_space<hbm>>
    tpu.wait_dma2 semaphore(%arg14 : memref<!tpu.dma_semaphore, #tpu.memory_space<semaphore_mem>>) src(%dma_wait3A_485 : memref<78x4x128xf32, #tpu.memory_space<hbm>>) dst(%dma_wait3A_482 : memref<78x4x128xf32, #tpu.memory_space<vmem>>)
    %add3A_486 = arith.constant 44 : i32
    %add3A_487 = arith.addi %mul3A_2, %add3A_486 : i32
    "tpu.region"() ({
      %run_scoped3A = tpu.sem_alloc : memref<!tpu.dma_semaphore, #tpu.memory_space<semaphore_mem>>
      %dma_start3A_625 = arith.constant 0 : i32
      %dma_start3A_626 = tpu.memref_slice %arg6[%add3A_487, %dma_start3A_625] : memref<2048x2048xf32, #tpu.memory_space<hbm>> -> memref<4x2048xf32, #tpu.memory_space<hbm>>
      %dma_start3A_627 = arith.constant 0 : i32
      %dma_start3A_628 = tpu.memref_slice %arg6[%add3A_487, %dma_start3A_627] : memref<2048x2048xf32, #tpu.memory_space<hbm>> -> memref<4x2048xf32, #tpu.memory_space<hbm>>
      tpu.enqueue_dma source(%arg11 : memref<4x2048xf32, #tpu.memory_space<vmem>>) target(%dma_start3A_628 : memref<4x2048xf32, #tpu.memory_space<hbm>>) target_semaphore(%run_scoped3A : memref<!tpu.dma_semaphore, #tpu.memory_space<semaphore_mem>>)
      %dma_wait3A_629 = arith.constant 0 : i32
      %dma_wait3A_630 = tpu.memref_slice %arg6[%add3A_487, %dma_wait3A_629] : memref<2048x2048xf32, #tpu.memory_space<hbm>> -> memref<4x2048xf32, #tpu.memory_space<hbm>>
      %dma_wait3A_631 = arith.constant 0 : i32
      %dma_wait3A_632 = tpu.memref_slice %arg6[%add3A_487, %dma_wait3A_631] : memref<2048x2048xf32, #tpu.memory_space<hbm>> -> memref<4x2048xf32, #tpu.memory_space<hbm>>
      tpu.wait_dma2 semaphore(%run_scoped3A : memref<!tpu.dma_semaphore, #tpu.memory_space<semaphore_mem>>) src(%arg11 : memref<4x2048xf32, #tpu.memory_space<vmem>>) dst(%dma_wait3A_632 : memref<4x2048xf32, #tpu.memory_space<hbm>>)
      tpu.yield
    }) : () -> ()
    %add3A_488 = arith.constant 52 : i32
    %add3A_489 = arith.addi %mul3A_2, %add3A_488 : i32
    %dma_start3A_490 = arith.constant 1 : i32
    %dma_start3A_491 = arith.constant 0 : i32
    %dma_start3A_492 = arith.constant 0 : i32
    %dma_start3A_493 = arith.constant 0 : i32
    %dma_start3A_494 = tpu.memref_slice %arg9[%dma_start3A_490, %dma_start3A_491, %dma_start3A_492, %dma_start3A_493] : memref<2x78x4x128xf32, #tpu.memory_space<vmem>> -> memref<1x78x4x128xf32, #tpu.memory_space<vmem>>
    %dma_start3A_495 = tpu.memref_squeeze %dma_start3A_494 : memref<1x78x4x128xf32, #tpu.memory_space<vmem>> -> memref<78x4x128xf32, #tpu.memory_space<vmem>>
    %dma_start3A_496 = arith.constant 0 : i32
    %dma_start3A_497 = arith.constant 0 : i32
    %dma_start3A_498 = tpu.memref_slice %arg2[%dma_start3A_496, %add3A_489, %dma_start3A_497] : memref<78x2048x128xf32, #tpu.memory_space<hbm>> -> memref<78x4x128xf32, #tpu.memory_space<hbm>>
    %dma_start3A_499 = arith.constant 0 : i32
    %dma_start3A_500 = arith.constant 0 : i32
    %dma_start3A_501 = arith.constant 0 : i32
    %dma_start3A_502 = tpu.memref_slice %arg9[%dma_start3A_490, %dma_start3A_499, %dma_start3A_500, %dma_start3A_501] : memref<2x78x4x128xf32, #tpu.memory_space<vmem>> -> memref<1x78x4x128xf32, #tpu.memory_space<vmem>>
    %dma_start3A_503 = tpu.memref_squeeze %dma_start3A_502 : memref<1x78x4x128xf32, #tpu.memory_space<vmem>> -> memref<78x4x128xf32, #tpu.memory_space<vmem>>
    %dma_start3A_504 = arith.constant 0 : i32
    %dma_start3A_505 = arith.constant 0 : i32
    %dma_start3A_506 = tpu.memref_slice %arg2[%dma_start3A_504, %add3A_489, %dma_start3A_505] : memref<78x2048x128xf32, #tpu.memory_space<hbm>> -> memref<78x4x128xf32, #tpu.memory_space<hbm>>
    tpu.enqueue_dma source(%dma_start3A_506 : memref<78x4x128xf32, #tpu.memory_space<hbm>>) target(%dma_start3A_503 : memref<78x4x128xf32, #tpu.memory_space<vmem>>) target_semaphore(%arg14 : memref<!tpu.dma_semaphore, #tpu.memory_space<semaphore_mem>>)
    %dma_wait3A_507 = arith.constant 0 : i32
    %dma_wait3A_508 = arith.constant 0 : i32
    %dma_wait3A_509 = arith.constant 0 : i32
    %dma_wait3A_510 = arith.constant 0 : i32
    %dma_wait3A_511 = tpu.memref_slice %arg9[%dma_wait3A_507, %dma_wait3A_508, %dma_wait3A_509, %dma_wait3A_510] : memref<2x78x4x128xf32, #tpu.memory_space<vmem>> -> memref<1x78x4x128xf32, #tpu.memory_space<vmem>>
    %dma_wait3A_512 = tpu.memref_squeeze %dma_wait3A_511 : memref<1x78x4x128xf32, #tpu.memory_space<vmem>> -> memref<78x4x128xf32, #tpu.memory_space<vmem>>
    %dma_wait3A_513 = arith.constant 0 : i32
    %dma_wait3A_514 = arith.constant 0 : i32
    %dma_wait3A_515 = tpu.memref_slice %arg2[%dma_wait3A_513, %add3A_451, %dma_wait3A_514] : memref<78x2048x128xf32, #tpu.memory_space<hbm>> -> memref<78x4x128xf32, #tpu.memory_space<hbm>>
    %dma_wait3A_516 = arith.constant 0 : i32
    %dma_wait3A_517 = arith.constant 0 : i32
    %dma_wait3A_518 = arith.constant 0 : i32
    %dma_wait3A_519 = tpu.memref_slice %arg9[%dma_wait3A_507, %dma_wait3A_516, %dma_wait3A_517, %dma_wait3A_518] : memref<2x78x4x128xf32, #tpu.memory_space<vmem>> -> memref<1x78x4x128xf32, #tpu.memory_space<vmem>>
    %dma_wait3A_520 = tpu.memref_squeeze %dma_wait3A_519 : memref<1x78x4x128xf32, #tpu.memory_space<vmem>> -> memref<78x4x128xf32, #tpu.memory_space<vmem>>
    %dma_wait3A_521 = arith.constant 0 : i32
    %dma_wait3A_522 = arith.constant 0 : i32
    %dma_wait3A_523 = tpu.memref_slice %arg2[%dma_wait3A_521, %add3A_451, %dma_wait3A_522] : memref<78x2048x128xf32, #tpu.memory_space<hbm>> -> memref<78x4x128xf32, #tpu.memory_space<hbm>>
    tpu.wait_dma2 semaphore(%arg13 : memref<!tpu.dma_semaphore, #tpu.memory_space<semaphore_mem>>) src(%dma_wait3A_523 : memref<78x4x128xf32, #tpu.memory_space<hbm>>) dst(%dma_wait3A_520 : memref<78x4x128xf32, #tpu.memory_space<vmem>>)
    %add3A_524 = arith.constant 48 : i32
    %add3A_525 = arith.addi %mul3A_2, %add3A_524 : i32
    "tpu.region"() ({
      %run_scoped3A = tpu.sem_alloc : memref<!tpu.dma_semaphore, #tpu.memory_space<semaphore_mem>>
      %dma_start3A_625 = arith.constant 0 : i32
      %dma_start3A_626 = tpu.memref_slice %arg6[%add3A_525, %dma_start3A_625] : memref<2048x2048xf32, #tpu.memory_space<hbm>> -> memref<4x2048xf32, #tpu.memory_space<hbm>>
      %dma_start3A_627 = arith.constant 0 : i32
      %dma_start3A_628 = tpu.memref_slice %arg6[%add3A_525, %dma_start3A_627] : memref<2048x2048xf32, #tpu.memory_space<hbm>> -> memref<4x2048xf32, #tpu.memory_space<hbm>>
      tpu.enqueue_dma source(%arg11 : memref<4x2048xf32, #tpu.memory_space<vmem>>) target(%dma_start3A_628 : memref<4x2048xf32, #tpu.memory_space<hbm>>) target_semaphore(%run_scoped3A : memref<!tpu.dma_semaphore, #tpu.memory_space<semaphore_mem>>)
      %dma_wait3A_629 = arith.constant 0 : i32
      %dma_wait3A_630 = tpu.memref_slice %arg6[%add3A_525, %dma_wait3A_629] : memref<2048x2048xf32, #tpu.memory_space<hbm>> -> memref<4x2048xf32, #tpu.memory_space<hbm>>
      %dma_wait3A_631 = arith.constant 0 : i32
      %dma_wait3A_632 = tpu.memref_slice %arg6[%add3A_525, %dma_wait3A_631] : memref<2048x2048xf32, #tpu.memory_space<hbm>> -> memref<4x2048xf32, #tpu.memory_space<hbm>>
      tpu.wait_dma2 semaphore(%run_scoped3A : memref<!tpu.dma_semaphore, #tpu.memory_space<semaphore_mem>>) src(%arg11 : memref<4x2048xf32, #tpu.memory_space<vmem>>) dst(%dma_wait3A_632 : memref<4x2048xf32, #tpu.memory_space<hbm>>)
      tpu.yield
    }) : () -> ()
    %add3A_526 = arith.constant 56 : i32
    %add3A_527 = arith.addi %mul3A_2, %add3A_526 : i32
    %dma_start3A_528 = arith.constant 0 : i32
    %dma_start3A_529 = arith.constant 0 : i32
    %dma_start3A_530 = arith.constant 0 : i32
    %dma_start3A_531 = arith.constant 0 : i32
    %dma_start3A_532 = tpu.memref_slice %arg9[%dma_start3A_528, %dma_start3A_529, %dma_start3A_530, %dma_start3A_531] : memref<2x78x4x128xf32, #tpu.memory_space<vmem>> -> memref<1x78x4x128xf32, #tpu.memory_space<vmem>>
    %dma_start3A_533 = tpu.memref_squeeze %dma_start3A_532 : memref<1x78x4x128xf32, #tpu.memory_space<vmem>> -> memref<78x4x128xf32, #tpu.memory_space<vmem>>
    %dma_start3A_534 = arith.constant 0 : i32
    %dma_start3A_535 = arith.constant 0 : i32
    %dma_start3A_536 = tpu.memref_slice %arg2[%dma_start3A_534, %add3A_527, %dma_start3A_535] : memref<78x2048x128xf32, #tpu.memory_space<hbm>> -> memref<78x4x128xf32, #tpu.memory_space<hbm>>
    %dma_start3A_537 = arith.constant 0 : i32
    %dma_start3A_538 = arith.constant 0 : i32
    %dma_start3A_539 = arith.constant 0 : i32
    %dma_start3A_540 = tpu.memref_slice %arg9[%dma_start3A_528, %dma_start3A_537, %dma_start3A_538, %dma_start3A_539] : memref<2x78x4x128xf32, #tpu.memory_space<vmem>> -> memref<1x78x4x128xf32, #tpu.memory_space<vmem>>
    %dma_start3A_541 = tpu.memref_squeeze %dma_start3A_540 : memref<1x78x4x128xf32, #tpu.memory_space<vmem>> -> memref<78x4x128xf32, #tpu.memory_space<vmem>>
    %dma_start3A_542 = arith.constant 0 : i32
    %dma_start3A_543 = arith.constant 0 : i32
    %dma_start3A_544 = tpu.memref_slice %arg2[%dma_start3A_542, %add3A_527, %dma_start3A_543] : memref<78x2048x128xf32, #tpu.memory_space<hbm>> -> memref<78x4x128xf32, #tpu.memory_space<hbm>>
    tpu.enqueue_dma source(%dma_start3A_544 : memref<78x4x128xf32, #tpu.memory_space<hbm>>) target(%dma_start3A_541 : memref<78x4x128xf32, #tpu.memory_space<vmem>>) target_semaphore(%arg13 : memref<!tpu.dma_semaphore, #tpu.memory_space<semaphore_mem>>)
    %dma_wait3A_545 = arith.constant 1 : i32
    %dma_wait3A_546 = arith.constant 0 : i32
    %dma_wait3A_547 = arith.constant 0 : i32
    %dma_wait3A_548 = arith.constant 0 : i32
    %dma_wait3A_549 = tpu.memref_slice %arg9[%dma_wait3A_545, %dma_wait3A_546, %dma_wait3A_547, %dma_wait3A_548] : memref<2x78x4x128xf32, #tpu.memory_space<vmem>> -> memref<1x78x4x128xf32, #tpu.memory_space<vmem>>
    %dma_wait3A_550 = tpu.memref_squeeze %dma_wait3A_549 : memref<1x78x4x128xf32, #tpu.memory_space<vmem>> -> memref<78x4x128xf32, #tpu.memory_space<vmem>>
    %dma_wait3A_551 = arith.constant 0 : i32
    %dma_wait3A_552 = arith.constant 0 : i32
    %dma_wait3A_553 = tpu.memref_slice %arg2[%dma_wait3A_551, %add3A_489, %dma_wait3A_552] : memref<78x2048x128xf32, #tpu.memory_space<hbm>> -> memref<78x4x128xf32, #tpu.memory_space<hbm>>
    %dma_wait3A_554 = arith.constant 0 : i32
    %dma_wait3A_555 = arith.constant 0 : i32
    %dma_wait3A_556 = arith.constant 0 : i32
    %dma_wait3A_557 = tpu.memref_slice %arg9[%dma_wait3A_545, %dma_wait3A_554, %dma_wait3A_555, %dma_wait3A_556] : memref<2x78x4x128xf32, #tpu.memory_space<vmem>> -> memref<1x78x4x128xf32, #tpu.memory_space<vmem>>
    %dma_wait3A_558 = tpu.memref_squeeze %dma_wait3A_557 : memref<1x78x4x128xf32, #tpu.memory_space<vmem>> -> memref<78x4x128xf32, #tpu.memory_space<vmem>>
    %dma_wait3A_559 = arith.constant 0 : i32
    %dma_wait3A_560 = arith.constant 0 : i32
    %dma_wait3A_561 = tpu.memref_slice %arg2[%dma_wait3A_559, %add3A_489, %dma_wait3A_560] : memref<78x2048x128xf32, #tpu.memory_space<hbm>> -> memref<78x4x128xf32, #tpu.memory_space<hbm>>
    tpu.wait_dma2 semaphore(%arg14 : memref<!tpu.dma_semaphore, #tpu.memory_space<semaphore_mem>>) src(%dma_wait3A_561 : memref<78x4x128xf32, #tpu.memory_space<hbm>>) dst(%dma_wait3A_558 : memref<78x4x128xf32, #tpu.memory_space<vmem>>)
    %add3A_562 = arith.constant 52 : i32
    %add3A_563 = arith.addi %mul3A_2, %add3A_562 : i32
    "tpu.region"() ({
      %run_scoped3A = tpu.sem_alloc : memref<!tpu.dma_semaphore, #tpu.memory_space<semaphore_mem>>
      %dma_start3A_625 = arith.constant 0 : i32
      %dma_start3A_626 = tpu.memref_slice %arg6[%add3A_563, %dma_start3A_625] : memref<2048x2048xf32, #tpu.memory_space<hbm>> -> memref<4x2048xf32, #tpu.memory_space<hbm>>
      %dma_start3A_627 = arith.constant 0 : i32
      %dma_start3A_628 = tpu.memref_slice %arg6[%add3A_563, %dma_start3A_627] : memref<2048x2048xf32, #tpu.memory_space<hbm>> -> memref<4x2048xf32, #tpu.memory_space<hbm>>
      tpu.enqueue_dma source(%arg11 : memref<4x2048xf32, #tpu.memory_space<vmem>>) target(%dma_start3A_628 : memref<4x2048xf32, #tpu.memory_space<hbm>>) target_semaphore(%run_scoped3A : memref<!tpu.dma_semaphore, #tpu.memory_space<semaphore_mem>>)
      %dma_wait3A_629 = arith.constant 0 : i32
      %dma_wait3A_630 = tpu.memref_slice %arg6[%add3A_563, %dma_wait3A_629] : memref<2048x2048xf32, #tpu.memory_space<hbm>> -> memref<4x2048xf32, #tpu.memory_space<hbm>>
      %dma_wait3A_631 = arith.constant 0 : i32
      %dma_wait3A_632 = tpu.memref_slice %arg6[%add3A_563, %dma_wait3A_631] : memref<2048x2048xf32, #tpu.memory_space<hbm>> -> memref<4x2048xf32, #tpu.memory_space<hbm>>
      tpu.wait_dma2 semaphore(%run_scoped3A : memref<!tpu.dma_semaphore, #tpu.memory_space<semaphore_mem>>) src(%arg11 : memref<4x2048xf32, #tpu.memory_space<vmem>>) dst(%dma_wait3A_632 : memref<4x2048xf32, #tpu.memory_space<hbm>>)
      tpu.yield
    }) : () -> ()
    %add3A_564 = arith.constant 60 : i32
    %add3A_565 = arith.addi %mul3A_2, %add3A_564 : i32
    %dma_start3A_566 = arith.constant 1 : i32
    %dma_start3A_567 = arith.constant 0 : i32
    %dma_start3A_568 = arith.constant 0 : i32
    %dma_start3A_569 = arith.constant 0 : i32
    %dma_start3A_570 = tpu.memref_slice %arg9[%dma_start3A_566, %dma_start3A_567, %dma_start3A_568, %dma_start3A_569] : memref<2x78x4x128xf32, #tpu.memory_space<vmem>> -> memref<1x78x4x128xf32, #tpu.memory_space<vmem>>
    %dma_start3A_571 = tpu.memref_squeeze %dma_start3A_570 : memref<1x78x4x128xf32, #tpu.memory_space<vmem>> -> memref<78x4x128xf32, #tpu.memory_space<vmem>>
    %dma_start3A_572 = arith.constant 0 : i32
    %dma_start3A_573 = arith.constant 0 : i32
    %dma_start3A_574 = tpu.memref_slice %arg2[%dma_start3A_572, %add3A_565, %dma_start3A_573] : memref<78x2048x128xf32, #tpu.memory_space<hbm>> -> memref<78x4x128xf32, #tpu.memory_space<hbm>>
    %dma_start3A_575 = arith.constant 0 : i32
    %dma_start3A_576 = arith.constant 0 : i32
    %dma_start3A_577 = arith.constant 0 : i32
    %dma_start3A_578 = tpu.memref_slice %arg9[%dma_start3A_566, %dma_start3A_575, %dma_start3A_576, %dma_start3A_577] : memref<2x78x4x128xf32, #tpu.memory_space<vmem>> -> memref<1x78x4x128xf32, #tpu.memory_space<vmem>>
    %dma_start3A_579 = tpu.memref_squeeze %dma_start3A_578 : memref<1x78x4x128xf32, #tpu.memory_space<vmem>> -> memref<78x4x128xf32, #tpu.memory_space<vmem>>
    %dma_start3A_580 = arith.constant 0 : i32
    %dma_start3A_581 = arith.constant 0 : i32
    %dma_start3A_582 = tpu.memref_slice %arg2[%dma_start3A_580, %add3A_565, %dma_start3A_581] : memref<78x2048x128xf32, #tpu.memory_space<hbm>> -> memref<78x4x128xf32, #tpu.memory_space<hbm>>
    tpu.enqueue_dma source(%dma_start3A_582 : memref<78x4x128xf32, #tpu.memory_space<hbm>>) target(%dma_start3A_579 : memref<78x4x128xf32, #tpu.memory_space<vmem>>) target_semaphore(%arg14 : memref<!tpu.dma_semaphore, #tpu.memory_space<semaphore_mem>>)
    %dma_wait3A_583 = arith.constant 0 : i32
    %dma_wait3A_584 = arith.constant 0 : i32
    %dma_wait3A_585 = arith.constant 0 : i32
    %dma_wait3A_586 = arith.constant 0 : i32
    %dma_wait3A_587 = tpu.memref_slice %arg9[%dma_wait3A_583, %dma_wait3A_584, %dma_wait3A_585, %dma_wait3A_586] : memref<2x78x4x128xf32, #tpu.memory_space<vmem>> -> memref<1x78x4x128xf32, #tpu.memory_space<vmem>>
    %dma_wait3A_588 = tpu.memref_squeeze %dma_wait3A_587 : memref<1x78x4x128xf32, #tpu.memory_space<vmem>> -> memref<78x4x128xf32, #tpu.memory_space<vmem>>
    %dma_wait3A_589 = arith.constant 0 : i32
    %dma_wait3A_590 = arith.constant 0 : i32
    %dma_wait3A_591 = tpu.memref_slice %arg2[%dma_wait3A_589, %add3A_527, %dma_wait3A_590] : memref<78x2048x128xf32, #tpu.memory_space<hbm>> -> memref<78x4x128xf32, #tpu.memory_space<hbm>>
    %dma_wait3A_592 = arith.constant 0 : i32
    %dma_wait3A_593 = arith.constant 0 : i32
    %dma_wait3A_594 = arith.constant 0 : i32
    %dma_wait3A_595 = tpu.memref_slice %arg9[%dma_wait3A_583, %dma_wait3A_592, %dma_wait3A_593, %dma_wait3A_594] : memref<2x78x4x128xf32, #tpu.memory_space<vmem>> -> memref<1x78x4x128xf32, #tpu.memory_space<vmem>>
    %dma_wait3A_596 = tpu.memref_squeeze %dma_wait3A_595 : memref<1x78x4x128xf32, #tpu.memory_space<vmem>> -> memref<78x4x128xf32, #tpu.memory_space<vmem>>
    %dma_wait3A_597 = arith.constant 0 : i32
    %dma_wait3A_598 = arith.constant 0 : i32
    %dma_wait3A_599 = tpu.memref_slice %arg2[%dma_wait3A_597, %add3A_527, %dma_wait3A_598] : memref<78x2048x128xf32, #tpu.memory_space<hbm>> -> memref<78x4x128xf32, #tpu.memory_space<hbm>>
    tpu.wait_dma2 semaphore(%arg13 : memref<!tpu.dma_semaphore, #tpu.memory_space<semaphore_mem>>) src(%dma_wait3A_599 : memref<78x4x128xf32, #tpu.memory_space<hbm>>) dst(%dma_wait3A_596 : memref<78x4x128xf32, #tpu.memory_space<vmem>>)
    %add3A_600 = arith.constant 56 : i32
    %add3A_601 = arith.addi %mul3A_2, %add3A_600 : i32
    "tpu.region"() ({
      %run_scoped3A = tpu.sem_alloc : memref<!tpu.dma_semaphore, #tpu.memory_space<semaphore_mem>>
      %dma_start3A_625 = arith.constant 0 : i32
      %dma_start3A_626 = tpu.memref_slice %arg6[%add3A_601, %dma_start3A_625] : memref<2048x2048xf32, #tpu.memory_space<hbm>> -> memref<4x2048xf32, #tpu.memory_space<hbm>>
      %dma_start3A_627 = arith.constant 0 : i32
      %dma_start3A_628 = tpu.memref_slice %arg6[%add3A_601, %dma_start3A_627] : memref<2048x2048xf32, #tpu.memory_space<hbm>> -> memref<4x2048xf32, #tpu.memory_space<hbm>>
      tpu.enqueue_dma source(%arg11 : memref<4x2048xf32, #tpu.memory_space<vmem>>) target(%dma_start3A_628 : memref<4x2048xf32, #tpu.memory_space<hbm>>) target_semaphore(%run_scoped3A : memref<!tpu.dma_semaphore, #tpu.memory_space<semaphore_mem>>)
      %dma_wait3A_629 = arith.constant 0 : i32
      %dma_wait3A_630 = tpu.memref_slice %arg6[%add3A_601, %dma_wait3A_629] : memref<2048x2048xf32, #tpu.memory_space<hbm>> -> memref<4x2048xf32, #tpu.memory_space<hbm>>
      %dma_wait3A_631 = arith.constant 0 : i32
      %dma_wait3A_632 = tpu.memref_slice %arg6[%add3A_601, %dma_wait3A_631] : memref<2048x2048xf32, #tpu.memory_space<hbm>> -> memref<4x2048xf32, #tpu.memory_space<hbm>>
      tpu.wait_dma2 semaphore(%run_scoped3A : memref<!tpu.dma_semaphore, #tpu.memory_space<semaphore_mem>>) src(%arg11 : memref<4x2048xf32, #tpu.memory_space<vmem>>) dst(%dma_wait3A_632 : memref<4x2048xf32, #tpu.memory_space<hbm>>)
      tpu.yield
    }) : () -> ()
    %dma_wait3A_602 = arith.constant 1 : i32
    %dma_wait3A_603 = arith.constant 0 : i32
    %dma_wait3A_604 = arith.constant 0 : i32
    %dma_wait3A_605 = arith.constant 0 : i32
    %dma_wait3A_606 = tpu.memref_slice %arg9[%dma_wait3A_602, %dma_wait3A_603, %dma_wait3A_604, %dma_wait3A_605] : memref<2x78x4x128xf32, #tpu.memory_space<vmem>> -> memref<1x78x4x128xf32, #tpu.memory_space<vmem>>
    %dma_wait3A_607 = tpu.memref_squeeze %dma_wait3A_606 : memref<1x78x4x128xf32, #tpu.memory_space<vmem>> -> memref<78x4x128xf32, #tpu.memory_space<vmem>>
    %dma_wait3A_608 = arith.constant 0 : i32
    %dma_wait3A_609 = arith.constant 0 : i32
    %dma_wait3A_610 = tpu.memref_slice %arg2[%dma_wait3A_608, %add3A_565, %dma_wait3A_609] : memref<78x2048x128xf32, #tpu.memory_space<hbm>> -> memref<78x4x128xf32, #tpu.memory_space<hbm>>
    %dma_wait3A_611 = arith.constant 0 : i32
    %dma_wait3A_612 = arith.constant 0 : i32
    %dma_wait3A_613 = arith.constant 0 : i32
    %dma_wait3A_614 = tpu.memref_slice %arg9[%dma_wait3A_602, %dma_wait3A_611, %dma_wait3A_612, %dma_wait3A_613] : memref<2x78x4x128xf32, #tpu.memory_space<vmem>> -> memref<1x78x4x128xf32, #tpu.memory_space<vmem>>
    %dma_wait3A_615 = tpu.memref_squeeze %dma_wait3A_614 : memref<1x78x4x128xf32, #tpu.memory_space<vmem>> -> memref<78x4x128xf32, #tpu.memory_space<vmem>>
    %dma_wait3A_616 = arith.constant 0 : i32
    %dma_wait3A_617 = arith.constant 0 : i32
    %dma_wait3A_618 = tpu.memref_slice %arg2[%dma_wait3A_616, %add3A_565, %dma_wait3A_617] : memref<78x2048x128xf32, #tpu.memory_space<hbm>> -> memref<78x4x128xf32, #tpu.memory_space<hbm>>
    tpu.wait_dma2 semaphore(%arg14 : memref<!tpu.dma_semaphore, #tpu.memory_space<semaphore_mem>>) src(%dma_wait3A_618 : memref<78x4x128xf32, #tpu.memory_space<hbm>>) dst(%dma_wait3A_615 : memref<78x4x128xf32, #tpu.memory_space<vmem>>)
    %add3A_619 = arith.constant 60 : i32
    %add3A_620 = arith.addi %mul3A_2, %add3A_619 : i32
    "tpu.region"() ({
      %run_scoped3A = tpu.sem_alloc : memref<!tpu.dma_semaphore, #tpu.memory_space<semaphore_mem>>
      %dma_start3A_625 = arith.constant 0 : i32
      %dma_start3A_626 = tpu.memref_slice %arg6[%add3A_620, %dma_start3A_625] : memref<2048x2048xf32, #tpu.memory_space<hbm>> -> memref<4x2048xf32, #tpu.memory_space<hbm>>
      %dma_start3A_627 = arith.constant 0 : i32
      %dma_start3A_628 = tpu.memref_slice %arg6[%add3A_620, %dma_start3A_627] : memref<2048x2048xf32, #tpu.memory_space<hbm>> -> memref<4x2048xf32, #tpu.memory_space<hbm>>
      tpu.enqueue_dma source(%arg11 : memref<4x2048xf32, #tpu.memory_space<vmem>>) target(%dma_start3A_628 : memref<4x2048xf32, #tpu.memory_space<hbm>>) target_semaphore(%run_scoped3A : memref<!tpu.dma_semaphore, #tpu.memory_space<semaphore_mem>>)
      %dma_wait3A_629 = arith.constant 0 : i32
      %dma_wait3A_630 = tpu.memref_slice %arg6[%add3A_620, %dma_wait3A_629] : memref<2048x2048xf32, #tpu.memory_space<hbm>> -> memref<4x2048xf32, #tpu.memory_space<hbm>>
      %dma_wait3A_631 = arith.constant 0 : i32
      %dma_wait3A_632 = tpu.memref_slice %arg6[%add3A_620, %dma_wait3A_631] : memref<2048x2048xf32, #tpu.memory_space<hbm>> -> memref<4x2048xf32, #tpu.memory_space<hbm>>
      tpu.wait_dma2 semaphore(%run_scoped3A : memref<!tpu.dma_semaphore, #tpu.memory_space<semaphore_mem>>) src(%arg11 : memref<4x2048xf32, #tpu.memory_space<vmem>>) dst(%dma_wait3A_632 : memref<4x2048xf32, #tpu.memory_space<hbm>>)
      tpu.yield
    }) : () -> ()
    %dma_wait3A_621 = tpu.memref_slice %arg8[%mul3A_2] : memref<2048xi32, #tpu.memory_space<vmem>> -> memref<64xi32, #tpu.memory_space<vmem>>
    %dma_wait3A_622 = arith.constant 0 : i32
    %dma_wait3A_623 = arith.constant 0 : i32
    %dma_wait3A_624 = tpu.memref_slice %arg5[%dma_wait3A_622, %dma_wait3A_623] : memref<10000x16xf32, #tpu.memory_space<hbm>> -> memref<10000x16xf32, #tpu.memory_space<hbm>>
    tpu.wait_indirect_dma semaphore(%arg16 : memref<!tpu.dma_semaphore, #tpu.memory_space<semaphore_mem>>) src(%dma_wait3A_624 : memref<10000x16xf32, #tpu.memory_space<hbm>>) dst(%arg12 : memref<64x16xf32, #tpu.memory_space<vmem>>)
    "tpu.region"() ({
      %run_scoped3A = tpu.sem_alloc : memref<!tpu.dma_semaphore, #tpu.memory_space<semaphore_mem>>
      %dma_start3A_625 = arith.constant 0 : i32
      %dma_start3A_626 = tpu.memref_slice %arg7[%mul3A_2, %dma_start3A_625] : memref<2048x16xf32, #tpu.memory_space<hbm>> -> memref<64x16xf32, #tpu.memory_space<hbm>>
      %dma_start3A_627 = arith.constant 0 : i32
      %dma_start3A_628 = tpu.memref_slice %arg7[%mul3A_2, %dma_start3A_627] : memref<2048x16xf32, #tpu.memory_space<hbm>> -> memref<64x16xf32, #tpu.memory_space<hbm>>
      tpu.enqueue_dma source(%arg12 : memref<64x16xf32, #tpu.memory_space<vmem>>) target(%dma_start3A_628 : memref<64x16xf32, #tpu.memory_space<hbm>>) target_semaphore(%run_scoped3A : memref<!tpu.dma_semaphore, #tpu.memory_space<semaphore_mem>>)
      %dma_wait3A_629 = arith.constant 0 : i32
      %dma_wait3A_630 = tpu.memref_slice %arg7[%mul3A_2, %dma_wait3A_629] : memref<2048x16xf32, #tpu.memory_space<hbm>> -> memref<64x16xf32, #tpu.memory_space<hbm>>
      %dma_wait3A_631 = arith.constant 0 : i32
      %dma_wait3A_632 = tpu.memref_slice %arg7[%mul3A_2, %dma_wait3A_631] : memref<2048x16xf32, #tpu.memory_space<hbm>> -> memref<64x16xf32, #tpu.memory_space<hbm>>
      tpu.wait_dma2 semaphore(%run_scoped3A : memref<!tpu.dma_semaphore, #tpu.memory_space<semaphore_mem>>) src(%arg12 : memref<64x16xf32, #tpu.memory_space<vmem>>) dst(%dma_wait3A_632 : memref<64x16xf32, #tpu.memory_space<hbm>>)
      tpu.yield
    }) : () -> ()
    return
  }
}

module attributes {stable_mosaic.version = 14 : i64} {
  func.func @body(%arg0: i32, %arg1: memref<256x2048xf32, #tpu.memory_space<vmem>>, %arg2: memref<2048x16xf32, #tpu.memory_space<vmem>>, %arg3: memref<1x1xf32, #tpu.memory_space<smem>>) attributes {dimension_semantics = [#tpu.dimension_semantics<arbitrary>], iteration_bounds = array<i64: 8>, scalar_prefetch = 0 : i64, scratch_operands = 0 : i64, tpu.core_type = #tpu.core_type<tc>, window_params = [{transform_indices = @transform_0, window_bounds = array<i64: 256, 2048>}, {pipeline_mode = #tpu.pipeline_mode<synchronous>, transform_indices = @transform_1, window_bounds = array<i64: 2048, 16>}, {transform_indices = @transform_2, window_bounds = array<i64: 1, 1>}]} {
    %get3A = arith.constant 0 : index
    %get3A_0 = arith.constant 0 : index
    %get3A_1 = vector.load %arg2[%get3A, %get3A_0] : memref<2048x16xf32, #tpu.memory_space<vmem>>, vector<2048x16xf32>
    %mul3A = arith.constant 256 : i32
    %mul3A_2 = arith.muli %arg0, %mul3A : i32
    %get3A_3 = arith.index_cast %mul3A_2 : i32 to index
    %get3A_4 = arith.constant 0 : index
    %get3A_5 = vector.load %arg2[%get3A_3, %get3A_4] : memref<2048x16xf32, #tpu.memory_space<vmem>>, vector<256x16xf32>
    %dot_general3A = arith.constant dense<0.000000e+00> : vector<256x2048xf32>
    %dot_general3A_6 = tpu.matmul %get3A_5, %get3A_1, %dot_general3A {dimension_numbers = #tpu.dot_dimension_numbers<[1], [1], [0], [0], [0, 0, 1, 0], [], []>, transpose_lhs_hint = false} : vector<256x16xf32>, vector<2048x16xf32>, vector<256x2048xf32> -> vector<256x2048xf32>
    %mul3A_7 = arith.mulf %get3A_5, %get3A_5 : vector<256x16xf32>
    %reduce_sum3A = arith.constant dense<0.000000e+00> : vector<256xf32>
    %reduce_sum3A_8 = vector.multi_reduction <add>, %mul3A_7, %reduce_sum3A [1] : vector<256x16xf32> to vector<256xf32>
    %broadcast_in_dim3A = vector.shape_cast %reduce_sum3A_8 : vector<256xf32> to vector<256x1xf32>
    %mul3A_9 = arith.mulf %get3A_1, %get3A_1 : vector<2048x16xf32>
    %reduce_sum3A_10 = arith.constant dense<0.000000e+00> : vector<2048xf32>
    %reduce_sum3A_11 = vector.multi_reduction <add>, %mul3A_9, %reduce_sum3A_10 [1] : vector<2048x16xf32> to vector<2048xf32>
    %broadcast_in_dim3A_12 = vector.shape_cast %reduce_sum3A_11 : vector<2048xf32> to vector<1x2048xf32>
    %add3A = vector.broadcast %broadcast_in_dim3A : vector<256x1xf32> to vector<256x2048xf32>
    %add3A_13 = vector.broadcast %broadcast_in_dim3A_12 : vector<1x2048xf32> to vector<256x2048xf32>
    %add3A_14 = arith.addf %add3A, %add3A_13 : vector<256x2048xf32>
    %mul3A_15 = arith.constant 2.000000e+00 : f32
    %mul3A_16 = vector.broadcast %mul3A_15 : f32 to vector<256x2048xf32>
    %mul3A_17 = arith.mulf %mul3A_16, %dot_general3A_6 : vector<256x2048xf32>
    %sub3A = arith.subf %add3A_14, %mul3A_17 : vector<256x2048xf32>
    %gt3A = arith.constant 0.000000e+00 : f32
    %gt3A_18 = vector.broadcast %gt3A : f32 to vector<256x2048xf32>
    %gt3A_19 = arith.cmpf ogt, %sub3A, %gt3A_18 : vector<256x2048xf32>
    %gt3A_20 = arith.constant 0.000000e+00 : f32
    %gt3A_21 = vector.broadcast %gt3A_20 : f32 to vector<256x2048xf32>
    %gt3A_22 = arith.cmpf ogt, %sub3A, %gt3A_21 : vector<256x2048xf32>
    %jit3A = arith.constant 1.000000e+00 : f32
    %broadcast_in_dim3A_23 = vector.broadcast %jit3A : f32 to vector<256x2048xf32>
    %select_n3A = arith.select %gt3A_22, %sub3A, %broadcast_in_dim3A_23 : vector<256x2048xi1>, vector<256x2048xf32>
    %sqrt3A = math.sqrt %select_n3A : vector<256x2048xf32>
    %jit3A_24 = arith.constant 0.000000e+00 : f32
    %broadcast_in_dim3A_25 = vector.broadcast %jit3A_24 : f32 to vector<256x2048xf32>
    %select_n3A_26 = arith.select %gt3A_19, %sqrt3A, %broadcast_in_dim3A_25 : vector<256x2048xi1>, vector<256x2048xf32>
    %mul3A_27 = arith.constant 256 : i32
    %mul3A_28 = arith.muli %arg0, %mul3A_27 : i32
    %iota3A = tpu.iota {dimensions = array<i32: 0>} : vector<256x2048xi32>
    %add3A_29 = vector.broadcast %mul3A_28 : i32 to vector<256x2048xi32>
    %add3A_30 = arith.addi %add3A_29, %iota3A : vector<256x2048xi32>
    %iota3A_31 = tpu.iota {dimensions = array<i32: 1>} : vector<256x2048xi32>
    %eq3A = arith.cmpi eq, %add3A_30, %iota3A_31 : vector<256x2048xi32>
    %jit3A_32 = arith.constant 0.000000e+00 : f32
    %broadcast_in_dim3A_33 = vector.broadcast %jit3A_32 : f32 to vector<256x2048xf32>
    %select_n3A_34 = arith.select %eq3A, %broadcast_in_dim3A_33, %select_n3A_26 : vector<256x2048xi1>, vector<256x2048xf32>
    %get3A_35 = arith.constant 0 : index
    %get3A_36 = arith.constant 0 : index
    %get3A_37 = vector.load %arg1[%get3A_35, %get3A_36] : memref<256x2048xf32, #tpu.memory_space<vmem>>, vector<256x2048xf32>
    %jit3A_38 = arith.constant 5.000000e+00 : f32
    %broadcast_in_dim3A_39 = vector.broadcast %jit3A_38 : f32 to vector<256x2048xf32>
    %select_n3A_40 = arith.select %eq3A, %broadcast_in_dim3A_39, %get3A_37 : vector<256x2048xi1>, vector<256x2048xf32>
    %sub3A_41 = arith.subf %select_n3A_34, %get3A_37 : vector<256x2048xf32>
    %mul3A_42 = arith.mulf %sub3A_41, %sub3A_41 : vector<256x2048xf32>
    %div3A = arith.divf %mul3A_42, %select_n3A_40 : vector<256x2048xf32>
    %reduce_sum3A_43 = vector.shape_cast %div3A : vector<256x2048xf32> to vector<1x256x2048xf32>
    %reduce_sum3A_44 = arith.constant dense<0.000000e+00> : vector<1xf32>
    %reduce_sum3A_45 = vector.multi_reduction <add>, %reduce_sum3A_43, %reduce_sum3A_44 [1, 2] : vector<1x256x2048xf32> to vector<1xf32>
    %reduce_sum3A_46 = vector.shape_cast %reduce_sum3A_45 : vector<1xf32> to vector<1x1x1xf32>
    %reduce_sum3A_47 = vector.extract %reduce_sum3A_46[0, 0, 0] : f32 from vector<1x1x1xf32>
    %eq3A_48 = arith.constant 0 : i32
    %eq3A_49 = arith.cmpi eq, %arg0, %eq3A_48 : i32
    %convert_element_type3A = arith.extui %eq3A_49 : i1 to i32
    %cond3A = arith.constant 0 : i32
    %cond3A_50 = arith.cmpi ne, %convert_element_type3A, %cond3A : i32
    scf.if %cond3A_50 {
      %swap3A_62 = arith.constant 0.000000e+00 : f32
      %swap3A_63 = arith.constant 0 : index
      %swap3A_64 = arith.constant 0 : index
      %swap3A_65 = memref.load %arg3[%swap3A_63, %swap3A_64] : memref<1x1xf32, #tpu.memory_space<smem>>
      memref.store %swap3A_62, %arg3[%swap3A_63, %swap3A_64] : memref<1x1xf32, #tpu.memory_space<smem>>
    } else {
    }
    %get3A_51 = arith.constant 0 : index
    %get3A_52 = arith.constant 0 : index
    %get3A_53 = memref.load %arg3[%get3A_51, %get3A_52] : memref<1x1xf32, #tpu.memory_space<smem>>
    %add3A_54 = arith.addf %get3A_53, %reduce_sum3A_47 : f32
    %swap3A = arith.constant 0 : index
    %swap3A_55 = arith.constant 0 : index
    %swap3A_56 = memref.load %arg3[%swap3A, %swap3A_55] : memref<1x1xf32, #tpu.memory_space<smem>>
    memref.store %add3A_54, %arg3[%swap3A, %swap3A_55] : memref<1x1xf32, #tpu.memory_space<smem>>
    %eq3A_57 = arith.constant 7 : i32
    %eq3A_58 = arith.cmpi eq, %arg0, %eq3A_57 : i32
    %convert_element_type3A_59 = arith.extui %eq3A_58 : i1 to i32
    %cond3A_60 = arith.constant 0 : i32
    %cond3A_61 = arith.cmpi ne, %convert_element_type3A_59, %cond3A_60 : i32
    scf.if %cond3A_61 {
      %get3A_62 = arith.constant 0 : index
      %get3A_63 = arith.constant 0 : index
      %get3A_64 = memref.load %arg3[%get3A_62, %get3A_63] : memref<1x1xf32, #tpu.memory_space<smem>>
      %sqrt3A_65 = math.sqrt %get3A_64 : f32
      %swap3A_66 = arith.constant 0 : index
      %swap3A_67 = arith.constant 0 : index
      %swap3A_68 = memref.load %arg3[%swap3A_66, %swap3A_67] : memref<1x1xf32, #tpu.memory_space<smem>>
      memref.store %sqrt3A_65, %arg3[%swap3A_66, %swap3A_67] : memref<1x1xf32, #tpu.memory_space<smem>>
    } else {
    }
    return
  }
  func.func @transform_0(%arg0: i32) -> (i32, i32) {
    %c0_i32 = arith.constant 0 : i32
    %c0_i32_0 = arith.constant 0 : i32
    return %arg0, %c0_i32 : i32, i32
  }
  func.func @transform_1(%arg0: i32) -> (i32, i32) {
    %c0_i32 = arith.constant 0 : i32
    %c0_i32_0 = arith.constant 0 : i32
    %c0_i32_1 = arith.constant 0 : i32
    return %c0_i32, %c0_i32_0 : i32, i32
  }
  func.func @transform_2(%arg0: i32) -> (i32, i32) {
    %c0_i32 = arith.constant 0 : i32
    %c0_i32_0 = arith.constant 0 : i32
    %c0_i32_1 = arith.constant 0 : i32
    return %c0_i32, %c0_i32_0 : i32, i32
  }
}

</mosaic_0001>

<sc_bundles>
// kernel: kernel.5.cloned.1.call-start
scs
__scs_entry_jumppad:
0x0: {  	(pc) =	sbr.rel $0x88, $3  }
0x1: {  	(tag) =	ssettag $0x0;
	lr =	simm.s32 $0x1  }
0x2: {  	[smem:$0x3F9E] =	sst lr;
	_ =	strace $0xD0000000  }
0x3: {  	_ = 	snop  }
0x4: {  	_ = 	snop  }
0x5: {  	_ = 	snop  }
0x6: {  	_ = 	snop  }
0x7: {  	_ = 	snop  }
__scs_overlays_trampoline_lowered:
0x8: {  	[smem:$0x3FAD] =	sst s0  }
0x9: {  	[smem:$0x3FAE] =	sst s1  }
0xa: {  	[smem:$0x3FAF] =	sst s2  }
0xb: {  	[smem:$0x3FB0] =	sst s3  }
0xc: {  	[smem:$0x3FB1] =	sst s4  }
0xd: {  	[smem:$0x3FB2] =	sst s5  }
0xe: {  	[smem:$0x3FB3] =	sst s6  }
0xf: {  	[smem:$0x3FB4] =	sst s7  }
0x10: {  	[smem:$0x3FB5] =	sst s8  }
0x11: {  	[smem:$0x3FB6] =	sst s9;
	s0 =	simm.s32 @!p0 $0x0  }
0x12: {  	s1 =	sld [smem:$0x3F9C];
	s0 =	simm.s32 @p0 $0x1  }
0x13: {  	[smem:$0x3FB7] =	sst s0;
	s0 =	simm.s32 @!p1 $0x0  }
0x14: {  	s2 =	sld [smem:$0x3F9B];
	s0 =	simm.s32 @p1 $0x1  }
0x15: {  	[smem:$0x3FB8] =	sst s0;
	s0 =	simm.s32 @!p2 $0x0  }
0x16: {  	s3 =	sld [smem:$0x3FDB];
	s0 =	simm.s32 @p2 $0x1  }
0x17: {  	s4 =	simm.s32 $0x1BF5;
	[smem:$0x3FBA] =	sst s0  }
0x18: {  	s0 =	sld [smem:$0x3F9D];
	_ =	swait.ge [sflag:s4], $0x0  }
0x19: {  	s7 =	sld [smem:$0x3F9E]  }
0x1a: {  	s8 =	sadd.s32 $0xFFFFE003, lr  }
0x1b: {  	s9 =	sadd.s32 $0xFFFFFEF7, lr;
	s5 =	simm.s32 $0xFFFFFFFF;
	p2 =	slt.u32 s8, $0xFFFFF086  }
0x1c: {  	p1 =	slt.u32 s9, $0xF7A;
	s5 =	simm.s32 @!p2 $0x0  }
0x1d: {  	s5 =	simm.s32 @p1 $0x1;
	p0 =	seq.s32 s7, s2  }
0x1e: {  	s7 =	smul.u32 @!p0 $0xF7A, s2;
	p2 =	seq.s32 @!p0 s5, $0x0  }
0x1f: {  	s9 =	smul.u32 $0xF7A, s1;
	s8 =	simm.s32 @!p0 $0x1BF5;
	p2 =	por !p2, p0  }
0x20: {  	[sflag:s8] =	ssyncset.s32 @!p0 $0xFFFFF086;
	s6 =	sadd.s32 @!p0 s3, s7;
	s7 =	simm.s32 @!p0 $0x108  }
0x21: {  	s3 =	sadd.s32 s3, s9;
	s6 =	sadd.s32 @!p0 $0x88, s6;
	s7 =	simm.s32 @p2 $0x1082  }
0x22: {  	[simem:s7], [sflag:s8] =	dma.local @!p0 [hbm:s6], $0xF7A  }
0x23: {  	s9 =	sor.u32 $0xD0000000, s2;
	s6 =	simm.s32 $0x108;
	_ =	swait.ge @!p0 [sflag:s8], $0x0  }
0x24: {  	s3 =	sadd.s32 $0x88, s3;
	s6 =	simm.s32 @!p1 $0x1082;
	[sflag:s4] =	ssyncset.s32 $0xFFFFF086  }
0x25: {  	[simem:s6], [sflag:s4] =	dma.local [hbm:s3], $0xF7A  }
0x26: {  	[smem:$0x3F9E] =	sst s1;
	(tag) =	ssettag s2;
	_ =	strace s9  }
0x27: {  	s1 =	sld [smem:$0x3FAE]  }
0x28: {  	s2 =	sld [smem:$0x3FAF]  }
0x29: {  	s4 =	sld [smem:$0x3FB1]  }
0x2a: {  	p0 =	seq.s32 s5, $0x0;
	s5 =	sld [smem:$0x3FB2]  }
0x2b: {  	s6 =	sld [smem:$0x3FB3]  }
0x2c: {  	s7 =	sld [smem:$0x3FB4]  }
0x2d: {  	s3 =	simm.s32 $0x108;
	s8 =	sld [smem:$0x3FB5]  }
0x2e: {  	s3 =	simm.s32 @!p0 $0x1082;
	s9 =	sld [smem:$0x3FB6]  }
0x2f: {  	lr =	sadd.s32 s0, s3;
	s0 =	sld [smem:$0x3FAD]  }
0x30: {  	s3 =	sld [smem:$0x3FB0]  }
0x31: {  	[smem:$0x3FB9] =	sst s10  }
0x32: {  	s10 =	sld [smem:$0x3FB7];
	_ =	sdelay $0x3  }
0x33: {  	p0 =	seq.s32 s10, $0x1;
	s10 =	sld [smem:$0x3FB9];
	_ =	sdelay $0x3  }
0x34: {  	[smem:$0x3FB9] =	sst s10  }
0x35: {  	s10 =	sld [smem:$0x3FB8];
	_ =	sdelay $0x3  }
0x36: {  	p1 =	seq.s32 s10, $0x1;
	s10 =	sld [smem:$0x3FB9];
	_ =	sdelay $0x3  }
0x37: {  	[smem:$0x3FB9] =	sst s10  }
0x38: {  	s10 =	sld [smem:$0x3FBA]  }
0x39: {  	_ = 	snop;
	(pc) =	sbr.ind lr, $3  }
0x3a: {  	_ = 	snop  }
0x3b: {  	_ = 	snop  }
0x3c: {  	p2 =	seq.s32 s10, $0x1;
	s10 =	sld [smem:$0x3FB9]  }
0x3d: {  	_ =	shalt  }
0x3e: {  	_ =	shalt  }
0x3f: {  	_ =	shalt  }
0x40: {  	_ =	shalt  }
0x41: {  	_ =	shalt  }
0x42: {  	_ =	shalt  }
0x43: {  	_ =	shalt  }
0x44: {  	_ =	shalt  }
0x45: {  	_ =	shalt  }
0x46: {  	_ =	shalt  }
0x47: {  	_ =	shalt  }
0x48: {  	_ =	shalt  }
0x49: {  	_ =	shalt  }
0x4a: {  	_ =	shalt  }
0x4b: {  	_ =	shalt  }
0x4c: {  	_ =	shalt  }
0x4d: {  	_ =	shalt  }
0x4e: {  	_ =	shalt  }
0x4f: {  	_ =	shalt  }
0x50: {  	_ =	shalt  }
0x51: {  	_ =	shalt  }
0x52: {  	_ =	shalt  }
0x53: {  	_ =	shalt  }
0x54: {  	_ =	shalt  }
0x55: {  	_ =	shalt  }
0x56: {  	_ =	shalt  }
0x57: {  	_ =	shalt  }
0x58: {  	_ =	shalt  }
0x59: {  	_ =	shalt  }
0x5a: {  	_ =	shalt  }
0x5b: {  	_ =	shalt  }
0x5c: {  	_ =	shalt  }
0x5d: {  	_ =	shalt  }
0x5e: {  	_ =	shalt  }
0x5f: {  	_ =	shalt  }
0x60: {  	_ =	shalt  }
0x61: {  	_ =	shalt  }
0x62: {  	_ =	shalt  }
0x63: {  	_ =	shalt  }
0x64: {  	_ =	shalt  }
0x65: {  	_ =	shalt  }
0x66: {  	_ =	shalt  }
0x67: {  	_ =	shalt  }
0x68: {  	_ =	shalt  }
0x69: {  	_ =	shalt  }
0x6a: {  	_ =	shalt  }
0x6b: {  	_ =	shalt  }
0x6c: {  	_ =	shalt  }
0x6d: {  	_ =	shalt  }
0x6e: {  	_ =	shalt  }
0x6f: {  	_ =	shalt  }
0x70: {  	_ =	shalt  }
0x71: {  	_ =	shalt  }
0x72: {  	_ =	shalt  }
0x73: {  	_ =	shalt  }
0x74: {  	_ =	shalt  }
0x75: {  	_ =	shalt  }
0x76: {  	_ =	shalt  }
0x77: {  	_ =	shalt  }
0x78: {  	_ =	shalt  }
0x79: {  	_ =	shalt  }
0x7a: {  	_ =	shalt  }
0x7b: {  	_ =	shalt  }
0x7c: {  	_ =	shalt  }
0x7d: {  	_ =	shalt  }
0x7e: {  	_ =	shalt  }
0x7f: {  	_ =	shalt  }
0x80: {  	_ =	shalt  }
0x81: {  	_ =	shalt  }
0x82: {  	_ =	shalt  }
0x83: {  	_ =	shalt  }
0x84: {  	_ =	shalt  }
0x85: {  	_ =	shalt  }
0x86: {  	_ =	shalt  }
0x87: {  	_ =	shalt  }
.Lfunc_end0:
.L_simem_size_0:
called_computation_lowered:
.L_overlay_start_0:
0x88: {  	s2 =	sld [smem:$0x3FD9]  }
0x89: {  	s3 =	sld [smem:$0x3FFE];
	_ =	sdelay $0x1  }
0x8a: {  	s1 =	srdreg.scid  }
0x8b: {  	s0 =	sand.u32 $0x1, s1  }
0x8c: {  	s17 =	sshll.u32 s0, $0xA;
	s2 =	sadd.s32 s3, s2  }
0x8d: {  	s2 =	sadd.s32 s2, s17  }
0x8e: {  	[smem:$0x3FC5] =	sst s2  }
0x8f: {  	_ = 	snop  }
0x90: {  	s2 =	sld [smem:$0x3FC8]  }
0x91: {  	s18 =	sld [smem:$0x3FC7];
	(tm) =	ssettm $0x1  }
0x92: {  	s4 =	sld [smem:$0x3FFB];
	_ =	sdelay $0x3  }
0x93: {  	_ =	strace s4  }
0x94: {  	s4 =	sld [smem:$0x3FFC];
	_ =	sdelay $0x3  }
0x95: {  	_ =	strace s4  }
0x96: {  	s4 =	sld [smem:$0x3FFD];
	_ =	sdelay $0x3  }
0x97: {  	_ =	strace s4  }
0x98: {  	_ =	strace $0x8FFFFFFF  }
0x99: {  	s19 =	sld [smem:$0x3FDB];
	_ =	sdelay $0x1  }
0x9a: {  	s5 =	simm.s32 $_scs_section_size  }
0x9b: {  	s6 =	simm.s32 $_size__tile_overlayer_lowered;
	s7 =	simm.s32 $_tile_overlayer_lowered  }
0x9c: {  	s22 =	simm.s32 $0x1BFF;
	s21 =	sshll.u32 s7, $0x1;
	s4 =	sadd.s32 s5, s19  }
0x9d: {  	s8 =	simm.s32 $0x0;
	s20 =	sshll.u32 s6, $0x1;
	s6 =	sadd.s32 s21, s4  }
0x9e: {  	[timem:s8], [sflag:s22] =	dma.local [hbm:s6], s20  }
0x9f: {  	_ =	swait.ge [sflag:s22], s20  }
0xa0: {  	s5 =	ssub.s32 $0x0, s20;
	[sflag:s22] =	ssyncset.done $0x0  }
0xa1: {  	[sflag:s22] =	ssyncadd.s32 s5;
	_ =	sdelay $0x1  }
0xa2: {  	s23 =	simm.s32 $0x1B8B  }
0xa3: {  	_ =	swait.ge [sflag:s23], $0x1  }
0xa4: {  	[sflag:s23] =	ssyncset.done $0x0  }
0xa5: {  	s25 =	simm.s32 $0x1B8E;
	s24 =	sld [smem:$0x3FFE];
	[sflag:s23] =	ssyncadd.s32 $0xFFFFFFFF  }
0xa6: {  	s26 =	simm.s32 $execute0_lowered;
	[smem:$0x3FD2] =	sst s25  }
0xa7: {  	s6 =	sshll.u32 s26, $0x1;
	_ =	strace $0x80000046;
	[dreg:$0x1] =	wrdreg $0xFFFFFFFF  }
0xa8: {  	s28 =	simm.s32 $_size_execute0_lowered;
	s4 =	sadd.s32 s4, s6;
	[dreg:$0x0] =	wrdreg $0x0  }
0xa9: {  	s6 =	sshll.u32 s28, $0x1;
	[dreg:$0x2] =	wrdreg s4  }
0xaa: {  	[dreg:$0x3] =	wrdreg s6  }
0xab: {  	[dreg:$0x4] =	wrdreg $0xC0  }
0xac: {  	_ =	task [dreg:s8], $0x5FFFF  }
0xad: {  	[dreg:$0x1] =	wrdreg $0xFFFFFFFF  }
0xae: {  	[dreg:$0x0] =	wrdreg $0x60  }
0xaf: {  	[dreg:$0x2] =	wrdreg s2  }
0xb0: {  	[dreg:$0x3] =	wrdreg s18  }
0xb1: {  	[dreg:$0x4] =	wrdreg s24  }
0xb2: {  	[dreg:$0x5] =	wrdreg $0x9  }
0xb3: {  	_ =	task.clear_ibuf [dreg:s8], $0x6FFFF;
	_ =	strace $0x90000046  }
0xb4: {  	s29 =	simm.s32 $0x9;
	_ =	strace $0x80000048  }
0xb5: {  	_ =	swait.ge [sflag:s29], $0x1  }
0xb6: {  	[sflag:s29] =	ssyncadd.s32 $0xFFFFFFFF  }
0xb7: {  	_ =	strace $0x90000048  }
0xb8: {  	_ =	sfence  }
0xb9: {  	s30 =	sld [smem:$0x0];
	_ =	sdelay $0x2  }
0xba: {  	s31 =	sshll.u32 s1, $0xD;
	s1 =	sshrl.u32 s1, $0x2  }
0xbb: {  	s3 =	sand.u32 $0x4000, s31;
	s1 =	sadd.s32 s1, s30  }
0xbc: {  	s0 =	sor.u32 s3, s0;
	s1 =	sshll.u32 s1, $0x11  }
0xbd: {  	s0 =	sor.u32 s1, s0  }
0xbe: {  	s0 =	sadd.s32 $0x8F2B, s0  }
0xbf: {  	[sflag:s0] =	ssyncadd.remote.s32 $0x1  }
0xc0: {  	_ =	sfence.sel $0xFFFF  }
0xc1: {  	[dreg:$0x0] =	wrdreg $0xFFFFFFFF;
	(pc) =	sbr.abs _section_cstart, $3  }
0xc2: {  	[dreg:$0x1] =	wrdreg $0xFFFFFFFF  }
0xc3: {  	_ =	task.clear_ibuf [dreg:s8], $0x2FFFF;
	_ =	strace $0x9FFFFFFF  }
0xc4: {  	(tm) =	ssettm $0x7FFFFFFF  }
0xc5: {  	_ =	shalt  }
tec
execute0_lowered:
.L_overlay_start_1:
0x0: {  	(tag) =	ssettag $0x1  }
0x1: {  	s1 =	rddreg [dreg:$0x0]  }
0x2: {  	s0 =	rddreg [dreg:$0x2]  }
0x3: {  	s3 =	simm.s32 $0x0;
	s2 =	srdreg.scid;
	s5 =	stileid.u32  }
0x4: {  	s19 =	simm.s32 $0x4880;
	s20 =	simm.s32 $0x4900;
	s17 =	simm.s32 $0x4C00  }
0x5: {  	s30 =	simm.s32 $0x4D00;
	s31 =	simm.s32 $0x4D80;
	s28 =	simm.s32 $0x1  }
0x6: {  	s16 =	simm.s32 $0x7;
	[smem:$0x7FF] =	sst s3;
	s2 =	sand.u32 $0x1, s2  }
0x7: {  	s7 =	sshll.u32 s5, $0x7;
	s21 =	sadd.s32 $0x1000, s0;
	s8 =	sadd.s32 $0x100, s1  }
0x8: {  	s10 =	sadd.s32 $0x180, s1;
	s23 =	sadd.s32 $0x9000, s0;
	s11 =	sadd.s32 $0x11000, s0  }
0x9: {  	s14 =	sadd.s32 $0x19000, s0;
	s12 =	sadd.s32 $0x2600, s1;
	s13 =	sadd.s32 $0x2680, s1  }
0xa: {  	s15 =	sadd.s32 $0x261000, s0;
	s0 =	sadd.s32 $0x269000, s0;
	s24 =	sadd.s32 $0x200, s1  }
0xb: {  	s5 =	simm.s32 $0x4B80;
	_ =	strace $0x80000047;
	s4 =	ssub.s32 $0x2, s2  }
0xc: {  	s2 =	sshll.u32 s2, $0x6;
	[dreg:$0xc] =	wrdreg s21;
	s6 =	sshrl.u32 s4, $0x1  }
0xd: {  	[dreg:$0x6] =	wrdreg s24;
	s24 =	simm.s32 $0x2;
	s4 =	ssub.s32 s4, s6  }
0xe: {  	s6 =	sor.u32 s2, s7;
	s7 =	sadd.s32 $0x80, s1;
	s4 =	smax.u32 s4, $0x1  }
0xf: {  	s1 =	simm.s32 $0x4B00;
	s9 =	sshll.u32 s6, $0x4;
	[dreg:$0x5] =	wrdreg s4  }
0x10: {  	s22 =	sadd.s32 s21, s9;
	s2 =	sadd.s32 s9, s23;
	[dreg:$0xd] =	wrdreg s9  }
0x11: {  	v0 =	vimm.s32 $0x3;
	s25 =	sadd.s32 s9, s11;
	s26 =	sadd.s32 s9, s14;
	[dreg:$0x4] =	wrdreg s22  }
0x12: {  	v1 =	vimm.s32 $0x7;
	v2 =	vimm.s32 $0x0;
	v3 =	vlaneseq.u32;
	s29 =	sadd.s32 s9, s15;
	s0 =	sadd.s32 s9, s0;
	[dreg:$0x7] =	wrdreg s2  }
0x13: {  	vm0 =	vmmov $0x1;
	v4 =	vimm.s32 $0x1;
	v5 =	vimm.s32 $0x2;
	s9 =	simm.s32 $0x4800;
	s15 =	simm.s32 $0x4A00;
	[dreg:$0x8] =	wrdreg s25  }
0x14: {  	v6 =	vimm.s32 $0x4;
	v7 =	vimm.s32 $0x5;
	v8 =	vimm.s32 $0x6;
	s11 =	simm.s32 $0x6;
	s4 =	simm.s32 $0x4;
	[dreg:$0x9] =	wrdreg s26  }
0x15: {  	v9 =	vimm.s32 $0x8;
	v10 =	vimm.s32 $0x9;
	v11 =	vimm.s32 $0xA;
	s21 =	simm.s32 $0x3;
	s23 =	simm.s32 $0x8;
	[dreg:$0xa] =	wrdreg s29  }
0x16: {  	v12 =	vimm.s32 $0xB;
	v13 =	vimm.s32 $0xC;
	v14 =	vimm.s32 $0xD;
	[dreg:$0xb] =	wrdreg s0;
	s22 =	simm.s32 $0x4980;
	s25 =	simm.s32 $0x4A80  }
0x17: {  	v15 =	vimm.s32 $0xE;
	v16 =	vimm.s32 $0xF;
	v3 =	vmul.u32 $0x8, v3;
	s26 =	simm.s32 $0x4C80;
	s0 =	simm.s32 $0x5;
	s2 =	simm.s32 $0x0  }
.LBB2_1:
0x18: {  	[dreg:$0xe] =	wrdreg s2  }
0x19: {  	s18 =	rddreg [dreg:$0x1];
	s2 =	simm.s32 $0x9  }
0x1a: {  	[tilespmem:s3], [sflag:$0x9] =	stream.linear.gather [hbm4b:s18+s3], $0x800, $0x38;
	[tilespmem:$0x8800] =	vst v63  }
0x1b: {  	_ =	swait.ge [sflag:s2], $0x800  }
0x1c: {  	[sflag:s2] =	ssyncset.done $0x0  }
0x1d: {  	[sflag:s2] =	ssyncadd.s32 $0xFFFFF800  }
0x1e: {  	v17 =	vld [tilespmem:s6+$0x0];
	_ =	sdelay $0x4  }
0x1f: {  	v18 =	vshrl.u32 v17, $0x3  }
0x20: {  	v18 =	vmul.u32 $0x278, v18  }
0x21: {  	v17 =	vand.u32 $0x7, v17  }
0x22: {  	v17 =	vor.u32 v17, v18  }
0x23: {  	v18 =	vperm.xlane v17, v2;
	_ =	sdelay $0x1  }
0x24: {  	v19 =	vperm.xlane v17, v4;
	v18 =	vadd.s32 v3, v18;
	_ =	sdelay $0x1  }
0x25: {  	v20 =	vperm.xlane v17, v5;
	v19 =	vadd.s32 v3, v19;
	_ =	sdelay $0x1  }
0x26: {  	s2 =	simm.s32 $0x800;
	s29 =	rddreg [dreg:$0x0];
	v21 =	vperm.xlane v17, v0;
	v20 =	vadd.s32 v3, v20  }
0x27: {  	[tilespmem:s2], [sflag:$0x1] =	stream.indirect_vreg.gather [hbm4b:s29+s3], $0x80, v18, vm0, $0xb8;
	[tilespmem:$0x8800] =	vst v63  }
0x28: {  	s14 =	simm.s32 $0x880;
	v34 =	vperm.xlane v17, v6;
	v18 =	vadd.s32 v3, v21  }
0x29: {  	[tilespmem:s14], [sflag:$0x1] =	stream.indirect_vreg.gather [hbm4b:s29+s3], $0x80, v19, vm0, $0xb8;
	[tilespmem:$0x8800] =	vst v63  }
0x2a: {  	v35 =	vperm.xlane v17, v7;
	v19 =	vadd.s32 v3, v34;
	s14 =	simm.s32 $0x900  }
0x2b: {  	[tilespmem:s14], [sflag:$0x1] =	stream.indirect_vreg.gather [hbm4b:s29+s3], $0x80, v20, vm0, $0xb8;
	[tilespmem:$0x8800] =	vst v63  }
0x2c: {  	v37 =	vperm.xlane v17, v8;
	v36 =	vadd.s32 v3, v35;
	s14 =	simm.s32 $0x980  }
0x2d: {  	[tilespmem:s14], [sflag:$0x1] =	stream.indirect_vreg.gather [hbm4b:s29+s3], $0x80, v18, vm0, $0xb8;
	[tilespmem:$0x8800] =	vst v63  }
0x2e: {  	v38 =	vperm.xlane v17, v1;
	v18 =	vadd.s32 v3, v37;
	s14 =	simm.s32 $0xA00  }
0x2f: {  	[tilespmem:s14], [sflag:$0x1] =	stream.indirect_vreg.gather [hbm4b:s29+s3], $0x80, v19, vm0, $0xb8;
	[tilespmem:$0x8800] =	vst v63  }
0x30: {  	v39 =	vperm.xlane v17, v9;
	v19 =	vadd.s32 v3, v38;
	s14 =	simm.s32 $0xA80  }
0x31: {  	[tilespmem:s14], [sflag:$0x1] =	stream.indirect_vreg.gather [hbm4b:s29+s3], $0x80, v36, vm0, $0xb8;
	[tilespmem:$0x8800] =	vst v63  }
0x32: {  	v41 =	vperm.xlane v17, v10;
	v40 =	vadd.s32 v3, v39;
	s14 =	simm.s32 $0xB00  }
0x33: {  	[tilespmem:s14], [sflag:$0x1] =	stream.indirect_vreg.gather [hbm4b:s29+s3], $0x80, v18, vm0, $0xb8;
	[tilespmem:$0x8800] =	vst v63  }
0x34: {  	v42 =	vperm.xlane v17, v11;
	v18 =	vadd.s32 v3, v41;
	s14 =	simm.s32 $0xB80  }
0x35: {  	[tilespmem:s14], [sflag:$0x1] =	stream.indirect_vreg.gather [hbm4b:s29+s3], $0x80, v19, vm0, $0xb8;
	[tilespmem:$0x8800] =	vst v63  }
0x36: {  	v43 =	vperm.xlane v17, v12;
	v19 =	vadd.s32 v3, v42;
	s14 =	simm.s32 $0xC00  }
0x37: {  	[tilespmem:s14], [sflag:$0x1] =	stream.indirect_vreg.gather [hbm4b:s29+s3], $0x80, v40, vm0, $0xb8;
	[tilespmem:$0x8800] =	vst v63  }
0x38: {  	v45 =	vperm.xlane v17, v13;
	v44 =	vadd.s32 v3, v43;
	s14 =	simm.s32 $0xC80  }
0x39: {  	[tilespmem:s14], [sflag:$0x1] =	stream.indirect_vreg.gather [hbm4b:s29+s3], $0x80, v18, vm0, $0xb8;
	[tilespmem:$0x8800] =	vst v63  }
0x3a: {  	v46 =	vperm.xlane v17, v14;
	v18 =	vadd.s32 v3, v45;
	s14 =	simm.s32 $0xD00  }
0x3b: {  	[tilespmem:s14], [sflag:$0x1] =	stream.indirect_vreg.gather [hbm4b:s29+s3], $0x80, v19, vm0, $0xb8;
	[tilespmem:$0x8800] =	vst v63  }
0x3c: {  	v47 =	vperm.xlane v17, v15;
	v19 =	vadd.s32 v3, v46;
	s14 =	simm.s32 $0xD80  }
0x3d: {  	[tilespmem:s14], [sflag:$0x1] =	stream.indirect_vreg.gather [hbm4b:s29+s3], $0x80, v44, vm0, $0xb8;
	[tilespmem:$0x8800] =	vst v63  }
0x3e: {  	v17 =	vperm.xlane v17, v16;
	v48 =	vadd.s32 v3, v47;
	s14 =	simm.s32 $0xE00  }
0x3f: {  	[tilespmem:s14], [sflag:$0x1] =	stream.indirect_vreg.gather [hbm4b:s29+s3], $0x80, v18, vm0, $0xb8;
	[tilespmem:$0x8800] =	vst v63  }
0x40: {  	v17 =	vadd.s32 v3, v17;
	s14 =	simm.s32 $0xE80  }
0x41: {  	[tilespmem:s14], [sflag:$0x1] =	stream.indirect_vreg.gather [hbm4b:s29+s3], $0x80, v19, vm0, $0xb8;
	[tilespmem:$0x8800] =	vst v63  }
0x42: {  	s14 =	simm.s32 $0xF00  }
0x43: {  	[tilespmem:s14], [sflag:$0x1] =	stream.indirect_vreg.gather [hbm4b:s29+s3], $0x80, v48, vm0, $0xb8;
	[tilespmem:$0x8800] =	vst v63  }
0x44: {  	s14 =	simm.s32 $0xF80  }
0x45: {  	[tilespmem:s14], [sflag:$0x1] =	stream.indirect_vreg.gather [hbm4b:s29+s3], $0x80, v17, vm0, $0xb8;
	[tilespmem:$0x8800] =	vst v63  }
0x46: {  	v17 =	vld [tilespmem:s6+$0x10];
	_ =	sdelay $0x4  }
0x47: {  	v18 =	vshrl.u32 v17, $0x3  }
0x48: {  	v18 =	vmul.u32 $0x278, v18  }
0x49: {  	v17 =	vand.u32 $0x7, v17  }
0x4a: {  	v17 =	vor.u32 v17, v18  }
0x4b: {  	v18 =	vperm.xlane v17, v2;
	_ =	sdelay $0x1  }
0x4c: {  	v19 =	vperm.xlane v17, v4;
	v18 =	vadd.s32 v3, v18;
	_ =	sdelay $0x1  }
0x4d: {  	v49 =	vperm.xlane v17, v5;
	v19 =	vadd.s32 v3, v19;
	_ =	sdelay $0x1  }
0x4e: {  	s14 =	simm.s32 $0x1000;
	v50 =	vperm.xlane v17, v0;
	v20 =	vadd.s32 v3, v49  }
0x4f: {  	[tilespmem:s14], [sflag:$0x1] =	stream.indirect_vreg.gather [hbm4b:s29+s3], $0x80, v18, vm0, $0xb8;
	[tilespmem:$0x8800] =	vst v63  }
0x50: {  	v51 =	vperm.xlane v17, v6;
	v18 =	vadd.s32 v3, v50;
	s14 =	simm.s32 $0x1080  }
0x51: {  	[tilespmem:s14], [sflag:$0x1] =	stream.indirect_vreg.gather [hbm4b:s29+s3], $0x80, v19, vm0, $0xb8;
	[tilespmem:$0x8800] =	vst v63  }
0x52: {  	v52 =	vperm.xlane v17, v7;
	v19 =	vadd.s32 v3, v51;
	s14 =	simm.s32 $0x1100  }
0x53: {  	[tilespmem:s14], [sflag:$0x1] =	stream.indirect_vreg.gather [hbm4b:s29+s3], $0x80, v20, vm0, $0xb8;
	[tilespmem:$0x8800] =	vst v63  }
0x54: {  	v54 =	vperm.xlane v17, v8;
	v53 =	vadd.s32 v3, v52;
	s14 =	simm.s32 $0x1180  }
0x55: {  	[tilespmem:s14], [sflag:$0x1] =	stream.indirect_vreg.gather [hbm4b:s29+s3], $0x80, v18, vm0, $0xb8;
	[tilespmem:$0x8800] =	vst v63  }
0x56: {  	v55 =	vperm.xlane v17, v1;
	v18 =	vadd.s32 v3, v54;
	s14 =	simm.s32 $0x1200  }
0x57: {  	[tilespmem:s14], [sflag:$0x1] =	stream.indirect_vreg.gather [hbm4b:s29+s3], $0x80, v19, vm0, $0xb8;
	[tilespmem:$0x8800] =	vst v63  }
0x58: {  	v56 =	vperm.xlane v17, v9;
	v19 =	vadd.s32 v3, v55;
	s14 =	simm.s32 $0x1280  }
0x59: {  	[tilespmem:s14], [sflag:$0x1] =	stream.indirect_vreg.gather [hbm4b:s29+s3], $0x80, v53, vm0, $0xb8;
	[tilespmem:$0x8800] =	vst v63  }
0x5a: {  	v58 =	vperm.xlane v17, v10;
	v57 =	vadd.s32 v3, v56;
	s14 =	simm.s32 $0x1300  }
0x5b: {  	[tilespmem:s14], [sflag:$0x1] =	stream.indirect_vreg.gather [hbm4b:s29+s3], $0x80, v18, vm0, $0xb8;
	[tilespmem:$0x8800] =	vst v63  }
0x5c: {  	v59 =	vperm.xlane v17, v11;
	v18 =	vadd.s32 v3, v58;
	s14 =	simm.s32 $0x1380  }
0x5d: {  	[tilespmem:s14], [sflag:$0x1] =	stream.indirect_vreg.gather [hbm4b:s29+s3], $0x80, v19, vm0, $0xb8;
	[tilespmem:$0x8800] =	vst v63  }
0x5e: {  	v60 =	vperm.xlane v17, v12;
	v19 =	vadd.s32 v3, v59;
	s14 =	simm.s32 $0x1400  }
0x5f: {  	[tilespmem:s14], [sflag:$0x1] =	stream.indirect_vreg.gather [hbm4b:s29+s3], $0x80, v57, vm0, $0xb8;
	[tilespmem:$0x8800] =	vst v63  }
0x60: {  	v62 =	vperm.xlane v17, v13;
	v61 =	vadd.s32 v3, v60;
	s14 =	simm.s32 $0x1480  }
0x61: {  	[tilespmem:s14], [sflag:$0x1] =	stream.indirect_vreg.gather [hbm4b:s29+s3], $0x80, v18, vm0, $0xb8;
	[tilespmem:$0x8800] =	vst v63  }
0x62: {  	v63 =	vperm.xlane v17, v14;
	v18 =	vadd.s32 v3, v62;
	s14 =	simm.s32 $0x1500  }
0x63: {  	[tilespmem:s14], [sflag:$0x1] =	stream.indirect_vreg.gather [hbm4b:s29+s3], $0x80, v19, vm0, $0xb8;
	[tilespmem:$0x8800] =	vst v63  }
0x64: {  	v24 =	vperm.xlane v17, v15;
	v19 =	vadd.s32 v3, v63;
	s14 =	simm.s32 $0x1580  }
0x65: {  	[tilespmem:s14], [sflag:$0x1] =	stream.indirect_vreg.gather [hbm4b:s29+s3], $0x80, v61, vm0, $0xb8;
	[tilespmem:$0x8800] =	vst v63  }
0x66: {  	v17 =	vperm.xlane v17, v16;
	v25 =	vadd.s32 v3, v24;
	s14 =	simm.s32 $0x1600  }
0x67: {  	[tilespmem:s14], [sflag:$0x1] =	stream.indirect_vreg.gather [hbm4b:s29+s3], $0x80, v18, vm0, $0xb8;
	[tilespmem:$0x8800] =	vst v63  }
0x68: {  	v17 =	vadd.s32 v3, v17;
	s14 =	simm.s32 $0x1680  }
0x69: {  	[tilespmem:s14], [sflag:$0x1] =	stream.indirect_vreg.gather [hbm4b:s29+s3], $0x80, v19, vm0, $0xb8;
	[tilespmem:$0x8800] =	vst v63  }
0x6a: {  	s14 =	simm.s32 $0x1700  }
0x6b: {  	[tilespmem:s14], [sflag:$0x1] =	stream.indirect_vreg.gather [hbm4b:s29+s3], $0x80, v25, vm0, $0xb8;
	[tilespmem:$0x8800] =	vst v63  }
0x6c: {  	s14 =	simm.s32 $0x1780  }
0x6d: {  	[tilespmem:s14], [sflag:$0x1] =	stream.indirect_vreg.gather [hbm4b:s29+s3], $0x80, v17, vm0, $0xb8;
	[tilespmem:$0x8800] =	vst v63  }
0x6e: {  	v17 =	vld [tilespmem:s6+$0x20];
	_ =	sdelay $0x4  }
0x6f: {  	v18 =	vshrl.u32 v17, $0x3  }
0x70: {  	v18 =	vmul.u32 $0x278, v18  }
0x71: {  	v17 =	vand.u32 $0x7, v17  }
0x72: {  	v17 =	vor.u32 v17, v18  }
0x73: {  	v18 =	vperm.xlane v17, v2;
	_ =	sdelay $0x1  }
0x74: {  	v19 =	vperm.xlane v17, v4;
	v18 =	vadd.s32 v3, v18;
	_ =	sdelay $0x1  }
0x75: {  	v26 =	vperm.xlane v17, v5;
	v19 =	vadd.s32 v3, v19;
	_ =	sdelay $0x1  }
0x76: {  	s14 =	simm.s32 $0x1800;
	v27 =	vperm.xlane v17, v0;
	v20 =	vadd.s32 v3, v26  }
0x77: {  	[tilespmem:s14], [sflag:$0x1] =	stream.indirect_vreg.gather [hbm4b:s29+s3], $0x80, v18, vm0, $0xb8;
	[tilespmem:$0x8800] =	vst v63  }
0x78: {  	v28 =	vperm.xlane v17, v6;
	v18 =	vadd.s32 v3, v27;
	s14 =	simm.s32 $0x1880  }
0x79: {  	[tilespmem:s14], [sflag:$0x1] =	stream.indirect_vreg.gather [hbm4b:s29+s3], $0x80, v19, vm0, $0xb8;
	[tilespmem:$0x8800] =	vst v63  }
0x7a: {  	v29 =	vperm.xlane v17, v7;
	v19 =	vadd.s32 v3, v28;
	s14 =	simm.s32 $0x1900  }
0x7b: {  	[tilespmem:s14], [sflag:$0x1] =	stream.indirect_vreg.gather [hbm4b:s29+s3], $0x80, v20, vm0, $0xb8;
	[tilespmem:$0x8800] =	vst v63  }
0x7c: {  	v31 =	vperm.xlane v17, v8;
	v30 =	vadd.s32 v3, v29;
	s14 =	simm.s32 $0x1980  }
0x7d: {  	[tilespmem:s14], [sflag:$0x1] =	stream.indirect_vreg.gather [hbm4b:s29+s3], $0x80, v18, vm0, $0xb8;
	[tilespmem:$0x8800] =	vst v63  }
0x7e: {  	v32 =	vperm.xlane v17, v1;
	v18 =	vadd.s32 v3, v31;
	s14 =	simm.s32 $0x1A00  }
0x7f: {  	[tilespmem:s14], [sflag:$0x1] =	stream.indirect_vreg.gather [hbm4b:s29+s3], $0x80, v19, vm0, $0xb8;
	[tilespmem:$0x8800] =	vst v63  }
0x80: {  	v33 =	vperm.xlane v17, v9;
	v19 =	vadd.s32 v3, v32;
	s14 =	simm.s32 $0x1A80  }
0x81: {  	[tilespmem:s14], [sflag:$0x1] =	stream.indirect_vreg.gather [hbm4b:s29+s3], $0x80, v30, vm0, $0xb8;
	[tilespmem:$0x8800] =	vst v63  }
0x82: {  	v35 =	vperm.xlane v17, v10;
	v34 =	vadd.s32 v3, v33;
	s14 =	simm.s32 $0x1B00  }
0x83: {  	[tilespmem:s14], [sflag:$0x1] =	stream.indirect_vreg.gather [hbm4b:s29+s3], $0x80, v18, vm0, $0xb8;
	[tilespmem:$0x8800] =	vst v63  }
0x84: {  	v36 =	vperm.xlane v17, v11;
	v18 =	vadd.s32 v3, v35;
	s14 =	simm.s32 $0x1B80  }
0x85: {  	[tilespmem:s14], [sflag:$0x1] =	stream.indirect_vreg.gather [hbm4b:s29+s3], $0x80, v19, vm0, $0xb8;
	[tilespmem:$0x8800] =	vst v63  }
0x86: {  	v37 =	vperm.xlane v17, v12;
	v19 =	vadd.s32 v3, v36;
	s14 =	simm.s32 $0x1C00  }
0x87: {  	[tilespmem:s14], [sflag:$0x1] =	stream.indirect_vreg.gather [hbm4b:s29+s3], $0x80, v34, vm0, $0xb8;
	[tilespmem:$0x8800] =	vst v63  }
0x88: {  	v39 =	vperm.xlane v17, v13;
	v38 =	vadd.s32 v3, v37;
	s14 =	simm.s32 $0x1C80  }
0x89: {  	[tilespmem:s14], [sflag:$0x1] =	stream.indirect_vreg.gather [hbm4b:s29+s3], $0x80, v18, vm0, $0xb8;
	[tilespmem:$0x8800] =	vst v63  }
0x8a: {  	v40 =	vperm.xlane v17, v14;
	v18 =	vadd.s32 v3, v39;
	s14 =	simm.s32 $0x1D00  }
0x8b: {  	[tilespmem:s14], [sflag:$0x1] =	stream.indirect_vreg.gather [hbm4b:s29+s3], $0x80, v19, vm0, $0xb8;
	[tilespmem:$0x8800] =	vst v63  }
0x8c: {  	v41 =	vperm.xlane v17, v15;
	v19 =	vadd.s32 v3, v40;
	s14 =	simm.s32 $0x1D80  }
0x8d: {  	[tilespmem:s14], [sflag:$0x1] =	stream.indirect_vreg.gather [hbm4b:s29+s3], $0x80, v38, vm0, $0xb8;
	[tilespmem:$0x8800] =	vst v63  }
0x8e: {  	v17 =	vperm.xlane v17, v16;
	v42 =	vadd.s32 v3, v41;
	s14 =	simm.s32 $0x1E00  }
0x8f: {  	[tilespmem:s14], [sflag:$0x1] =	stream.indirect_vreg.gather [hbm4b:s29+s3], $0x80, v18, vm0, $0xb8;
	[tilespmem:$0x8800] =	vst v63  }
0x90: {  	v17 =	vadd.s32 v3, v17;
	s14 =	simm.s32 $0x1E80  }
0x91: {  	[tilespmem:s14], [sflag:$0x1] =	stream.indirect_vreg.gather [hbm4b:s29+s3], $0x80, v19, vm0, $0xb8;
	[tilespmem:$0x8800] =	vst v63  }
0x92: {  	s14 =	simm.s32 $0x1F00  }
0x93: {  	[tilespmem:s14], [sflag:$0x1] =	stream.indirect_vreg.gather [hbm4b:s29+s3], $0x80, v42, vm0, $0xb8;
	[tilespmem:$0x8800] =	vst v63  }
0x94: {  	s14 =	simm.s32 $0x1F80  }
0x95: {  	[tilespmem:s14], [sflag:$0x1] =	stream.indirect_vreg.gather [hbm4b:s29+s3], $0x80, v17, vm0, $0xb8;
	[tilespmem:$0x8800] =	vst v63  }
0x96: {  	v17 =	vld [tilespmem:s6+$0x30];
	_ =	sdelay $0x4  }
0x97: {  	v18 =	vshrl.u32 v17, $0x3  }
0x98: {  	v18 =	vmul.u32 $0x278, v18  }
0x99: {  	v17 =	vand.u32 $0x7, v17  }
0x9a: {  	v17 =	vor.u32 v17, v18  }
0x9b: {  	v18 =	vperm.xlane v17, v2;
	_ =	sdelay $0x1  }
0x9c: {  	v19 =	vperm.xlane v17, v4;
	v18 =	vadd.s32 v3, v18;
	_ =	sdelay $0x1  }
0x9d: {  	v43 =	vperm.xlane v17, v5;
	v19 =	vadd.s32 v3, v19;
	_ =	sdelay $0x1  }
0x9e: {  	s14 =	simm.s32 $0x2000;
	v44 =	vperm.xlane v17, v0;
	v20 =	vadd.s32 v3, v43  }
0x9f: {  	[tilespmem:s14], [sflag:$0x1] =	stream.indirect_vreg.gather [hbm4b:s29+s3], $0x80, v18, vm0, $0xb8;
	[tilespmem:$0x8800] =	vst v63  }
0xa0: {  	v45 =	vperm.xlane v17, v6;
	v18 =	vadd.s32 v3, v44;
	s14 =	simm.s32 $0x2080  }
0xa1: {  	[tilespmem:s14], [sflag:$0x1] =	stream.indirect_vreg.gather [hbm4b:s29+s3], $0x80, v19, vm0, $0xb8;
	[tilespmem:$0x8800] =	vst v63  }
0xa2: {  	v46 =	vperm.xlane v17, v7;
	v19 =	vadd.s32 v3, v45;
	s14 =	simm.s32 $0x2100  }
0xa3: {  	[tilespmem:s14], [sflag:$0x1] =	stream.indirect_vreg.gather [hbm4b:s29+s3], $0x80, v20, vm0, $0xb8;
	[tilespmem:$0x8800] =	vst v63  }
0xa4: {  	v48 =	vperm.xlane v17, v8;
	v47 =	vadd.s32 v3, v46;
	s14 =	simm.s32 $0x2180  }
0xa5: {  	[tilespmem:s14], [sflag:$0x1] =	stream.indirect_vreg.gather [hbm4b:s29+s3], $0x80, v18, vm0, $0xb8;
	[tilespmem:$0x8800] =	vst v63  }
0xa6: {  	v49 =	vperm.xlane v17, v1;
	v18 =	vadd.s32 v3, v48;
	s14 =	simm.s32 $0x2200  }
0xa7: {  	[tilespmem:s14], [sflag:$0x1] =	stream.indirect_vreg.gather [hbm4b:s29+s3], $0x80, v19, vm0, $0xb8;
	[tilespmem:$0x8800] =	vst v63  }
0xa8: {  	v50 =	vperm.xlane v17, v9;
	v19 =	vadd.s32 v3, v49;
	s14 =	simm.s32 $0x2280  }
0xa9: {  	[tilespmem:s14], [sflag:$0x1] =	stream.indirect_vreg.gather [hbm4b:s29+s3], $0x80, v47, vm0, $0xb8;
	[tilespmem:$0x8800] =	vst v63  }
0xaa: {  	v52 =	vperm.xlane v17, v10;
	v51 =	vadd.s32 v3, v50;
	s14 =	simm.s32 $0x2300  }
0xab: {  	[tilespmem:s14], [sflag:$0x1] =	stream.indirect_vreg.gather [hbm4b:s29+s3], $0x80, v18, vm0, $0xb8;
	[tilespmem:$0x8800] =	vst v63  }
0xac: {  	v53 =	vperm.xlane v17, v11;
	v18 =	vadd.s32 v3, v52;
	s14 =	simm.s32 $0x2380  }
0xad: {  	[tilespmem:s14], [sflag:$0x1] =	stream.indirect_vreg.gather [hbm4b:s29+s3], $0x80, v19, vm0, $0xb8;
	[tilespmem:$0x8800] =	vst v63  }
0xae: {  	v54 =	vperm.xlane v17, v12;
	v19 =	vadd.s32 v3, v53;
	s14 =	simm.s32 $0x2400  }
0xaf: {  	[tilespmem:s14], [sflag:$0x1] =	stream.indirect_vreg.gather [hbm4b:s29+s3], $0x80, v51, vm0, $0xb8;
	[tilespmem:$0x8800] =	vst v63  }
0xb0: {  	v56 =	vperm.xlane v17, v13;
	v55 =	vadd.s32 v3, v54;
	s14 =	simm.s32 $0x2480  }
0xb1: {  	[tilespmem:s14], [sflag:$0x1] =	stream.indirect_vreg.gather [hbm4b:s29+s3], $0x80, v18, vm0, $0xb8;
	[tilespmem:$0x8800] =	vst v63  }
0xb2: {  	v57 =	vperm.xlane v17, v14;
	v18 =	vadd.s32 v3, v56;
	s14 =	simm.s32 $0x2500  }
0xb3: {  	[tilespmem:s14], [sflag:$0x1] =	stream.indirect_vreg.gather [hbm4b:s29+s3], $0x80, v19, vm0, $0xb8;
	[tilespmem:$0x8800] =	vst v63  }
0xb4: {  	v58 =	vperm.xlane v17, v15;
	v19 =	vadd.s32 v3, v57;
	s14 =	simm.s32 $0x2580  }
0xb5: {  	[tilespmem:s14], [sflag:$0x1] =	stream.indirect_vreg.gather [hbm4b:s29+s3], $0x80, v55, vm0, $0xb8;
	[tilespmem:$0x8800] =	vst v63  }
0xb6: {  	v17 =	vperm.xlane v17, v16;
	v59 =	vadd.s32 v3, v58;
	s14 =	simm.s32 $0x2600  }
0xb7: {  	[tilespmem:s14], [sflag:$0x1] =	stream.indirect_vreg.gather [hbm4b:s29+s3], $0x80, v18, vm0, $0xb8;
	[tilespmem:$0x8800] =	vst v63  }
0xb8: {  	v17 =	vadd.s32 v3, v17;
	s14 =	simm.s32 $0x2680  }
0xb9: {  	[tilespmem:s14], [sflag:$0x1] =	stream.indirect_vreg.gather [hbm4b:s29+s3], $0x80, v19, vm0, $0xb8;
	[tilespmem:$0x8800] =	vst v63  }
0xba: {  	s14 =	simm.s32 $0x2700  }
0xbb: {  	[tilespmem:s14], [sflag:$0x1] =	stream.indirect_vreg.gather [hbm4b:s29+s3], $0x80, v59, vm0, $0xb8;
	[tilespmem:$0x8800] =	vst v63  }
0xbc: {  	s14 =	simm.s32 $0x2780  }
0xbd: {  	[tilespmem:s14], [sflag:$0x1] =	stream.indirect_vreg.gather [hbm4b:s29+s3], $0x80, v17, vm0, $0xb8;
	[tilespmem:$0x8800] =	vst v63  }
0xbe: {  	v17 =	vld [tilespmem:s6+$0x0];
	_ =	sdelay $0x4  }
0xbf: {  	v18 =	vshrl.u32 v17, $0x3  }
0xc0: {  	v18 =	vmul.u32 $0x278, v18  }
0xc1: {  	v17 =	vand.u32 $0x7, v17  }
0xc2: {  	v17 =	vor.u32 v17, v18  }
0xc3: {  	v18 =	vperm.xlane v17, v2;
	_ =	sdelay $0x1  }
0xc4: {  	v19 =	vperm.xlane v17, v4;
	v18 =	vadd.s32 v3, v18;
	_ =	sdelay $0x1  }
0xc5: {  	v60 =	vperm.xlane v17, v5;
	v19 =	vadd.s32 v3, v19;
	_ =	sdelay $0x1  }
0xc6: {  	s14 =	simm.s32 $0x2800;
	v61 =	vperm.xlane v17, v0;
	v20 =	vadd.s32 v3, v60  }
0xc7: {  	[tilespmem:s14], [sflag:$0x2] =	stream.indirect_vreg.gather [hbm4b:s7+s3], $0x80, v18, vm0, $0xb8;
	[tilespmem:$0x8800] =	vst v63  }
0xc8: {  	s18 =	simm.s32 $0x2880;
	v62 =	vperm.xlane v17, v6;
	v18 =	vadd.s32 v3, v61  }
0xc9: {  	[tilespmem:s18], [sflag:$0x2] =	stream.indirect_vreg.gather [hbm4b:s7+s3], $0x80, v19, vm0, $0xb8;
	[tilespmem:$0x8800] =	vst v63  }
0xca: {  	v63 =	vperm.xlane v17, v7;
	v19 =	vadd.s32 v3, v62;
	s18 =	simm.s32 $0x2900  }
0xcb: {  	[tilespmem:s18], [sflag:$0x2] =	stream.indirect_vreg.gather [hbm4b:s7+s3], $0x80, v20, vm0, $0xb8;
	[tilespmem:$0x8800] =	vst v63  }
0xcc: {  	v25 =	vperm.xlane v17, v8;
	v24 =	vadd.s32 v3, v63;
	s18 =	simm.s32 $0x2980  }
0xcd: {  	[tilespmem:s18], [sflag:$0x2] =	stream.indirect_vreg.gather [hbm4b:s7+s3], $0x80, v18, vm0, $0xb8;
	[tilespmem:$0x8800] =	vst v63  }
0xce: {  	v26 =	vperm.xlane v17, v1;
	v18 =	vadd.s32 v3, v25;
	s18 =	simm.s32 $0x2A00  }
0xcf: {  	[tilespmem:s18], [sflag:$0x2] =	stream.indirect_vreg.gather [hbm4b:s7+s3], $0x80, v19, vm0, $0xb8;
	[tilespmem:$0x8800] =	vst v63  }
0xd0: {  	v27 =	vperm.xlane v17, v9;
	v19 =	vadd.s32 v3, v26;
	s18 =	simm.s32 $0x2A80  }
0xd1: {  	[tilespmem:s18], [sflag:$0x2] =	stream.indirect_vreg.gather [hbm4b:s7+s3], $0x80, v24, vm0, $0xb8;
	[tilespmem:$0x8800] =	vst v63  }
0xd2: {  	v29 =	vperm.xlane v17, v10;
	v28 =	vadd.s32 v3, v27;
	s18 =	simm.s32 $0x2B00  }
0xd3: {  	[tilespmem:s18], [sflag:$0x2] =	stream.indirect_vreg.gather [hbm4b:s7+s3], $0x80, v18, vm0, $0xb8;
	[tilespmem:$0x8800] =	vst v63  }
0xd4: {  	v30 =	vperm.xlane v17, v11;
	v18 =	vadd.s32 v3, v29;
	s18 =	simm.s32 $0x2B80  }
0xd5: {  	[tilespmem:s18], [sflag:$0x2] =	stream.indirect_vreg.gather [hbm4b:s7+s3], $0x80, v19, vm0, $0xb8;
	[tilespmem:$0x8800] =	vst v63  }
0xd6: {  	v31 =	vperm.xlane v17, v12;
	v19 =	vadd.s32 v3, v30;
	s18 =	simm.s32 $0x2C00  }
0xd7: {  	[tilespmem:s18], [sflag:$0x2] =	stream.indirect_vreg.gather [hbm4b:s7+s3], $0x80, v28, vm0, $0xb8;
	[tilespmem:$0x8800] =	vst v63  }
0xd8: {  	v33 =	vperm.xlane v17, v13;
	v32 =	vadd.s32 v3, v31;
	s18 =	simm.s32 $0x2C80  }
0xd9: {  	[tilespmem:s18], [sflag:$0x2] =	stream.indirect_vreg.gather [hbm4b:s7+s3], $0x80, v18, vm0, $0xb8;
	[tilespmem:$0x8800] =	vst v63  }
0xda: {  	v34 =	vperm.xlane v17, v14;
	v18 =	vadd.s32 v3, v33;
	s18 =	simm.s32 $0x2D00  }
0xdb: {  	[tilespmem:s18], [sflag:$0x2] =	stream.indirect_vreg.gather [hbm4b:s7+s3], $0x80, v19, vm0, $0xb8;
	[tilespmem:$0x8800] =	vst v63  }
0xdc: {  	v35 =	vperm.xlane v17, v15;
	v19 =	vadd.s32 v3, v34;
	s18 =	simm.s32 $0x2D80  }
0xdd: {  	[tilespmem:s18], [sflag:$0x2] =	stream.indirect_vreg.gather [hbm4b:s7+s3], $0x80, v32, vm0, $0xb8;
	[tilespmem:$0x8800] =	vst v63  }
0xde: {  	v17 =	vperm.xlane v17, v16;
	v36 =	vadd.s32 v3, v35;
	s18 =	simm.s32 $0x2E00  }
0xdf: {  	[tilespmem:s18], [sflag:$0x2] =	stream.indirect_vreg.gather [hbm4b:s7+s3], $0x80, v18, vm0, $0xb8;
	[tilespmem:$0x8800] =	vst v63  }
0xe0: {  	v17 =	vadd.s32 v3, v17;
	s18 =	simm.s32 $0x2E80  }
0xe1: {  	[tilespmem:s18], [sflag:$0x2] =	stream.indirect_vreg.gather [hbm4b:s7+s3], $0x80, v19, vm0, $0xb8;
	[tilespmem:$0x8800] =	vst v63  }
0xe2: {  	s18 =	simm.s32 $0x2F00  }
0xe3: {  	[tilespmem:s18], [sflag:$0x2] =	stream.indirect_vreg.gather [hbm4b:s7+s3], $0x80, v36, vm0, $0xb8;
	[tilespmem:$0x8800] =	vst v63  }
0xe4: {  	s18 =	simm.s32 $0x2F80  }
0xe5: {  	[tilespmem:s18], [sflag:$0x2] =	stream.indirect_vreg.gather [hbm4b:s7+s3], $0x80, v17, vm0, $0xb8;
	[tilespmem:$0x8800] =	vst v63  }
0xe6: {  	v17 =	vld [tilespmem:s6+$0x10];
	_ =	sdelay $0x4  }
0xe7: {  	v18 =	vshrl.u32 v17, $0x3  }
0xe8: {  	v18 =	vmul.u32 $0x278, v18  }
0xe9: {  	v17 =	vand.u32 $0x7, v17  }
0xea: {  	v17 =	vor.u32 v17, v18  }
0xeb: {  	v18 =	vperm.xlane v17, v2;
	_ =	sdelay $0x1  }
0xec: {  	v19 =	vperm.xlane v17, v4;
	v18 =	vadd.s32 v3, v18;
	_ =	sdelay $0x1  }
0xed: {  	v37 =	vperm.xlane v17, v5;
	v19 =	vadd.s32 v3, v19;
	_ =	sdelay $0x1  }
0xee: {  	s18 =	simm.s32 $0x3000;
	v38 =	vperm.xlane v17, v0;
	v20 =	vadd.s32 v3, v37  }
0xef: {  	[tilespmem:s18], [sflag:$0x2] =	stream.indirect_vreg.gather [hbm4b:s7+s3], $0x80, v18, vm0, $0xb8;
	[tilespmem:$0x8800] =	vst v63  }
0xf0: {  	v39 =	vperm.xlane v17, v6;
	v18 =	vadd.s32 v3, v38;
	s18 =	simm.s32 $0x3080  }
0xf1: {  	[tilespmem:s18], [sflag:$0x2] =	stream.indirect_vreg.gather [hbm4b:s7+s3], $0x80, v19, vm0, $0xb8;
	[tilespmem:$0x8800] =	vst v63  }
0xf2: {  	v40 =	vperm.xlane v17, v7;
	v19 =	vadd.s32 v3, v39;
	s18 =	simm.s32 $0x3100  }
0xf3: {  	[tilespmem:s18], [sflag:$0x2] =	stream.indirect_vreg.gather [hbm4b:s7+s3], $0x80, v20, vm0, $0xb8;
	[tilespmem:$0x8800] =	vst v63  }
0xf4: {  	v42 =	vperm.xlane v17, v8;
	v41 =	vadd.s32 v3, v40;
	s18 =	simm.s32 $0x3180  }
0xf5: {  	[tilespmem:s18], [sflag:$0x2] =	stream.indirect_vreg.gather [hbm4b:s7+s3], $0x80, v18, vm0, $0xb8;
	[tilespmem:$0x8800] =	vst v63  }
0xf6: {  	v43 =	vperm.xlane v17, v1;
	v18 =	vadd.s32 v3, v42;
	s18 =	simm.s32 $0x3200  }
0xf7: {  	[tilespmem:s18], [sflag:$0x2] =	stream.indirect_vreg.gather [hbm4b:s7+s3], $0x80, v19, vm0, $0xb8;
	[tilespmem:$0x8800] =	vst v63  }
0xf8: {  	v44 =	vperm.xlane v17, v9;
	v19 =	vadd.s32 v3, v43;
	s18 =	simm.s32 $0x3280  }
0xf9: {  	[tilespmem:s18], [sflag:$0x2] =	stream.indirect_vreg.gather [hbm4b:s7+s3], $0x80, v41, vm0, $0xb8;
	[tilespmem:$0x8800] =	vst v63  }
0xfa: {  	v46 =	vperm.xlane v17, v10;
	v45 =	vadd.s32 v3, v44;
	s18 =	simm.s32 $0x3300  }
0xfb: {  	[tilespmem:s18], [sflag:$0x2] =	stream.indirect_vreg.gather [hbm4b:s7+s3], $0x80, v18, vm0, $0xb8;
	[tilespmem:$0x8800] =	vst v63  }
0xfc: {  	v47 =	vperm.xlane v17, v11;
	v18 =	vadd.s32 v3, v46;
	s18 =	simm.s32 $0x3380  }
0xfd: {  	[tilespmem:s18], [sflag:$0x2] =	stream.indirect_vreg.gather [hbm4b:s7+s3], $0x80, v19, vm0, $0xb8;
	[tilespmem:$0x8800] =	vst v63  }
0xfe: {  	v48 =	vperm.xlane v17, v12;
	v19 =	vadd.s32 v3, v47;
	s18 =	simm.s32 $0x3400  }
0xff: {  	[tilespmem:s18], [sflag:$0x2] =	stream.indirect_vreg.gather [hbm4b:s7+s3], $0x80, v45, vm0, $0xb8;
	[tilespmem:$0x8800] =	vst v63  }
0x100: {  	v50 =	vperm.xlane v17, v13;
	v49 =	vadd.s32 v3, v48;
	s18 =	simm.s32 $0x3480  }
0x101: {  	[tilespmem:s18], [sflag:$0x2] =	stream.indirect_vreg.gather [hbm4b:s7+s3], $0x80, v18, vm0, $0xb8;
	[tilespmem:$0x8800] =	vst v63  }
0x102: {  	v51 =	vperm.xlane v17, v14;
	v18 =	vadd.s32 v3, v50;
	s18 =	simm.s32 $0x3500  }
0x103: {  	[tilespmem:s18], [sflag:$0x2] =	stream.indirect_vreg.gather [hbm4b:s7+s3], $0x80, v19, vm0, $0xb8;
	[tilespmem:$0x8800] =	vst v63  }
0x104: {  	v52 =	vperm.xlane v17, v15;
	v19 =	vadd.s32 v3, v51;
	s18 =	simm.s32 $0x3580  }
0x105: {  	[tilespmem:s18], [sflag:$0x2] =	stream.indirect_vreg.gather [hbm4b:s7+s3], $0x80, v49, vm0, $0xb8;
	[tilespmem:$0x8800] =	vst v63  }
0x106: {  	v17 =	vperm.xlane v17, v16;
	v53 =	vadd.s32 v3, v52;
	s18 =	simm.s32 $0x3600  }
0x107: {  	[tilespmem:s18], [sflag:$0x2] =	stream.indirect_vreg.gather [hbm4b:s7+s3], $0x80, v18, vm0, $0xb8;
	[tilespmem:$0x8800] =	vst v63  }
0x108: {  	v17 =	vadd.s32 v3, v17;
	s18 =	simm.s32 $0x3680  }
0x109: {  	[tilespmem:s18], [sflag:$0x2] =	stream.indirect_vreg.gather [hbm4b:s7+s3], $0x80, v19, vm0, $0xb8;
	[tilespmem:$0x8800] =	vst v63  }
0x10a: {  	s18 =	simm.s32 $0x3700  }
0x10b: {  	[tilespmem:s18], [sflag:$0x2] =	stream.indirect_vreg.gather [hbm4b:s7+s3], $0x80, v53, vm0, $0xb8;
	[tilespmem:$0x8800] =	vst v63  }
0x10c: {  	s18 =	simm.s32 $0x3780  }
0x10d: {  	[tilespmem:s18], [sflag:$0x2] =	stream.indirect_vreg.gather [hbm4b:s7+s3], $0x80, v17, vm0, $0xb8;
	[tilespmem:$0x8800] =	vst v63  }
0x10e: {  	v17 =	vld [tilespmem:s6+$0x20];
	_ =	sdelay $0x4  }
0x10f: {  	v18 =	vshrl.u32 v17, $0x3  }
0x110: {  	v18 =	vmul.u32 $0x278, v18  }
0x111: {  	v17 =	vand.u32 $0x7, v17  }
0x112: {  	v17 =	vor.u32 v17, v18  }
0x113: {  	v18 =	vperm.xlane v17, v2;
	_ =	sdelay $0x1  }
0x114: {  	v19 =	vperm.xlane v17, v4;
	v18 =	vadd.s32 v3, v18;
	_ =	sdelay $0x1  }
0x115: {  	v54 =	vperm.xlane v17, v5;
	v19 =	vadd.s32 v3, v19;
	_ =	sdelay $0x1  }
0x116: {  	s18 =	simm.s32 $0x3800;
	v55 =	vperm.xlane v17, v0;
	v20 =	vadd.s32 v3, v54  }
0x117: {  	[tilespmem:s18], [sflag:$0x2] =	stream.indirect_vreg.gather [hbm4b:s7+s3], $0x80, v18, vm0, $0xb8;
	[tilespmem:$0x8800] =	vst v63  }
0x118: {  	v56 =	vperm.xlane v17, v6;
	v18 =	vadd.s32 v3, v55;
	s18 =	simm.s32 $0x3880  }
0x119: {  	[tilespmem:s18], [sflag:$0x2] =	stream.indirect_vreg.gather [hbm4b:s7+s3], $0x80, v19, vm0, $0xb8;
	[tilespmem:$0x8800] =	vst v63  }
0x11a: {  	v57 =	vperm.xlane v17, v7;
	v19 =	vadd.s32 v3, v56;
	s18 =	simm.s32 $0x3900  }
0x11b: {  	[tilespmem:s18], [sflag:$0x2] =	stream.indirect_vreg.gather [hbm4b:s7+s3], $0x80, v20, vm0, $0xb8;
	[tilespmem:$0x8800] =	vst v63  }
0x11c: {  	v59 =	vperm.xlane v17, v8;
	v58 =	vadd.s32 v3, v57;
	s18 =	simm.s32 $0x3980  }
0x11d: {  	[tilespmem:s18], [sflag:$0x2] =	stream.indirect_vreg.gather [hbm4b:s7+s3], $0x80, v18, vm0, $0xb8;
	[tilespmem:$0x8800] =	vst v63  }
0x11e: {  	v60 =	vperm.xlane v17, v1;
	v18 =	vadd.s32 v3, v59;
	s18 =	simm.s32 $0x3A00  }
0x11f: {  	[tilespmem:s18], [sflag:$0x2] =	stream.indirect_vreg.gather [hbm4b:s7+s3], $0x80, v19, vm0, $0xb8;
	[tilespmem:$0x8800] =	vst v63  }
0x120: {  	v61 =	vperm.xlane v17, v9;
	v19 =	vadd.s32 v3, v60;
	s18 =	simm.s32 $0x3A80  }
0x121: {  	[tilespmem:s18], [sflag:$0x2] =	stream.indirect_vreg.gather [hbm4b:s7+s3], $0x80, v58, vm0, $0xb8;
	[tilespmem:$0x8800] =	vst v63  }
0x122: {  	v63 =	vperm.xlane v17, v10;
	v62 =	vadd.s32 v3, v61;
	s18 =	simm.s32 $0x3B00  }
0x123: {  	[tilespmem:s18], [sflag:$0x2] =	stream.indirect_vreg.gather [hbm4b:s7+s3], $0x80, v18, vm0, $0xb8;
	[tilespmem:$0x8800] =	vst v63  }
0x124: {  	v24 =	vperm.xlane v17, v11;
	v18 =	vadd.s32 v3, v63;
	s18 =	simm.s32 $0x3B80  }
0x125: {  	[tilespmem:s18], [sflag:$0x2] =	stream.indirect_vreg.gather [hbm4b:s7+s3], $0x80, v19, vm0, $0xb8;
	[tilespmem:$0x8800] =	vst v63  }
0x126: {  	v25 =	vperm.xlane v17, v12;
	v19 =	vadd.s32 v3, v24;
	s18 =	simm.s32 $0x3C00  }
0x127: {  	[tilespmem:s18], [sflag:$0x2] =	stream.indirect_vreg.gather [hbm4b:s7+s3], $0x80, v62, vm0, $0xb8;
	[tilespmem:$0x8800] =	vst v63  }
0x128: {  	v27 =	vperm.xlane v17, v13;
	v26 =	vadd.s32 v3, v25;
	s18 =	simm.s32 $0x3C80  }
0x129: {  	[tilespmem:s18], [sflag:$0x2] =	stream.indirect_vreg.gather [hbm4b:s7+s3], $0x80, v18, vm0, $0xb8;
	[tilespmem:$0x8800] =	vst v63  }
0x12a: {  	v28 =	vperm.xlane v17, v14;
	v18 =	vadd.s32 v3, v27;
	s18 =	simm.s32 $0x3D00  }
0x12b: {  	[tilespmem:s18], [sflag:$0x2] =	stream.indirect_vreg.gather [hbm4b:s7+s3], $0x80, v19, vm0, $0xb8;
	[tilespmem:$0x8800] =	vst v63  }
0x12c: {  	v29 =	vperm.xlane v17, v15;
	v19 =	vadd.s32 v3, v28;
	s18 =	simm.s32 $0x3D80  }
0x12d: {  	[tilespmem:s18], [sflag:$0x2] =	stream.indirect_vreg.gather [hbm4b:s7+s3], $0x80, v26, vm0, $0xb8;
	[tilespmem:$0x8800] =	vst v63  }
0x12e: {  	v17 =	vperm.xlane v17, v16;
	v30 =	vadd.s32 v3, v29;
	s18 =	simm.s32 $0x3E00  }
0x12f: {  	[tilespmem:s18], [sflag:$0x2] =	stream.indirect_vreg.gather [hbm4b:s7+s3], $0x80, v18, vm0, $0xb8;
	[tilespmem:$0x8800] =	vst v63  }
0x130: {  	v17 =	vadd.s32 v3, v17;
	s18 =	simm.s32 $0x3E80  }
0x131: {  	[tilespmem:s18], [sflag:$0x2] =	stream.indirect_vreg.gather [hbm4b:s7+s3], $0x80, v19, vm0, $0xb8;
	[tilespmem:$0x8800] =	vst v63  }
0x132: {  	s18 =	simm.s32 $0x3F00  }
0x133: {  	[tilespmem:s18], [sflag:$0x2] =	stream.indirect_vreg.gather [hbm4b:s7+s3], $0x80, v30, vm0, $0xb8;
	[tilespmem:$0x8800] =	vst v63  }
0x134: {  	s18 =	simm.s32 $0x3F80  }
0x135: {  	[tilespmem:s18], [sflag:$0x2] =	stream.indirect_vreg.gather [hbm4b:s7+s3], $0x80, v17, vm0, $0xb8;
	[tilespmem:$0x8800] =	vst v63  }
0x136: {  	v17 =	vld [tilespmem:s6+$0x30];
	_ =	sdelay $0x4  }
0x137: {  	v18 =	vshrl.u32 v17, $0x3  }
0x138: {  	v18 =	vmul.u32 $0x278, v18  }
0x139: {  	v17 =	vand.u32 $0x7, v17  }
0x13a: {  	v17 =	vor.u32 v17, v18  }
0x13b: {  	v18 =	vperm.xlane v17, v2;
	_ =	sdelay $0x1  }
0x13c: {  	v19 =	vperm.xlane v17, v4;
	v18 =	vadd.s32 v3, v18;
	_ =	sdelay $0x1  }
0x13d: {  	v31 =	vperm.xlane v17, v5;
	v19 =	vadd.s32 v3, v19;
	_ =	sdelay $0x1  }
0x13e: {  	s18 =	simm.s32 $0x4000;
	v32 =	vperm.xlane v17, v0;
	v20 =	vadd.s32 v3, v31  }
0x13f: {  	[tilespmem:s18], [sflag:$0x2] =	stream.indirect_vreg.gather [hbm4b:s7+s3], $0x80, v18, vm0, $0xb8;
	[tilespmem:$0x8800] =	vst v63  }
0x140: {  	v33 =	vperm.xlane v17, v6;
	v18 =	vadd.s32 v3, v32;
	s18 =	simm.s32 $0x4080  }
0x141: {  	[tilespmem:s18], [sflag:$0x2] =	stream.indirect_vreg.gather [hbm4b:s7+s3], $0x80, v19, vm0, $0xb8;
	[tilespmem:$0x8800] =	vst v63  }
0x142: {  	v34 =	vperm.xlane v17, v7;
	v19 =	vadd.s32 v3, v33;
	s18 =	simm.s32 $0x4100  }
0x143: {  	[tilespmem:s18], [sflag:$0x2] =	stream.indirect_vreg.gather [hbm4b:s7+s3], $0x80, v20, vm0, $0xb8;
	[tilespmem:$0x8800] =	vst v63  }
0x144: {  	v36 =	vperm.xlane v17, v8;
	v35 =	vadd.s32 v3, v34;
	s18 =	simm.s32 $0x4180  }
0x145: {  	[tilespmem:s18], [sflag:$0x2] =	stream.indirect_vreg.gather [hbm4b:s7+s3], $0x80, v18, vm0, $0xb8;
	[tilespmem:$0x8800] =	vst v63  }
0x146: {  	v37 =	vperm.xlane v17, v1;
	v18 =	vadd.s32 v3, v36;
	s18 =	simm.s32 $0x4200  }
0x147: {  	[tilespmem:s18], [sflag:$0x2] =	stream.indirect_vreg.gather [hbm4b:s7+s3], $0x80, v19, vm0, $0xb8;
	[tilespmem:$0x8800] =	vst v63  }
0x148: {  	v38 =	vperm.xlane v17, v9;
	v19 =	vadd.s32 v3, v37;
	s18 =	simm.s32 $0x4280  }
0x149: {  	[tilespmem:s18], [sflag:$0x2] =	stream.indirect_vreg.gather [hbm4b:s7+s3], $0x80, v35, vm0, $0xb8;
	[tilespmem:$0x8800] =	vst v63  }
0x14a: {  	v40 =	vperm.xlane v17, v10;
	v39 =	vadd.s32 v3, v38;
	s18 =	simm.s32 $0x4300  }
0x14b: {  	[tilespmem:s18], [sflag:$0x2] =	stream.indirect_vreg.gather [hbm4b:s7+s3], $0x80, v18, vm0, $0xb8;
	[tilespmem:$0x8800] =	vst v63  }
0x14c: {  	v41 =	vperm.xlane v17, v11;
	v18 =	vadd.s32 v3, v40;
	s18 =	simm.s32 $0x4380  }
0x14d: {  	[tilespmem:s18], [sflag:$0x2] =	stream.indirect_vreg.gather [hbm4b:s7+s3], $0x80, v19, vm0, $0xb8;
	[tilespmem:$0x8800] =	vst v63  }
0x14e: {  	v42 =	vperm.xlane v17, v12;
	v19 =	vadd.s32 v3, v41;
	s18 =	simm.s32 $0x4400  }
0x14f: {  	[tilespmem:s18], [sflag:$0x2] =	stream.indirect_vreg.gather [hbm4b:s7+s3], $0x80, v39, vm0, $0xb8;
	[tilespmem:$0x8800] =	vst v63  }
0x150: {  	v44 =	vperm.xlane v17, v13;
	v43 =	vadd.s32 v3, v42;
	s18 =	simm.s32 $0x4480  }
0x151: {  	[tilespmem:s18], [sflag:$0x2] =	stream.indirect_vreg.gather [hbm4b:s7+s3], $0x80, v18, vm0, $0xb8;
	[tilespmem:$0x8800] =	vst v63  }
0x152: {  	v45 =	vperm.xlane v17, v14;
	v18 =	vadd.s32 v3, v44;
	s18 =	simm.s32 $0x4500  }
0x153: {  	[tilespmem:s18], [sflag:$0x2] =	stream.indirect_vreg.gather [hbm4b:s7+s3], $0x80, v19, vm0, $0xb8;
	[tilespmem:$0x8800] =	vst v63  }
0x154: {  	v46 =	vperm.xlane v17, v15;
	v19 =	vadd.s32 v3, v45;
	s18 =	simm.s32 $0x4580  }
0x155: {  	[tilespmem:s18], [sflag:$0x2] =	stream.indirect_vreg.gather [hbm4b:s7+s3], $0x80, v43, vm0, $0xb8;
	[tilespmem:$0x8800] =	vst v63  }
0x156: {  	v17 =	vperm.xlane v17, v16;
	v47 =	vadd.s32 v3, v46;
	s18 =	simm.s32 $0x4600  }
0x157: {  	[tilespmem:s18], [sflag:$0x2] =	stream.indirect_vreg.gather [hbm4b:s7+s3], $0x80, v18, vm0, $0xb8;
	[tilespmem:$0x8800] =	vst v63  }
0x158: {  	v17 =	vadd.s32 v3, v17;
	s18 =	simm.s32 $0x4680  }
0x159: {  	[tilespmem:s18], [sflag:$0x2] =	stream.indirect_vreg.gather [hbm4b:s7+s3], $0x80, v19, vm0, $0xb8;
	[tilespmem:$0x8800] =	vst v63  }
0x15a: {  	s18 =	simm.s32 $0x4700  }
0x15b: {  	[tilespmem:s18], [sflag:$0x2] =	stream.indirect_vreg.gather [hbm4b:s7+s3], $0x80, v47, vm0, $0xb8;
	[tilespmem:$0x8800] =	vst v63  }
0x15c: {  	s18 =	simm.s32 $0x4780  }
0x15d: {  	[tilespmem:s18], [sflag:$0x2] =	stream.indirect_vreg.gather [hbm4b:s7+s3], $0x80, v17, vm0, $0xb8;
	[tilespmem:$0x8800] =	vst v63  }
0x15e: {  	v17 =	vld [tilespmem:s6+$0x0];
	_ =	sdelay $0x4  }
0x15f: {  	v18 =	vshrl.u32 v17, $0x3  }
0x160: {  	v18 =	vmul.u32 $0x278, v18  }
0x161: {  	v17 =	vand.u32 $0x7, v17  }
0x162: {  	v17 =	vor.u32 v17, v18  }
0x163: {  	v18 =	vperm.xlane v17, v2;
	_ =	sdelay $0x1  }
0x164: {  	v19 =	vperm.xlane v17, v4;
	v18 =	vadd.s32 v3, v18;
	_ =	sdelay $0x1  }
0x165: {  	v48 =	vperm.xlane v17, v5;
	v19 =	vadd.s32 v3, v19;
	_ =	sdelay $0x1  }
0x166: {  	v49 =	vperm.xlane v17, v0;
	v20 =	vadd.s32 v3, v48  }
0x167: {  	[tilespmem:s9], [sflag:$0x3] =	stream.indirect_vreg.gather [hbm4b:s8+s3], $0x80, v18, vm0, $0xb8;
	[tilespmem:$0x8800] =	vst v63  }
0x168: {  	v50 =	vperm.xlane v17, v6;
	v18 =	vadd.s32 v3, v49  }
0x169: {  	[tilespmem:s19], [sflag:$0x3] =	stream.indirect_vreg.gather [hbm4b:s8+s3], $0x80, v19, vm0, $0xb8;
	[tilespmem:$0x8800] =	vst v63  }
0x16a: {  	v51 =	vperm.xlane v17, v7;
	v19 =	vadd.s32 v3, v50  }
0x16b: {  	[tilespmem:s20], [sflag:$0x3] =	stream.indirect_vreg.gather [hbm4b:s8+s3], $0x80, v20, vm0, $0xb8;
	[tilespmem:$0x8800] =	vst v63  }
0x16c: {  	v53 =	vperm.xlane v17, v8;
	v52 =	vadd.s32 v3, v51  }
0x16d: {  	[tilespmem:s22], [sflag:$0x3] =	stream.indirect_vreg.gather [hbm4b:s8+s3], $0x80, v18, vm0, $0xb8;
	[tilespmem:$0x8800] =	vst v63  }
0x16e: {  	v54 =	vperm.xlane v17, v1;
	v18 =	vadd.s32 v3, v53  }
0x16f: {  	[tilespmem:s15], [sflag:$0x3] =	stream.indirect_vreg.gather [hbm4b:s8+s3], $0x80, v19, vm0, $0xb8;
	[tilespmem:$0x8800] =	vst v63  }
0x170: {  	v55 =	vperm.xlane v17, v9;
	v19 =	vadd.s32 v3, v54  }
0x171: {  	[tilespmem:s25], [sflag:$0x3] =	stream.indirect_vreg.gather [hbm4b:s8+s3], $0x80, v52, vm0, $0xb8;
	[tilespmem:$0x8800] =	vst v63  }
0x172: {  	v57 =	vperm.xlane v17, v10;
	v56 =	vadd.s32 v3, v55  }
0x173: {  	[tilespmem:s1], [sflag:$0x3] =	stream.indirect_vreg.gather [hbm4b:s8+s3], $0x80, v18, vm0, $0xb8;
	[tilespmem:$0x8800] =	vst v63  }
0x174: {  	v58 =	vperm.xlane v17, v11;
	v18 =	vadd.s32 v3, v57  }
0x175: {  	[tilespmem:s5], [sflag:$0x3] =	stream.indirect_vreg.gather [hbm4b:s8+s3], $0x80, v19, vm0, $0xb8;
	[tilespmem:$0x8800] =	vst v63  }
0x176: {  	v59 =	vperm.xlane v17, v12;
	v19 =	vadd.s32 v3, v58  }
0x177: {  	[tilespmem:s17], [sflag:$0x3] =	stream.indirect_vreg.gather [hbm4b:s8+s3], $0x80, v56, vm0, $0xb8;
	[tilespmem:$0x8800] =	vst v63  }
0x178: {  	v61 =	vperm.xlane v17, v13;
	v60 =	vadd.s32 v3, v59  }
0x179: {  	[tilespmem:s26], [sflag:$0x3] =	stream.indirect_vreg.gather [hbm4b:s8+s3], $0x80, v18, vm0, $0xb8;
	[tilespmem:$0x8800] =	vst v63  }
0x17a: {  	v62 =	vperm.xlane v17, v14;
	v18 =	vadd.s32 v3, v61  }
0x17b: {  	[tilespmem:s30], [sflag:$0x3] =	stream.indirect_vreg.gather [hbm4b:s8+s3], $0x80, v19, vm0, $0xb8;
	[tilespmem:$0x8800] =	vst v63  }
0x17c: {  	v63 =	vperm.xlane v17, v15;
	v19 =	vadd.s32 v3, v62  }
0x17d: {  	[tilespmem:s31], [sflag:$0x3] =	stream.indirect_vreg.gather [hbm4b:s8+s3], $0x80, v60, vm0, $0xb8;
	[tilespmem:$0x8800] =	vst v63  }
0x17e: {  	s18 =	simm.s32 $0x4E00;
	v17 =	vperm.xlane v17, v16;
	v24 =	vadd.s32 v3, v63  }
0x17f: {  	[tilespmem:s18], [sflag:$0x3] =	stream.indirect_vreg.gather [hbm4b:s8+s3], $0x80, v18, vm0, $0xb8;
	[tilespmem:$0x8800] =	vst v63  }
0x180: {  	v17 =	vadd.s32 v3, v17;
	s19 =	simm.s32 $0x4E80  }
0x181: {  	[tilespmem:s19], [sflag:$0x3] =	stream.indirect_vreg.gather [hbm4b:s8+s3], $0x80, v19, vm0, $0xb8;
	[tilespmem:$0x8800] =	vst v63  }
0x182: {  	s20 =	simm.s32 $0x4F00  }
0x183: {  	[tilespmem:s20], [sflag:$0x3] =	stream.indirect_vreg.gather [hbm4b:s8+s3], $0x80, v24, vm0, $0xb8;
	[tilespmem:$0x8800] =	vst v63  }
0x184: {  	s22 =	simm.s32 $0x4F80  }
0x185: {  	[tilespmem:s22], [sflag:$0x3] =	stream.indirect_vreg.gather [hbm4b:s8+s3], $0x80, v17, vm0, $0xb8;
	[tilespmem:$0x8800] =	vst v63  }
0x186: {  	v17 =	vld [tilespmem:s6+$0x10];
	_ =	sdelay $0x4  }
0x187: {  	v18 =	vshrl.u32 v17, $0x3  }
0x188: {  	v18 =	vmul.u32 $0x278, v18  }
0x189: {  	v17 =	vand.u32 $0x7, v17  }
0x18a: {  	v17 =	vor.u32 v17, v18  }
0x18b: {  	v18 =	vperm.xlane v17, v2;
	_ =	sdelay $0x1  }
0x18c: {  	v19 =	vperm.xlane v17, v4;
	v18 =	vadd.s32 v3, v18;
	_ =	sdelay $0x1  }
0x18d: {  	v25 =	vperm.xlane v17, v5;
	v19 =	vadd.s32 v3, v19;
	_ =	sdelay $0x1  }
0x18e: {  	s25 =	simm.s32 $0x5000;
	v26 =	vperm.xlane v17, v0;
	v20 =	vadd.s32 v3, v25  }
0x18f: {  	[tilespmem:s25], [sflag:$0x3] =	stream.indirect_vreg.gather [hbm4b:s8+s3], $0x80, v18, vm0, $0xb8;
	[tilespmem:$0x8800] =	vst v63  }
0x190: {  	s26 =	simm.s32 $0x5080;
	v27 =	vperm.xlane v17, v6;
	v18 =	vadd.s32 v3, v26  }
0x191: {  	[tilespmem:s26], [sflag:$0x3] =	stream.indirect_vreg.gather [hbm4b:s8+s3], $0x80, v19, vm0, $0xb8;
	[tilespmem:$0x8800] =	vst v63  }
0x192: {  	s5 =	simm.s32 $0x5100;
	v28 =	vperm.xlane v17, v7;
	v19 =	vadd.s32 v3, v27  }
0x193: {  	[tilespmem:s5], [sflag:$0x3] =	stream.indirect_vreg.gather [hbm4b:s8+s3], $0x80, v20, vm0, $0xb8;
	[tilespmem:$0x8800] =	vst v63  }
0x194: {  	s15 =	simm.s32 $0x5180;
	v30 =	vperm.xlane v17, v8;
	v29 =	vadd.s32 v3, v28  }
0x195: {  	[tilespmem:s15], [sflag:$0x3] =	stream.indirect_vreg.gather [hbm4b:s8+s3], $0x80, v18, vm0, $0xb8;
	[tilespmem:$0x8800] =	vst v63  }
0x196: {  	s17 =	simm.s32 $0x5200;
	v31 =	vperm.xlane v17, v1;
	v18 =	vadd.s32 v3, v30  }
0x197: {  	[tilespmem:s17], [sflag:$0x3] =	stream.indirect_vreg.gather [hbm4b:s8+s3], $0x80, v19, vm0, $0xb8;
	[tilespmem:$0x8800] =	vst v63  }
0x198: {  	s18 =	simm.s32 $0x5280;
	v32 =	vperm.xlane v17, v9;
	v19 =	vadd.s32 v3, v31  }
0x199: {  	[tilespmem:s18], [sflag:$0x3] =	stream.indirect_vreg.gather [hbm4b:s8+s3], $0x80, v29, vm0, $0xb8;
	[tilespmem:$0x8800] =	vst v63  }
0x19a: {  	s19 =	simm.s32 $0x5300;
	v34 =	vperm.xlane v17, v10;
	v33 =	vadd.s32 v3, v32  }
0x19b: {  	[tilespmem:s19], [sflag:$0x3] =	stream.indirect_vreg.gather [hbm4b:s8+s3], $0x80, v18, vm0, $0xb8;
	[tilespmem:$0x8800] =	vst v63  }
0x19c: {  	s20 =	simm.s32 $0x5380;
	v35 =	vperm.xlane v17, v11;
	v18 =	vadd.s32 v3, v34  }
0x19d: {  	[tilespmem:s20], [sflag:$0x3] =	stream.indirect_vreg.gather [hbm4b:s8+s3], $0x80, v19, vm0, $0xb8;
	[tilespmem:$0x8800] =	vst v63  }
0x19e: {  	s22 =	simm.s32 $0x5400;
	v36 =	vperm.xlane v17, v12;
	v19 =	vadd.s32 v3, v35  }
0x19f: {  	[tilespmem:s22], [sflag:$0x3] =	stream.indirect_vreg.gather [hbm4b:s8+s3], $0x80, v33, vm0, $0xb8;
	[tilespmem:$0x8800] =	vst v63  }
0x1a0: {  	v38 =	vperm.xlane v17, v13;
	v37 =	vadd.s32 v3, v36;
	s25 =	simm.s32 $0x5480  }
0x1a1: {  	[tilespmem:s25], [sflag:$0x3] =	stream.indirect_vreg.gather [hbm4b:s8+s3], $0x80, v18, vm0, $0xb8;
	[tilespmem:$0x8800] =	vst v63  }
0x1a2: {  	v39 =	vperm.xlane v17, v14;
	s26 =	simm.s32 $0x5500;
	v18 =	vadd.s32 v3, v38  }
0x1a3: {  	[tilespmem:s26], [sflag:$0x3] =	stream.indirect_vreg.gather [hbm4b:s8+s3], $0x80, v19, vm0, $0xb8;
	[tilespmem:$0x8800] =	vst v63  }
0x1a4: {  	v40 =	vperm.xlane v17, v15;
	s5 =	simm.s32 $0x5580;
	v19 =	vadd.s32 v3, v39  }
0x1a5: {  	[tilespmem:s5], [sflag:$0x3] =	stream.indirect_vreg.gather [hbm4b:s8+s3], $0x80, v37, vm0, $0xb8;
	[tilespmem:$0x8800] =	vst v63  }
0x1a6: {  	v17 =	vperm.xlane v17, v16;
	v41 =	vadd.s32 v3, v40;
	s15 =	simm.s32 $0x5600  }
0x1a7: {  	[tilespmem:s15], [sflag:$0x3] =	stream.indirect_vreg.gather [hbm4b:s8+s3], $0x80, v18, vm0, $0xb8;
	[tilespmem:$0x8800] =	vst v63  }
0x1a8: {  	v17 =	vadd.s32 v3, v17;
	s17 =	simm.s32 $0x5680  }
0x1a9: {  	[tilespmem:s17], [sflag:$0x3] =	stream.indirect_vreg.gather [hbm4b:s8+s3], $0x80, v19, vm0, $0xb8;
	[tilespmem:$0x8800] =	vst v63  }
0x1aa: {  	s18 =	simm.s32 $0x5700  }
0x1ab: {  	[tilespmem:s18], [sflag:$0x3] =	stream.indirect_vreg.gather [hbm4b:s8+s3], $0x80, v41, vm0, $0xb8;
	[tilespmem:$0x8800] =	vst v63  }
0x1ac: {  	s19 =	simm.s32 $0x5780  }
0x1ad: {  	[tilespmem:s19], [sflag:$0x3] =	stream.indirect_vreg.gather [hbm4b:s8+s3], $0x80, v17, vm0, $0xb8;
	[tilespmem:$0x8800] =	vst v63  }
0x1ae: {  	v17 =	vld [tilespmem:s6+$0x20];
	_ =	sdelay $0x4  }
0x1af: {  	v18 =	vshrl.u32 v17, $0x3  }
0x1b0: {  	v18 =	vmul.u32 $0x278, v18  }
0x1b1: {  	v17 =	vand.u32 $0x7, v17  }
0x1b2: {  	v17 =	vor.u32 v17, v18  }
0x1b3: {  	v18 =	vperm.xlane v17, v2;
	_ =	sdelay $0x1  }
0x1b4: {  	v19 =	vperm.xlane v17, v4;
	v18 =	vadd.s32 v3, v18;
	_ =	sdelay $0x1  }
0x1b5: {  	v42 =	vperm.xlane v17, v5;
	v19 =	vadd.s32 v3, v19;
	_ =	sdelay $0x1  }
0x1b6: {  	s20 =	simm.s32 $0x5800;
	v43 =	vperm.xlane v17, v0;
	v20 =	vadd.s32 v3, v42  }
0x1b7: {  	[tilespmem:s20], [sflag:$0x3] =	stream.indirect_vreg.gather [hbm4b:s8+s3], $0x80, v18, vm0, $0xb8;
	[tilespmem:$0x8800] =	vst v63  }
0x1b8: {  	s22 =	simm.s32 $0x5880;
	v44 =	vperm.xlane v17, v6;
	v18 =	vadd.s32 v3, v43  }
0x1b9: {  	[tilespmem:s22], [sflag:$0x3] =	stream.indirect_vreg.gather [hbm4b:s8+s3], $0x80, v19, vm0, $0xb8;
	[tilespmem:$0x8800] =	vst v63  }
0x1ba: {  	s25 =	simm.s32 $0x5900;
	v45 =	vperm.xlane v17, v7;
	v19 =	vadd.s32 v3, v44  }
0x1bb: {  	[tilespmem:s25], [sflag:$0x3] =	stream.indirect_vreg.gather [hbm4b:s8+s3], $0x80, v20, vm0, $0xb8;
	[tilespmem:$0x8800] =	vst v63  }
0x1bc: {  	s26 =	simm.s32 $0x5980;
	v47 =	vperm.xlane v17, v8;
	v46 =	vadd.s32 v3, v45  }
0x1bd: {  	[tilespmem:s26], [sflag:$0x3] =	stream.indirect_vreg.gather [hbm4b:s8+s3], $0x80, v18, vm0, $0xb8;
	[tilespmem:$0x8800] =	vst v63  }
0x1be: {  	s5 =	simm.s32 $0x5A00;
	v48 =	vperm.xlane v17, v1;
	v18 =	vadd.s32 v3, v47  }
0x1bf: {  	[tilespmem:s5], [sflag:$0x3] =	stream.indirect_vreg.gather [hbm4b:s8+s3], $0x80, v19, vm0, $0xb8;
	[tilespmem:$0x8800] =	vst v63  }
0x1c0: {  	s15 =	simm.s32 $0x5A80;
	v49 =	vperm.xlane v17, v9;
	v19 =	vadd.s32 v3, v48  }
0x1c1: {  	[tilespmem:s15], [sflag:$0x3] =	stream.indirect_vreg.gather [hbm4b:s8+s3], $0x80, v46, vm0, $0xb8;
	[tilespmem:$0x8800] =	vst v63  }
0x1c2: {  	s17 =	simm.s32 $0x5B00;
	v51 =	vperm.xlane v17, v10;
	v50 =	vadd.s32 v3, v49  }
0x1c3: {  	[tilespmem:s17], [sflag:$0x3] =	stream.indirect_vreg.gather [hbm4b:s8+s3], $0x80, v18, vm0, $0xb8;
	[tilespmem:$0x8800] =	vst v63  }
0x1c4: {  	s18 =	simm.s32 $0x5B80;
	v52 =	vperm.xlane v17, v11;
	v18 =	vadd.s32 v3, v51  }
0x1c5: {  	[tilespmem:s18], [sflag:$0x3] =	stream.indirect_vreg.gather [hbm4b:s8+s3], $0x80, v19, vm0, $0xb8;
	[tilespmem:$0x8800] =	vst v63  }
0x1c6: {  	s19 =	simm.s32 $0x5C00;
	v53 =	vperm.xlane v17, v12;
	v19 =	vadd.s32 v3, v52  }
0x1c7: {  	[tilespmem:s19], [sflag:$0x3] =	stream.indirect_vreg.gather [hbm4b:s8+s3], $0x80, v50, vm0, $0xb8;
	[tilespmem:$0x8800] =	vst v63  }
0x1c8: {  	v55 =	vperm.xlane v17, v13;
	v54 =	vadd.s32 v3, v53;
	s20 =	simm.s32 $0x5C80  }
0x1c9: {  	[tilespmem:s20], [sflag:$0x3] =	stream.indirect_vreg.gather [hbm4b:s8+s3], $0x80, v18, vm0, $0xb8;
	[tilespmem:$0x8800] =	vst v63  }
0x1ca: {  	v56 =	vperm.xlane v17, v14;
	s22 =	simm.s32 $0x5D00;
	v18 =	vadd.s32 v3, v55  }
0x1cb: {  	[tilespmem:s22], [sflag:$0x3] =	stream.indirect_vreg.gather [hbm4b:s8+s3], $0x80, v19, vm0, $0xb8;
	[tilespmem:$0x8800] =	vst v63  }
0x1cc: {  	v57 =	vperm.xlane v17, v15;
	s25 =	simm.s32 $0x5D80;
	v19 =	vadd.s32 v3, v56  }
0x1cd: {  	[tilespmem:s25], [sflag:$0x3] =	stream.indirect_vreg.gather [hbm4b:s8+s3], $0x80, v54, vm0, $0xb8;
	[tilespmem:$0x8800] =	vst v63  }
0x1ce: {  	v17 =	vperm.xlane v17, v16;
	v58 =	vadd.s32 v3, v57;
	s26 =	simm.s32 $0x5E00  }
0x1cf: {  	[tilespmem:s26], [sflag:$0x3] =	stream.indirect_vreg.gather [hbm4b:s8+s3], $0x80, v18, vm0, $0xb8;
	[tilespmem:$0x8800] =	vst v63  }
0x1d0: {  	v17 =	vadd.s32 v3, v17;
	s5 =	simm.s32 $0x5E80  }
0x1d1: {  	[tilespmem:s5], [sflag:$0x3] =	stream.indirect_vreg.gather [hbm4b:s8+s3], $0x80, v19, vm0, $0xb8;
	[tilespmem:$0x8800] =	vst v63  }
0x1d2: {  	s15 =	simm.s32 $0x5F00  }
0x1d3: {  	[tilespmem:s15], [sflag:$0x3] =	stream.indirect_vreg.gather [hbm4b:s8+s3], $0x80, v58, vm0, $0xb8;
	[tilespmem:$0x8800] =	vst v63  }
0x1d4: {  	s17 =	simm.s32 $0x5F80  }
0x1d5: {  	[tilespmem:s17], [sflag:$0x3] =	stream.indirect_vreg.gather [hbm4b:s8+s3], $0x80, v17, vm0, $0xb8;
	[tilespmem:$0x8800] =	vst v63  }
0x1d6: {  	v17 =	vld [tilespmem:s6+$0x30];
	_ =	sdelay $0x4  }
0x1d7: {  	v18 =	vshrl.u32 v17, $0x3  }
0x1d8: {  	v18 =	vmul.u32 $0x278, v18  }
0x1d9: {  	v17 =	vand.u32 $0x7, v17  }
0x1da: {  	v17 =	vor.u32 v17, v18  }
0x1db: {  	v18 =	vperm.xlane v17, v2;
	_ =	sdelay $0x1  }
0x1dc: {  	v19 =	vperm.xlane v17, v4;
	v18 =	vadd.s32 v3, v18;
	_ =	sdelay $0x1  }
0x1dd: {  	v59 =	vperm.xlane v17, v5;
	v19 =	vadd.s32 v3, v19;
	_ =	sdelay $0x1  }
0x1de: {  	s18 =	simm.s32 $0x6000;
	v60 =	vperm.xlane v17, v0;
	v20 =	vadd.s32 v3, v59  }
0x1df: {  	[tilespmem:s18], [sflag:$0x3] =	stream.indirect_vreg.gather [hbm4b:s8+s3], $0x80, v18, vm0, $0xb8;
	[tilespmem:$0x8800] =	vst v63  }
0x1e0: {  	s19 =	simm.s32 $0x6080;
	v61 =	vperm.xlane v17, v6;
	v18 =	vadd.s32 v3, v60  }
0x1e1: {  	[tilespmem:s19], [sflag:$0x3] =	stream.indirect_vreg.gather [hbm4b:s8+s3], $0x80, v19, vm0, $0xb8;
	[tilespmem:$0x8800] =	vst v63  }
0x1e2: {  	s20 =	simm.s32 $0x6100;
	v62 =	vperm.xlane v17, v7;
	v19 =	vadd.s32 v3, v61  }
0x1e3: {  	[tilespmem:s20], [sflag:$0x3] =	stream.indirect_vreg.gather [hbm4b:s8+s3], $0x80, v20, vm0, $0xb8;
	[tilespmem:$0x8800] =	vst v63  }
0x1e4: {  	s22 =	simm.s32 $0x6180;
	v24 =	vperm.xlane v17, v8;
	v63 =	vadd.s32 v3, v62  }
0x1e5: {  	[tilespmem:s22], [sflag:$0x3] =	stream.indirect_vreg.gather [hbm4b:s8+s3], $0x80, v18, vm0, $0xb8;
	[tilespmem:$0x8800] =	vst v63  }
0x1e6: {  	s25 =	simm.s32 $0x6200;
	v25 =	vperm.xlane v17, v1;
	v18 =	vadd.s32 v3, v24  }
0x1e7: {  	[tilespmem:s25], [sflag:$0x3] =	stream.indirect_vreg.gather [hbm4b:s8+s3], $0x80, v19, vm0, $0xb8;
	[tilespmem:$0x8800] =	vst v63  }
0x1e8: {  	s26 =	simm.s32 $0x6280;
	v26 =	vperm.xlane v17, v9;
	v19 =	vadd.s32 v3, v25  }
0x1e9: {  	[tilespmem:s26], [sflag:$0x3] =	stream.indirect_vreg.gather [hbm4b:s8+s3], $0x80, v63, vm0, $0xb8;
	[tilespmem:$0x8800] =	vst v63  }
0x1ea: {  	s5 =	simm.s32 $0x6300;
	v28 =	vperm.xlane v17, v10;
	v27 =	vadd.s32 v3, v26  }
0x1eb: {  	[tilespmem:s5], [sflag:$0x3] =	stream.indirect_vreg.gather [hbm4b:s8+s3], $0x80, v18, vm0, $0xb8;
	[tilespmem:$0x8800] =	vst v63  }
0x1ec: {  	s15 =	simm.s32 $0x6380;
	v29 =	vperm.xlane v17, v11;
	v18 =	vadd.s32 v3, v28  }
0x1ed: {  	[tilespmem:s15], [sflag:$0x3] =	stream.indirect_vreg.gather [hbm4b:s8+s3], $0x80, v19, vm0, $0xb8;
	[tilespmem:$0x8800] =	vst v63  }
0x1ee: {  	s17 =	simm.s32 $0x6400;
	v30 =	vperm.xlane v17, v12;
	v19 =	vadd.s32 v3, v29  }
0x1ef: {  	[tilespmem:s17], [sflag:$0x3] =	stream.indirect_vreg.gather [hbm4b:s8+s3], $0x80, v27, vm0, $0xb8;
	[tilespmem:$0x8800] =	vst v63  }
0x1f0: {  	v32 =	vperm.xlane v17, v13;
	v31 =	vadd.s32 v3, v30;
	s18 =	simm.s32 $0x6480  }
0x1f1: {  	[tilespmem:s18], [sflag:$0x3] =	stream.indirect_vreg.gather [hbm4b:s8+s3], $0x80, v18, vm0, $0xb8;
	[tilespmem:$0x8800] =	vst v63  }
0x1f2: {  	v33 =	vperm.xlane v17, v14;
	s19 =	simm.s32 $0x6500;
	v18 =	vadd.s32 v3, v32  }
0x1f3: {  	[tilespmem:s19], [sflag:$0x3] =	stream.indirect_vreg.gather [hbm4b:s8+s3], $0x80, v19, vm0, $0xb8;
	[tilespmem:$0x8800] =	vst v63  }
0x1f4: {  	v34 =	vperm.xlane v17, v15;
	s20 =	simm.s32 $0x6580;
	v19 =	vadd.s32 v3, v33  }
0x1f5: {  	[tilespmem:s20], [sflag:$0x3] =	stream.indirect_vreg.gather [hbm4b:s8+s3], $0x80, v31, vm0, $0xb8;
	[tilespmem:$0x8800] =	vst v63  }
0x1f6: {  	v17 =	vperm.xlane v17, v16;
	v35 =	vadd.s32 v3, v34;
	s22 =	simm.s32 $0x6600  }
0x1f7: {  	[tilespmem:s22], [sflag:$0x3] =	stream.indirect_vreg.gather [hbm4b:s8+s3], $0x80, v18, vm0, $0xb8;
	[tilespmem:$0x8800] =	vst v63  }
0x1f8: {  	v17 =	vadd.s32 v3, v17;
	s25 =	simm.s32 $0x6680  }
0x1f9: {  	[tilespmem:s25], [sflag:$0x3] =	stream.indirect_vreg.gather [hbm4b:s8+s3], $0x80, v19, vm0, $0xb8;
	[tilespmem:$0x8800] =	vst v63  }
0x1fa: {  	s26 =	simm.s32 $0x6700  }
0x1fb: {  	[tilespmem:s26], [sflag:$0x3] =	stream.indirect_vreg.gather [hbm4b:s8+s3], $0x80, v35, vm0, $0xb8;
	[tilespmem:$0x8800] =	vst v63  }
0x1fc: {  	s5 =	simm.s32 $0x6780  }
0x1fd: {  	[tilespmem:s5], [sflag:$0x3] =	stream.indirect_vreg.gather [hbm4b:s8+s3], $0x80, v17, vm0, $0xb8;
	[tilespmem:$0x8800] =	vst v63  }
0x1fe: {  	v17 =	vld [tilespmem:s6+$0x0];
	_ =	sdelay $0x4  }
0x1ff: {  	v18 =	vshrl.u32 v17, $0x3  }
0x200: {  	v18 =	vmul.u32 $0x278, v18  }
0x201: {  	v17 =	vand.u32 $0x7, v17  }
0x202: {  	v17 =	vor.u32 v17, v18  }
0x203: {  	v18 =	vperm.xlane v17, v2;
	_ =	sdelay $0x1  }
0x204: {  	v19 =	vperm.xlane v17, v4;
	v18 =	vadd.s32 v3, v18;
	_ =	sdelay $0x1  }
0x205: {  	v36 =	vperm.xlane v17, v5;
	v19 =	vadd.s32 v3, v19;
	_ =	sdelay $0x1  }
0x206: {  	s22 =	simm.s32 $0x6800;
	v37 =	vperm.xlane v17, v0;
	v20 =	vadd.s32 v3, v36  }
0x207: {  	[tilespmem:s22], [sflag:$0x4] =	stream.indirect_vreg.gather [hbm4b:s10+s3], $0x80, v18, vm0, $0xb8;
	[tilespmem:$0x8800] =	vst v63  }
0x208: {  	s15 =	simm.s32 $0x6880;
	v38 =	vperm.xlane v17, v6;
	v18 =	vadd.s32 v3, v37  }
0x209: {  	[tilespmem:s15], [sflag:$0x4] =	stream.indirect_vreg.gather [hbm4b:s10+s3], $0x80, v19, vm0, $0xb8;
	[tilespmem:$0x8800] =	vst v63  }
0x20a: {  	s17 =	simm.s32 $0x6900;
	v39 =	vperm.xlane v17, v7;
	v19 =	vadd.s32 v3, v38  }
0x20b: {  	[tilespmem:s17], [sflag:$0x4] =	stream.indirect_vreg.gather [hbm4b:s10+s3], $0x80, v20, vm0, $0xb8;
	[tilespmem:$0x8800] =	vst v63  }
0x20c: {  	s18 =	simm.s32 $0x6980;
	v41 =	vperm.xlane v17, v8;
	v40 =	vadd.s32 v3, v39  }
0x20d: {  	[tilespmem:s18], [sflag:$0x4] =	stream.indirect_vreg.gather [hbm4b:s10+s3], $0x80, v18, vm0, $0xb8;
	[tilespmem:$0x8800] =	vst v63  }
0x20e: {  	s19 =	simm.s32 $0x6A00;
	v42 =	vperm.xlane v17, v1;
	v18 =	vadd.s32 v3, v41  }
0x20f: {  	[tilespmem:s19], [sflag:$0x4] =	stream.indirect_vreg.gather [hbm4b:s10+s3], $0x80, v19, vm0, $0xb8;
	[tilespmem:$0x8800] =	vst v63  }
0x210: {  	s20 =	simm.s32 $0x6A80;
	v43 =	vperm.xlane v17, v9;
	v19 =	vadd.s32 v3, v42  }
0x211: {  	[tilespmem:s20], [sflag:$0x4] =	stream.indirect_vreg.gather [hbm4b:s10+s3], $0x80, v40, vm0, $0xb8;
	[tilespmem:$0x8800] =	vst v63  }
0x212: {  	s25 =	simm.s32 $0x6B00;
	v45 =	vperm.xlane v17, v10;
	v44 =	vadd.s32 v3, v43  }
0x213: {  	[tilespmem:s25], [sflag:$0x4] =	stream.indirect_vreg.gather [hbm4b:s10+s3], $0x80, v18, vm0, $0xb8;
	[tilespmem:$0x8800] =	vst v63  }
0x214: {  	s26 =	simm.s32 $0x6B80;
	v46 =	vperm.xlane v17, v11;
	v18 =	vadd.s32 v3, v45  }
0x215: {  	[tilespmem:s26], [sflag:$0x4] =	stream.indirect_vreg.gather [hbm4b:s10+s3], $0x80, v19, vm0, $0xb8;
	[tilespmem:$0x8800] =	vst v63  }
0x216: {  	s5 =	simm.s32 $0x6C00;
	v47 =	vperm.xlane v17, v12;
	v19 =	vadd.s32 v3, v46  }
0x217: {  	[tilespmem:s5], [sflag:$0x4] =	stream.indirect_vreg.gather [hbm4b:s10+s3], $0x80, v44, vm0, $0xb8;
	[tilespmem:$0x8800] =	vst v63  }
0x218: {  	v49 =	vperm.xlane v17, v13;
	v48 =	vadd.s32 v3, v47;
	s15 =	simm.s32 $0x6C80  }
0x219: {  	[tilespmem:s15], [sflag:$0x4] =	stream.indirect_vreg.gather [hbm4b:s10+s3], $0x80, v18, vm0, $0xb8;
	[tilespmem:$0x8800] =	vst v63  }
0x21a: {  	v50 =	vperm.xlane v17, v14;
	s17 =	simm.s32 $0x6D00;
	v18 =	vadd.s32 v3, v49  }
0x21b: {  	[tilespmem:s17], [sflag:$0x4] =	stream.indirect_vreg.gather [hbm4b:s10+s3], $0x80, v19, vm0, $0xb8;
	[tilespmem:$0x8800] =	vst v63  }
0x21c: {  	v51 =	vperm.xlane v17, v15;
	s18 =	simm.s32 $0x6D80;
	v19 =	vadd.s32 v3, v50  }
0x21d: {  	[tilespmem:s18], [sflag:$0x4] =	stream.indirect_vreg.gather [hbm4b:s10+s3], $0x80, v48, vm0, $0xb8;
	[tilespmem:$0x8800] =	vst v63  }
0x21e: {  	v17 =	vperm.xlane v17, v16;
	v52 =	vadd.s32 v3, v51;
	s19 =	simm.s32 $0x6E00  }
0x21f: {  	[tilespmem:s19], [sflag:$0x4] =	stream.indirect_vreg.gather [hbm4b:s10+s3], $0x80, v18, vm0, $0xb8;
	[tilespmem:$0x8800] =	vst v63  }
0x220: {  	v17 =	vadd.s32 v3, v17;
	s20 =	simm.s32 $0x6E80  }
0x221: {  	[tilespmem:s20], [sflag:$0x4] =	stream.indirect_vreg.gather [hbm4b:s10+s3], $0x80, v19, vm0, $0xb8;
	[tilespmem:$0x8800] =	vst v63  }
0x222: {  	s25 =	simm.s32 $0x6F00  }
0x223: {  	[tilespmem:s25], [sflag:$0x4] =	stream.indirect_vreg.gather [hbm4b:s10+s3], $0x80, v52, vm0, $0xb8;
	[tilespmem:$0x8800] =	vst v63  }
0x224: {  	s26 =	simm.s32 $0x6F80  }
0x225: {  	[tilespmem:s26], [sflag:$0x4] =	stream.indirect_vreg.gather [hbm4b:s10+s3], $0x80, v17, vm0, $0xb8;
	[tilespmem:$0x8800] =	vst v63  }
0x226: {  	v17 =	vld [tilespmem:s6+$0x10];
	_ =	sdelay $0x4  }
0x227: {  	v18 =	vshrl.u32 v17, $0x3  }
0x228: {  	v18 =	vmul.u32 $0x278, v18  }
0x229: {  	v17 =	vand.u32 $0x7, v17  }
0x22a: {  	v17 =	vor.u32 v17, v18  }
0x22b: {  	v18 =	vperm.xlane v17, v2;
	_ =	sdelay $0x1  }
0x22c: {  	v19 =	vperm.xlane v17, v4;
	v18 =	vadd.s32 v3, v18;
	_ =	sdelay $0x1  }
0x22d: {  	v53 =	vperm.xlane v17, v5;
	v19 =	vadd.s32 v3, v19;
	_ =	sdelay $0x1  }
0x22e: {  	s5 =	simm.s32 $0x7000;
	v54 =	vperm.xlane v17, v0;
	v20 =	vadd.s32 v3, v53  }
0x22f: {  	[tilespmem:s5], [sflag:$0x4] =	stream.indirect_vreg.gather [hbm4b:s10+s3], $0x80, v18, vm0, $0xb8;
	[tilespmem:$0x8800] =	vst v63  }
0x230: {  	s15 =	simm.s32 $0x7080;
	v55 =	vperm.xlane v17, v6;
	v18 =	vadd.s32 v3, v54  }
0x231: {  	[tilespmem:s15], [sflag:$0x4] =	stream.indirect_vreg.gather [hbm4b:s10+s3], $0x80, v19, vm0, $0xb8;
	[tilespmem:$0x8800] =	vst v63  }
0x232: {  	s17 =	simm.s32 $0x7100;
	v56 =	vperm.xlane v17, v7;
	v19 =	vadd.s32 v3, v55  }
0x233: {  	[tilespmem:s17], [sflag:$0x4] =	stream.indirect_vreg.gather [hbm4b:s10+s3], $0x80, v20, vm0, $0xb8;
	[tilespmem:$0x8800] =	vst v63  }
0x234: {  	s18 =	simm.s32 $0x7180;
	v58 =	vperm.xlane v17, v8;
	v57 =	vadd.s32 v3, v56  }
0x235: {  	[tilespmem:s18], [sflag:$0x4] =	stream.indirect_vreg.gather [hbm4b:s10+s3], $0x80, v18, vm0, $0xb8;
	[tilespmem:$0x8800] =	vst v63  }
0x236: {  	s19 =	simm.s32 $0x7200;
	v59 =	vperm.xlane v17, v1;
	v18 =	vadd.s32 v3, v58  }
0x237: {  	[tilespmem:s19], [sflag:$0x4] =	stream.indirect_vreg.gather [hbm4b:s10+s3], $0x80, v19, vm0, $0xb8;
	[tilespmem:$0x8800] =	vst v63  }
0x238: {  	s20 =	simm.s32 $0x7280;
	v60 =	vperm.xlane v17, v9;
	v19 =	vadd.s32 v3, v59  }
0x239: {  	[tilespmem:s20], [sflag:$0x4] =	stream.indirect_vreg.gather [hbm4b:s10+s3], $0x80, v57, vm0, $0xb8;
	[tilespmem:$0x8800] =	vst v63  }
0x23a: {  	s25 =	simm.s32 $0x7300;
	v62 =	vperm.xlane v17, v10;
	v61 =	vadd.s32 v3, v60  }
0x23b: {  	[tilespmem:s25], [sflag:$0x4] =	stream.indirect_vreg.gather [hbm4b:s10+s3], $0x80, v18, vm0, $0xb8;
	[tilespmem:$0x8800] =	vst v63  }
0x23c: {  	s26 =	simm.s32 $0x7380;
	v63 =	vperm.xlane v17, v11;
	v18 =	vadd.s32 v3, v62  }
0x23d: {  	[tilespmem:s26], [sflag:$0x4] =	stream.indirect_vreg.gather [hbm4b:s10+s3], $0x80, v19, vm0, $0xb8;
	[tilespmem:$0x8800] =	vst v63  }
0x23e: {  	v24 =	vperm.xlane v17, v12;
	s5 =	simm.s32 $0x7400;
	v19 =	vadd.s32 v3, v63  }
0x23f: {  	[tilespmem:s5], [sflag:$0x4] =	stream.indirect_vreg.gather [hbm4b:s10+s3], $0x80, v61, vm0, $0xb8;
	[tilespmem:$0x8800] =	vst v63  }
0x240: {  	v26 =	vperm.xlane v17, v13;
	v25 =	vadd.s32 v3, v24;
	s15 =	simm.s32 $0x7480  }
0x241: {  	[tilespmem:s15], [sflag:$0x4] =	stream.indirect_vreg.gather [hbm4b:s10+s3], $0x80, v18, vm0, $0xb8;
	[tilespmem:$0x8800] =	vst v63  }
0x242: {  	v27 =	vperm.xlane v17, v14;
	s17 =	simm.s32 $0x7500;
	v18 =	vadd.s32 v3, v26  }
0x243: {  	[tilespmem:s17], [sflag:$0x4] =	stream.indirect_vreg.gather [hbm4b:s10+s3], $0x80, v19, vm0, $0xb8;
	[tilespmem:$0x8800] =	vst v63  }
0x244: {  	v28 =	vperm.xlane v17, v15;
	s18 =	simm.s32 $0x7580;
	v19 =	vadd.s32 v3, v27  }
0x245: {  	[tilespmem:s18], [sflag:$0x4] =	stream.indirect_vreg.gather [hbm4b:s10+s3], $0x80, v25, vm0, $0xb8;
	[tilespmem:$0x8800] =	vst v63  }
0x246: {  	v17 =	vperm.xlane v17, v16;
	v29 =	vadd.s32 v3, v28;
	s19 =	simm.s32 $0x7600  }
0x247: {  	[tilespmem:s19], [sflag:$0x4] =	stream.indirect_vreg.gather [hbm4b:s10+s3], $0x80, v18, vm0, $0xb8;
	[tilespmem:$0x8800] =	vst v63  }
0x248: {  	v17 =	vadd.s32 v3, v17;
	s20 =	simm.s32 $0x7680  }
0x249: {  	[tilespmem:s20], [sflag:$0x4] =	stream.indirect_vreg.gather [hbm4b:s10+s3], $0x80, v19, vm0, $0xb8;
	[tilespmem:$0x8800] =	vst v63  }
0x24a: {  	s25 =	simm.s32 $0x7700  }
0x24b: {  	[tilespmem:s25], [sflag:$0x4] =	stream.indirect_vreg.gather [hbm4b:s10+s3], $0x80, v29, vm0, $0xb8;
	[tilespmem:$0x8800] =	vst v63  }
0x24c: {  	s26 =	simm.s32 $0x7780  }
0x24d: {  	[tilespmem:s26], [sflag:$0x4] =	stream.indirect_vreg.gather [hbm4b:s10+s3], $0x80, v17, vm0, $0xb8;
	[tilespmem:$0x8800] =	vst v63  }
0x24e: {  	v17 =	vld [tilespmem:s6+$0x20];
	_ =	sdelay $0x4  }
0x24f: {  	v18 =	vshrl.u32 v17, $0x3  }
0x250: {  	v18 =	vmul.u32 $0x278, v18  }
0x251: {  	v17 =	vand.u32 $0x7, v17  }
0x252: {  	v17 =	vor.u32 v17, v18  }
0x253: {  	v18 =	vperm.xlane v17, v2;
	_ =	sdelay $0x1  }
0x254: {  	v19 =	vperm.xlane v17, v4;
	v18 =	vadd.s32 v3, v18;
	_ =	sdelay $0x1  }
0x255: {  	v30 =	vperm.xlane v17, v5;
	v19 =	vadd.s32 v3, v19;
	_ =	sdelay $0x1  }
0x256: {  	s5 =	simm.s32 $0x7800;
	v31 =	vperm.xlane v17, v0;
	v20 =	vadd.s32 v3, v30  }
0x257: {  	[tilespmem:s5], [sflag:$0x4] =	stream.indirect_vreg.gather [hbm4b:s10+s3], $0x80, v18, vm0, $0xb8;
	[tilespmem:$0x8800] =	vst v63  }
0x258: {  	s15 =	simm.s32 $0x7880;
	v32 =	vperm.xlane v17, v6;
	v18 =	vadd.s32 v3, v31  }
0x259: {  	[tilespmem:s15], [sflag:$0x4] =	stream.indirect_vreg.gather [hbm4b:s10+s3], $0x80, v19, vm0, $0xb8;
	[tilespmem:$0x8800] =	vst v63  }
0x25a: {  	s17 =	simm.s32 $0x7900;
	v33 =	vperm.xlane v17, v7;
	v19 =	vadd.s32 v3, v32  }
0x25b: {  	[tilespmem:s17], [sflag:$0x4] =	stream.indirect_vreg.gather [hbm4b:s10+s3], $0x80, v20, vm0, $0xb8;
	[tilespmem:$0x8800] =	vst v63  }
0x25c: {  	s18 =	simm.s32 $0x7980;
	v35 =	vperm.xlane v17, v8;
	v34 =	vadd.s32 v3, v33  }
0x25d: {  	[tilespmem:s18], [sflag:$0x4] =	stream.indirect_vreg.gather [hbm4b:s10+s3], $0x80, v18, vm0, $0xb8;
	[tilespmem:$0x8800] =	vst v63  }
0x25e: {  	s19 =	simm.s32 $0x7A00;
	v36 =	vperm.xlane v17, v1;
	v18 =	vadd.s32 v3, v35  }
0x25f: {  	[tilespmem:s19], [sflag:$0x4] =	stream.indirect_vreg.gather [hbm4b:s10+s3], $0x80, v19, vm0, $0xb8;
	[tilespmem:$0x8800] =	vst v63  }
0x260: {  	s20 =	simm.s32 $0x7A80;
	v37 =	vperm.xlane v17, v9;
	v19 =	vadd.s32 v3, v36  }
0x261: {  	[tilespmem:s20], [sflag:$0x4] =	stream.indirect_vreg.gather [hbm4b:s10+s3], $0x80, v34, vm0, $0xb8;
	[tilespmem:$0x8800] =	vst v63  }
0x262: {  	s25 =	simm.s32 $0x7B00;
	v39 =	vperm.xlane v17, v10;
	v38 =	vadd.s32 v3, v37  }
0x263: {  	[tilespmem:s25], [sflag:$0x4] =	stream.indirect_vreg.gather [hbm4b:s10+s3], $0x80, v18, vm0, $0xb8;
	[tilespmem:$0x8800] =	vst v63  }
0x264: {  	s26 =	simm.s32 $0x7B80;
	v40 =	vperm.xlane v17, v11;
	v18 =	vadd.s32 v3, v39  }
0x265: {  	[tilespmem:s26], [sflag:$0x4] =	stream.indirect_vreg.gather [hbm4b:s10+s3], $0x80, v19, vm0, $0xb8;
	[tilespmem:$0x8800] =	vst v63  }
0x266: {  	v41 =	vperm.xlane v17, v12;
	s5 =	simm.s32 $0x7C00;
	v19 =	vadd.s32 v3, v40  }
0x267: {  	[tilespmem:s5], [sflag:$0x4] =	stream.indirect_vreg.gather [hbm4b:s10+s3], $0x80, v38, vm0, $0xb8;
	[tilespmem:$0x8800] =	vst v63  }
0x268: {  	v43 =	vperm.xlane v17, v13;
	v42 =	vadd.s32 v3, v41;
	s15 =	simm.s32 $0x7C80  }
0x269: {  	[tilespmem:s15], [sflag:$0x4] =	stream.indirect_vreg.gather [hbm4b:s10+s3], $0x80, v18, vm0, $0xb8;
	[tilespmem:$0x8800] =	vst v63  }
0x26a: {  	v44 =	vperm.xlane v17, v14;
	s17 =	simm.s32 $0x7D00;
	v18 =	vadd.s32 v3, v43  }
0x26b: {  	[tilespmem:s17], [sflag:$0x4] =	stream.indirect_vreg.gather [hbm4b:s10+s3], $0x80, v19, vm0, $0xb8;
	[tilespmem:$0x8800] =	vst v63  }
0x26c: {  	v45 =	vperm.xlane v17, v15;
	s18 =	simm.s32 $0x7D80;
	v19 =	vadd.s32 v3, v44  }
0x26d: {  	[tilespmem:s18], [sflag:$0x4] =	stream.indirect_vreg.gather [hbm4b:s10+s3], $0x80, v42, vm0, $0xb8;
	[tilespmem:$0x8800] =	vst v63  }
0x26e: {  	v17 =	vperm.xlane v17, v16;
	v46 =	vadd.s32 v3, v45;
	s19 =	simm.s32 $0x7E00  }
0x26f: {  	[tilespmem:s19], [sflag:$0x4] =	stream.indirect_vreg.gather [hbm4b:s10+s3], $0x80, v18, vm0, $0xb8;
	[tilespmem:$0x8800] =	vst v63  }
0x270: {  	v17 =	vadd.s32 v3, v17;
	s20 =	simm.s32 $0x7E80  }
0x271: {  	[tilespmem:s20], [sflag:$0x4] =	stream.indirect_vreg.gather [hbm4b:s10+s3], $0x80, v19, vm0, $0xb8;
	[tilespmem:$0x8800] =	vst v63  }
0x272: {  	s25 =	simm.s32 $0x7F00  }
0x273: {  	[tilespmem:s25], [sflag:$0x4] =	stream.indirect_vreg.gather [hbm4b:s10+s3], $0x80, v46, vm0, $0xb8;
	[tilespmem:$0x8800] =	vst v63  }
0x274: {  	s26 =	simm.s32 $0x7F80  }
0x275: {  	[tilespmem:s26], [sflag:$0x4] =	stream.indirect_vreg.gather [hbm4b:s10+s3], $0x80, v17, vm0, $0xb8;
	[tilespmem:$0x8800] =	vst v63  }
0x276: {  	v17 =	vld [tilespmem:s6+$0x30];
	_ =	sdelay $0x4  }
0x277: {  	v18 =	vshrl.u32 v17, $0x3  }
0x278: {  	v18 =	vmul.u32 $0x278, v18  }
0x279: {  	v17 =	vand.u32 $0x7, v17  }
0x27a: {  	v17 =	vor.u32 v17, v18  }
0x27b: {  	v18 =	vperm.xlane v17, v2;
	_ =	sdelay $0x1  }
0x27c: {  	v19 =	vperm.xlane v17, v4;
	v18 =	vadd.s32 v3, v18;
	_ =	sdelay $0x1  }
0x27d: {  	v47 =	vperm.xlane v17, v5;
	v19 =	vadd.s32 v3, v19;
	_ =	sdelay $0x1  }
0x27e: {  	s5 =	simm.s32 $0x8000;
	v48 =	vperm.xlane v17, v0;
	v20 =	vadd.s32 v3, v47  }
0x27f: {  	[tilespmem:s5], [sflag:$0x4] =	stream.indirect_vreg.gather [hbm4b:s10+s3], $0x80, v18, vm0, $0xb8;
	[tilespmem:$0x8800] =	vst v63  }
0x280: {  	s15 =	simm.s32 $0x8080;
	v49 =	vperm.xlane v17, v6;
	v18 =	vadd.s32 v3, v48  }
0x281: {  	[tilespmem:s15], [sflag:$0x4] =	stream.indirect_vreg.gather [hbm4b:s10+s3], $0x80, v19, vm0, $0xb8;
	[tilespmem:$0x8800] =	vst v63  }
0x282: {  	s17 =	simm.s32 $0x8100;
	v50 =	vperm.xlane v17, v7;
	v19 =	vadd.s32 v3, v49  }
0x283: {  	[tilespmem:s17], [sflag:$0x4] =	stream.indirect_vreg.gather [hbm4b:s10+s3], $0x80, v20, vm0, $0xb8;
	[tilespmem:$0x8800] =	vst v63  }
0x284: {  	s18 =	simm.s32 $0x8180;
	v52 =	vperm.xlane v17, v8;
	v51 =	vadd.s32 v3, v50  }
0x285: {  	[tilespmem:s18], [sflag:$0x4] =	stream.indirect_vreg.gather [hbm4b:s10+s3], $0x80, v18, vm0, $0xb8;
	[tilespmem:$0x8800] =	vst v63  }
0x286: {  	s19 =	simm.s32 $0x8200;
	v53 =	vperm.xlane v17, v1;
	v18 =	vadd.s32 v3, v52  }
0x287: {  	[tilespmem:s19], [sflag:$0x4] =	stream.indirect_vreg.gather [hbm4b:s10+s3], $0x80, v19, vm0, $0xb8;
	[tilespmem:$0x8800] =	vst v63  }
0x288: {  	s20 =	simm.s32 $0x8280;
	v54 =	vperm.xlane v17, v9;
	v19 =	vadd.s32 v3, v53  }
0x289: {  	[tilespmem:s20], [sflag:$0x4] =	stream.indirect_vreg.gather [hbm4b:s10+s3], $0x80, v51, vm0, $0xb8;
	[tilespmem:$0x8800] =	vst v63  }
0x28a: {  	s25 =	simm.s32 $0x8300;
	v56 =	vperm.xlane v17, v10;
	v55 =	vadd.s32 v3, v54  }
0x28b: {  	[tilespmem:s25], [sflag:$0x4] =	stream.indirect_vreg.gather [hbm4b:s10+s3], $0x80, v18, vm0, $0xb8;
	[tilespmem:$0x8800] =	vst v63  }
0x28c: {  	s26 =	simm.s32 $0x8380;
	v57 =	vperm.xlane v17, v11;
	v18 =	vadd.s32 v3, v56  }
0x28d: {  	[tilespmem:s26], [sflag:$0x4] =	stream.indirect_vreg.gather [hbm4b:s10+s3], $0x80, v19, vm0, $0xb8;
	[tilespmem:$0x8800] =	vst v63  }
0x28e: {  	v58 =	vperm.xlane v17, v12;
	s5 =	simm.s32 $0x8400;
	v19 =	vadd.s32 v3, v57  }
0x28f: {  	[tilespmem:s5], [sflag:$0x4] =	stream.indirect_vreg.gather [hbm4b:s10+s3], $0x80, v55, vm0, $0xb8;
	[tilespmem:$0x8800] =	vst v63  }
0x290: {  	v60 =	vperm.xlane v17, v13;
	v59 =	vadd.s32 v3, v58;
	s15 =	simm.s32 $0x8480  }
0x291: {  	[tilespmem:s15], [sflag:$0x4] =	stream.indirect_vreg.gather [hbm4b:s10+s3], $0x80, v18, vm0, $0xb8;
	[tilespmem:$0x8800] =	vst v63  }
0x292: {  	v61 =	vperm.xlane v17, v14;
	s17 =	simm.s32 $0x8500;
	v18 =	vadd.s32 v3, v60  }
0x293: {  	[tilespmem:s17], [sflag:$0x4] =	stream.indirect_vreg.gather [hbm4b:s10+s3], $0x80, v19, vm0, $0xb8;
	[tilespmem:$0x8800] =	vst v63  }
0x294: {  	v62 =	vperm.xlane v17, v15;
	s18 =	simm.s32 $0x8580;
	v19 =	vadd.s32 v3, v61  }
0x295: {  	[tilespmem:s18], [sflag:$0x4] =	stream.indirect_vreg.gather [hbm4b:s10+s3], $0x80, v59, vm0, $0xb8;
	[tilespmem:$0x8800] =	vst v63  }
0x296: {  	v17 =	vperm.xlane v17, v16;
	v63 =	vadd.s32 v3, v62;
	s5 =	simm.s32 $0x8600  }
0x297: {  	[tilespmem:s5], [sflag:$0x4] =	stream.indirect_vreg.gather [hbm4b:s10+s3], $0x80, v18, vm0, $0xb8;
	[tilespmem:$0x8800] =	vst v63  }
0x298: {  	s31 =	simm.s32 $0x8680;
	v17 =	vadd.s32 v3, v17  }
0x299: {  	[tilespmem:s31], [sflag:$0x4] =	stream.indirect_vreg.gather [hbm4b:s10+s3], $0x80, v19, vm0, $0xb8;
	[tilespmem:$0x8800] =	vst v63  }
0x29a: {  	s15 =	simm.s32 $0x8700  }
0x29b: {  	[tilespmem:s15], [sflag:$0x4] =	stream.indirect_vreg.gather [hbm4b:s10+s3], $0x80, v63, vm0, $0xb8;
	[tilespmem:$0x8800] =	vst v63  }
0x29c: {  	s30 =	simm.s32 $0x8780  }
0x29d: {  	[tilespmem:s30], [sflag:$0x4] =	stream.indirect_vreg.gather [hbm4b:s10+s3], $0x80, v17, vm0, $0xb8;
	[tilespmem:$0x8800] =	vst v63  }
0x29e: {  	_ =	swait.ge [sflag:s28], $0x2000  }
0x29f: {  	[sflag:s28] =	ssyncset.done $0x0  }
0x2a0: {  	s19 =	rddreg [dreg:$0x4];
	[sflag:s28] =	ssyncadd.s32 $0xFFFFE000  }
0x2a1: {  	[hbm4b:s19+s3] =	stream.linear.scatter [tilespmem:s2], [sflag:$0x5], $0x2000, $0x38;
	[tilespmem:$0x8800] =	vst v63  }
0x2a2: {  	_ =	swait.ge [sflag:s24], $0x2000  }
0x2a3: {  	[sflag:s24] =	ssyncset.done $0x0  }
0x2a4: {  	s20 =	rddreg [dreg:$0x7];
	[sflag:s24] =	ssyncadd.s32 $0xFFFFE000  }
0x2a5: {  	[hbm4b:s20+s3] =	stream.linear.scatter [tilespmem:s14], [sflag:$0x6], $0x2000, $0x38;
	[tilespmem:$0x8800] =	vst v63  }
0x2a6: {  	_ =	swait.ge [sflag:s21], $0x2000  }
0x2a7: {  	[sflag:s21] =	ssyncset.done $0x0  }
0x2a8: {  	s25 =	rddreg [dreg:$0x8];
	[sflag:s21] =	ssyncadd.s32 $0xFFFFE000  }
0x2a9: {  	[hbm4b:s25+s3] =	stream.linear.scatter [tilespmem:s9], [sflag:$0x7], $0x2000, $0x38;
	[tilespmem:$0x8800] =	vst v63  }
0x2aa: {  	_ =	swait.ge [sflag:s4], $0x2000  }
0x2ab: {  	s26 =	rddreg [dreg:$0x9]  }
0x2ac: {  	s29 =	simm.s32 $0x4C80;
	[sflag:s4] =	ssyncset.done $0x0;
	s18 =	rddreg [dreg:$0x6]  }
0x2ad: {  	s1 =	simm.s32 $0x4C00;
	s9 =	rddreg [dreg:$0xc];
	[sflag:s4] =	ssyncadd.s32 $0xFFFFE000  }
0x2ae: {  	[hbm4b:s26+s3] =	stream.linear.scatter [tilespmem:s22], [sflag:$0x8], $0x2000, $0x38;
	[tilespmem:$0x8800] =	vst v63  }
0x2af: {  	s19 =	simm.s32 $0x0;
	s17 =	rddreg [dreg:$0xd];
	s26 =	simm.s32 $0x4800  }
.LBB2_2:
0x2b0: {  	_ =	swait.ge [sflag:s0], $0x2000  }
0x2b1: {  	[sflag:s0] =	ssyncset.done $0x0  }
0x2b2: {  	[sflag:s0] =	ssyncadd.s32 $0xFFFFE000  }
0x2b3: {  	v17 =	vld [tilespmem:s6+$0x0];
	_ =	sdelay $0x4  }
0x2b4: {  	v18 =	vshrl.u32 v17, $0x3  }
0x2b5: {  	v18 =	vmul.u32 $0x278, v18  }
0x2b6: {  	v17 =	vand.u32 $0x7, v17  }
0x2b7: {  	v17 =	vor.u32 v17, v18  }
0x2b8: {  	v18 =	vperm.xlane v17, v2;
	_ =	sdelay $0x1  }
0x2b9: {  	v19 =	vperm.xlane v17, v4;
	v18 =	vadd.s32 v3, v18;
	_ =	sdelay $0x1  }
0x2ba: {  	v20 =	vperm.xlane v17, v5;
	v19 =	vadd.s32 v3, v19;
	_ =	sdelay $0x1  }
0x2bb: {  	s2 =	simm.s32 $0x800;
	v21 =	vperm.xlane v17, v0;
	v20 =	vadd.s32 v3, v20  }
0x2bc: {  	[tilespmem:s2], [sflag:$0x1] =	stream.indirect_vreg.gather [hbm4b:s18+s3], $0x80, v18, vm0, $0xb8;
	[tilespmem:$0x8800] =	vst v63  }
0x2bd: {  	s20 =	simm.s32 $0x880;
	v34 =	vperm.xlane v17, v6;
	v18 =	vadd.s32 v3, v21  }
0x2be: {  	[tilespmem:s20], [sflag:$0x1] =	stream.indirect_vreg.gather [hbm4b:s18+s3], $0x80, v19, vm0, $0xb8;
	[tilespmem:$0x8800] =	vst v63  }
0x2bf: {  	s25 =	simm.s32 $0x900;
	v35 =	vperm.xlane v17, v7;
	v19 =	vadd.s32 v3, v34  }
0x2c0: {  	[tilespmem:s25], [sflag:$0x1] =	stream.indirect_vreg.gather [hbm4b:s18+s3], $0x80, v20, vm0, $0xb8;
	[tilespmem:$0x8800] =	vst v63  }
0x2c1: {  	s14 =	simm.s32 $0x980;
	v37 =	vperm.xlane v17, v8;
	v36 =	vadd.s32 v3, v35  }
0x2c2: {  	[tilespmem:s14], [sflag:$0x1] =	stream.indirect_vreg.gather [hbm4b:s18+s3], $0x80, v18, vm0, $0xb8;
	[tilespmem:$0x8800] =	vst v63  }
0x2c3: {  	v38 =	vperm.xlane v17, v1;
	s25 =	simm.s32 $0xA00;
	v18 =	vadd.s32 v3, v37  }
0x2c4: {  	[tilespmem:s25], [sflag:$0x1] =	stream.indirect_vreg.gather [hbm4b:s18+s3], $0x80, v19, vm0, $0xb8;
	[tilespmem:$0x8800] =	vst v63  }
0x2c5: {  	v39 =	vperm.xlane v17, v9;
	s14 =	simm.s32 $0xA80;
	v19 =	vadd.s32 v3, v38  }
0x2c6: {  	[tilespmem:s14], [sflag:$0x1] =	stream.indirect_vreg.gather [hbm4b:s18+s3], $0x80, v36, vm0, $0xb8;
	[tilespmem:$0x8800] =	vst v63  }
0x2c7: {  	v41 =	vperm.xlane v17, v10;
	v40 =	vadd.s32 v3, v39;
	s25 =	simm.s32 $0xB00  }
0x2c8: {  	[tilespmem:s25], [sflag:$0x1] =	stream.indirect_vreg.gather [hbm4b:s18+s3], $0x80, v18, vm0, $0xb8;
	[tilespmem:$0x8800] =	vst v63  }
0x2c9: {  	v42 =	vperm.xlane v17, v11;
	s14 =	simm.s32 $0xB80;
	v18 =	vadd.s32 v3, v41  }
0x2ca: {  	[tilespmem:s14], [sflag:$0x1] =	stream.indirect_vreg.gather [hbm4b:s18+s3], $0x80, v19, vm0, $0xb8;
	[tilespmem:$0x8800] =	vst v63  }
0x2cb: {  	v43 =	vperm.xlane v17, v12;
	s25 =	simm.s32 $0xC00;
	v19 =	vadd.s32 v3, v42  }
0x2cc: {  	[tilespmem:s25], [sflag:$0x1] =	stream.indirect_vreg.gather [hbm4b:s18+s3], $0x80, v40, vm0, $0xb8;
	[tilespmem:$0x8800] =	vst v63  }
0x2cd: {  	v45 =	vperm.xlane v17, v13;
	v44 =	vadd.s32 v3, v43;
	s14 =	simm.s32 $0xC80  }
0x2ce: {  	[tilespmem:s14], [sflag:$0x1] =	stream.indirect_vreg.gather [hbm4b:s18+s3], $0x80, v18, vm0, $0xb8;
	[tilespmem:$0x8800] =	vst v63  }
0x2cf: {  	v46 =	vperm.xlane v17, v14;
	s25 =	simm.s32 $0xD00;
	v18 =	vadd.s32 v3, v45  }
0x2d0: {  	[tilespmem:s25], [sflag:$0x1] =	stream.indirect_vreg.gather [hbm4b:s18+s3], $0x80, v19, vm0, $0xb8;
	[tilespmem:$0x8800] =	vst v63  }
0x2d1: {  	v47 =	vperm.xlane v17, v15;
	s14 =	simm.s32 $0xD80;
	v19 =	vadd.s32 v3, v46  }
0x2d2: {  	[tilespmem:s14], [sflag:$0x1] =	stream.indirect_vreg.gather [hbm4b:s18+s3], $0x80, v44, vm0, $0xb8;
	[tilespmem:$0x8800] =	vst v63  }
0x2d3: {  	v17 =	vperm.xlane v17, v16;
	v48 =	vadd.s32 v3, v47;
	s25 =	simm.s32 $0xE00  }
0x2d4: {  	[tilespmem:s25], [sflag:$0x1] =	stream.indirect_vreg.gather [hbm4b:s18+s3], $0x80, v18, vm0, $0xb8;
	[tilespmem:$0x8800] =	vst v63  }
0x2d5: {  	v17 =	vadd.s32 v3, v17;
	s14 =	simm.s32 $0xE80  }
0x2d6: {  	[tilespmem:s14], [sflag:$0x1] =	stream.indirect_vreg.gather [hbm4b:s18+s3], $0x80, v19, vm0, $0xb8;
	[tilespmem:$0x8800] =	vst v63  }
0x2d7: {  	s25 =	simm.s32 $0xF00  }
0x2d8: {  	[tilespmem:s25], [sflag:$0x1] =	stream.indirect_vreg.gather [hbm4b:s18+s3], $0x80, v48, vm0, $0xb8;
	[tilespmem:$0x8800] =	vst v63  }
0x2d9: {  	s14 =	simm.s32 $0xF80  }
0x2da: {  	[tilespmem:s14], [sflag:$0x1] =	stream.indirect_vreg.gather [hbm4b:s18+s3], $0x80, v17, vm0, $0xb8;
	[tilespmem:$0x8800] =	vst v63  }
0x2db: {  	v17 =	vld [tilespmem:s6+$0x10];
	_ =	sdelay $0x4  }
0x2dc: {  	v18 =	vshrl.u32 v17, $0x3  }
0x2dd: {  	v18 =	vmul.u32 $0x278, v18  }
0x2de: {  	v17 =	vand.u32 $0x7, v17  }
0x2df: {  	v17 =	vor.u32 v17, v18  }
0x2e0: {  	v18 =	vperm.xlane v17, v2;
	_ =	sdelay $0x1  }
0x2e1: {  	v19 =	vperm.xlane v17, v4;
	v18 =	vadd.s32 v3, v18;
	_ =	sdelay $0x1  }
0x2e2: {  	v49 =	vperm.xlane v17, v5;
	v19 =	vadd.s32 v3, v19;
	_ =	sdelay $0x1  }
0x2e3: {  	s25 =	simm.s32 $0x1000;
	v50 =	vperm.xlane v17, v0;
	v20 =	vadd.s32 v3, v49  }
0x2e4: {  	[tilespmem:s25], [sflag:$0x1] =	stream.indirect_vreg.gather [hbm4b:s18+s3], $0x80, v18, vm0, $0xb8;
	[tilespmem:$0x8800] =	vst v63  }
0x2e5: {  	s14 =	simm.s32 $0x1080;
	v51 =	vperm.xlane v17, v6;
	v18 =	vadd.s32 v3, v50  }
0x2e6: {  	[tilespmem:s14], [sflag:$0x1] =	stream.indirect_vreg.gather [hbm4b:s18+s3], $0x80, v19, vm0, $0xb8;
	[tilespmem:$0x8800] =	vst v63  }
0x2e7: {  	v52 =	vperm.xlane v17, v7;
	s25 =	simm.s32 $0x1100;
	v19 =	vadd.s32 v3, v51  }
0x2e8: {  	[tilespmem:s25], [sflag:$0x1] =	stream.indirect_vreg.gather [hbm4b:s18+s3], $0x80, v20, vm0, $0xb8;
	[tilespmem:$0x8800] =	vst v63  }
0x2e9: {  	v54 =	vperm.xlane v17, v8;
	v53 =	vadd.s32 v3, v52;
	s14 =	simm.s32 $0x1180  }
0x2ea: {  	[tilespmem:s14], [sflag:$0x1] =	stream.indirect_vreg.gather [hbm4b:s18+s3], $0x80, v18, vm0, $0xb8;
	[tilespmem:$0x8800] =	vst v63  }
0x2eb: {  	v55 =	vperm.xlane v17, v1;
	s25 =	simm.s32 $0x1200;
	v18 =	vadd.s32 v3, v54  }
0x2ec: {  	[tilespmem:s25], [sflag:$0x1] =	stream.indirect_vreg.gather [hbm4b:s18+s3], $0x80, v19, vm0, $0xb8;
	[tilespmem:$0x8800] =	vst v63  }
0x2ed: {  	v56 =	vperm.xlane v17, v9;
	s14 =	simm.s32 $0x1280;
	v19 =	vadd.s32 v3, v55  }
0x2ee: {  	[tilespmem:s14], [sflag:$0x1] =	stream.indirect_vreg.gather [hbm4b:s18+s3], $0x80, v53, vm0, $0xb8;
	[tilespmem:$0x8800] =	vst v63  }
0x2ef: {  	v58 =	vperm.xlane v17, v10;
	v57 =	vadd.s32 v3, v56;
	s25 =	simm.s32 $0x1300  }
0x2f0: {  	[tilespmem:s25], [sflag:$0x1] =	stream.indirect_vreg.gather [hbm4b:s18+s3], $0x80, v18, vm0, $0xb8;
	[tilespmem:$0x8800] =	vst v63  }
0x2f1: {  	v59 =	vperm.xlane v17, v11;
	s14 =	simm.s32 $0x1380;
	v18 =	vadd.s32 v3, v58  }
0x2f2: {  	[tilespmem:s14], [sflag:$0x1] =	stream.indirect_vreg.gather [hbm4b:s18+s3], $0x80, v19, vm0, $0xb8;
	[tilespmem:$0x8800] =	vst v63  }
0x2f3: {  	v60 =	vperm.xlane v17, v12;
	s25 =	simm.s32 $0x1400;
	v19 =	vadd.s32 v3, v59  }
0x2f4: {  	[tilespmem:s25], [sflag:$0x1] =	stream.indirect_vreg.gather [hbm4b:s18+s3], $0x80, v57, vm0, $0xb8;
	[tilespmem:$0x8800] =	vst v63  }
0x2f5: {  	v62 =	vperm.xlane v17, v13;
	v61 =	vadd.s32 v3, v60;
	s14 =	simm.s32 $0x1480  }
0x2f6: {  	[tilespmem:s14], [sflag:$0x1] =	stream.indirect_vreg.gather [hbm4b:s18+s3], $0x80, v18, vm0, $0xb8;
	[tilespmem:$0x8800] =	vst v63  }
0x2f7: {  	v63 =	vperm.xlane v17, v14;
	s25 =	simm.s32 $0x1500;
	v18 =	vadd.s32 v3, v62  }
0x2f8: {  	[tilespmem:s25], [sflag:$0x1] =	stream.indirect_vreg.gather [hbm4b:s18+s3], $0x80, v19, vm0, $0xb8;
	[tilespmem:$0x8800] =	vst v63  }
0x2f9: {  	v24 =	vperm.xlane v17, v15;
	s14 =	simm.s32 $0x1580;
	v19 =	vadd.s32 v3, v63  }
0x2fa: {  	[tilespmem:s14], [sflag:$0x1] =	stream.indirect_vreg.gather [hbm4b:s18+s3], $0x80, v61, vm0, $0xb8;
	[tilespmem:$0x8800] =	vst v63  }
0x2fb: {  	v17 =	vperm.xlane v17, v16;
	v25 =	vadd.s32 v3, v24;
	s25 =	simm.s32 $0x1600  }
0x2fc: {  	[tilespmem:s25], [sflag:$0x1] =	stream.indirect_vreg.gather [hbm4b:s18+s3], $0x80, v18, vm0, $0xb8;
	[tilespmem:$0x8800] =	vst v63  }
0x2fd: {  	v17 =	vadd.s32 v3, v17;
	s14 =	simm.s32 $0x1680  }
0x2fe: {  	[tilespmem:s14], [sflag:$0x1] =	stream.indirect_vreg.gather [hbm4b:s18+s3], $0x80, v19, vm0, $0xb8;
	[tilespmem:$0x8800] =	vst v63  }
0x2ff: {  	s25 =	simm.s32 $0x1700  }
0x300: {  	[tilespmem:s25], [sflag:$0x1] =	stream.indirect_vreg.gather [hbm4b:s18+s3], $0x80, v25, vm0, $0xb8;
	[tilespmem:$0x8800] =	vst v63  }
0x301: {  	s14 =	simm.s32 $0x1780  }
0x302: {  	[tilespmem:s14], [sflag:$0x1] =	stream.indirect_vreg.gather [hbm4b:s18+s3], $0x80, v17, vm0, $0xb8;
	[tilespmem:$0x8800] =	vst v63  }
0x303: {  	v17 =	vld [tilespmem:s6+$0x20];
	_ =	sdelay $0x4  }
0x304: {  	v18 =	vshrl.u32 v17, $0x3  }
0x305: {  	v18 =	vmul.u32 $0x278, v18  }
0x306: {  	v17 =	vand.u32 $0x7, v17  }
0x307: {  	v17 =	vor.u32 v17, v18  }
0x308: {  	v18 =	vperm.xlane v17, v2;
	_ =	sdelay $0x1  }
0x309: {  	v19 =	vperm.xlane v17, v4;
	v18 =	vadd.s32 v3, v18;
	_ =	sdelay $0x1  }
0x30a: {  	v26 =	vperm.xlane v17, v5;
	v19 =	vadd.s32 v3, v19;
	_ =	sdelay $0x1  }
0x30b: {  	s25 =	simm.s32 $0x1800;
	v27 =	vperm.xlane v17, v0;
	v20 =	vadd.s32 v3, v26  }
0x30c: {  	[tilespmem:s25], [sflag:$0x1] =	stream.indirect_vreg.gather [hbm4b:s18+s3], $0x80, v18, vm0, $0xb8;
	[tilespmem:$0x8800] =	vst v63  }
0x30d: {  	s14 =	simm.s32 $0x1880;
	v28 =	vperm.xlane v17, v6;
	v18 =	vadd.s32 v3, v27  }
0x30e: {  	[tilespmem:s14], [sflag:$0x1] =	stream.indirect_vreg.gather [hbm4b:s18+s3], $0x80, v19, vm0, $0xb8;
	[tilespmem:$0x8800] =	vst v63  }
0x30f: {  	v29 =	vperm.xlane v17, v7;
	s25 =	simm.s32 $0x1900;
	v19 =	vadd.s32 v3, v28  }
0x310: {  	[tilespmem:s25], [sflag:$0x1] =	stream.indirect_vreg.gather [hbm4b:s18+s3], $0x80, v20, vm0, $0xb8;
	[tilespmem:$0x8800] =	vst v63  }
0x311: {  	v31 =	vperm.xlane v17, v8;
	v30 =	vadd.s32 v3, v29;
	s14 =	simm.s32 $0x1980  }
0x312: {  	[tilespmem:s14], [sflag:$0x1] =	stream.indirect_vreg.gather [hbm4b:s18+s3], $0x80, v18, vm0, $0xb8;
	[tilespmem:$0x8800] =	vst v63  }
0x313: {  	v32 =	vperm.xlane v17, v1;
	s25 =	simm.s32 $0x1A00;
	v18 =	vadd.s32 v3, v31  }
0x314: {  	[tilespmem:s25], [sflag:$0x1] =	stream.indirect_vreg.gather [hbm4b:s18+s3], $0x80, v19, vm0, $0xb8;
	[tilespmem:$0x8800] =	vst v63  }
0x315: {  	v33 =	vperm.xlane v17, v9;
	s14 =	simm.s32 $0x1A80;
	v19 =	vadd.s32 v3, v32  }
0x316: {  	[tilespmem:s14], [sflag:$0x1] =	stream.indirect_vreg.gather [hbm4b:s18+s3], $0x80, v30, vm0, $0xb8;
	[tilespmem:$0x8800] =	vst v63  }
0x317: {  	v35 =	vperm.xlane v17, v10;
	v34 =	vadd.s32 v3, v33;
	s25 =	simm.s32 $0x1B00  }
0x318: {  	[tilespmem:s25], [sflag:$0x1] =	stream.indirect_vreg.gather [hbm4b:s18+s3], $0x80, v18, vm0, $0xb8;
	[tilespmem:$0x8800] =	vst v63  }
0x319: {  	v36 =	vperm.xlane v17, v11;
	s14 =	simm.s32 $0x1B80;
	v18 =	vadd.s32 v3, v35  }
0x31a: {  	[tilespmem:s14], [sflag:$0x1] =	stream.indirect_vreg.gather [hbm4b:s18+s3], $0x80, v19, vm0, $0xb8;
	[tilespmem:$0x8800] =	vst v63  }
0x31b: {  	v37 =	vperm.xlane v17, v12;
	s25 =	simm.s32 $0x1C00;
	v19 =	vadd.s32 v3, v36  }
0x31c: {  	[tilespmem:s25], [sflag:$0x1] =	stream.indirect_vreg.gather [hbm4b:s18+s3], $0x80, v34, vm0, $0xb8;
	[tilespmem:$0x8800] =	vst v63  }
0x31d: {  	v39 =	vperm.xlane v17, v13;
	v38 =	vadd.s32 v3, v37;
	s14 =	simm.s32 $0x1C80  }
0x31e: {  	[tilespmem:s14], [sflag:$0x1] =	stream.indirect_vreg.gather [hbm4b:s18+s3], $0x80, v18, vm0, $0xb8;
	[tilespmem:$0x8800] =	vst v63  }
0x31f: {  	v40 =	vperm.xlane v17, v14;
	s25 =	simm.s32 $0x1D00;
	v18 =	vadd.s32 v3, v39  }
0x320: {  	[tilespmem:s25], [sflag:$0x1] =	stream.indirect_vreg.gather [hbm4b:s18+s3], $0x80, v19, vm0, $0xb8;
	[tilespmem:$0x8800] =	vst v63  }
0x321: {  	v41 =	vperm.xlane v17, v15;
	s14 =	simm.s32 $0x1D80;
	v19 =	vadd.s32 v3, v40  }
0x322: {  	[tilespmem:s14], [sflag:$0x1] =	stream.indirect_vreg.gather [hbm4b:s18+s3], $0x80, v38, vm0, $0xb8;
	[tilespmem:$0x8800] =	vst v63  }
0x323: {  	v17 =	vperm.xlane v17, v16;
	v42 =	vadd.s32 v3, v41;
	s25 =	simm.s32 $0x1E00  }
0x324: {  	[tilespmem:s25], [sflag:$0x1] =	stream.indirect_vreg.gather [hbm4b:s18+s3], $0x80, v18, vm0, $0xb8;
	[tilespmem:$0x8800] =	vst v63  }
0x325: {  	v17 =	vadd.s32 v3, v17;
	s14 =	simm.s32 $0x1E80  }
0x326: {  	[tilespmem:s14], [sflag:$0x1] =	stream.indirect_vreg.gather [hbm4b:s18+s3], $0x80, v19, vm0, $0xb8;
	[tilespmem:$0x8800] =	vst v63  }
0x327: {  	s25 =	simm.s32 $0x1F00  }
0x328: {  	[tilespmem:s25], [sflag:$0x1] =	stream.indirect_vreg.gather [hbm4b:s18+s3], $0x80, v42, vm0, $0xb8;
	[tilespmem:$0x8800] =	vst v63  }
0x329: {  	s14 =	simm.s32 $0x1F80  }
0x32a: {  	[tilespmem:s14], [sflag:$0x1] =	stream.indirect_vreg.gather [hbm4b:s18+s3], $0x80, v17, vm0, $0xb8;
	[tilespmem:$0x8800] =	vst v63  }
0x32b: {  	v17 =	vld [tilespmem:s6+$0x30];
	_ =	sdelay $0x4  }
0x32c: {  	v18 =	vshrl.u32 v17, $0x3  }
0x32d: {  	v18 =	vmul.u32 $0x278, v18  }
0x32e: {  	v17 =	vand.u32 $0x7, v17  }
0x32f: {  	v17 =	vor.u32 v17, v18  }
0x330: {  	v18 =	vperm.xlane v17, v2;
	_ =	sdelay $0x1  }
0x331: {  	v19 =	vperm.xlane v17, v4;
	v18 =	vadd.s32 v3, v18;
	_ =	sdelay $0x1  }
0x332: {  	v43 =	vperm.xlane v17, v5;
	v19 =	vadd.s32 v3, v19;
	_ =	sdelay $0x1  }
0x333: {  	s25 =	simm.s32 $0x2000;
	v44 =	vperm.xlane v17, v0;
	v20 =	vadd.s32 v3, v43  }
0x334: {  	[tilespmem:s25], [sflag:$0x1] =	stream.indirect_vreg.gather [hbm4b:s18+s3], $0x80, v18, vm0, $0xb8;
	[tilespmem:$0x8800] =	vst v63  }
0x335: {  	s14 =	simm.s32 $0x2080;
	v45 =	vperm.xlane v17, v6;
	v18 =	vadd.s32 v3, v44  }
0x336: {  	[tilespmem:s14], [sflag:$0x1] =	stream.indirect_vreg.gather [hbm4b:s18+s3], $0x80, v19, vm0, $0xb8;
	[tilespmem:$0x8800] =	vst v63  }
0x337: {  	v46 =	vperm.xlane v17, v7;
	s25 =	simm.s32 $0x2100;
	v19 =	vadd.s32 v3, v45  }
0x338: {  	[tilespmem:s25], [sflag:$0x1] =	stream.indirect_vreg.gather [hbm4b:s18+s3], $0x80, v20, vm0, $0xb8;
	[tilespmem:$0x8800] =	vst v63  }
0x339: {  	v48 =	vperm.xlane v17, v8;
	v47 =	vadd.s32 v3, v46;
	s14 =	simm.s32 $0x2180  }
0x33a: {  	[tilespmem:s14], [sflag:$0x1] =	stream.indirect_vreg.gather [hbm4b:s18+s3], $0x80, v18, vm0, $0xb8;
	[tilespmem:$0x8800] =	vst v63  }
0x33b: {  	v49 =	vperm.xlane v17, v1;
	s25 =	simm.s32 $0x2200;
	v18 =	vadd.s32 v3, v48  }
0x33c: {  	[tilespmem:s25], [sflag:$0x1] =	stream.indirect_vreg.gather [hbm4b:s18+s3], $0x80, v19, vm0, $0xb8;
	[tilespmem:$0x8800] =	vst v63  }
0x33d: {  	v50 =	vperm.xlane v17, v9;
	s14 =	simm.s32 $0x2280;
	v19 =	vadd.s32 v3, v49  }
0x33e: {  	[tilespmem:s14], [sflag:$0x1] =	stream.indirect_vreg.gather [hbm4b:s18+s3], $0x80, v47, vm0, $0xb8;
	[tilespmem:$0x8800] =	vst v63  }
0x33f: {  	v52 =	vperm.xlane v17, v10;
	v51 =	vadd.s32 v3, v50;
	s25 =	simm.s32 $0x2300  }
0x340: {  	[tilespmem:s25], [sflag:$0x1] =	stream.indirect_vreg.gather [hbm4b:s18+s3], $0x80, v18, vm0, $0xb8;
	[tilespmem:$0x8800] =	vst v63  }
0x341: {  	v53 =	vperm.xlane v17, v11;
	s14 =	simm.s32 $0x2380;
	v18 =	vadd.s32 v3, v52  }
0x342: {  	[tilespmem:s14], [sflag:$0x1] =	stream.indirect_vreg.gather [hbm4b:s18+s3], $0x80, v19, vm0, $0xb8;
	[tilespmem:$0x8800] =	vst v63  }
0x343: {  	v54 =	vperm.xlane v17, v12;
	s25 =	simm.s32 $0x2400;
	v19 =	vadd.s32 v3, v53  }
0x344: {  	[tilespmem:s25], [sflag:$0x1] =	stream.indirect_vreg.gather [hbm4b:s18+s3], $0x80, v51, vm0, $0xb8;
	[tilespmem:$0x8800] =	vst v63  }
0x345: {  	v56 =	vperm.xlane v17, v13;
	v55 =	vadd.s32 v3, v54;
	s14 =	simm.s32 $0x2480  }
0x346: {  	[tilespmem:s14], [sflag:$0x1] =	stream.indirect_vreg.gather [hbm4b:s18+s3], $0x80, v18, vm0, $0xb8;
	[tilespmem:$0x8800] =	vst v63  }
0x347: {  	v57 =	vperm.xlane v17, v14;
	s25 =	simm.s32 $0x2500;
	v18 =	vadd.s32 v3, v56  }
0x348: {  	[tilespmem:s25], [sflag:$0x1] =	stream.indirect_vreg.gather [hbm4b:s18+s3], $0x80, v19, vm0, $0xb8;
	[tilespmem:$0x8800] =	vst v63  }
0x349: {  	v58 =	vperm.xlane v17, v15;
	s14 =	simm.s32 $0x2580;
	v19 =	vadd.s32 v3, v57  }
0x34a: {  	[tilespmem:s14], [sflag:$0x1] =	stream.indirect_vreg.gather [hbm4b:s18+s3], $0x80, v55, vm0, $0xb8;
	[tilespmem:$0x8800] =	vst v63  }
0x34b: {  	v17 =	vperm.xlane v17, v16;
	v59 =	vadd.s32 v3, v58;
	s25 =	simm.s32 $0x2600  }
0x34c: {  	[tilespmem:s25], [sflag:$0x1] =	stream.indirect_vreg.gather [hbm4b:s18+s3], $0x80, v18, vm0, $0xb8;
	[tilespmem:$0x8800] =	vst v63  }
0x34d: {  	v17 =	vadd.s32 v3, v17;
	s14 =	simm.s32 $0x2680  }
0x34e: {  	[tilespmem:s14], [sflag:$0x1] =	stream.indirect_vreg.gather [hbm4b:s18+s3], $0x80, v19, vm0, $0xb8;
	[tilespmem:$0x8800] =	vst v63  }
0x34f: {  	s25 =	simm.s32 $0x2700  }
0x350: {  	[tilespmem:s25], [sflag:$0x1] =	stream.indirect_vreg.gather [hbm4b:s18+s3], $0x80, v59, vm0, $0xb8;
	[tilespmem:$0x8800] =	vst v63  }
0x351: {  	s14 =	simm.s32 $0x2780  }
0x352: {  	[tilespmem:s14], [sflag:$0x1] =	stream.indirect_vreg.gather [hbm4b:s18+s3], $0x80, v17, vm0, $0xb8;
	[tilespmem:$0x8800] =	vst v63  }
0x353: {  	_ =	swait.ge [sflag:s11], $0x2000  }
0x354: {  	[sflag:s11] =	ssyncset.done $0x0  }
0x355: {  	[sflag:s11] =	ssyncadd.s32 $0xFFFFE000  }
0x356: {  	v17 =	vld [tilespmem:s6+$0x0];
	_ =	sdelay $0x4  }
0x357: {  	v18 =	vshrl.u32 v17, $0x3  }
0x358: {  	v18 =	vmul.u32 $0x278, v18  }
0x359: {  	v17 =	vand.u32 $0x7, v17  }
0x35a: {  	v17 =	vor.u32 v17, v18  }
0x35b: {  	v18 =	vperm.xlane v17, v2;
	_ =	sdelay $0x1  }
0x35c: {  	v19 =	vperm.xlane v17, v4;
	v18 =	vadd.s32 v3, v18;
	_ =	sdelay $0x1  }
0x35d: {  	v60 =	vperm.xlane v17, v5;
	v19 =	vadd.s32 v3, v19;
	_ =	sdelay $0x1  }
0x35e: {  	s20 =	sadd.s32 $0x80, s18;
	s14 =	simm.s32 $0x2800;
	v61 =	vperm.xlane v17, v0;
	v20 =	vadd.s32 v3, v60  }
0x35f: {  	[tilespmem:s14], [sflag:$0x2] =	stream.indirect_vreg.gather [hbm4b:s20+s3], $0x80, v18, vm0, $0xb8;
	[tilespmem:$0x8800] =	vst v63  }
0x360: {  	s25 =	simm.s32 $0x2880;
	v62 =	vperm.xlane v17, v6;
	v18 =	vadd.s32 v3, v61  }
0x361: {  	[tilespmem:s25], [sflag:$0x2] =	stream.indirect_vreg.gather [hbm4b:s20+s3], $0x80, v19, vm0, $0xb8;
	[tilespmem:$0x8800] =	vst v63  }
0x362: {  	v63 =	vperm.xlane v17, v7;
	v19 =	vadd.s32 v3, v62;
	s25 =	simm.s32 $0x2900  }
0x363: {  	[tilespmem:s25], [sflag:$0x2] =	stream.indirect_vreg.gather [hbm4b:s20+s3], $0x80, v20, vm0, $0xb8;
	[tilespmem:$0x8800] =	vst v63  }
0x364: {  	v25 =	vperm.xlane v17, v8;
	v24 =	vadd.s32 v3, v63;
	s25 =	simm.s32 $0x2980  }
0x365: {  	[tilespmem:s25], [sflag:$0x2] =	stream.indirect_vreg.gather [hbm4b:s20+s3], $0x80, v18, vm0, $0xb8;
	[tilespmem:$0x8800] =	vst v63  }
0x366: {  	v26 =	vperm.xlane v17, v1;
	v18 =	vadd.s32 v3, v25;
	s25 =	simm.s32 $0x2A00  }
0x367: {  	[tilespmem:s25], [sflag:$0x2] =	stream.indirect_vreg.gather [hbm4b:s20+s3], $0x80, v19, vm0, $0xb8;
	[tilespmem:$0x8800] =	vst v63  }
0x368: {  	v27 =	vperm.xlane v17, v9;
	v19 =	vadd.s32 v3, v26;
	s25 =	simm.s32 $0x2A80  }
0x369: {  	[tilespmem:s25], [sflag:$0x2] =	stream.indirect_vreg.gather [hbm4b:s20+s3], $0x80, v24, vm0, $0xb8;
	[tilespmem:$0x8800] =	vst v63  }
0x36a: {  	v29 =	vperm.xlane v17, v10;
	v28 =	vadd.s32 v3, v27;
	s25 =	simm.s32 $0x2B00  }
0x36b: {  	[tilespmem:s25], [sflag:$0x2] =	stream.indirect_vreg.gather [hbm4b:s20+s3], $0x80, v18, vm0, $0xb8;
	[tilespmem:$0x8800] =	vst v63  }
0x36c: {  	v30 =	vperm.xlane v17, v11;
	v18 =	vadd.s32 v3, v29;
	s25 =	simm.s32 $0x2B80  }
0x36d: {  	[tilespmem:s25], [sflag:$0x2] =	stream.indirect_vreg.gather [hbm4b:s20+s3], $0x80, v19, vm0, $0xb8;
	[tilespmem:$0x8800] =	vst v63  }
0x36e: {  	v31 =	vperm.xlane v17, v12;
	v19 =	vadd.s32 v3, v30;
	s25 =	simm.s32 $0x2C00  }
0x36f: {  	[tilespmem:s25], [sflag:$0x2] =	stream.indirect_vreg.gather [hbm4b:s20+s3], $0x80, v28, vm0, $0xb8;
	[tilespmem:$0x8800] =	vst v63  }
0x370: {  	v33 =	vperm.xlane v17, v13;
	v32 =	vadd.s32 v3, v31;
	s25 =	simm.s32 $0x2C80  }
0x371: {  	[tilespmem:s25], [sflag:$0x2] =	stream.indirect_vreg.gather [hbm4b:s20+s3], $0x80, v18, vm0, $0xb8;
	[tilespmem:$0x8800] =	vst v63  }
0x372: {  	v34 =	vperm.xlane v17, v14;
	v18 =	vadd.s32 v3, v33;
	s25 =	simm.s32 $0x2D00  }
0x373: {  	[tilespmem:s25], [sflag:$0x2] =	stream.indirect_vreg.gather [hbm4b:s20+s3], $0x80, v19, vm0, $0xb8;
	[tilespmem:$0x8800] =	vst v63  }
0x374: {  	v35 =	vperm.xlane v17, v15;
	v19 =	vadd.s32 v3, v34;
	s25 =	simm.s32 $0x2D80  }
0x375: {  	[tilespmem:s25], [sflag:$0x2] =	stream.indirect_vreg.gather [hbm4b:s20+s3], $0x80, v32, vm0, $0xb8;
	[tilespmem:$0x8800] =	vst v63  }
0x376: {  	v17 =	vperm.xlane v17, v16;
	v36 =	vadd.s32 v3, v35;
	s25 =	simm.s32 $0x2E00  }
0x377: {  	[tilespmem:s25], [sflag:$0x2] =	stream.indirect_vreg.gather [hbm4b:s20+s3], $0x80, v18, vm0, $0xb8;
	[tilespmem:$0x8800] =	vst v63  }
0x378: {  	v17 =	vadd.s32 v3, v17;
	s25 =	simm.s32 $0x2E80  }
0x379: {  	[tilespmem:s25], [sflag:$0x2] =	stream.indirect_vreg.gather [hbm4b:s20+s3], $0x80, v19, vm0, $0xb8;
	[tilespmem:$0x8800] =	vst v63  }
0x37a: {  	s25 =	simm.s32 $0x2F00  }
0x37b: {  	[tilespmem:s25], [sflag:$0x2] =	stream.indirect_vreg.gather [hbm4b:s20+s3], $0x80, v36, vm0, $0xb8;
	[tilespmem:$0x8800] =	vst v63  }
0x37c: {  	s25 =	simm.s32 $0x2F80  }
0x37d: {  	[tilespmem:s25], [sflag:$0x2] =	stream.indirect_vreg.gather [hbm4b:s20+s3], $0x80, v17, vm0, $0xb8;
	[tilespmem:$0x8800] =	vst v63  }
0x37e: {  	v17 =	vld [tilespmem:s6+$0x10];
	_ =	sdelay $0x4  }
0x37f: {  	v18 =	vshrl.u32 v17, $0x3  }
0x380: {  	v18 =	vmul.u32 $0x278, v18  }
0x381: {  	v17 =	vand.u32 $0x7, v17  }
0x382: {  	v17 =	vor.u32 v17, v18  }
0x383: {  	v18 =	vperm.xlane v17, v2;
	_ =	sdelay $0x1  }
0x384: {  	v19 =	vperm.xlane v17, v4;
	v18 =	vadd.s32 v3, v18;
	_ =	sdelay $0x1  }
0x385: {  	v37 =	vperm.xlane v17, v5;
	v19 =	vadd.s32 v3, v19;
	_ =	sdelay $0x1  }
0x386: {  	s25 =	simm.s32 $0x3000;
	v38 =	vperm.xlane v17, v0;
	v20 =	vadd.s32 v3, v37  }
0x387: {  	[tilespmem:s25], [sflag:$0x2] =	stream.indirect_vreg.gather [hbm4b:s20+s3], $0x80, v18, vm0, $0xb8;
	[tilespmem:$0x8800] =	vst v63  }
0x388: {  	v39 =	vperm.xlane v17, v6;
	v18 =	vadd.s32 v3, v38;
	s25 =	simm.s32 $0x3080  }
0x389: {  	[tilespmem:s25], [sflag:$0x2] =	stream.indirect_vreg.gather [hbm4b:s20+s3], $0x80, v19, vm0, $0xb8;
	[tilespmem:$0x8800] =	vst v63  }
0x38a: {  	v40 =	vperm.xlane v17, v7;
	v19 =	vadd.s32 v3, v39;
	s25 =	simm.s32 $0x3100  }
0x38b: {  	[tilespmem:s25], [sflag:$0x2] =	stream.indirect_vreg.gather [hbm4b:s20+s3], $0x80, v20, vm0, $0xb8;
	[tilespmem:$0x8800] =	vst v63  }
0x38c: {  	v42 =	vperm.xlane v17, v8;
	v41 =	vadd.s32 v3, v40;
	s25 =	simm.s32 $0x3180  }
0x38d: {  	[tilespmem:s25], [sflag:$0x2] =	stream.indirect_vreg.gather [hbm4b:s20+s3], $0x80, v18, vm0, $0xb8;
	[tilespmem:$0x8800] =	vst v63  }
0x38e: {  	v43 =	vperm.xlane v17, v1;
	v18 =	vadd.s32 v3, v42;
	s25 =	simm.s32 $0x3200  }
0x38f: {  	[tilespmem:s25], [sflag:$0x2] =	stream.indirect_vreg.gather [hbm4b:s20+s3], $0x80, v19, vm0, $0xb8;
	[tilespmem:$0x8800] =	vst v63  }
0x390: {  	v44 =	vperm.xlane v17, v9;
	v19 =	vadd.s32 v3, v43;
	s25 =	simm.s32 $0x3280  }
0x391: {  	[tilespmem:s25], [sflag:$0x2] =	stream.indirect_vreg.gather [hbm4b:s20+s3], $0x80, v41, vm0, $0xb8;
	[tilespmem:$0x8800] =	vst v63  }
0x392: {  	v46 =	vperm.xlane v17, v10;
	v45 =	vadd.s32 v3, v44;
	s25 =	simm.s32 $0x3300  }
0x393: {  	[tilespmem:s25], [sflag:$0x2] =	stream.indirect_vreg.gather [hbm4b:s20+s3], $0x80, v18, vm0, $0xb8;
	[tilespmem:$0x8800] =	vst v63  }
0x394: {  	v47 =	vperm.xlane v17, v11;
	v18 =	vadd.s32 v3, v46;
	s25 =	simm.s32 $0x3380  }
0x395: {  	[tilespmem:s25], [sflag:$0x2] =	stream.indirect_vreg.gather [hbm4b:s20+s3], $0x80, v19, vm0, $0xb8;
	[tilespmem:$0x8800] =	vst v63  }
0x396: {  	v48 =	vperm.xlane v17, v12;
	v19 =	vadd.s32 v3, v47;
	s25 =	simm.s32 $0x3400  }
0x397: {  	[tilespmem:s25], [sflag:$0x2] =	stream.indirect_vreg.gather [hbm4b:s20+s3], $0x80, v45, vm0, $0xb8;
	[tilespmem:$0x8800] =	vst v63  }
0x398: {  	v50 =	vperm.xlane v17, v13;
	v49 =	vadd.s32 v3, v48;
	s25 =	simm.s32 $0x3480  }
0x399: {  	[tilespmem:s25], [sflag:$0x2] =	stream.indirect_vreg.gather [hbm4b:s20+s3], $0x80, v18, vm0, $0xb8;
	[tilespmem:$0x8800] =	vst v63  }
0x39a: {  	v51 =	vperm.xlane v17, v14;
	v18 =	vadd.s32 v3, v50;
	s25 =	simm.s32 $0x3500  }
0x39b: {  	[tilespmem:s25], [sflag:$0x2] =	stream.indirect_vreg.gather [hbm4b:s20+s3], $0x80, v19, vm0, $0xb8;
	[tilespmem:$0x8800] =	vst v63  }
0x39c: {  	v52 =	vperm.xlane v17, v15;
	v19 =	vadd.s32 v3, v51;
	s25 =	simm.s32 $0x3580  }
0x39d: {  	[tilespmem:s25], [sflag:$0x2] =	stream.indirect_vreg.gather [hbm4b:s20+s3], $0x80, v49, vm0, $0xb8;
	[tilespmem:$0x8800] =	vst v63  }
0x39e: {  	v17 =	vperm.xlane v17, v16;
	v53 =	vadd.s32 v3, v52;
	s25 =	simm.s32 $0x3600  }
0x39f: {  	[tilespmem:s25], [sflag:$0x2] =	stream.indirect_vreg.gather [hbm4b:s20+s3], $0x80, v18, vm0, $0xb8;
	[tilespmem:$0x8800] =	vst v63  }
0x3a0: {  	v17 =	vadd.s32 v3, v17;
	s25 =	simm.s32 $0x3680  }
0x3a1: {  	[tilespmem:s25], [sflag:$0x2] =	stream.indirect_vreg.gather [hbm4b:s20+s3], $0x80, v19, vm0, $0xb8;
	[tilespmem:$0x8800] =	vst v63  }
0x3a2: {  	s25 =	simm.s32 $0x3700  }
0x3a3: {  	[tilespmem:s25], [sflag:$0x2] =	stream.indirect_vreg.gather [hbm4b:s20+s3], $0x80, v53, vm0, $0xb8;
	[tilespmem:$0x8800] =	vst v63  }
0x3a4: {  	s25 =	simm.s32 $0x3780  }
0x3a5: {  	[tilespmem:s25], [sflag:$0x2] =	stream.indirect_vreg.gather [hbm4b:s20+s3], $0x80, v17, vm0, $0xb8;
	[tilespmem:$0x8800] =	vst v63  }
0x3a6: {  	v17 =	vld [tilespmem:s6+$0x20];
	_ =	sdelay $0x4  }
0x3a7: {  	v18 =	vshrl.u32 v17, $0x3  }
0x3a8: {  	v18 =	vmul.u32 $0x278, v18  }
0x3a9: {  	v17 =	vand.u32 $0x7, v17  }
0x3aa: {  	v17 =	vor.u32 v17, v18  }
0x3ab: {  	v18 =	vperm.xlane v17, v2;
	_ =	sdelay $0x1  }
0x3ac: {  	v19 =	vperm.xlane v17, v4;
	v18 =	vadd.s32 v3, v18;
	_ =	sdelay $0x1  }
0x3ad: {  	v54 =	vperm.xlane v17, v5;
	v19 =	vadd.s32 v3, v19;
	_ =	sdelay $0x1  }
0x3ae: {  	s25 =	simm.s32 $0x3800;
	v55 =	vperm.xlane v17, v0;
	v20 =	vadd.s32 v3, v54  }
0x3af: {  	[tilespmem:s25], [sflag:$0x2] =	stream.indirect_vreg.gather [hbm4b:s20+s3], $0x80, v18, vm0, $0xb8;
	[tilespmem:$0x8800] =	vst v63  }
0x3b0: {  	v56 =	vperm.xlane v17, v6;
	v18 =	vadd.s32 v3, v55;
	s25 =	simm.s32 $0x3880  }
0x3b1: {  	[tilespmem:s25], [sflag:$0x2] =	stream.indirect_vreg.gather [hbm4b:s20+s3], $0x80, v19, vm0, $0xb8;
	[tilespmem:$0x8800] =	vst v63  }
0x3b2: {  	v57 =	vperm.xlane v17, v7;
	v19 =	vadd.s32 v3, v56;
	s25 =	simm.s32 $0x3900  }
0x3b3: {  	[tilespmem:s25], [sflag:$0x2] =	stream.indirect_vreg.gather [hbm4b:s20+s3], $0x80, v20, vm0, $0xb8;
	[tilespmem:$0x8800] =	vst v63  }
0x3b4: {  	v59 =	vperm.xlane v17, v8;
	v58 =	vadd.s32 v3, v57;
	s25 =	simm.s32 $0x3980  }
0x3b5: {  	[tilespmem:s25], [sflag:$0x2] =	stream.indirect_vreg.gather [hbm4b:s20+s3], $0x80, v18, vm0, $0xb8;
	[tilespmem:$0x8800] =	vst v63  }
0x3b6: {  	v60 =	vperm.xlane v17, v1;
	v18 =	vadd.s32 v3, v59;
	s25 =	simm.s32 $0x3A00  }
0x3b7: {  	[tilespmem:s25], [sflag:$0x2] =	stream.indirect_vreg.gather [hbm4b:s20+s3], $0x80, v19, vm0, $0xb8;
	[tilespmem:$0x8800] =	vst v63  }
0x3b8: {  	v61 =	vperm.xlane v17, v9;
	v19 =	vadd.s32 v3, v60;
	s25 =	simm.s32 $0x3A80  }
0x3b9: {  	[tilespmem:s25], [sflag:$0x2] =	stream.indirect_vreg.gather [hbm4b:s20+s3], $0x80, v58, vm0, $0xb8;
	[tilespmem:$0x8800] =	vst v63  }
0x3ba: {  	v63 =	vperm.xlane v17, v10;
	v62 =	vadd.s32 v3, v61;
	s25 =	simm.s32 $0x3B00  }
0x3bb: {  	[tilespmem:s25], [sflag:$0x2] =	stream.indirect_vreg.gather [hbm4b:s20+s3], $0x80, v18, vm0, $0xb8;
	[tilespmem:$0x8800] =	vst v63  }
0x3bc: {  	v24 =	vperm.xlane v17, v11;
	v18 =	vadd.s32 v3, v63;
	s25 =	simm.s32 $0x3B80  }
0x3bd: {  	[tilespmem:s25], [sflag:$0x2] =	stream.indirect_vreg.gather [hbm4b:s20+s3], $0x80, v19, vm0, $0xb8;
	[tilespmem:$0x8800] =	vst v63  }
0x3be: {  	v25 =	vperm.xlane v17, v12;
	v19 =	vadd.s32 v3, v24;
	s25 =	simm.s32 $0x3C00  }
0x3bf: {  	[tilespmem:s25], [sflag:$0x2] =	stream.indirect_vreg.gather [hbm4b:s20+s3], $0x80, v62, vm0, $0xb8;
	[tilespmem:$0x8800] =	vst v63  }
0x3c0: {  	v27 =	vperm.xlane v17, v13;
	v26 =	vadd.s32 v3, v25;
	s25 =	simm.s32 $0x3C80  }
0x3c1: {  	[tilespmem:s25], [sflag:$0x2] =	stream.indirect_vreg.gather [hbm4b:s20+s3], $0x80, v18, vm0, $0xb8;
	[tilespmem:$0x8800] =	vst v63  }
0x3c2: {  	v28 =	vperm.xlane v17, v14;
	v18 =	vadd.s32 v3, v27;
	s25 =	simm.s32 $0x3D00  }
0x3c3: {  	[tilespmem:s25], [sflag:$0x2] =	stream.indirect_vreg.gather [hbm4b:s20+s3], $0x80, v19, vm0, $0xb8;
	[tilespmem:$0x8800] =	vst v63  }
0x3c4: {  	v29 =	vperm.xlane v17, v15;
	v19 =	vadd.s32 v3, v28;
	s25 =	simm.s32 $0x3D80  }
0x3c5: {  	[tilespmem:s25], [sflag:$0x2] =	stream.indirect_vreg.gather [hbm4b:s20+s3], $0x80, v26, vm0, $0xb8;
	[tilespmem:$0x8800] =	vst v63  }
0x3c6: {  	v17 =	vperm.xlane v17, v16;
	v30 =	vadd.s32 v3, v29;
	s25 =	simm.s32 $0x3E00  }
0x3c7: {  	[tilespmem:s25], [sflag:$0x2] =	stream.indirect_vreg.gather [hbm4b:s20+s3], $0x80, v18, vm0, $0xb8;
	[tilespmem:$0x8800] =	vst v63  }
0x3c8: {  	v17 =	vadd.s32 v3, v17;
	s25 =	simm.s32 $0x3E80  }
0x3c9: {  	[tilespmem:s25], [sflag:$0x2] =	stream.indirect_vreg.gather [hbm4b:s20+s3], $0x80, v19, vm0, $0xb8;
	[tilespmem:$0x8800] =	vst v63  }
0x3ca: {  	s25 =	simm.s32 $0x3F00  }
0x3cb: {  	[tilespmem:s25], [sflag:$0x2] =	stream.indirect_vreg.gather [hbm4b:s20+s3], $0x80, v30, vm0, $0xb8;
	[tilespmem:$0x8800] =	vst v63  }
0x3cc: {  	s25 =	simm.s32 $0x3F80  }
0x3cd: {  	[tilespmem:s25], [sflag:$0x2] =	stream.indirect_vreg.gather [hbm4b:s20+s3], $0x80, v17, vm0, $0xb8;
	[tilespmem:$0x8800] =	vst v63  }
0x3ce: {  	v17 =	vld [tilespmem:s6+$0x30];
	_ =	sdelay $0x4  }
0x3cf: {  	v18 =	vshrl.u32 v17, $0x3  }
0x3d0: {  	v18 =	vmul.u32 $0x278, v18  }
0x3d1: {  	v17 =	vand.u32 $0x7, v17  }
0x3d2: {  	v17 =	vor.u32 v17, v18  }
0x3d3: {  	v18 =	vperm.xlane v17, v2;
	_ =	sdelay $0x1  }
0x3d4: {  	v19 =	vperm.xlane v17, v4;
	v18 =	vadd.s32 v3, v18;
	_ =	sdelay $0x1  }
0x3d5: {  	v31 =	vperm.xlane v17, v5;
	v19 =	vadd.s32 v3, v19;
	_ =	sdelay $0x1  }
0x3d6: {  	s25 =	simm.s32 $0x4000;
	v32 =	vperm.xlane v17, v0;
	v20 =	vadd.s32 v3, v31  }
0x3d7: {  	[tilespmem:s25], [sflag:$0x2] =	stream.indirect_vreg.gather [hbm4b:s20+s3], $0x80, v18, vm0, $0xb8;
	[tilespmem:$0x8800] =	vst v63  }
0x3d8: {  	v33 =	vperm.xlane v17, v6;
	v18 =	vadd.s32 v3, v32;
	s25 =	simm.s32 $0x4080  }
0x3d9: {  	[tilespmem:s25], [sflag:$0x2] =	stream.indirect_vreg.gather [hbm4b:s20+s3], $0x80, v19, vm0, $0xb8;
	[tilespmem:$0x8800] =	vst v63  }
0x3da: {  	v34 =	vperm.xlane v17, v7;
	v19 =	vadd.s32 v3, v33;
	s25 =	simm.s32 $0x4100  }
0x3db: {  	[tilespmem:s25], [sflag:$0x2] =	stream.indirect_vreg.gather [hbm4b:s20+s3], $0x80, v20, vm0, $0xb8;
	[tilespmem:$0x8800] =	vst v63  }
0x3dc: {  	v36 =	vperm.xlane v17, v8;
	v35 =	vadd.s32 v3, v34;
	s25 =	simm.s32 $0x4180  }
0x3dd: {  	[tilespmem:s25], [sflag:$0x2] =	stream.indirect_vreg.gather [hbm4b:s20+s3], $0x80, v18, vm0, $0xb8;
	[tilespmem:$0x8800] =	vst v63  }
0x3de: {  	v37 =	vperm.xlane v17, v1;
	v18 =	vadd.s32 v3, v36;
	s25 =	simm.s32 $0x4200  }
0x3df: {  	[tilespmem:s25], [sflag:$0x2] =	stream.indirect_vreg.gather [hbm4b:s20+s3], $0x80, v19, vm0, $0xb8;
	[tilespmem:$0x8800] =	vst v63  }
0x3e0: {  	v38 =	vperm.xlane v17, v9;
	v19 =	vadd.s32 v3, v37;
	s25 =	simm.s32 $0x4280  }
0x3e1: {  	[tilespmem:s25], [sflag:$0x2] =	stream.indirect_vreg.gather [hbm4b:s20+s3], $0x80, v35, vm0, $0xb8;
	[tilespmem:$0x8800] =	vst v63  }
0x3e2: {  	v40 =	vperm.xlane v17, v10;
	v39 =	vadd.s32 v3, v38;
	s25 =	simm.s32 $0x4300  }
0x3e3: {  	[tilespmem:s25], [sflag:$0x2] =	stream.indirect_vreg.gather [hbm4b:s20+s3], $0x80, v18, vm0, $0xb8;
	[tilespmem:$0x8800] =	vst v63  }
0x3e4: {  	v41 =	vperm.xlane v17, v11;
	v18 =	vadd.s32 v3, v40;
	s25 =	simm.s32 $0x4380  }
0x3e5: {  	[tilespmem:s25], [sflag:$0x2] =	stream.indirect_vreg.gather [hbm4b:s20+s3], $0x80, v19, vm0, $0xb8;
	[tilespmem:$0x8800] =	vst v63  }
0x3e6: {  	v42 =	vperm.xlane v17, v12;
	v19 =	vadd.s32 v3, v41;
	s25 =	simm.s32 $0x4400  }
0x3e7: {  	[tilespmem:s25], [sflag:$0x2] =	stream.indirect_vreg.gather [hbm4b:s20+s3], $0x80, v39, vm0, $0xb8;
	[tilespmem:$0x8800] =	vst v63  }
0x3e8: {  	v44 =	vperm.xlane v17, v13;
	v43 =	vadd.s32 v3, v42;
	s25 =	simm.s32 $0x4480  }
0x3e9: {  	[tilespmem:s25], [sflag:$0x2] =	stream.indirect_vreg.gather [hbm4b:s20+s3], $0x80, v18, vm0, $0xb8;
	[tilespmem:$0x8800] =	vst v63  }
0x3ea: {  	v45 =	vperm.xlane v17, v14;
	v18 =	vadd.s32 v3, v44;
	s25 =	simm.s32 $0x4500  }
0x3eb: {  	[tilespmem:s25], [sflag:$0x2] =	stream.indirect_vreg.gather [hbm4b:s20+s3], $0x80, v19, vm0, $0xb8;
	[tilespmem:$0x8800] =	vst v63  }
0x3ec: {  	v46 =	vperm.xlane v17, v15;
	v19 =	vadd.s32 v3, v45;
	s25 =	simm.s32 $0x4580  }
0x3ed: {  	[tilespmem:s25], [sflag:$0x2] =	stream.indirect_vreg.gather [hbm4b:s20+s3], $0x80, v43, vm0, $0xb8;
	[tilespmem:$0x8800] =	vst v63  }
0x3ee: {  	v17 =	vperm.xlane v17, v16;
	v47 =	vadd.s32 v3, v46;
	s25 =	simm.s32 $0x4600  }
0x3ef: {  	[tilespmem:s25], [sflag:$0x2] =	stream.indirect_vreg.gather [hbm4b:s20+s3], $0x80, v18, vm0, $0xb8;
	[tilespmem:$0x8800] =	vst v63  }
0x3f0: {  	v17 =	vadd.s32 v3, v17;
	s25 =	simm.s32 $0x4680  }
0x3f1: {  	[tilespmem:s25], [sflag:$0x2] =	stream.indirect_vreg.gather [hbm4b:s20+s3], $0x80, v19, vm0, $0xb8;
	[tilespmem:$0x8800] =	vst v63  }
0x3f2: {  	s25 =	simm.s32 $0x4700  }
0x3f3: {  	[tilespmem:s25], [sflag:$0x2] =	stream.indirect_vreg.gather [hbm4b:s20+s3], $0x80, v47, vm0, $0xb8;
	[tilespmem:$0x8800] =	vst v63  }
0x3f4: {  	s25 =	simm.s32 $0x4780  }
0x3f5: {  	[tilespmem:s25], [sflag:$0x2] =	stream.indirect_vreg.gather [hbm4b:s20+s3], $0x80, v17, vm0, $0xb8;
	[tilespmem:$0x8800] =	vst v63  }
0x3f6: {  	_ =	swait.ge [sflag:s16], $0x2000  }
0x3f7: {  	[sflag:s16] =	ssyncset.done $0x0  }
0x3f8: {  	[sflag:s16] =	ssyncadd.s32 $0xFFFFE000  }
0x3f9: {  	v17 =	vld [tilespmem:s6+$0x0];
	_ =	sdelay $0x4  }
0x3fa: {  	v18 =	vshrl.u32 v17, $0x3  }
0x3fb: {  	v18 =	vmul.u32 $0x278, v18  }
0x3fc: {  	v17 =	vand.u32 $0x7, v17  }
0x3fd: {  	v17 =	vor.u32 v17, v18  }
0x3fe: {  	v18 =	vperm.xlane v17, v2;
	_ =	sdelay $0x1  }
0x3ff: {  	v19 =	vperm.xlane v17, v4;
	v18 =	vadd.s32 v3, v18;
	_ =	sdelay $0x1  }
0x400: {  	v48 =	vperm.xlane v17, v5;
	v19 =	vadd.s32 v3, v19;
	_ =	sdelay $0x1  }
0x401: {  	s20 =	sadd.s32 $0x100, s18;
	v49 =	vperm.xlane v17, v0;
	v20 =	vadd.s32 v3, v48  }
0x402: {  	[tilespmem:s26], [sflag:$0x3] =	stream.indirect_vreg.gather [hbm4b:s20+s3], $0x80, v18, vm0, $0xb8;
	[tilespmem:$0x8800] =	vst v63  }
0x403: {  	s25 =	simm.s32 $0x4880;
	v50 =	vperm.xlane v17, v6;
	v18 =	vadd.s32 v3, v49  }
0x404: {  	[tilespmem:s25], [sflag:$0x3] =	stream.indirect_vreg.gather [hbm4b:s20+s3], $0x80, v19, vm0, $0xb8;
	[tilespmem:$0x8800] =	vst v63  }
0x405: {  	v51 =	vperm.xlane v17, v7;
	v19 =	vadd.s32 v3, v50;
	s25 =	simm.s32 $0x4900  }
0x406: {  	[tilespmem:s25], [sflag:$0x3] =	stream.indirect_vreg.gather [hbm4b:s20+s3], $0x80, v20, vm0, $0xb8;
	[tilespmem:$0x8800] =	vst v63  }
0x407: {  	v53 =	vperm.xlane v17, v8;
	v52 =	vadd.s32 v3, v51;
	s25 =	simm.s32 $0x4980  }
0x408: {  	[tilespmem:s25], [sflag:$0x3] =	stream.indirect_vreg.gather [hbm4b:s20+s3], $0x80, v18, vm0, $0xb8;
	[tilespmem:$0x8800] =	vst v63  }
0x409: {  	v54 =	vperm.xlane v17, v1;
	v18 =	vadd.s32 v3, v53;
	s25 =	simm.s32 $0x4A00  }
0x40a: {  	[tilespmem:s25], [sflag:$0x3] =	stream.indirect_vreg.gather [hbm4b:s20+s3], $0x80, v19, vm0, $0xb8;
	[tilespmem:$0x8800] =	vst v63  }
0x40b: {  	v55 =	vperm.xlane v17, v9;
	v19 =	vadd.s32 v3, v54;
	s25 =	simm.s32 $0x4A80  }
0x40c: {  	[tilespmem:s25], [sflag:$0x3] =	stream.indirect_vreg.gather [hbm4b:s20+s3], $0x80, v52, vm0, $0xb8;
	[tilespmem:$0x8800] =	vst v63  }
0x40d: {  	v57 =	vperm.xlane v17, v10;
	v56 =	vadd.s32 v3, v55;
	s25 =	simm.s32 $0x4B00  }
0x40e: {  	[tilespmem:s25], [sflag:$0x3] =	stream.indirect_vreg.gather [hbm4b:s20+s3], $0x80, v18, vm0, $0xb8;
	[tilespmem:$0x8800] =	vst v63  }
0x40f: {  	v58 =	vperm.xlane v17, v11;
	v18 =	vadd.s32 v3, v57;
	s25 =	simm.s32 $0x4B80  }
0x410: {  	[tilespmem:s25], [sflag:$0x3] =	stream.indirect_vreg.gather [hbm4b:s20+s3], $0x80, v19, vm0, $0xb8;
	[tilespmem:$0x8800] =	vst v63  }
0x411: {  	v59 =	vperm.xlane v17, v12;
	v19 =	vadd.s32 v3, v58  }
0x412: {  	[tilespmem:s1], [sflag:$0x3] =	stream.indirect_vreg.gather [hbm4b:s20+s3], $0x80, v56, vm0, $0xb8;
	[tilespmem:$0x8800] =	vst v63  }
0x413: {  	v61 =	vperm.xlane v17, v13;
	v60 =	vadd.s32 v3, v59  }
0x414: {  	[tilespmem:s29], [sflag:$0x3] =	stream.indirect_vreg.gather [hbm4b:s20+s3], $0x80, v18, vm0, $0xb8;
	[tilespmem:$0x8800] =	vst v63  }
0x415: {  	v62 =	vperm.xlane v17, v14;
	s25 =	simm.s32 $0x4D00;
	v18 =	vadd.s32 v3, v61  }
0x416: {  	[tilespmem:s25], [sflag:$0x3] =	stream.indirect_vreg.gather [hbm4b:s20+s3], $0x80, v19, vm0, $0xb8;
	[tilespmem:$0x8800] =	vst v63  }
0x417: {  	v63 =	vperm.xlane v17, v15;
	v19 =	vadd.s32 v3, v62;
	s25 =	simm.s32 $0x4D80  }
0x418: {  	[tilespmem:s25], [sflag:$0x3] =	stream.indirect_vreg.gather [hbm4b:s20+s3], $0x80, v60, vm0, $0xb8;
	[tilespmem:$0x8800] =	vst v63  }
0x419: {  	v17 =	vperm.xlane v17, v16;
	v24 =	vadd.s32 v3, v63;
	s25 =	simm.s32 $0x4E00  }
0x41a: {  	[tilespmem:s25], [sflag:$0x3] =	stream.indirect_vreg.gather [hbm4b:s20+s3], $0x80, v18, vm0, $0xb8;
	[tilespmem:$0x8800] =	vst v63  }
0x41b: {  	v17 =	vadd.s32 v3, v17;
	s25 =	simm.s32 $0x4E80  }
0x41c: {  	[tilespmem:s25], [sflag:$0x3] =	stream.indirect_vreg.gather [hbm4b:s20+s3], $0x80, v19, vm0, $0xb8;
	[tilespmem:$0x8800] =	vst v63  }
0x41d: {  	s25 =	simm.s32 $0x4F00  }
0x41e: {  	[tilespmem:s25], [sflag:$0x3] =	stream.indirect_vreg.gather [hbm4b:s20+s3], $0x80, v24, vm0, $0xb8;
	[tilespmem:$0x8800] =	vst v63  }
0x41f: {  	s25 =	simm.s32 $0x4F80  }
0x420: {  	[tilespmem:s25], [sflag:$0x3] =	stream.indirect_vreg.gather [hbm4b:s20+s3], $0x80, v17, vm0, $0xb8;
	[tilespmem:$0x8800] =	vst v63  }
0x421: {  	v17 =	vld [tilespmem:s6+$0x10];
	_ =	sdelay $0x4  }
0x422: {  	v18 =	vshrl.u32 v17, $0x3  }
0x423: {  	v18 =	vmul.u32 $0x278, v18  }
0x424: {  	v17 =	vand.u32 $0x7, v17  }
0x425: {  	v17 =	vor.u32 v17, v18  }
0x426: {  	v18 =	vperm.xlane v17, v2;
	_ =	sdelay $0x1  }
0x427: {  	v19 =	vperm.xlane v17, v4;
	v18 =	vadd.s32 v3, v18;
	_ =	sdelay $0x1  }
0x428: {  	v25 =	vperm.xlane v17, v5;
	v19 =	vadd.s32 v3, v19;
	_ =	sdelay $0x1  }
0x429: {  	s25 =	simm.s32 $0x5000;
	v26 =	vperm.xlane v17, v0;
	v20 =	vadd.s32 v3, v25  }
0x42a: {  	[tilespmem:s25], [sflag:$0x3] =	stream.indirect_vreg.gather [hbm4b:s20+s3], $0x80, v18, vm0, $0xb8;
	[tilespmem:$0x8800] =	vst v63  }
0x42b: {  	v27 =	vperm.xlane v17, v6;
	v18 =	vadd.s32 v3, v26;
	s25 =	simm.s32 $0x5080  }
0x42c: {  	[tilespmem:s25], [sflag:$0x3] =	stream.indirect_vreg.gather [hbm4b:s20+s3], $0x80, v19, vm0, $0xb8;
	[tilespmem:$0x8800] =	vst v63  }
0x42d: {  	v28 =	vperm.xlane v17, v7;
	v19 =	vadd.s32 v3, v27;
	s25 =	simm.s32 $0x5100  }
0x42e: {  	[tilespmem:s25], [sflag:$0x3] =	stream.indirect_vreg.gather [hbm4b:s20+s3], $0x80, v20, vm0, $0xb8;
	[tilespmem:$0x8800] =	vst v63  }
0x42f: {  	v30 =	vperm.xlane v17, v8;
	v29 =	vadd.s32 v3, v28;
	s25 =	simm.s32 $0x5180  }
0x430: {  	[tilespmem:s25], [sflag:$0x3] =	stream.indirect_vreg.gather [hbm4b:s20+s3], $0x80, v18, vm0, $0xb8;
	[tilespmem:$0x8800] =	vst v63  }
0x431: {  	v31 =	vperm.xlane v17, v1;
	v18 =	vadd.s32 v3, v30;
	s25 =	simm.s32 $0x5200  }
0x432: {  	[tilespmem:s25], [sflag:$0x3] =	stream.indirect_vreg.gather [hbm4b:s20+s3], $0x80, v19, vm0, $0xb8;
	[tilespmem:$0x8800] =	vst v63  }
0x433: {  	v32 =	vperm.xlane v17, v9;
	v19 =	vadd.s32 v3, v31;
	s25 =	simm.s32 $0x5280  }
0x434: {  	[tilespmem:s25], [sflag:$0x3] =	stream.indirect_vreg.gather [hbm4b:s20+s3], $0x80, v29, vm0, $0xb8;
	[tilespmem:$0x8800] =	vst v63  }
0x435: {  	v34 =	vperm.xlane v17, v10;
	v33 =	vadd.s32 v3, v32;
	s25 =	simm.s32 $0x5300  }
0x436: {  	[tilespmem:s25], [sflag:$0x3] =	stream.indirect_vreg.gather [hbm4b:s20+s3], $0x80, v18, vm0, $0xb8;
	[tilespmem:$0x8800] =	vst v63  }
0x437: {  	v35 =	vperm.xlane v17, v11;
	v18 =	vadd.s32 v3, v34;
	s25 =	simm.s32 $0x5380  }
0x438: {  	[tilespmem:s25], [sflag:$0x3] =	stream.indirect_vreg.gather [hbm4b:s20+s3], $0x80, v19, vm0, $0xb8;
	[tilespmem:$0x8800] =	vst v63  }
0x439: {  	v36 =	vperm.xlane v17, v12;
	v19 =	vadd.s32 v3, v35;
	s25 =	simm.s32 $0x5400  }
0x43a: {  	[tilespmem:s25], [sflag:$0x3] =	stream.indirect_vreg.gather [hbm4b:s20+s3], $0x80, v33, vm0, $0xb8;
	[tilespmem:$0x8800] =	vst v63  }
0x43b: {  	v38 =	vperm.xlane v17, v13;
	v37 =	vadd.s32 v3, v36;
	s25 =	simm.s32 $0x5480  }
0x43c: {  	[tilespmem:s25], [sflag:$0x3] =	stream.indirect_vreg.gather [hbm4b:s20+s3], $0x80, v18, vm0, $0xb8;
	[tilespmem:$0x8800] =	vst v63  }
0x43d: {  	v39 =	vperm.xlane v17, v14;
	v18 =	vadd.s32 v3, v38;
	s25 =	simm.s32 $0x5500  }
0x43e: {  	[tilespmem:s25], [sflag:$0x3] =	stream.indirect_vreg.gather [hbm4b:s20+s3], $0x80, v19, vm0, $0xb8;
	[tilespmem:$0x8800] =	vst v63  }
0x43f: {  	v40 =	vperm.xlane v17, v15;
	v19 =	vadd.s32 v3, v39;
	s25 =	simm.s32 $0x5580  }
0x440: {  	[tilespmem:s25], [sflag:$0x3] =	stream.indirect_vreg.gather [hbm4b:s20+s3], $0x80, v37, vm0, $0xb8;
	[tilespmem:$0x8800] =	vst v63  }
0x441: {  	v17 =	vperm.xlane v17, v16;
	v41 =	vadd.s32 v3, v40;
	s25 =	simm.s32 $0x5600  }
0x442: {  	[tilespmem:s25], [sflag:$0x3] =	stream.indirect_vreg.gather [hbm4b:s20+s3], $0x80, v18, vm0, $0xb8;
	[tilespmem:$0x8800] =	vst v63  }
0x443: {  	v17 =	vadd.s32 v3, v17;
	s25 =	simm.s32 $0x5680  }
0x444: {  	[tilespmem:s25], [sflag:$0x3] =	stream.indirect_vreg.gather [hbm4b:s20+s3], $0x80, v19, vm0, $0xb8;
	[tilespmem:$0x8800] =	vst v63  }
0x445: {  	s25 =	simm.s32 $0x5700  }
0x446: {  	[tilespmem:s25], [sflag:$0x3] =	stream.indirect_vreg.gather [hbm4b:s20+s3], $0x80, v41, vm0, $0xb8;
	[tilespmem:$0x8800] =	vst v63  }
0x447: {  	s25 =	simm.s32 $0x5780  }
0x448: {  	[tilespmem:s25], [sflag:$0x3] =	stream.indirect_vreg.gather [hbm4b:s20+s3], $0x80, v17, vm0, $0xb8;
	[tilespmem:$0x8800] =	vst v63  }
0x449: {  	v17 =	vld [tilespmem:s6+$0x20];
	_ =	sdelay $0x4  }
0x44a: {  	v18 =	vshrl.u32 v17, $0x3  }
0x44b: {  	v18 =	vmul.u32 $0x278, v18  }
0x44c: {  	v17 =	vand.u32 $0x7, v17  }
0x44d: {  	v17 =	vor.u32 v17, v18  }
0x44e: {  	v18 =	vperm.xlane v17, v2;
	_ =	sdelay $0x1  }
0x44f: {  	v19 =	vperm.xlane v17, v4;
	v18 =	vadd.s32 v3, v18;
	_ =	sdelay $0x1  }
0x450: {  	v42 =	vperm.xlane v17, v5;
	v19 =	vadd.s32 v3, v19;
	_ =	sdelay $0x1  }
0x451: {  	s25 =	simm.s32 $0x5800;
	v43 =	vperm.xlane v17, v0;
	v20 =	vadd.s32 v3, v42  }
0x452: {  	[tilespmem:s25], [sflag:$0x3] =	stream.indirect_vreg.gather [hbm4b:s20+s3], $0x80, v18, vm0, $0xb8;
	[tilespmem:$0x8800] =	vst v63  }
0x453: {  	v44 =	vperm.xlane v17, v6;
	v18 =	vadd.s32 v3, v43;
	s25 =	simm.s32 $0x5880  }
0x454: {  	[tilespmem:s25], [sflag:$0x3] =	stream.indirect_vreg.gather [hbm4b:s20+s3], $0x80, v19, vm0, $0xb8;
	[tilespmem:$0x8800] =	vst v63  }
0x455: {  	v45 =	vperm.xlane v17, v7;
	v19 =	vadd.s32 v3, v44;
	s25 =	simm.s32 $0x5900  }
0x456: {  	[tilespmem:s25], [sflag:$0x3] =	stream.indirect_vreg.gather [hbm4b:s20+s3], $0x80, v20, vm0, $0xb8;
	[tilespmem:$0x8800] =	vst v63  }
0x457: {  	v47 =	vperm.xlane v17, v8;
	v46 =	vadd.s32 v3, v45;
	s25 =	simm.s32 $0x5980  }
0x458: {  	[tilespmem:s25], [sflag:$0x3] =	stream.indirect_vreg.gather [hbm4b:s20+s3], $0x80, v18, vm0, $0xb8;
	[tilespmem:$0x8800] =	vst v63  }
0x459: {  	v48 =	vperm.xlane v17, v1;
	v18 =	vadd.s32 v3, v47;
	s25 =	simm.s32 $0x5A00  }
0x45a: {  	[tilespmem:s25], [sflag:$0x3] =	stream.indirect_vreg.gather [hbm4b:s20+s3], $0x80, v19, vm0, $0xb8;
	[tilespmem:$0x8800] =	vst v63  }
0x45b: {  	v49 =	vperm.xlane v17, v9;
	v19 =	vadd.s32 v3, v48;
	s25 =	simm.s32 $0x5A80  }
0x45c: {  	[tilespmem:s25], [sflag:$0x3] =	stream.indirect_vreg.gather [hbm4b:s20+s3], $0x80, v46, vm0, $0xb8;
	[tilespmem:$0x8800] =	vst v63  }
0x45d: {  	v51 =	vperm.xlane v17, v10;
	v50 =	vadd.s32 v3, v49;
	s25 =	simm.s32 $0x5B00  }
0x45e: {  	[tilespmem:s25], [sflag:$0x3] =	stream.indirect_vreg.gather [hbm4b:s20+s3], $0x80, v18, vm0, $0xb8;
	[tilespmem:$0x8800] =	vst v63  }
0x45f: {  	v52 =	vperm.xlane v17, v11;
	v18 =	vadd.s32 v3, v51;
	s25 =	simm.s32 $0x5B80  }
0x460: {  	[tilespmem:s25], [sflag:$0x3] =	stream.indirect_vreg.gather [hbm4b:s20+s3], $0x80, v19, vm0, $0xb8;
	[tilespmem:$0x8800] =	vst v63  }
0x461: {  	v53 =	vperm.xlane v17, v12;
	v19 =	vadd.s32 v3, v52;
	s25 =	simm.s32 $0x5C00  }
0x462: {  	[tilespmem:s25], [sflag:$0x3] =	stream.indirect_vreg.gather [hbm4b:s20+s3], $0x80, v50, vm0, $0xb8;
	[tilespmem:$0x8800] =	vst v63  }
0x463: {  	v55 =	vperm.xlane v17, v13;
	v54 =	vadd.s32 v3, v53;
	s25 =	simm.s32 $0x5C80  }
0x464: {  	[tilespmem:s25], [sflag:$0x3] =	stream.indirect_vreg.gather [hbm4b:s20+s3], $0x80, v18, vm0, $0xb8;
	[tilespmem:$0x8800] =	vst v63  }
0x465: {  	v56 =	vperm.xlane v17, v14;
	v18 =	vadd.s32 v3, v55;
	s25 =	simm.s32 $0x5D00  }
0x466: {  	[tilespmem:s25], [sflag:$0x3] =	stream.indirect_vreg.gather [hbm4b:s20+s3], $0x80, v19, vm0, $0xb8;
	[tilespmem:$0x8800] =	vst v63  }
0x467: {  	v57 =	vperm.xlane v17, v15;
	v19 =	vadd.s32 v3, v56;
	s25 =	simm.s32 $0x5D80  }
0x468: {  	[tilespmem:s25], [sflag:$0x3] =	stream.indirect_vreg.gather [hbm4b:s20+s3], $0x80, v54, vm0, $0xb8;
	[tilespmem:$0x8800] =	vst v63  }
0x469: {  	v17 =	vperm.xlane v17, v16;
	v58 =	vadd.s32 v3, v57;
	s25 =	simm.s32 $0x5E00  }
0x46a: {  	[tilespmem:s25], [sflag:$0x3] =	stream.indirect_vreg.gather [hbm4b:s20+s3], $0x80, v18, vm0, $0xb8;
	[tilespmem:$0x8800] =	vst v63  }
0x46b: {  	v17 =	vadd.s32 v3, v17;
	s25 =	simm.s32 $0x5E80  }
0x46c: {  	[tilespmem:s25], [sflag:$0x3] =	stream.indirect_vreg.gather [hbm4b:s20+s3], $0x80, v19, vm0, $0xb8;
	[tilespmem:$0x8800] =	vst v63  }
0x46d: {  	s25 =	simm.s32 $0x5F00  }
0x46e: {  	[tilespmem:s25], [sflag:$0x3] =	stream.indirect_vreg.gather [hbm4b:s20+s3], $0x80, v58, vm0, $0xb8;
	[tilespmem:$0x8800] =	vst v63  }
0x46f: {  	s25 =	simm.s32 $0x5F80  }
0x470: {  	[tilespmem:s25], [sflag:$0x3] =	stream.indirect_vreg.gather [hbm4b:s20+s3], $0x80, v17, vm0, $0xb8;
	[tilespmem:$0x8800] =	vst v63  }
0x471: {  	v17 =	vld [tilespmem:s6+$0x30];
	_ =	sdelay $0x4  }
0x472: {  	v18 =	vshrl.u32 v17, $0x3  }
0x473: {  	v18 =	vmul.u32 $0x278, v18  }
0x474: {  	v17 =	vand.u32 $0x7, v17  }
0x475: {  	v17 =	vor.u32 v17, v18  }
0x476: {  	v18 =	vperm.xlane v17, v2;
	_ =	sdelay $0x1  }
0x477: {  	v19 =	vperm.xlane v17, v4;
	v18 =	vadd.s32 v3, v18;
	_ =	sdelay $0x1  }
0x478: {  	v59 =	vperm.xlane v17, v5;
	v19 =	vadd.s32 v3, v19;
	_ =	sdelay $0x1  }
0x479: {  	s25 =	simm.s32 $0x6000;
	v60 =	vperm.xlane v17, v0;
	v20 =	vadd.s32 v3, v59  }
0x47a: {  	[tilespmem:s25], [sflag:$0x3] =	stream.indirect_vreg.gather [hbm4b:s20+s3], $0x80, v18, vm0, $0xb8;
	[tilespmem:$0x8800] =	vst v63  }
0x47b: {  	v61 =	vperm.xlane v17, v6;
	v18 =	vadd.s32 v3, v60;
	s25 =	simm.s32 $0x6080  }
0x47c: {  	[tilespmem:s25], [sflag:$0x3] =	stream.indirect_vreg.gather [hbm4b:s20+s3], $0x80, v19, vm0, $0xb8;
	[tilespmem:$0x8800] =	vst v63  }
0x47d: {  	v62 =	vperm.xlane v17, v7;
	v19 =	vadd.s32 v3, v61;
	s25 =	simm.s32 $0x6100  }
0x47e: {  	[tilespmem:s25], [sflag:$0x3] =	stream.indirect_vreg.gather [hbm4b:s20+s3], $0x80, v20, vm0, $0xb8;
	[tilespmem:$0x8800] =	vst v63  }
0x47f: {  	v24 =	vperm.xlane v17, v8;
	v63 =	vadd.s32 v3, v62;
	s25 =	simm.s32 $0x6180  }
0x480: {  	[tilespmem:s25], [sflag:$0x3] =	stream.indirect_vreg.gather [hbm4b:s20+s3], $0x80, v18, vm0, $0xb8;
	[tilespmem:$0x8800] =	vst v63  }
0x481: {  	v25 =	vperm.xlane v17, v1;
	v18 =	vadd.s32 v3, v24;
	s25 =	simm.s32 $0x6200  }
0x482: {  	[tilespmem:s25], [sflag:$0x3] =	stream.indirect_vreg.gather [hbm4b:s20+s3], $0x80, v19, vm0, $0xb8;
	[tilespmem:$0x8800] =	vst v63  }
0x483: {  	v26 =	vperm.xlane v17, v9;
	v19 =	vadd.s32 v3, v25;
	s25 =	simm.s32 $0x6280  }
0x484: {  	[tilespmem:s25], [sflag:$0x3] =	stream.indirect_vreg.gather [hbm4b:s20+s3], $0x80, v63, vm0, $0xb8;
	[tilespmem:$0x8800] =	vst v63  }
0x485: {  	v28 =	vperm.xlane v17, v10;
	v27 =	vadd.s32 v3, v26;
	s25 =	simm.s32 $0x6300  }
0x486: {  	[tilespmem:s25], [sflag:$0x3] =	stream.indirect_vreg.gather [hbm4b:s20+s3], $0x80, v18, vm0, $0xb8;
	[tilespmem:$0x8800] =	vst v63  }
0x487: {  	v29 =	vperm.xlane v17, v11;
	v18 =	vadd.s32 v3, v28;
	s25 =	simm.s32 $0x6380  }
0x488: {  	[tilespmem:s25], [sflag:$0x3] =	stream.indirect_vreg.gather [hbm4b:s20+s3], $0x80, v19, vm0, $0xb8;
	[tilespmem:$0x8800] =	vst v63  }
0x489: {  	v30 =	vperm.xlane v17, v12;
	v19 =	vadd.s32 v3, v29;
	s25 =	simm.s32 $0x6400  }
0x48a: {  	[tilespmem:s25], [sflag:$0x3] =	stream.indirect_vreg.gather [hbm4b:s20+s3], $0x80, v27, vm0, $0xb8;
	[tilespmem:$0x8800] =	vst v63  }
0x48b: {  	v32 =	vperm.xlane v17, v13;
	v31 =	vadd.s32 v3, v30;
	s25 =	simm.s32 $0x6480  }
0x48c: {  	[tilespmem:s25], [sflag:$0x3] =	stream.indirect_vreg.gather [hbm4b:s20+s3], $0x80, v18, vm0, $0xb8;
	[tilespmem:$0x8800] =	vst v63  }
0x48d: {  	v33 =	vperm.xlane v17, v14;
	v18 =	vadd.s32 v3, v32;
	s25 =	simm.s32 $0x6500  }
0x48e: {  	[tilespmem:s25], [sflag:$0x3] =	stream.indirect_vreg.gather [hbm4b:s20+s3], $0x80, v19, vm0, $0xb8;
	[tilespmem:$0x8800] =	vst v63  }
0x48f: {  	v34 =	vperm.xlane v17, v15;
	v19 =	vadd.s32 v3, v33;
	s25 =	simm.s32 $0x6580  }
0x490: {  	[tilespmem:s25], [sflag:$0x3] =	stream.indirect_vreg.gather [hbm4b:s20+s3], $0x80, v31, vm0, $0xb8;
	[tilespmem:$0x8800] =	vst v63  }
0x491: {  	v17 =	vperm.xlane v17, v16;
	v35 =	vadd.s32 v3, v34;
	s25 =	simm.s32 $0x6600  }
0x492: {  	[tilespmem:s25], [sflag:$0x3] =	stream.indirect_vreg.gather [hbm4b:s20+s3], $0x80, v18, vm0, $0xb8;
	[tilespmem:$0x8800] =	vst v63  }
0x493: {  	v17 =	vadd.s32 v3, v17;
	s25 =	simm.s32 $0x6680  }
0x494: {  	[tilespmem:s25], [sflag:$0x3] =	stream.indirect_vreg.gather [hbm4b:s20+s3], $0x80, v19, vm0, $0xb8;
	[tilespmem:$0x8800] =	vst v63  }
0x495: {  	s25 =	simm.s32 $0x6700  }
0x496: {  	[tilespmem:s25], [sflag:$0x3] =	stream.indirect_vreg.gather [hbm4b:s20+s3], $0x80, v35, vm0, $0xb8;
	[tilespmem:$0x8800] =	vst v63  }
0x497: {  	s25 =	simm.s32 $0x6780  }
0x498: {  	[tilespmem:s25], [sflag:$0x3] =	stream.indirect_vreg.gather [hbm4b:s20+s3], $0x80, v17, vm0, $0xb8;
	[tilespmem:$0x8800] =	vst v63  }
0x499: {  	_ =	swait.ge [sflag:s23], $0x2000  }
0x49a: {  	[sflag:s23] =	ssyncset.done $0x0  }
0x49b: {  	[sflag:s23] =	ssyncadd.s32 $0xFFFFE000  }
0x49c: {  	v17 =	vld [tilespmem:s6+$0x0];
	_ =	sdelay $0x4  }
0x49d: {  	v18 =	vshrl.u32 v17, $0x3  }
0x49e: {  	v18 =	vmul.u32 $0x278, v18  }
0x49f: {  	v17 =	vand.u32 $0x7, v17  }
0x4a0: {  	v17 =	vor.u32 v17, v18  }
0x4a1: {  	v18 =	vperm.xlane v17, v2;
	_ =	sdelay $0x1  }
0x4a2: {  	v19 =	vperm.xlane v17, v4;
	v18 =	vadd.s32 v3, v18;
	_ =	sdelay $0x1  }
0x4a3: {  	v36 =	vperm.xlane v17, v5;
	v19 =	vadd.s32 v3, v19;
	_ =	sdelay $0x1  }
0x4a4: {  	s20 =	sadd.s32 $0x180, s18;
	v37 =	vperm.xlane v17, v0;
	v20 =	vadd.s32 v3, v36  }
0x4a5: {  	[tilespmem:s22], [sflag:$0x4] =	stream.indirect_vreg.gather [hbm4b:s20+s3], $0x80, v18, vm0, $0xb8;
	[tilespmem:$0x8800] =	vst v63  }
0x4a6: {  	s25 =	simm.s32 $0x6880;
	v38 =	vperm.xlane v17, v6;
	v18 =	vadd.s32 v3, v37  }
0x4a7: {  	[tilespmem:s25], [sflag:$0x4] =	stream.indirect_vreg.gather [hbm4b:s20+s3], $0x80, v19, vm0, $0xb8;
	[tilespmem:$0x8800] =	vst v63  }
0x4a8: {  	v39 =	vperm.xlane v17, v7;
	v19 =	vadd.s32 v3, v38;
	s25 =	simm.s32 $0x6900  }
0x4a9: {  	[tilespmem:s25], [sflag:$0x4] =	stream.indirect_vreg.gather [hbm4b:s20+s3], $0x80, v20, vm0, $0xb8;
	[tilespmem:$0x8800] =	vst v63  }
0x4aa: {  	v41 =	vperm.xlane v17, v8;
	v40 =	vadd.s32 v3, v39;
	s25 =	simm.s32 $0x6980  }
0x4ab: {  	[tilespmem:s25], [sflag:$0x4] =	stream.indirect_vreg.gather [hbm4b:s20+s3], $0x80, v18, vm0, $0xb8;
	[tilespmem:$0x8800] =	vst v63  }
0x4ac: {  	v42 =	vperm.xlane v17, v1;
	v18 =	vadd.s32 v3, v41;
	s25 =	simm.s32 $0x6A00  }
0x4ad: {  	[tilespmem:s25], [sflag:$0x4] =	stream.indirect_vreg.gather [hbm4b:s20+s3], $0x80, v19, vm0, $0xb8;
	[tilespmem:$0x8800] =	vst v63  }
0x4ae: {  	v43 =	vperm.xlane v17, v9;
	v19 =	vadd.s32 v3, v42;
	s25 =	simm.s32 $0x6A80  }
0x4af: {  	[tilespmem:s25], [sflag:$0x4] =	stream.indirect_vreg.gather [hbm4b:s20+s3], $0x80, v40, vm0, $0xb8;
	[tilespmem:$0x8800] =	vst v63  }
0x4b0: {  	v45 =	vperm.xlane v17, v10;
	v44 =	vadd.s32 v3, v43;
	s25 =	simm.s32 $0x6B00  }
0x4b1: {  	[tilespmem:s25], [sflag:$0x4] =	stream.indirect_vreg.gather [hbm4b:s20+s3], $0x80, v18, vm0, $0xb8;
	[tilespmem:$0x8800] =	vst v63  }
0x4b2: {  	v46 =	vperm.xlane v17, v11;
	v18 =	vadd.s32 v3, v45;
	s25 =	simm.s32 $0x6B80  }
0x4b3: {  	[tilespmem:s25], [sflag:$0x4] =	stream.indirect_vreg.gather [hbm4b:s20+s3], $0x80, v19, vm0, $0xb8;
	[tilespmem:$0x8800] =	vst v63  }
0x4b4: {  	v47 =	vperm.xlane v17, v12;
	v19 =	vadd.s32 v3, v46;
	s25 =	simm.s32 $0x6C00  }
0x4b5: {  	[tilespmem:s25], [sflag:$0x4] =	stream.indirect_vreg.gather [hbm4b:s20+s3], $0x80, v44, vm0, $0xb8;
	[tilespmem:$0x8800] =	vst v63  }
0x4b6: {  	v49 =	vperm.xlane v17, v13;
	v48 =	vadd.s32 v3, v47;
	s25 =	simm.s32 $0x6C80  }
0x4b7: {  	[tilespmem:s25], [sflag:$0x4] =	stream.indirect_vreg.gather [hbm4b:s20+s3], $0x80, v18, vm0, $0xb8;
	[tilespmem:$0x8800] =	vst v63  }
0x4b8: {  	v50 =	vperm.xlane v17, v14;
	v18 =	vadd.s32 v3, v49;
	s25 =	simm.s32 $0x6D00  }
0x4b9: {  	[tilespmem:s25], [sflag:$0x4] =	stream.indirect_vreg.gather [hbm4b:s20+s3], $0x80, v19, vm0, $0xb8;
	[tilespmem:$0x8800] =	vst v63  }
0x4ba: {  	v51 =	vperm.xlane v17, v15;
	v19 =	vadd.s32 v3, v50;
	s25 =	simm.s32 $0x6D80  }
0x4bb: {  	[tilespmem:s25], [sflag:$0x4] =	stream.indirect_vreg.gather [hbm4b:s20+s3], $0x80, v48, vm0, $0xb8;
	[tilespmem:$0x8800] =	vst v63  }
0x4bc: {  	v17 =	vperm.xlane v17, v16;
	v52 =	vadd.s32 v3, v51;
	s25 =	simm.s32 $0x6E00  }
0x4bd: {  	[tilespmem:s25], [sflag:$0x4] =	stream.indirect_vreg.gather [hbm4b:s20+s3], $0x80, v18, vm0, $0xb8;
	[tilespmem:$0x8800] =	vst v63  }
0x4be: {  	v17 =	vadd.s32 v3, v17;
	s25 =	simm.s32 $0x6E80  }
0x4bf: {  	[tilespmem:s25], [sflag:$0x4] =	stream.indirect_vreg.gather [hbm4b:s20+s3], $0x80, v19, vm0, $0xb8;
	[tilespmem:$0x8800] =	vst v63  }
0x4c0: {  	s25 =	simm.s32 $0x6F00  }
0x4c1: {  	[tilespmem:s25], [sflag:$0x4] =	stream.indirect_vreg.gather [hbm4b:s20+s3], $0x80, v52, vm0, $0xb8;
	[tilespmem:$0x8800] =	vst v63  }
0x4c2: {  	s25 =	simm.s32 $0x6F80  }
0x4c3: {  	[tilespmem:s25], [sflag:$0x4] =	stream.indirect_vreg.gather [hbm4b:s20+s3], $0x80, v17, vm0, $0xb8;
	[tilespmem:$0x8800] =	vst v63  }
0x4c4: {  	v17 =	vld [tilespmem:s6+$0x10];
	_ =	sdelay $0x4  }
0x4c5: {  	v18 =	vshrl.u32 v17, $0x3  }
0x4c6: {  	v18 =	vmul.u32 $0x278, v18  }
0x4c7: {  	v17 =	vand.u32 $0x7, v17  }
0x4c8: {  	v17 =	vor.u32 v17, v18  }
0x4c9: {  	v18 =	vperm.xlane v17, v2;
	_ =	sdelay $0x1  }
0x4ca: {  	v19 =	vperm.xlane v17, v4;
	v18 =	vadd.s32 v3, v18;
	_ =	sdelay $0x1  }
0x4cb: {  	v53 =	vperm.xlane v17, v5;
	v19 =	vadd.s32 v3, v19;
	_ =	sdelay $0x1  }
0x4cc: {  	s25 =	simm.s32 $0x7000;
	v54 =	vperm.xlane v17, v0;
	v20 =	vadd.s32 v3, v53  }
0x4cd: {  	[tilespmem:s25], [sflag:$0x4] =	stream.indirect_vreg.gather [hbm4b:s20+s3], $0x80, v18, vm0, $0xb8;
	[tilespmem:$0x8800] =	vst v63  }
0x4ce: {  	v55 =	vperm.xlane v17, v6;
	v18 =	vadd.s32 v3, v54;
	s25 =	simm.s32 $0x7080  }
0x4cf: {  	[tilespmem:s25], [sflag:$0x4] =	stream.indirect_vreg.gather [hbm4b:s20+s3], $0x80, v19, vm0, $0xb8;
	[tilespmem:$0x8800] =	vst v63  }
0x4d0: {  	v56 =	vperm.xlane v17, v7;
	v19 =	vadd.s32 v3, v55;
	s25 =	simm.s32 $0x7100  }
0x4d1: {  	[tilespmem:s25], [sflag:$0x4] =	stream.indirect_vreg.gather [hbm4b:s20+s3], $0x80, v20, vm0, $0xb8;
	[tilespmem:$0x8800] =	vst v63  }
0x4d2: {  	v58 =	vperm.xlane v17, v8;
	v57 =	vadd.s32 v3, v56;
	s25 =	simm.s32 $0x7180  }
0x4d3: {  	[tilespmem:s25], [sflag:$0x4] =	stream.indirect_vreg.gather [hbm4b:s20+s3], $0x80, v18, vm0, $0xb8;
	[tilespmem:$0x8800] =	vst v63  }
0x4d4: {  	v59 =	vperm.xlane v17, v1;
	v18 =	vadd.s32 v3, v58;
	s25 =	simm.s32 $0x7200  }
0x4d5: {  	[tilespmem:s25], [sflag:$0x4] =	stream.indirect_vreg.gather [hbm4b:s20+s3], $0x80, v19, vm0, $0xb8;
	[tilespmem:$0x8800] =	vst v63  }
0x4d6: {  	v60 =	vperm.xlane v17, v9;
	v19 =	vadd.s32 v3, v59;
	s25 =	simm.s32 $0x7280  }
0x4d7: {  	[tilespmem:s25], [sflag:$0x4] =	stream.indirect_vreg.gather [hbm4b:s20+s3], $0x80, v57, vm0, $0xb8;
	[tilespmem:$0x8800] =	vst v63  }
0x4d8: {  	v62 =	vperm.xlane v17, v10;
	v61 =	vadd.s32 v3, v60;
	s25 =	simm.s32 $0x7300  }
0x4d9: {  	[tilespmem:s25], [sflag:$0x4] =	stream.indirect_vreg.gather [hbm4b:s20+s3], $0x80, v18, vm0, $0xb8;
	[tilespmem:$0x8800] =	vst v63  }
0x4da: {  	v63 =	vperm.xlane v17, v11;
	v18 =	vadd.s32 v3, v62;
	s25 =	simm.s32 $0x7380  }
0x4db: {  	[tilespmem:s25], [sflag:$0x4] =	stream.indirect_vreg.gather [hbm4b:s20+s3], $0x80, v19, vm0, $0xb8;
	[tilespmem:$0x8800] =	vst v63  }
0x4dc: {  	v24 =	vperm.xlane v17, v12;
	v19 =	vadd.s32 v3, v63;
	s25 =	simm.s32 $0x7400  }
0x4dd: {  	[tilespmem:s25], [sflag:$0x4] =	stream.indirect_vreg.gather [hbm4b:s20+s3], $0x80, v61, vm0, $0xb8;
	[tilespmem:$0x8800] =	vst v63  }
0x4de: {  	v26 =	vperm.xlane v17, v13;
	v25 =	vadd.s32 v3, v24;
	s25 =	simm.s32 $0x7480  }
0x4df: {  	[tilespmem:s25], [sflag:$0x4] =	stream.indirect_vreg.gather [hbm4b:s20+s3], $0x80, v18, vm0, $0xb8;
	[tilespmem:$0x8800] =	vst v63  }
0x4e0: {  	v27 =	vperm.xlane v17, v14;
	v18 =	vadd.s32 v3, v26;
	s25 =	simm.s32 $0x7500  }
0x4e1: {  	[tilespmem:s25], [sflag:$0x4] =	stream.indirect_vreg.gather [hbm4b:s20+s3], $0x80, v19, vm0, $0xb8;
	[tilespmem:$0x8800] =	vst v63  }
0x4e2: {  	v28 =	vperm.xlane v17, v15;
	v19 =	vadd.s32 v3, v27;
	s25 =	simm.s32 $0x7580  }
0x4e3: {  	[tilespmem:s25], [sflag:$0x4] =	stream.indirect_vreg.gather [hbm4b:s20+s3], $0x80, v25, vm0, $0xb8;
	[tilespmem:$0x8800] =	vst v63  }
0x4e4: {  	v17 =	vperm.xlane v17, v16;
	v29 =	vadd.s32 v3, v28;
	s25 =	simm.s32 $0x7600  }
0x4e5: {  	[tilespmem:s25], [sflag:$0x4] =	stream.indirect_vreg.gather [hbm4b:s20+s3], $0x80, v18, vm0, $0xb8;
	[tilespmem:$0x8800] =	vst v63  }
0x4e6: {  	v17 =	vadd.s32 v3, v17;
	s25 =	simm.s32 $0x7680  }
0x4e7: {  	[tilespmem:s25], [sflag:$0x4] =	stream.indirect_vreg.gather [hbm4b:s20+s3], $0x80, v19, vm0, $0xb8;
	[tilespmem:$0x8800] =	vst v63  }
0x4e8: {  	s25 =	simm.s32 $0x7700  }
0x4e9: {  	[tilespmem:s25], [sflag:$0x4] =	stream.indirect_vreg.gather [hbm4b:s20+s3], $0x80, v29, vm0, $0xb8;
	[tilespmem:$0x8800] =	vst v63  }
0x4ea: {  	s25 =	simm.s32 $0x7780  }
0x4eb: {  	[tilespmem:s25], [sflag:$0x4] =	stream.indirect_vreg.gather [hbm4b:s20+s3], $0x80, v17, vm0, $0xb8;
	[tilespmem:$0x8800] =	vst v63  }
0x4ec: {  	v17 =	vld [tilespmem:s6+$0x20];
	_ =	sdelay $0x4  }
0x4ed: {  	v18 =	vshrl.u32 v17, $0x3  }
0x4ee: {  	v18 =	vmul.u32 $0x278, v18  }
0x4ef: {  	v17 =	vand.u32 $0x7, v17  }
0x4f0: {  	v17 =	vor.u32 v17, v18  }
0x4f1: {  	v18 =	vperm.xlane v17, v2;
	_ =	sdelay $0x1  }
0x4f2: {  	v19 =	vperm.xlane v17, v4;
	v18 =	vadd.s32 v3, v18;
	_ =	sdelay $0x1  }
0x4f3: {  	v30 =	vperm.xlane v17, v5;
	v19 =	vadd.s32 v3, v19;
	_ =	sdelay $0x1  }
0x4f4: {  	s25 =	simm.s32 $0x7800;
	v31 =	vperm.xlane v17, v0;
	v20 =	vadd.s32 v3, v30  }
0x4f5: {  	[tilespmem:s25], [sflag:$0x4] =	stream.indirect_vreg.gather [hbm4b:s20+s3], $0x80, v18, vm0, $0xb8;
	[tilespmem:$0x8800] =	vst v63  }
0x4f6: {  	v32 =	vperm.xlane v17, v6;
	v18 =	vadd.s32 v3, v31;
	s25 =	simm.s32 $0x7880  }
0x4f7: {  	[tilespmem:s25], [sflag:$0x4] =	stream.indirect_vreg.gather [hbm4b:s20+s3], $0x80, v19, vm0, $0xb8;
	[tilespmem:$0x8800] =	vst v63  }
0x4f8: {  	v33 =	vperm.xlane v17, v7;
	v19 =	vadd.s32 v3, v32;
	s25 =	simm.s32 $0x7900  }
0x4f9: {  	[tilespmem:s25], [sflag:$0x4] =	stream.indirect_vreg.gather [hbm4b:s20+s3], $0x80, v20, vm0, $0xb8;
	[tilespmem:$0x8800] =	vst v63  }
0x4fa: {  	v35 =	vperm.xlane v17, v8;
	v34 =	vadd.s32 v3, v33;
	s25 =	simm.s32 $0x7980  }
0x4fb: {  	[tilespmem:s25], [sflag:$0x4] =	stream.indirect_vreg.gather [hbm4b:s20+s3], $0x80, v18, vm0, $0xb8;
	[tilespmem:$0x8800] =	vst v63  }
0x4fc: {  	v36 =	vperm.xlane v17, v1;
	v18 =	vadd.s32 v3, v35;
	s25 =	simm.s32 $0x7A00  }
0x4fd: {  	[tilespmem:s25], [sflag:$0x4] =	stream.indirect_vreg.gather [hbm4b:s20+s3], $0x80, v19, vm0, $0xb8;
	[tilespmem:$0x8800] =	vst v63  }
0x4fe: {  	v37 =	vperm.xlane v17, v9;
	v19 =	vadd.s32 v3, v36;
	s25 =	simm.s32 $0x7A80  }
0x4ff: {  	[tilespmem:s25], [sflag:$0x4] =	stream.indirect_vreg.gather [hbm4b:s20+s3], $0x80, v34, vm0, $0xb8;
	[tilespmem:$0x8800] =	vst v63  }
0x500: {  	v39 =	vperm.xlane v17, v10;
	v38 =	vadd.s32 v3, v37;
	s25 =	simm.s32 $0x7B00  }
0x501: {  	[tilespmem:s25], [sflag:$0x4] =	stream.indirect_vreg.gather [hbm4b:s20+s3], $0x80, v18, vm0, $0xb8;
	[tilespmem:$0x8800] =	vst v63  }
0x502: {  	v40 =	vperm.xlane v17, v11;
	v18 =	vadd.s32 v3, v39;
	s25 =	simm.s32 $0x7B80  }
0x503: {  	[tilespmem:s25], [sflag:$0x4] =	stream.indirect_vreg.gather [hbm4b:s20+s3], $0x80, v19, vm0, $0xb8;
	[tilespmem:$0x8800] =	vst v63  }
0x504: {  	v41 =	vperm.xlane v17, v12;
	v19 =	vadd.s32 v3, v40;
	s25 =	simm.s32 $0x7C00  }
0x505: {  	[tilespmem:s25], [sflag:$0x4] =	stream.indirect_vreg.gather [hbm4b:s20+s3], $0x80, v38, vm0, $0xb8;
	[tilespmem:$0x8800] =	vst v63  }
0x506: {  	v43 =	vperm.xlane v17, v13;
	v42 =	vadd.s32 v3, v41;
	s25 =	simm.s32 $0x7C80  }
0x507: {  	[tilespmem:s25], [sflag:$0x4] =	stream.indirect_vreg.gather [hbm4b:s20+s3], $0x80, v18, vm0, $0xb8;
	[tilespmem:$0x8800] =	vst v63  }
0x508: {  	v44 =	vperm.xlane v17, v14;
	v18 =	vadd.s32 v3, v43;
	s25 =	simm.s32 $0x7D00  }
0x509: {  	[tilespmem:s25], [sflag:$0x4] =	stream.indirect_vreg.gather [hbm4b:s20+s3], $0x80, v19, vm0, $0xb8;
	[tilespmem:$0x8800] =	vst v63  }
0x50a: {  	v45 =	vperm.xlane v17, v15;
	v19 =	vadd.s32 v3, v44;
	s25 =	simm.s32 $0x7D80  }
0x50b: {  	[tilespmem:s25], [sflag:$0x4] =	stream.indirect_vreg.gather [hbm4b:s20+s3], $0x80, v42, vm0, $0xb8;
	[tilespmem:$0x8800] =	vst v63  }
0x50c: {  	v17 =	vperm.xlane v17, v16;
	v46 =	vadd.s32 v3, v45;
	s25 =	simm.s32 $0x7E00  }
0x50d: {  	[tilespmem:s25], [sflag:$0x4] =	stream.indirect_vreg.gather [hbm4b:s20+s3], $0x80, v18, vm0, $0xb8;
	[tilespmem:$0x8800] =	vst v63  }
0x50e: {  	v17 =	vadd.s32 v3, v17;
	s25 =	simm.s32 $0x7E80  }
0x50f: {  	[tilespmem:s25], [sflag:$0x4] =	stream.indirect_vreg.gather [hbm4b:s20+s3], $0x80, v19, vm0, $0xb8;
	[tilespmem:$0x8800] =	vst v63  }
0x510: {  	s25 =	simm.s32 $0x7F00  }
0x511: {  	[tilespmem:s25], [sflag:$0x4] =	stream.indirect_vreg.gather [hbm4b:s20+s3], $0x80, v46, vm0, $0xb8;
	[tilespmem:$0x8800] =	vst v63  }
0x512: {  	s25 =	simm.s32 $0x7F80  }
0x513: {  	[tilespmem:s25], [sflag:$0x4] =	stream.indirect_vreg.gather [hbm4b:s20+s3], $0x80, v17, vm0, $0xb8;
	[tilespmem:$0x8800] =	vst v63  }
0x514: {  	v17 =	vld [tilespmem:s6+$0x30];
	_ =	sdelay $0x4  }
0x515: {  	v18 =	vshrl.u32 v17, $0x3  }
0x516: {  	v18 =	vmul.u32 $0x278, v18  }
0x517: {  	v17 =	vand.u32 $0x7, v17  }
0x518: {  	v17 =	vor.u32 v17, v18  }
0x519: {  	v18 =	vperm.xlane v17, v2;
	_ =	sdelay $0x1  }
0x51a: {  	v19 =	vperm.xlane v17, v4;
	v18 =	vadd.s32 v3, v18;
	_ =	sdelay $0x1  }
0x51b: {  	v47 =	vperm.xlane v17, v5;
	v19 =	vadd.s32 v3, v19;
	_ =	sdelay $0x1  }
0x51c: {  	s25 =	simm.s32 $0x8000;
	v48 =	vperm.xlane v17, v0;
	v20 =	vadd.s32 v3, v47  }
0x51d: {  	[tilespmem:s25], [sflag:$0x4] =	stream.indirect_vreg.gather [hbm4b:s20+s3], $0x80, v18, vm0, $0xb8;
	[tilespmem:$0x8800] =	vst v63  }
0x51e: {  	v49 =	vperm.xlane v17, v6;
	v18 =	vadd.s32 v3, v48;
	s25 =	simm.s32 $0x8080  }
0x51f: {  	[tilespmem:s25], [sflag:$0x4] =	stream.indirect_vreg.gather [hbm4b:s20+s3], $0x80, v19, vm0, $0xb8;
	[tilespmem:$0x8800] =	vst v63  }
0x520: {  	v50 =	vperm.xlane v17, v7;
	v19 =	vadd.s32 v3, v49;
	s25 =	simm.s32 $0x8100  }
0x521: {  	[tilespmem:s25], [sflag:$0x4] =	stream.indirect_vreg.gather [hbm4b:s20+s3], $0x80, v20, vm0, $0xb8;
	[tilespmem:$0x8800] =	vst v63  }
0x522: {  	v52 =	vperm.xlane v17, v8;
	v51 =	vadd.s32 v3, v50;
	s25 =	simm.s32 $0x8180  }
0x523: {  	[tilespmem:s25], [sflag:$0x4] =	stream.indirect_vreg.gather [hbm4b:s20+s3], $0x80, v18, vm0, $0xb8;
	[tilespmem:$0x8800] =	vst v63  }
0x524: {  	v53 =	vperm.xlane v17, v1;
	v18 =	vadd.s32 v3, v52;
	s25 =	simm.s32 $0x8200  }
0x525: {  	[tilespmem:s25], [sflag:$0x4] =	stream.indirect_vreg.gather [hbm4b:s20+s3], $0x80, v19, vm0, $0xb8;
	[tilespmem:$0x8800] =	vst v63  }
0x526: {  	v54 =	vperm.xlane v17, v9;
	v19 =	vadd.s32 v3, v53;
	s25 =	simm.s32 $0x8280  }
0x527: {  	[tilespmem:s25], [sflag:$0x4] =	stream.indirect_vreg.gather [hbm4b:s20+s3], $0x80, v51, vm0, $0xb8;
	[tilespmem:$0x8800] =	vst v63  }
0x528: {  	v56 =	vperm.xlane v17, v10;
	v55 =	vadd.s32 v3, v54;
	s25 =	simm.s32 $0x8300  }
0x529: {  	[tilespmem:s25], [sflag:$0x4] =	stream.indirect_vreg.gather [hbm4b:s20+s3], $0x80, v18, vm0, $0xb8;
	[tilespmem:$0x8800] =	vst v63  }
0x52a: {  	v57 =	vperm.xlane v17, v11;
	v18 =	vadd.s32 v3, v56;
	s25 =	simm.s32 $0x8380  }
0x52b: {  	[tilespmem:s25], [sflag:$0x4] =	stream.indirect_vreg.gather [hbm4b:s20+s3], $0x80, v19, vm0, $0xb8;
	[tilespmem:$0x8800] =	vst v63  }
0x52c: {  	v58 =	vperm.xlane v17, v12;
	v19 =	vadd.s32 v3, v57;
	s25 =	simm.s32 $0x8400  }
0x52d: {  	[tilespmem:s25], [sflag:$0x4] =	stream.indirect_vreg.gather [hbm4b:s20+s3], $0x80, v55, vm0, $0xb8;
	[tilespmem:$0x8800] =	vst v63  }
0x52e: {  	v60 =	vperm.xlane v17, v13;
	v59 =	vadd.s32 v3, v58;
	s25 =	simm.s32 $0x8480  }
0x52f: {  	[tilespmem:s25], [sflag:$0x4] =	stream.indirect_vreg.gather [hbm4b:s20+s3], $0x80, v18, vm0, $0xb8;
	[tilespmem:$0x8800] =	vst v63  }
0x530: {  	v61 =	vperm.xlane v17, v14;
	v18 =	vadd.s32 v3, v60;
	s25 =	simm.s32 $0x8500  }
0x531: {  	[tilespmem:s25], [sflag:$0x4] =	stream.indirect_vreg.gather [hbm4b:s20+s3], $0x80, v19, vm0, $0xb8;
	[tilespmem:$0x8800] =	vst v63  }
0x532: {  	v62 =	vperm.xlane v17, v15;
	v19 =	vadd.s32 v3, v61;
	s25 =	simm.s32 $0x8580  }
0x533: {  	[tilespmem:s25], [sflag:$0x4] =	stream.indirect_vreg.gather [hbm4b:s20+s3], $0x80, v59, vm0, $0xb8;
	[tilespmem:$0x8800] =	vst v63  }
0x534: {  	v17 =	vperm.xlane v17, v16;
	v63 =	vadd.s32 v3, v62  }
0x535: {  	[tilespmem:s5], [sflag:$0x4] =	stream.indirect_vreg.gather [hbm4b:s20+s3], $0x80, v18, vm0, $0xb8;
	[tilespmem:$0x8800] =	vst v63  }
0x536: {  	v17 =	vadd.s32 v3, v17  }
0x537: {  	[tilespmem:s31], [sflag:$0x4] =	stream.indirect_vreg.gather [hbm4b:s20+s3], $0x80, v19, vm0, $0xb8;
	[tilespmem:$0x8800] =	vst v63  }
0x538: {  	_ = 	snop  }
0x539: {  	[tilespmem:s15], [sflag:$0x4] =	stream.indirect_vreg.gather [hbm4b:s20+s3], $0x80, v63, vm0, $0xb8;
	[tilespmem:$0x8800] =	vst v63  }
0x53a: {  	_ = 	snop  }
0x53b: {  	[tilespmem:s30], [sflag:$0x4] =	stream.indirect_vreg.gather [hbm4b:s20+s3], $0x80, v17, vm0, $0xb8;
	[tilespmem:$0x8800] =	vst v63  }
0x53c: {  	s25 =	sadd.s32 s19, s9;
	_ =	swait.ge [sflag:s28], $0x2000  }
0x53d: {  	s20 =	sadd.s32 s17, s25;
	[sflag:s28] =	ssyncset.done $0x0  }
0x53e: {  	s25 =	sadd.s32 $0x20000, s20;
	[sflag:s28] =	ssyncadd.s32 $0xFFFFE000  }
0x53f: {  	[hbm4b:s25+s3] =	stream.linear.scatter [tilespmem:s2], [sflag:$0x5], $0x2000, $0x38;
	[tilespmem:$0x8800] =	vst v63  }
0x540: {  	_ =	swait.ge [sflag:s24], $0x2000  }
0x541: {  	[sflag:s24] =	ssyncset.done $0x0  }
0x542: {  	s2 =	sadd.s32 $0x28000, s20;
	[sflag:s24] =	ssyncadd.s32 $0xFFFFE000  }
0x543: {  	[hbm4b:s2+s3] =	stream.linear.scatter [tilespmem:s14], [sflag:$0x6], $0x2000, $0x38;
	[tilespmem:$0x8800] =	vst v63  }
0x544: {  	_ =	swait.ge [sflag:s21], $0x2000  }
0x545: {  	[sflag:s21] =	ssyncset.done $0x0  }
0x546: {  	p0 =	sne.s32 s19, $0x220000;
	s14 =	sadd.s32 $0x30000, s20;
	[sflag:s21] =	ssyncadd.s32 $0xFFFFE000  }
0x547: {  	[hbm4b:s14+s3] =	stream.linear.scatter [tilespmem:s26], [sflag:$0x7], $0x2000, $0x38;
	[tilespmem:$0x8800] =	vst v63  }
.Ltmp0:
0x548: {  	_ = 	snop;
	(pc) =	sbr.rel @p0 .LBB2_2-.Ltmp0, $4  }
0x549: {  	_ =	swait.ge [sflag:s4], $0x2000  }
0x54a: {  	s18 =	sadd.s32 $0x200, s18;
	[sflag:s4] =	ssyncset.done $0x0  }
0x54b: {  	s19 =	sadd.s32 $0x20000, s19;
	s20 =	sadd.s32 $0x38000, s20;
	[sflag:s4] =	ssyncadd.s32 $0xFFFFE000  }
0x54c: {  	[hbm4b:s20+s3] =	stream.linear.scatter [tilespmem:s22], [sflag:$0x8], $0x2000, $0x38;
	[tilespmem:$0x8800] =	vst v63  }
0x54d: {  	_ =	swait.ge [sflag:s0], $0x2000  }
0x54e: {  	[sflag:s0] =	ssyncset.done $0x0  }
0x54f: {  	[sflag:s0] =	ssyncadd.s32 $0xFFFFE000  }
0x550: {  	_ =	swait.ge [sflag:s11], $0x2000  }
0x551: {  	[sflag:s11] =	ssyncset.done $0x0  }
0x552: {  	[sflag:s11] =	ssyncadd.s32 $0xFFFFE000  }
0x553: {  	_ =	swait.ge [sflag:s16], $0x2000  }
0x554: {  	[sflag:s16] =	ssyncset.done $0x0  }
0x555: {  	[sflag:s16] =	ssyncadd.s32 $0xFFFFE000  }
0x556: {  	_ =	swait.ge [sflag:s23], $0x2000  }
0x557: {  	[sflag:s23] =	ssyncset.done $0x0  }
0x558: {  	[sflag:s23] =	ssyncadd.s32 $0xFFFFE000  }
0x559: {  	v17 =	vld [tilespmem:s6+$0x0];
	_ =	sdelay $0x4  }
0x55a: {  	v18 =	vshrl.u32 v17, $0x3  }
0x55b: {  	v18 =	vmul.u32 $0x278, v18  }
0x55c: {  	v17 =	vand.u32 $0x7, v17  }
0x55d: {  	v17 =	vor.u32 v17, v18  }
0x55e: {  	v18 =	vperm.xlane v17, v2;
	_ =	sdelay $0x1  }
0x55f: {  	v19 =	vperm.xlane v17, v4;
	v18 =	vadd.s32 v3, v18;
	_ =	sdelay $0x1  }
0x560: {  	v20 =	vperm.xlane v17, v5;
	v19 =	vadd.s32 v3, v19;
	_ =	sdelay $0x1  }
0x561: {  	s1 =	simm.s32 $0x800;
	v21 =	vperm.xlane v17, v0;
	v20 =	vadd.s32 v3, v20  }
0x562: {  	[tilespmem:s1], [sflag:$0x1] =	stream.indirect_vreg.gather [hbm4b:s12+s3], $0x80, v18, vm0, $0xb8;
	[tilespmem:$0x8800] =	vst v63  }
0x563: {  	s18 =	simm.s32 $0x880;
	v50 =	vperm.xlane v17, v6;
	v18 =	vadd.s32 v3, v21  }
0x564: {  	[tilespmem:s18], [sflag:$0x1] =	stream.indirect_vreg.gather [hbm4b:s12+s3], $0x80, v19, vm0, $0xb8;
	[tilespmem:$0x8800] =	vst v63  }
0x565: {  	s25 =	simm.s32 $0x900;
	v51 =	vperm.xlane v17, v7;
	v19 =	vadd.s32 v3, v50  }
0x566: {  	[tilespmem:s25], [sflag:$0x1] =	stream.indirect_vreg.gather [hbm4b:s12+s3], $0x80, v20, vm0, $0xb8;
	[tilespmem:$0x8800] =	vst v63  }
0x567: {  	s26 =	simm.s32 $0x980;
	v53 =	vperm.xlane v17, v8;
	v52 =	vadd.s32 v3, v51  }
0x568: {  	[tilespmem:s26], [sflag:$0x1] =	stream.indirect_vreg.gather [hbm4b:s12+s3], $0x80, v18, vm0, $0xb8;
	[tilespmem:$0x8800] =	vst v63  }
0x569: {  	s29 =	simm.s32 $0xA00;
	v54 =	vperm.xlane v17, v1;
	v18 =	vadd.s32 v3, v53  }
0x56a: {  	[tilespmem:s29], [sflag:$0x1] =	stream.indirect_vreg.gather [hbm4b:s12+s3], $0x80, v19, vm0, $0xb8;
	[tilespmem:$0x8800] =	vst v63  }
0x56b: {  	s2 =	simm.s32 $0xA80;
	v55 =	vperm.xlane v17, v9;
	v19 =	vadd.s32 v3, v54  }
0x56c: {  	[tilespmem:s2], [sflag:$0x1] =	stream.indirect_vreg.gather [hbm4b:s12+s3], $0x80, v52, vm0, $0xb8;
	[tilespmem:$0x8800] =	vst v63  }
0x56d: {  	s5 =	simm.s32 $0xB00;
	v57 =	vperm.xlane v17, v10;
	v56 =	vadd.s32 v3, v55  }
0x56e: {  	[tilespmem:s5], [sflag:$0x1] =	stream.indirect_vreg.gather [hbm4b:s12+s3], $0x80, v18, vm0, $0xb8;
	[tilespmem:$0x8800] =	vst v63  }
0x56f: {  	s9 =	simm.s32 $0xB80;
	v58 =	vperm.xlane v17, v11;
	v18 =	vadd.s32 v3, v57  }
0x570: {  	[tilespmem:s9], [sflag:$0x1] =	stream.indirect_vreg.gather [hbm4b:s12+s3], $0x80, v19, vm0, $0xb8;
	[tilespmem:$0x8800] =	vst v63  }
0x571: {  	s14 =	simm.s32 $0xC00;
	v59 =	vperm.xlane v17, v12;
	v19 =	vadd.s32 v3, v58  }
0x572: {  	[tilespmem:s14], [sflag:$0x1] =	stream.indirect_vreg.gather [hbm4b:s12+s3], $0x80, v56, vm0, $0xb8;
	[tilespmem:$0x8800] =	vst v63  }
0x573: {  	s15 =	simm.s32 $0xC80;
	v61 =	vperm.xlane v17, v13;
	v60 =	vadd.s32 v3, v59  }
0x574: {  	[tilespmem:s15], [sflag:$0x1] =	stream.indirect_vreg.gather [hbm4b:s12+s3], $0x80, v18, vm0, $0xb8;
	[tilespmem:$0x8800] =	vst v63  }
0x575: {  	s17 =	simm.s32 $0xD00;
	v62 =	vperm.xlane v17, v14;
	v18 =	vadd.s32 v3, v61  }
0x576: {  	[tilespmem:s17], [sflag:$0x1] =	stream.indirect_vreg.gather [hbm4b:s12+s3], $0x80, v19, vm0, $0xb8;
	[tilespmem:$0x8800] =	vst v63  }
0x577: {  	s19 =	simm.s32 $0xD80;
	v63 =	vperm.xlane v17, v15;
	v19 =	vadd.s32 v3, v62  }
0x578: {  	[tilespmem:s19], [sflag:$0x1] =	stream.indirect_vreg.gather [hbm4b:s12+s3], $0x80, v60, vm0, $0xb8;
	[tilespmem:$0x8800] =	vst v63  }
0x579: {  	s20 =	simm.s32 $0xE00;
	v17 =	vperm.xlane v17, v16;
	v24 =	vadd.s32 v3, v63  }
0x57a: {  	[tilespmem:s20], [sflag:$0x1] =	stream.indirect_vreg.gather [hbm4b:s12+s3], $0x80, v18, vm0, $0xb8;
	[tilespmem:$0x8800] =	vst v63  }
0x57b: {  	s22 =	simm.s32 $0xE80;
	v17 =	vadd.s32 v3, v17  }
0x57c: {  	[tilespmem:s22], [sflag:$0x1] =	stream.indirect_vreg.gather [hbm4b:s12+s3], $0x80, v19, vm0, $0xb8;
	[tilespmem:$0x8800] =	vst v63  }
0x57d: {  	s25 =	simm.s32 $0xF00  }
0x57e: {  	[tilespmem:s25], [sflag:$0x1] =	stream.indirect_vreg.gather [hbm4b:s12+s3], $0x80, v24, vm0, $0xb8;
	[tilespmem:$0x8800] =	vst v63  }
0x57f: {  	s26 =	simm.s32 $0xF80  }
0x580: {  	[tilespmem:s26], [sflag:$0x1] =	stream.indirect_vreg.gather [hbm4b:s12+s3], $0x80, v17, vm0, $0xb8;
	[tilespmem:$0x8800] =	vst v63  }
0x581: {  	v17 =	vld [tilespmem:s6+$0x10];
	_ =	sdelay $0x4  }
0x582: {  	v18 =	vshrl.u32 v17, $0x3  }
0x583: {  	v18 =	vmul.u32 $0x278, v18  }
0x584: {  	v17 =	vand.u32 $0x7, v17  }
0x585: {  	v17 =	vor.u32 v17, v18  }
0x586: {  	v18 =	vperm.xlane v17, v2;
	_ =	sdelay $0x1  }
0x587: {  	v19 =	vperm.xlane v17, v4;
	v18 =	vadd.s32 v3, v18;
	_ =	sdelay $0x1  }
0x588: {  	v25 =	vperm.xlane v17, v5;
	v19 =	vadd.s32 v3, v19;
	_ =	sdelay $0x1  }
0x589: {  	s29 =	simm.s32 $0x1000;
	v26 =	vperm.xlane v17, v0;
	v20 =	vadd.s32 v3, v25  }
0x58a: {  	[tilespmem:s29], [sflag:$0x1] =	stream.indirect_vreg.gather [hbm4b:s12+s3], $0x80, v18, vm0, $0xb8;
	[tilespmem:$0x8800] =	vst v63  }
0x58b: {  	s2 =	simm.s32 $0x1080;
	v27 =	vperm.xlane v17, v6;
	v18 =	vadd.s32 v3, v26  }
0x58c: {  	[tilespmem:s2], [sflag:$0x1] =	stream.indirect_vreg.gather [hbm4b:s12+s3], $0x80, v19, vm0, $0xb8;
	[tilespmem:$0x8800] =	vst v63  }
0x58d: {  	s5 =	simm.s32 $0x1100;
	v28 =	vperm.xlane v17, v7;
	v19 =	vadd.s32 v3, v27  }
0x58e: {  	[tilespmem:s5], [sflag:$0x1] =	stream.indirect_vreg.gather [hbm4b:s12+s3], $0x80, v20, vm0, $0xb8;
	[tilespmem:$0x8800] =	vst v63  }
0x58f: {  	s9 =	simm.s32 $0x1180;
	v30 =	vperm.xlane v17, v8;
	v29 =	vadd.s32 v3, v28  }
0x590: {  	[tilespmem:s9], [sflag:$0x1] =	stream.indirect_vreg.gather [hbm4b:s12+s3], $0x80, v18, vm0, $0xb8;
	[tilespmem:$0x8800] =	vst v63  }
0x591: {  	s14 =	simm.s32 $0x1200;
	v31 =	vperm.xlane v17, v1;
	v18 =	vadd.s32 v3, v30  }
0x592: {  	[tilespmem:s14], [sflag:$0x1] =	stream.indirect_vreg.gather [hbm4b:s12+s3], $0x80, v19, vm0, $0xb8;
	[tilespmem:$0x8800] =	vst v63  }
0x593: {  	s15 =	simm.s32 $0x1280;
	v32 =	vperm.xlane v17, v9;
	v19 =	vadd.s32 v3, v31  }
0x594: {  	[tilespmem:s15], [sflag:$0x1] =	stream.indirect_vreg.gather [hbm4b:s12+s3], $0x80, v29, vm0, $0xb8;
	[tilespmem:$0x8800] =	vst v63  }
0x595: {  	s17 =	simm.s32 $0x1300;
	v34 =	vperm.xlane v17, v10;
	v33 =	vadd.s32 v3, v32  }
0x596: {  	[tilespmem:s17], [sflag:$0x1] =	stream.indirect_vreg.gather [hbm4b:s12+s3], $0x80, v18, vm0, $0xb8;
	[tilespmem:$0x8800] =	vst v63  }
0x597: {  	s19 =	simm.s32 $0x1380;
	v35 =	vperm.xlane v17, v11;
	v18 =	vadd.s32 v3, v34  }
0x598: {  	[tilespmem:s19], [sflag:$0x1] =	stream.indirect_vreg.gather [hbm4b:s12+s3], $0x80, v19, vm0, $0xb8;
	[tilespmem:$0x8800] =	vst v63  }
0x599: {  	s20 =	simm.s32 $0x1400;
	v36 =	vperm.xlane v17, v12;
	v19 =	vadd.s32 v3, v35  }
0x59a: {  	[tilespmem:s20], [sflag:$0x1] =	stream.indirect_vreg.gather [hbm4b:s12+s3], $0x80, v33, vm0, $0xb8;
	[tilespmem:$0x8800] =	vst v63  }
0x59b: {  	s22 =	simm.s32 $0x1480;
	v38 =	vperm.xlane v17, v13;
	v37 =	vadd.s32 v3, v36  }
0x59c: {  	[tilespmem:s22], [sflag:$0x1] =	stream.indirect_vreg.gather [hbm4b:s12+s3], $0x80, v18, vm0, $0xb8;
	[tilespmem:$0x8800] =	vst v63  }
0x59d: {  	s25 =	simm.s32 $0x1500;
	v39 =	vperm.xlane v17, v14;
	v18 =	vadd.s32 v3, v38  }
0x59e: {  	[tilespmem:s25], [sflag:$0x1] =	stream.indirect_vreg.gather [hbm4b:s12+s3], $0x80, v19, vm0, $0xb8;
	[tilespmem:$0x8800] =	vst v63  }
0x59f: {  	s26 =	simm.s32 $0x1580;
	v40 =	vperm.xlane v17, v15;
	v19 =	vadd.s32 v3, v39  }
0x5a0: {  	[tilespmem:s26], [sflag:$0x1] =	stream.indirect_vreg.gather [hbm4b:s12+s3], $0x80, v37, vm0, $0xb8;
	[tilespmem:$0x8800] =	vst v63  }
0x5a1: {  	v17 =	vperm.xlane v17, v16;
	v41 =	vadd.s32 v3, v40;
	s29 =	simm.s32 $0x1600  }
0x5a2: {  	[tilespmem:s29], [sflag:$0x1] =	stream.indirect_vreg.gather [hbm4b:s12+s3], $0x80, v18, vm0, $0xb8;
	[tilespmem:$0x8800] =	vst v63  }
0x5a3: {  	v17 =	vadd.s32 v3, v17;
	s2 =	simm.s32 $0x1680  }
0x5a4: {  	[tilespmem:s2], [sflag:$0x1] =	stream.indirect_vreg.gather [hbm4b:s12+s3], $0x80, v19, vm0, $0xb8;
	[tilespmem:$0x8800] =	vst v63  }
0x5a5: {  	s5 =	simm.s32 $0x1700  }
0x5a6: {  	[tilespmem:s5], [sflag:$0x1] =	stream.indirect_vreg.gather [hbm4b:s12+s3], $0x80, v41, vm0, $0xb8;
	[tilespmem:$0x8800] =	vst v63  }
0x5a7: {  	s9 =	simm.s32 $0x1780  }
0x5a8: {  	[tilespmem:s9], [sflag:$0x1] =	stream.indirect_vreg.gather [hbm4b:s12+s3], $0x80, v17, vm0, $0xb8;
	[tilespmem:$0x8800] =	vst v63  }
0x5a9: {  	v17 =	vld [tilespmem:s6+$0x20];
	_ =	sdelay $0x4  }
0x5aa: {  	v18 =	vshrl.u32 v17, $0x3  }
0x5ab: {  	v18 =	vmul.u32 $0x278, v18  }
0x5ac: {  	v17 =	vand.u32 $0x7, v17  }
0x5ad: {  	v17 =	vor.u32 v17, v18  }
0x5ae: {  	v18 =	vperm.xlane v17, v2;
	_ =	sdelay $0x1  }
0x5af: {  	v19 =	vperm.xlane v17, v4;
	v18 =	vadd.s32 v3, v18;
	_ =	sdelay $0x1  }
0x5b0: {  	v42 =	vperm.xlane v17, v5;
	v19 =	vadd.s32 v3, v19;
	_ =	sdelay $0x1  }
0x5b1: {  	s14 =	simm.s32 $0x1800;
	v43 =	vperm.xlane v17, v0;
	v20 =	vadd.s32 v3, v42  }
0x5b2: {  	[tilespmem:s14], [sflag:$0x1] =	stream.indirect_vreg.gather [hbm4b:s12+s3], $0x80, v18, vm0, $0xb8;
	[tilespmem:$0x8800] =	vst v63  }
0x5b3: {  	s15 =	simm.s32 $0x1880;
	v44 =	vperm.xlane v17, v6;
	v18 =	vadd.s32 v3, v43  }
0x5b4: {  	[tilespmem:s15], [sflag:$0x1] =	stream.indirect_vreg.gather [hbm4b:s12+s3], $0x80, v19, vm0, $0xb8;
	[tilespmem:$0x8800] =	vst v63  }
0x5b5: {  	s17 =	simm.s32 $0x1900;
	v45 =	vperm.xlane v17, v7;
	v19 =	vadd.s32 v3, v44  }
0x5b6: {  	[tilespmem:s17], [sflag:$0x1] =	stream.indirect_vreg.gather [hbm4b:s12+s3], $0x80, v20, vm0, $0xb8;
	[tilespmem:$0x8800] =	vst v63  }
0x5b7: {  	s19 =	simm.s32 $0x1980;
	v47 =	vperm.xlane v17, v8;
	v46 =	vadd.s32 v3, v45  }
0x5b8: {  	[tilespmem:s19], [sflag:$0x1] =	stream.indirect_vreg.gather [hbm4b:s12+s3], $0x80, v18, vm0, $0xb8;
	[tilespmem:$0x8800] =	vst v63  }
0x5b9: {  	s20 =	simm.s32 $0x1A00;
	v48 =	vperm.xlane v17, v1;
	v18 =	vadd.s32 v3, v47  }
0x5ba: {  	[tilespmem:s20], [sflag:$0x1] =	stream.indirect_vreg.gather [hbm4b:s12+s3], $0x80, v19, vm0, $0xb8;
	[tilespmem:$0x8800] =	vst v63  }
0x5bb: {  	s22 =	simm.s32 $0x1A80;
	v49 =	vperm.xlane v17, v9;
	v19 =	vadd.s32 v3, v48  }
0x5bc: {  	[tilespmem:s22], [sflag:$0x1] =	stream.indirect_vreg.gather [hbm4b:s12+s3], $0x80, v46, vm0, $0xb8;
	[tilespmem:$0x8800] =	vst v63  }
0x5bd: {  	s25 =	simm.s32 $0x1B00;
	v51 =	vperm.xlane v17, v10;
	v50 =	vadd.s32 v3, v49  }
0x5be: {  	[tilespmem:s25], [sflag:$0x1] =	stream.indirect_vreg.gather [hbm4b:s12+s3], $0x80, v18, vm0, $0xb8;
	[tilespmem:$0x8800] =	vst v63  }
0x5bf: {  	s26 =	simm.s32 $0x1B80;
	v52 =	vperm.xlane v17, v11;
	v18 =	vadd.s32 v3, v51  }
0x5c0: {  	[tilespmem:s26], [sflag:$0x1] =	stream.indirect_vreg.gather [hbm4b:s12+s3], $0x80, v19, vm0, $0xb8;
	[tilespmem:$0x8800] =	vst v63  }
0x5c1: {  	s29 =	simm.s32 $0x1C00;
	v53 =	vperm.xlane v17, v12;
	v19 =	vadd.s32 v3, v52  }
0x5c2: {  	[tilespmem:s29], [sflag:$0x1] =	stream.indirect_vreg.gather [hbm4b:s12+s3], $0x80, v50, vm0, $0xb8;
	[tilespmem:$0x8800] =	vst v63  }
0x5c3: {  	s2 =	simm.s32 $0x1C80;
	v55 =	vperm.xlane v17, v13;
	v54 =	vadd.s32 v3, v53  }
0x5c4: {  	[tilespmem:s2], [sflag:$0x1] =	stream.indirect_vreg.gather [hbm4b:s12+s3], $0x80, v18, vm0, $0xb8;
	[tilespmem:$0x8800] =	vst v63  }
0x5c5: {  	s5 =	simm.s32 $0x1D00;
	v56 =	vperm.xlane v17, v14;
	v18 =	vadd.s32 v3, v55  }
0x5c6: {  	[tilespmem:s5], [sflag:$0x1] =	stream.indirect_vreg.gather [hbm4b:s12+s3], $0x80, v19, vm0, $0xb8;
	[tilespmem:$0x8800] =	vst v63  }
0x5c7: {  	s9 =	simm.s32 $0x1D80;
	v57 =	vperm.xlane v17, v15;
	v19 =	vadd.s32 v3, v56  }
0x5c8: {  	[tilespmem:s9], [sflag:$0x1] =	stream.indirect_vreg.gather [hbm4b:s12+s3], $0x80, v54, vm0, $0xb8;
	[tilespmem:$0x8800] =	vst v63  }
0x5c9: {  	v17 =	vperm.xlane v17, v16;
	v58 =	vadd.s32 v3, v57;
	s14 =	simm.s32 $0x1E00  }
0x5ca: {  	[tilespmem:s14], [sflag:$0x1] =	stream.indirect_vreg.gather [hbm4b:s12+s3], $0x80, v18, vm0, $0xb8;
	[tilespmem:$0x8800] =	vst v63  }
0x5cb: {  	v17 =	vadd.s32 v3, v17;
	s15 =	simm.s32 $0x1E80  }
0x5cc: {  	[tilespmem:s15], [sflag:$0x1] =	stream.indirect_vreg.gather [hbm4b:s12+s3], $0x80, v19, vm0, $0xb8;
	[tilespmem:$0x8800] =	vst v63  }
0x5cd: {  	s17 =	simm.s32 $0x1F00  }
0x5ce: {  	[tilespmem:s17], [sflag:$0x1] =	stream.indirect_vreg.gather [hbm4b:s12+s3], $0x80, v58, vm0, $0xb8;
	[tilespmem:$0x8800] =	vst v63  }
0x5cf: {  	s19 =	simm.s32 $0x1F80  }
0x5d0: {  	[tilespmem:s19], [sflag:$0x1] =	stream.indirect_vreg.gather [hbm4b:s12+s3], $0x80, v17, vm0, $0xb8;
	[tilespmem:$0x8800] =	vst v63  }
0x5d1: {  	v17 =	vld [tilespmem:s6+$0x30];
	_ =	sdelay $0x4  }
0x5d2: {  	v18 =	vshrl.u32 v17, $0x3  }
0x5d3: {  	v18 =	vmul.u32 $0x278, v18  }
0x5d4: {  	v17 =	vand.u32 $0x7, v17  }
0x5d5: {  	v17 =	vor.u32 v17, v18  }
0x5d6: {  	v18 =	vperm.xlane v17, v2;
	_ =	sdelay $0x1  }
0x5d7: {  	v19 =	vperm.xlane v17, v4;
	v18 =	vadd.s32 v3, v18;
	_ =	sdelay $0x1  }
0x5d8: {  	v59 =	vperm.xlane v17, v5;
	v19 =	vadd.s32 v3, v19;
	_ =	sdelay $0x1  }
0x5d9: {  	s20 =	simm.s32 $0x2000;
	v60 =	vperm.xlane v17, v0;
	v20 =	vadd.s32 v3, v59  }
0x5da: {  	[tilespmem:s20], [sflag:$0x1] =	stream.indirect_vreg.gather [hbm4b:s12+s3], $0x80, v18, vm0, $0xb8;
	[tilespmem:$0x8800] =	vst v63  }
0x5db: {  	s22 =	simm.s32 $0x2080;
	v61 =	vperm.xlane v17, v6;
	v18 =	vadd.s32 v3, v60  }
0x5dc: {  	[tilespmem:s22], [sflag:$0x1] =	stream.indirect_vreg.gather [hbm4b:s12+s3], $0x80, v19, vm0, $0xb8;
	[tilespmem:$0x8800] =	vst v63  }
0x5dd: {  	s25 =	simm.s32 $0x2100;
	v62 =	vperm.xlane v17, v7;
	v19 =	vadd.s32 v3, v61  }
0x5de: {  	[tilespmem:s25], [sflag:$0x1] =	stream.indirect_vreg.gather [hbm4b:s12+s3], $0x80, v20, vm0, $0xb8;
	[tilespmem:$0x8800] =	vst v63  }
0x5df: {  	s26 =	simm.s32 $0x2180;
	v24 =	vperm.xlane v17, v8;
	v63 =	vadd.s32 v3, v62  }
0x5e0: {  	[tilespmem:s26], [sflag:$0x1] =	stream.indirect_vreg.gather [hbm4b:s12+s3], $0x80, v18, vm0, $0xb8;
	[tilespmem:$0x8800] =	vst v63  }
0x5e1: {  	s29 =	simm.s32 $0x2200;
	v25 =	vperm.xlane v17, v1;
	v18 =	vadd.s32 v3, v24  }
0x5e2: {  	[tilespmem:s29], [sflag:$0x1] =	stream.indirect_vreg.gather [hbm4b:s12+s3], $0x80, v19, vm0, $0xb8;
	[tilespmem:$0x8800] =	vst v63  }
0x5e3: {  	s2 =	simm.s32 $0x2280;
	v26 =	vperm.xlane v17, v9;
	v19 =	vadd.s32 v3, v25  }
0x5e4: {  	[tilespmem:s2], [sflag:$0x1] =	stream.indirect_vreg.gather [hbm4b:s12+s3], $0x80, v63, vm0, $0xb8;
	[tilespmem:$0x8800] =	vst v63  }
0x5e5: {  	s5 =	simm.s32 $0x2300;
	v28 =	vperm.xlane v17, v10;
	v27 =	vadd.s32 v3, v26  }
0x5e6: {  	[tilespmem:s5], [sflag:$0x1] =	stream.indirect_vreg.gather [hbm4b:s12+s3], $0x80, v18, vm0, $0xb8;
	[tilespmem:$0x8800] =	vst v63  }
0x5e7: {  	s9 =	simm.s32 $0x2380;
	v29 =	vperm.xlane v17, v11;
	v18 =	vadd.s32 v3, v28  }
0x5e8: {  	[tilespmem:s9], [sflag:$0x1] =	stream.indirect_vreg.gather [hbm4b:s12+s3], $0x80, v19, vm0, $0xb8;
	[tilespmem:$0x8800] =	vst v63  }
0x5e9: {  	s14 =	simm.s32 $0x2400;
	v30 =	vperm.xlane v17, v12;
	v19 =	vadd.s32 v3, v29  }
0x5ea: {  	[tilespmem:s14], [sflag:$0x1] =	stream.indirect_vreg.gather [hbm4b:s12+s3], $0x80, v27, vm0, $0xb8;
	[tilespmem:$0x8800] =	vst v63  }
0x5eb: {  	s15 =	simm.s32 $0x2480;
	v32 =	vperm.xlane v17, v13;
	v31 =	vadd.s32 v3, v30  }
0x5ec: {  	[tilespmem:s15], [sflag:$0x1] =	stream.indirect_vreg.gather [hbm4b:s12+s3], $0x80, v18, vm0, $0xb8;
	[tilespmem:$0x8800] =	vst v63  }
0x5ed: {  	s17 =	simm.s32 $0x2500;
	v33 =	vperm.xlane v17, v14;
	v18 =	vadd.s32 v3, v32  }
0x5ee: {  	[tilespmem:s17], [sflag:$0x1] =	stream.indirect_vreg.gather [hbm4b:s12+s3], $0x80, v19, vm0, $0xb8;
	[tilespmem:$0x8800] =	vst v63  }
0x5ef: {  	s19 =	simm.s32 $0x2580;
	v34 =	vperm.xlane v17, v15;
	v19 =	vadd.s32 v3, v33  }
0x5f0: {  	[tilespmem:s19], [sflag:$0x1] =	stream.indirect_vreg.gather [hbm4b:s12+s3], $0x80, v31, vm0, $0xb8;
	[tilespmem:$0x8800] =	vst v63  }
0x5f1: {  	v17 =	vperm.xlane v17, v16;
	v35 =	vadd.s32 v3, v34;
	s20 =	simm.s32 $0x2600  }
0x5f2: {  	[tilespmem:s20], [sflag:$0x1] =	stream.indirect_vreg.gather [hbm4b:s12+s3], $0x80, v18, vm0, $0xb8;
	[tilespmem:$0x8800] =	vst v63  }
0x5f3: {  	v17 =	vadd.s32 v3, v17;
	s22 =	simm.s32 $0x2680  }
0x5f4: {  	[tilespmem:s22], [sflag:$0x1] =	stream.indirect_vreg.gather [hbm4b:s12+s3], $0x80, v19, vm0, $0xb8;
	[tilespmem:$0x8800] =	vst v63  }
0x5f5: {  	s25 =	simm.s32 $0x2700  }
0x5f6: {  	[tilespmem:s25], [sflag:$0x1] =	stream.indirect_vreg.gather [hbm4b:s12+s3], $0x80, v35, vm0, $0xb8;
	[tilespmem:$0x8800] =	vst v63  }
0x5f7: {  	s26 =	simm.s32 $0x2780  }
0x5f8: {  	[tilespmem:s26], [sflag:$0x1] =	stream.indirect_vreg.gather [hbm4b:s12+s3], $0x80, v17, vm0, $0xb8;
	[tilespmem:$0x8800] =	vst v63  }
0x5f9: {  	v17 =	vld [tilespmem:s6+$0x0];
	_ =	sdelay $0x4  }
0x5fa: {  	v18 =	vshrl.u32 v17, $0x3  }
0x5fb: {  	v18 =	vmul.u32 $0x278, v18  }
0x5fc: {  	v17 =	vand.u32 $0x7, v17  }
0x5fd: {  	v17 =	vor.u32 v17, v18  }
0x5fe: {  	v18 =	vperm.xlane v17, v2;
	_ =	sdelay $0x1  }
0x5ff: {  	v19 =	vperm.xlane v17, v4;
	v18 =	vadd.s32 v3, v18;
	_ =	sdelay $0x1  }
0x600: {  	v36 =	vperm.xlane v17, v5;
	v19 =	vadd.s32 v3, v19;
	_ =	sdelay $0x1  }
0x601: {  	s2 =	simm.s32 $0x2800;
	v37 =	vperm.xlane v17, v0;
	v20 =	vadd.s32 v3, v36  }
0x602: {  	[tilespmem:s2], [sflag:$0x2] =	stream.indirect_vreg.gather [hbm4b:s13+s3], $0x80, v18, vm0, $0xb8;
	[tilespmem:$0x8800] =	vst v63  }
0x603: {  	s29 =	simm.s32 $0x2880;
	v38 =	vperm.xlane v17, v6;
	v18 =	vadd.s32 v3, v37  }
0x604: {  	[tilespmem:s29], [sflag:$0x2] =	stream.indirect_vreg.gather [hbm4b:s13+s3], $0x80, v19, vm0, $0xb8;
	[tilespmem:$0x8800] =	vst v63  }
0x605: {  	s5 =	simm.s32 $0x2900;
	v39 =	vperm.xlane v17, v7;
	v19 =	vadd.s32 v3, v38  }
0x606: {  	[tilespmem:s5], [sflag:$0x2] =	stream.indirect_vreg.gather [hbm4b:s13+s3], $0x80, v20, vm0, $0xb8;
	[tilespmem:$0x8800] =	vst v63  }
0x607: {  	s9 =	simm.s32 $0x2980;
	v41 =	vperm.xlane v17, v8;
	v40 =	vadd.s32 v3, v39  }
0x608: {  	[tilespmem:s9], [sflag:$0x2] =	stream.indirect_vreg.gather [hbm4b:s13+s3], $0x80, v18, vm0, $0xb8;
	[tilespmem:$0x8800] =	vst v63  }
0x609: {  	s14 =	simm.s32 $0x2A00;
	v42 =	vperm.xlane v17, v1;
	v18 =	vadd.s32 v3, v41  }
0x60a: {  	[tilespmem:s14], [sflag:$0x2] =	stream.indirect_vreg.gather [hbm4b:s13+s3], $0x80, v19, vm0, $0xb8;
	[tilespmem:$0x8800] =	vst v63  }
0x60b: {  	s15 =	simm.s32 $0x2A80;
	v43 =	vperm.xlane v17, v9;
	v19 =	vadd.s32 v3, v42  }
0x60c: {  	[tilespmem:s15], [sflag:$0x2] =	stream.indirect_vreg.gather [hbm4b:s13+s3], $0x80, v40, vm0, $0xb8;
	[tilespmem:$0x8800] =	vst v63  }
0x60d: {  	s17 =	simm.s32 $0x2B00;
	v45 =	vperm.xlane v17, v10;
	v44 =	vadd.s32 v3, v43  }
0x60e: {  	[tilespmem:s17], [sflag:$0x2] =	stream.indirect_vreg.gather [hbm4b:s13+s3], $0x80, v18, vm0, $0xb8;
	[tilespmem:$0x8800] =	vst v63  }
0x60f: {  	s19 =	simm.s32 $0x2B80;
	v46 =	vperm.xlane v17, v11;
	v18 =	vadd.s32 v3, v45  }
0x610: {  	[tilespmem:s19], [sflag:$0x2] =	stream.indirect_vreg.gather [hbm4b:s13+s3], $0x80, v19, vm0, $0xb8;
	[tilespmem:$0x8800] =	vst v63  }
0x611: {  	s20 =	simm.s32 $0x2C00;
	v47 =	vperm.xlane v17, v12;
	v19 =	vadd.s32 v3, v46  }
0x612: {  	[tilespmem:s20], [sflag:$0x2] =	stream.indirect_vreg.gather [hbm4b:s13+s3], $0x80, v44, vm0, $0xb8;
	[tilespmem:$0x8800] =	vst v63  }
0x613: {  	s22 =	simm.s32 $0x2C80;
	v49 =	vperm.xlane v17, v13;
	v48 =	vadd.s32 v3, v47  }
0x614: {  	[tilespmem:s22], [sflag:$0x2] =	stream.indirect_vreg.gather [hbm4b:s13+s3], $0x80, v18, vm0, $0xb8;
	[tilespmem:$0x8800] =	vst v63  }
0x615: {  	s25 =	simm.s32 $0x2D00;
	v50 =	vperm.xlane v17, v14;
	v18 =	vadd.s32 v3, v49  }
0x616: {  	[tilespmem:s25], [sflag:$0x2] =	stream.indirect_vreg.gather [hbm4b:s13+s3], $0x80, v19, vm0, $0xb8;
	[tilespmem:$0x8800] =	vst v63  }
0x617: {  	s26 =	simm.s32 $0x2D80;
	v51 =	vperm.xlane v17, v15;
	v19 =	vadd.s32 v3, v50  }
0x618: {  	[tilespmem:s26], [sflag:$0x2] =	stream.indirect_vreg.gather [hbm4b:s13+s3], $0x80, v48, vm0, $0xb8;
	[tilespmem:$0x8800] =	vst v63  }
0x619: {  	v17 =	vperm.xlane v17, v16;
	v52 =	vadd.s32 v3, v51;
	s29 =	simm.s32 $0x2E00  }
0x61a: {  	[tilespmem:s29], [sflag:$0x2] =	stream.indirect_vreg.gather [hbm4b:s13+s3], $0x80, v18, vm0, $0xb8;
	[tilespmem:$0x8800] =	vst v63  }
0x61b: {  	v17 =	vadd.s32 v3, v17;
	s5 =	simm.s32 $0x2E80  }
0x61c: {  	[tilespmem:s5], [sflag:$0x2] =	stream.indirect_vreg.gather [hbm4b:s13+s3], $0x80, v19, vm0, $0xb8;
	[tilespmem:$0x8800] =	vst v63  }
0x61d: {  	s9 =	simm.s32 $0x2F00  }
0x61e: {  	[tilespmem:s9], [sflag:$0x2] =	stream.indirect_vreg.gather [hbm4b:s13+s3], $0x80, v52, vm0, $0xb8;
	[tilespmem:$0x8800] =	vst v63  }
0x61f: {  	s14 =	simm.s32 $0x2F80  }
0x620: {  	[tilespmem:s14], [sflag:$0x2] =	stream.indirect_vreg.gather [hbm4b:s13+s3], $0x80, v17, vm0, $0xb8;
	[tilespmem:$0x8800] =	vst v63  }
0x621: {  	v17 =	vld [tilespmem:s6+$0x10];
	_ =	sdelay $0x4  }
0x622: {  	v18 =	vshrl.u32 v17, $0x3  }
0x623: {  	v18 =	vmul.u32 $0x278, v18  }
0x624: {  	v17 =	vand.u32 $0x7, v17  }
0x625: {  	v17 =	vor.u32 v17, v18  }
0x626: {  	v18 =	vperm.xlane v17, v2;
	_ =	sdelay $0x1  }
0x627: {  	v19 =	vperm.xlane v17, v4;
	v18 =	vadd.s32 v3, v18;
	_ =	sdelay $0x1  }
0x628: {  	v53 =	vperm.xlane v17, v5;
	v19 =	vadd.s32 v3, v19;
	_ =	sdelay $0x1  }
0x629: {  	s15 =	simm.s32 $0x3000;
	v54 =	vperm.xlane v17, v0;
	v20 =	vadd.s32 v3, v53  }
0x62a: {  	[tilespmem:s15], [sflag:$0x2] =	stream.indirect_vreg.gather [hbm4b:s13+s3], $0x80, v18, vm0, $0xb8;
	[tilespmem:$0x8800] =	vst v63  }
0x62b: {  	s17 =	simm.s32 $0x3080;
	v55 =	vperm.xlane v17, v6;
	v18 =	vadd.s32 v3, v54  }
0x62c: {  	[tilespmem:s17], [sflag:$0x2] =	stream.indirect_vreg.gather [hbm4b:s13+s3], $0x80, v19, vm0, $0xb8;
	[tilespmem:$0x8800] =	vst v63  }
0x62d: {  	s19 =	simm.s32 $0x3100;
	v56 =	vperm.xlane v17, v7;
	v19 =	vadd.s32 v3, v55  }
0x62e: {  	[tilespmem:s19], [sflag:$0x2] =	stream.indirect_vreg.gather [hbm4b:s13+s3], $0x80, v20, vm0, $0xb8;
	[tilespmem:$0x8800] =	vst v63  }
0x62f: {  	s20 =	simm.s32 $0x3180;
	v58 =	vperm.xlane v17, v8;
	v57 =	vadd.s32 v3, v56  }
0x630: {  	[tilespmem:s20], [sflag:$0x2] =	stream.indirect_vreg.gather [hbm4b:s13+s3], $0x80, v18, vm0, $0xb8;
	[tilespmem:$0x8800] =	vst v63  }
0x631: {  	s22 =	simm.s32 $0x3200;
	v59 =	vperm.xlane v17, v1;
	v18 =	vadd.s32 v3, v58  }
0x632: {  	[tilespmem:s22], [sflag:$0x2] =	stream.indirect_vreg.gather [hbm4b:s13+s3], $0x80, v19, vm0, $0xb8;
	[tilespmem:$0x8800] =	vst v63  }
0x633: {  	s25 =	simm.s32 $0x3280;
	v60 =	vperm.xlane v17, v9;
	v19 =	vadd.s32 v3, v59  }
0x634: {  	[tilespmem:s25], [sflag:$0x2] =	stream.indirect_vreg.gather [hbm4b:s13+s3], $0x80, v57, vm0, $0xb8;
	[tilespmem:$0x8800] =	vst v63  }
0x635: {  	s26 =	simm.s32 $0x3300;
	v62 =	vperm.xlane v17, v10;
	v61 =	vadd.s32 v3, v60  }
0x636: {  	[tilespmem:s26], [sflag:$0x2] =	stream.indirect_vreg.gather [hbm4b:s13+s3], $0x80, v18, vm0, $0xb8;
	[tilespmem:$0x8800] =	vst v63  }
0x637: {  	s29 =	simm.s32 $0x3380;
	v63 =	vperm.xlane v17, v11;
	v18 =	vadd.s32 v3, v62  }
0x638: {  	[tilespmem:s29], [sflag:$0x2] =	stream.indirect_vreg.gather [hbm4b:s13+s3], $0x80, v19, vm0, $0xb8;
	[tilespmem:$0x8800] =	vst v63  }
0x639: {  	s5 =	simm.s32 $0x3400;
	v24 =	vperm.xlane v17, v12;
	v19 =	vadd.s32 v3, v63  }
0x63a: {  	[tilespmem:s5], [sflag:$0x2] =	stream.indirect_vreg.gather [hbm4b:s13+s3], $0x80, v61, vm0, $0xb8;
	[tilespmem:$0x8800] =	vst v63  }
0x63b: {  	s9 =	simm.s32 $0x3480;
	v26 =	vperm.xlane v17, v13;
	v25 =	vadd.s32 v3, v24  }
0x63c: {  	[tilespmem:s9], [sflag:$0x2] =	stream.indirect_vreg.gather [hbm4b:s13+s3], $0x80, v18, vm0, $0xb8;
	[tilespmem:$0x8800] =	vst v63  }
0x63d: {  	s14 =	simm.s32 $0x3500;
	v27 =	vperm.xlane v17, v14;
	v18 =	vadd.s32 v3, v26  }
0x63e: {  	[tilespmem:s14], [sflag:$0x2] =	stream.indirect_vreg.gather [hbm4b:s13+s3], $0x80, v19, vm0, $0xb8;
	[tilespmem:$0x8800] =	vst v63  }
0x63f: {  	v28 =	vperm.xlane v17, v15;
	s15 =	simm.s32 $0x3580;
	v19 =	vadd.s32 v3, v27  }
0x640: {  	[tilespmem:s15], [sflag:$0x2] =	stream.indirect_vreg.gather [hbm4b:s13+s3], $0x80, v25, vm0, $0xb8;
	[tilespmem:$0x8800] =	vst v63  }
0x641: {  	v17 =	vperm.xlane v17, v16;
	v29 =	vadd.s32 v3, v28;
	s17 =	simm.s32 $0x3600  }
0x642: {  	[tilespmem:s17], [sflag:$0x2] =	stream.indirect_vreg.gather [hbm4b:s13+s3], $0x80, v18, vm0, $0xb8;
	[tilespmem:$0x8800] =	vst v63  }
0x643: {  	v17 =	vadd.s32 v3, v17;
	s19 =	simm.s32 $0x3680  }
0x644: {  	[tilespmem:s19], [sflag:$0x2] =	stream.indirect_vreg.gather [hbm4b:s13+s3], $0x80, v19, vm0, $0xb8;
	[tilespmem:$0x8800] =	vst v63  }
0x645: {  	s20 =	simm.s32 $0x3700  }
0x646: {  	[tilespmem:s20], [sflag:$0x2] =	stream.indirect_vreg.gather [hbm4b:s13+s3], $0x80, v29, vm0, $0xb8;
	[tilespmem:$0x8800] =	vst v63  }
0x647: {  	s22 =	simm.s32 $0x3780  }
0x648: {  	[tilespmem:s22], [sflag:$0x2] =	stream.indirect_vreg.gather [hbm4b:s13+s3], $0x80, v17, vm0, $0xb8;
	[tilespmem:$0x8800] =	vst v63  }
0x649: {  	v17 =	vld [tilespmem:s6+$0x20];
	_ =	sdelay $0x4  }
0x64a: {  	v18 =	vshrl.u32 v17, $0x3  }
0x64b: {  	v18 =	vmul.u32 $0x278, v18  }
0x64c: {  	v17 =	vand.u32 $0x7, v17  }
0x64d: {  	v17 =	vor.u32 v17, v18  }
0x64e: {  	v18 =	vperm.xlane v17, v2;
	_ =	sdelay $0x1  }
0x64f: {  	v19 =	vperm.xlane v17, v4;
	v18 =	vadd.s32 v3, v18;
	_ =	sdelay $0x1  }
0x650: {  	v30 =	vperm.xlane v17, v5;
	v19 =	vadd.s32 v3, v19;
	_ =	sdelay $0x1  }
0x651: {  	s25 =	simm.s32 $0x3800;
	v31 =	vperm.xlane v17, v0;
	v20 =	vadd.s32 v3, v30  }
0x652: {  	[tilespmem:s25], [sflag:$0x2] =	stream.indirect_vreg.gather [hbm4b:s13+s3], $0x80, v18, vm0, $0xb8;
	[tilespmem:$0x8800] =	vst v63  }
0x653: {  	s26 =	simm.s32 $0x3880;
	v32 =	vperm.xlane v17, v6;
	v18 =	vadd.s32 v3, v31  }
0x654: {  	[tilespmem:s26], [sflag:$0x2] =	stream.indirect_vreg.gather [hbm4b:s13+s3], $0x80, v19, vm0, $0xb8;
	[tilespmem:$0x8800] =	vst v63  }
0x655: {  	s29 =	simm.s32 $0x3900;
	v33 =	vperm.xlane v17, v7;
	v19 =	vadd.s32 v3, v32  }
0x656: {  	[tilespmem:s29], [sflag:$0x2] =	stream.indirect_vreg.gather [hbm4b:s13+s3], $0x80, v20, vm0, $0xb8;
	[tilespmem:$0x8800] =	vst v63  }
0x657: {  	s5 =	simm.s32 $0x3980;
	v35 =	vperm.xlane v17, v8;
	v34 =	vadd.s32 v3, v33  }
0x658: {  	[tilespmem:s5], [sflag:$0x2] =	stream.indirect_vreg.gather [hbm4b:s13+s3], $0x80, v18, vm0, $0xb8;
	[tilespmem:$0x8800] =	vst v63  }
0x659: {  	s9 =	simm.s32 $0x3A00;
	v36 =	vperm.xlane v17, v1;
	v18 =	vadd.s32 v3, v35  }
0x65a: {  	[tilespmem:s9], [sflag:$0x2] =	stream.indirect_vreg.gather [hbm4b:s13+s3], $0x80, v19, vm0, $0xb8;
	[tilespmem:$0x8800] =	vst v63  }
0x65b: {  	s14 =	simm.s32 $0x3A80;
	v37 =	vperm.xlane v17, v9;
	v19 =	vadd.s32 v3, v36  }
0x65c: {  	[tilespmem:s14], [sflag:$0x2] =	stream.indirect_vreg.gather [hbm4b:s13+s3], $0x80, v34, vm0, $0xb8;
	[tilespmem:$0x8800] =	vst v63  }
0x65d: {  	s15 =	simm.s32 $0x3B00;
	v39 =	vperm.xlane v17, v10;
	v38 =	vadd.s32 v3, v37  }
0x65e: {  	[tilespmem:s15], [sflag:$0x2] =	stream.indirect_vreg.gather [hbm4b:s13+s3], $0x80, v18, vm0, $0xb8;
	[tilespmem:$0x8800] =	vst v63  }
0x65f: {  	s17 =	simm.s32 $0x3B80;
	v40 =	vperm.xlane v17, v11;
	v18 =	vadd.s32 v3, v39  }
0x660: {  	[tilespmem:s17], [sflag:$0x2] =	stream.indirect_vreg.gather [hbm4b:s13+s3], $0x80, v19, vm0, $0xb8;
	[tilespmem:$0x8800] =	vst v63  }
0x661: {  	s19 =	simm.s32 $0x3C00;
	v41 =	vperm.xlane v17, v12;
	v19 =	vadd.s32 v3, v40  }
0x662: {  	[tilespmem:s19], [sflag:$0x2] =	stream.indirect_vreg.gather [hbm4b:s13+s3], $0x80, v38, vm0, $0xb8;
	[tilespmem:$0x8800] =	vst v63  }
0x663: {  	s20 =	simm.s32 $0x3C80;
	v43 =	vperm.xlane v17, v13;
	v42 =	vadd.s32 v3, v41  }
0x664: {  	[tilespmem:s20], [sflag:$0x2] =	stream.indirect_vreg.gather [hbm4b:s13+s3], $0x80, v18, vm0, $0xb8;
	[tilespmem:$0x8800] =	vst v63  }
0x665: {  	s22 =	simm.s32 $0x3D00;
	v44 =	vperm.xlane v17, v14;
	v18 =	vadd.s32 v3, v43  }
0x666: {  	[tilespmem:s22], [sflag:$0x2] =	stream.indirect_vreg.gather [hbm4b:s13+s3], $0x80, v19, vm0, $0xb8;
	[tilespmem:$0x8800] =	vst v63  }
0x667: {  	v45 =	vperm.xlane v17, v15;
	s25 =	simm.s32 $0x3D80;
	v19 =	vadd.s32 v3, v44  }
0x668: {  	[tilespmem:s25], [sflag:$0x2] =	stream.indirect_vreg.gather [hbm4b:s13+s3], $0x80, v42, vm0, $0xb8;
	[tilespmem:$0x8800] =	vst v63  }
0x669: {  	v17 =	vperm.xlane v17, v16;
	v46 =	vadd.s32 v3, v45;
	s26 =	simm.s32 $0x3E00  }
0x66a: {  	[tilespmem:s26], [sflag:$0x2] =	stream.indirect_vreg.gather [hbm4b:s13+s3], $0x80, v18, vm0, $0xb8;
	[tilespmem:$0x8800] =	vst v63  }
0x66b: {  	v17 =	vadd.s32 v3, v17;
	s29 =	simm.s32 $0x3E80  }
0x66c: {  	[tilespmem:s29], [sflag:$0x2] =	stream.indirect_vreg.gather [hbm4b:s13+s3], $0x80, v19, vm0, $0xb8;
	[tilespmem:$0x8800] =	vst v63  }
0x66d: {  	s5 =	simm.s32 $0x3F00  }
0x66e: {  	[tilespmem:s5], [sflag:$0x2] =	stream.indirect_vreg.gather [hbm4b:s13+s3], $0x80, v46, vm0, $0xb8;
	[tilespmem:$0x8800] =	vst v63  }
0x66f: {  	s9 =	simm.s32 $0x3F80  }
0x670: {  	[tilespmem:s9], [sflag:$0x2] =	stream.indirect_vreg.gather [hbm4b:s13+s3], $0x80, v17, vm0, $0xb8;
	[tilespmem:$0x8800] =	vst v63  }
0x671: {  	v17 =	vld [tilespmem:s6+$0x30];
	_ =	sdelay $0x4  }
0x672: {  	v18 =	vshrl.u32 v17, $0x3  }
0x673: {  	v18 =	vmul.u32 $0x278, v18  }
0x674: {  	v17 =	vand.u32 $0x7, v17  }
0x675: {  	v17 =	vor.u32 v17, v18  }
0x676: {  	v18 =	vperm.xlane v17, v2;
	_ =	sdelay $0x1  }
0x677: {  	v19 =	vperm.xlane v17, v4;
	v18 =	vadd.s32 v3, v18;
	_ =	sdelay $0x1  }
0x678: {  	v47 =	vperm.xlane v17, v5;
	v19 =	vadd.s32 v3, v19;
	_ =	sdelay $0x1  }
0x679: {  	s14 =	simm.s32 $0x4000;
	v48 =	vperm.xlane v17, v0;
	v20 =	vadd.s32 v3, v47  }
0x67a: {  	[tilespmem:s14], [sflag:$0x2] =	stream.indirect_vreg.gather [hbm4b:s13+s3], $0x80, v18, vm0, $0xb8;
	[tilespmem:$0x8800] =	vst v63  }
0x67b: {  	s15 =	simm.s32 $0x4080;
	v49 =	vperm.xlane v17, v6;
	v18 =	vadd.s32 v3, v48  }
0x67c: {  	[tilespmem:s15], [sflag:$0x2] =	stream.indirect_vreg.gather [hbm4b:s13+s3], $0x80, v19, vm0, $0xb8;
	[tilespmem:$0x8800] =	vst v63  }
0x67d: {  	s17 =	simm.s32 $0x4100;
	v50 =	vperm.xlane v17, v7;
	v19 =	vadd.s32 v3, v49  }
0x67e: {  	[tilespmem:s17], [sflag:$0x2] =	stream.indirect_vreg.gather [hbm4b:s13+s3], $0x80, v20, vm0, $0xb8;
	[tilespmem:$0x8800] =	vst v63  }
0x67f: {  	s19 =	simm.s32 $0x4180;
	v52 =	vperm.xlane v17, v8;
	v51 =	vadd.s32 v3, v50  }
0x680: {  	[tilespmem:s19], [sflag:$0x2] =	stream.indirect_vreg.gather [hbm4b:s13+s3], $0x80, v18, vm0, $0xb8;
	[tilespmem:$0x8800] =	vst v63  }
0x681: {  	s20 =	simm.s32 $0x4200;
	v53 =	vperm.xlane v17, v1;
	v18 =	vadd.s32 v3, v52  }
0x682: {  	[tilespmem:s20], [sflag:$0x2] =	stream.indirect_vreg.gather [hbm4b:s13+s3], $0x80, v19, vm0, $0xb8;
	[tilespmem:$0x8800] =	vst v63  }
0x683: {  	s22 =	simm.s32 $0x4280;
	v54 =	vperm.xlane v17, v9;
	v19 =	vadd.s32 v3, v53  }
0x684: {  	[tilespmem:s22], [sflag:$0x2] =	stream.indirect_vreg.gather [hbm4b:s13+s3], $0x80, v51, vm0, $0xb8;
	[tilespmem:$0x8800] =	vst v63  }
0x685: {  	s25 =	simm.s32 $0x4300;
	v56 =	vperm.xlane v17, v10;
	v55 =	vadd.s32 v3, v54  }
0x686: {  	[tilespmem:s25], [sflag:$0x2] =	stream.indirect_vreg.gather [hbm4b:s13+s3], $0x80, v18, vm0, $0xb8;
	[tilespmem:$0x8800] =	vst v63  }
0x687: {  	s26 =	simm.s32 $0x4380;
	v57 =	vperm.xlane v17, v11;
	v18 =	vadd.s32 v3, v56  }
0x688: {  	[tilespmem:s26], [sflag:$0x2] =	stream.indirect_vreg.gather [hbm4b:s13+s3], $0x80, v19, vm0, $0xb8;
	[tilespmem:$0x8800] =	vst v63  }
0x689: {  	s29 =	simm.s32 $0x4400;
	v58 =	vperm.xlane v17, v12;
	v19 =	vadd.s32 v3, v57  }
0x68a: {  	[tilespmem:s29], [sflag:$0x2] =	stream.indirect_vreg.gather [hbm4b:s13+s3], $0x80, v55, vm0, $0xb8;
	[tilespmem:$0x8800] =	vst v63  }
0x68b: {  	s5 =	simm.s32 $0x4480;
	v60 =	vperm.xlane v17, v13;
	v59 =	vadd.s32 v3, v58  }
0x68c: {  	[tilespmem:s5], [sflag:$0x2] =	stream.indirect_vreg.gather [hbm4b:s13+s3], $0x80, v18, vm0, $0xb8;
	[tilespmem:$0x8800] =	vst v63  }
0x68d: {  	s9 =	simm.s32 $0x4500;
	v61 =	vperm.xlane v17, v14;
	v18 =	vadd.s32 v3, v60  }
0x68e: {  	[tilespmem:s9], [sflag:$0x2] =	stream.indirect_vreg.gather [hbm4b:s13+s3], $0x80, v19, vm0, $0xb8;
	[tilespmem:$0x8800] =	vst v63  }
0x68f: {  	v62 =	vperm.xlane v17, v15;
	s14 =	simm.s32 $0x4580;
	v19 =	vadd.s32 v3, v61  }
0x690: {  	[tilespmem:s14], [sflag:$0x2] =	stream.indirect_vreg.gather [hbm4b:s13+s3], $0x80, v59, vm0, $0xb8;
	[tilespmem:$0x8800] =	vst v63  }
0x691: {  	v17 =	vperm.xlane v17, v16;
	v63 =	vadd.s32 v3, v62;
	s15 =	simm.s32 $0x4600  }
0x692: {  	[tilespmem:s15], [sflag:$0x2] =	stream.indirect_vreg.gather [hbm4b:s13+s3], $0x80, v18, vm0, $0xb8;
	[tilespmem:$0x8800] =	vst v63  }
0x693: {  	v17 =	vadd.s32 v3, v17;
	s17 =	simm.s32 $0x4680  }
0x694: {  	[tilespmem:s17], [sflag:$0x2] =	stream.indirect_vreg.gather [hbm4b:s13+s3], $0x80, v19, vm0, $0xb8;
	[tilespmem:$0x8800] =	vst v63  }
0x695: {  	s19 =	simm.s32 $0x4700  }
0x696: {  	[tilespmem:s19], [sflag:$0x2] =	stream.indirect_vreg.gather [hbm4b:s13+s3], $0x80, v63, vm0, $0xb8;
	[tilespmem:$0x8800] =	vst v63  }
0x697: {  	s20 =	simm.s32 $0x4780  }
0x698: {  	[tilespmem:s20], [sflag:$0x2] =	stream.indirect_vreg.gather [hbm4b:s13+s3], $0x80, v17, vm0, $0xb8;
	[tilespmem:$0x8800] =	vst v63  }
0x699: {  	_ =	swait.ge [sflag:s28], $0x2000  }
0x69a: {  	[sflag:s28] =	ssyncset.done $0x0  }
0x69b: {  	s22 =	rddreg [dreg:$0xa];
	[sflag:s28] =	ssyncadd.s32 $0xFFFFE000  }
0x69c: {  	[hbm4b:s22+s3] =	stream.linear.scatter [tilespmem:s1], [sflag:$0x5], $0x2000, $0x38;
	[tilespmem:$0x8800] =	vst v63  }
0x69d: {  	_ =	swait.ge [sflag:s24], $0x2000  }
0x69e: {  	[sflag:s24] =	ssyncset.done $0x0  }
0x69f: {  	s25 =	rddreg [dreg:$0xb];
	[sflag:s24] =	ssyncadd.s32 $0xFFFFE000  }
0x6a0: {  	[hbm4b:s25+s3] =	stream.linear.scatter [tilespmem:s2], [sflag:$0x6], $0x2000, $0x38;
	[tilespmem:$0x8800] =	vst v63  }
0x6a1: {  	_ =	swait.ge [sflag:s0], $0x2000  }
0x6a2: {  	[sflag:s0] =	ssyncset.done $0x0  }
0x6a3: {  	[sflag:s0] =	ssyncadd.s32 $0xFFFFE000  }
0x6a4: {  	_ =	swait.ge [sflag:s11], $0x2000  }
0x6a5: {  	s26 =	rddreg [dreg:$0xe]  }
0x6a6: {  	s29 =	rddreg [dreg:$0x5];
	s2 =	sadd.s32 $0x1, s26  }
0x6a7: {  	p0 =	sne.s32 s2, s29  }
.Ltmp1:
0x6a8: {  	s30 =	simm.s32 $0x4D00;
	s31 =	simm.s32 $0x4D80;
	(pc) =	sbr.rel @p0 .LBB2_1-.Ltmp1, $4  }
0x6a9: {  	s5 =	simm.s32 $0x4B80;
	s9 =	simm.s32 $0x4800;
	s15 =	simm.s32 $0x4A00  }
0x6aa: {  	s17 =	simm.s32 $0x4C00;
	s19 =	simm.s32 $0x4880;
	s20 =	simm.s32 $0x4900  }
0x6ab: {  	s22 =	simm.s32 $0x4980;
	s1 =	simm.s32 $0x4B00;
	[sflag:s11] =	ssyncset.done $0x0  }
0x6ac: {  	s25 =	simm.s32 $0x4A80;
	[sflag:s11] =	ssyncadd.s32 $0xFFFFE000;
	s26 =	simm.s32 $0x4C80  }
0x6ad: {  	_ =	sfence.sel $0x180000  }
0x6ae: {  	[bflag:$0x0] =	sbarrier.arrive $0xFFFF  }
0x6af: {  	_ =	strace $0x90000047  }
0x6b0: {  	s0 =	stileid.u32;
	[bflag:$0x2] =	sbarrier.arrive $0xFFFF  }
0x6b1: {  	p0 =	sne.s32 s0, $0x0;
	s0 =	rddreg [dreg:$0x3]  }
0x6b2: {  	s0 =	sadd.s32 @!p0 $0x100000, s0  }
0x6b3: {  	[sflag:s0] =	ssyncadd.tile.s32 @!p0 $0x1;
	_ =	shalt  }
.Lfunc_end2:
_tile_overlayer_lowered:
.L_overlay_start_2:
0x6b4: {  	(tag) =	ssettag $0x2  }
0x6b5: {  	s0 =	rddreg [dreg:$0x0];
	s2 =	stileid.u32  }
0x6b6: {  	s1 =	rddreg [dreg:$0x1];
	p0 =	sne.s32 s2, $0x0  }
0x6b7: {  	s3 =	rddreg [dreg:$0x2];
	[bflag:$0x3] =	sbarrier.arrive $0xFFFF;
	s2 =	simm.s32 @!p0 $0x1C09  }
0x6b8: {  	[timem:s3], [sflag:s2] =	dma.local @!p0 [hbm:s0], s1  }
0x6b9: {  	s0 =	simm.s32 @!p0 $0x9  }
0x6ba: {  	_ =	swait.ge @!p0 [sflag:s0], s1  }
0x6bb: {  	s1 =	ssub.s32 @!p0 $0x0, s1;
	[sflag:s0] =	ssyncset.done @!p0 $0x0  }
0x6bc: {  	[sflag:s0] =	ssyncadd.s32 @!p0 s1  }
0x6bd: {  	[bflag:$0x3] =	sbarrier.arrive $0xFFFF  }
0x6be: {  	_ =	shalt  }

// kernel: kernel.8.cloned.1.call-start
scs
__scs_entry_jumppad:
0x0: {  	(pc) =	sbr.rel $0x88, $3  }
0x1: {  	(tag) =	ssettag $0x0;
	lr =	simm.s32 $0x1  }
0x2: {  	[smem:$0x3F9E] =	sst lr;
	_ =	strace $0xD0000000  }
0x3: {  	_ = 	snop  }
0x4: {  	_ = 	snop  }
0x5: {  	_ = 	snop  }
0x6: {  	_ = 	snop  }
0x7: {  	_ = 	snop  }
__scs_overlays_trampoline_lowered:
0x8: {  	[smem:$0x3FAD] =	sst s0  }
0x9: {  	[smem:$0x3FAE] =	sst s1  }
0xa: {  	[smem:$0x3FAF] =	sst s2  }
0xb: {  	[smem:$0x3FB0] =	sst s3  }
0xc: {  	[smem:$0x3FB1] =	sst s4  }
0xd: {  	[smem:$0x3FB2] =	sst s5  }
0xe: {  	[smem:$0x3FB3] =	sst s6  }
0xf: {  	[smem:$0x3FB4] =	sst s7  }
0x10: {  	[smem:$0x3FB5] =	sst s8  }
0x11: {  	[smem:$0x3FB6] =	sst s9;
	s0 =	simm.s32 @!p0 $0x0  }
0x12: {  	s1 =	sld [smem:$0x3F9C];
	s0 =	simm.s32 @p0 $0x1  }
0x13: {  	[smem:$0x3FB7] =	sst s0;
	s0 =	simm.s32 @!p1 $0x0  }
0x14: {  	s2 =	sld [smem:$0x3F9B];
	s0 =	simm.s32 @p1 $0x1  }
0x15: {  	[smem:$0x3FB8] =	sst s0;
	s0 =	simm.s32 @!p2 $0x0  }
0x16: {  	s3 =	sld [smem:$0x3FDB];
	s0 =	simm.s32 @p2 $0x1  }
0x17: {  	s4 =	simm.s32 $0x1BF5;
	[smem:$0x3FBA] =	sst s0  }
0x18: {  	s0 =	sld [smem:$0x3F9D];
	_ =	swait.ge [sflag:s4], $0x0  }
0x19: {  	s7 =	sld [smem:$0x3F9E]  }
0x1a: {  	s8 =	sadd.s32 $0xFFFFE003, lr  }
0x1b: {  	s9 =	sadd.s32 $0xFFFFFEF7, lr;
	s5 =	simm.s32 $0xFFFFFFFF;
	p2 =	slt.u32 s8, $0xFFFFF086  }
0x1c: {  	p1 =	slt.u32 s9, $0xF7A;
	s5 =	simm.s32 @!p2 $0x0  }
0x1d: {  	s5 =	simm.s32 @p1 $0x1;
	p0 =	seq.s32 s7, s2  }
0x1e: {  	s7 =	smul.u32 @!p0 $0xF7A, s2;
	p2 =	seq.s32 @!p0 s5, $0x0  }
0x1f: {  	s9 =	smul.u32 $0xF7A, s1;
	s8 =	simm.s32 @!p0 $0x1BF5;
	p2 =	por !p2, p0  }
0x20: {  	[sflag:s8] =	ssyncset.s32 @!p0 $0xFFFFF086;
	s6 =	sadd.s32 @!p0 s3, s7;
	s7 =	simm.s32 @!p0 $0x108  }
0x21: {  	s3 =	sadd.s32 s3, s9;
	s6 =	sadd.s32 @!p0 $0x88, s6;
	s7 =	simm.s32 @p2 $0x1082  }
0x22: {  	[simem:s7], [sflag:s8] =	dma.local @!p0 [hbm:s6], $0xF7A  }
0x23: {  	s9 =	sor.u32 $0xD0000000, s2;
	s6 =	simm.s32 $0x108;
	_ =	swait.ge @!p0 [sflag:s8], $0x0  }
0x24: {  	s3 =	sadd.s32 $0x88, s3;
	s6 =	simm.s32 @!p1 $0x1082;
	[sflag:s4] =	ssyncset.s32 $0xFFFFF086  }
0x25: {  	[simem:s6], [sflag:s4] =	dma.local [hbm:s3], $0xF7A  }
0x26: {  	[smem:$0x3F9E] =	sst s1;
	(tag) =	ssettag s2;
	_ =	strace s9  }
0x27: {  	s1 =	sld [smem:$0x3FAE]  }
0x28: {  	s2 =	sld [smem:$0x3FAF]  }
0x29: {  	s4 =	sld [smem:$0x3FB1]  }
0x2a: {  	p0 =	seq.s32 s5, $0x0;
	s5 =	sld [smem:$0x3FB2]  }
0x2b: {  	s6 =	sld [smem:$0x3FB3]  }
0x2c: {  	s7 =	sld [smem:$0x3FB4]  }
0x2d: {  	s3 =	simm.s32 $0x108;
	s8 =	sld [smem:$0x3FB5]  }
0x2e: {  	s3 =	simm.s32 @!p0 $0x1082;
	s9 =	sld [smem:$0x3FB6]  }
0x2f: {  	lr =	sadd.s32 s0, s3;
	s0 =	sld [smem:$0x3FAD]  }
0x30: {  	s3 =	sld [smem:$0x3FB0]  }
0x31: {  	[smem:$0x3FB9] =	sst s10  }
0x32: {  	s10 =	sld [smem:$0x3FB7];
	_ =	sdelay $0x3  }
0x33: {  	p0 =	seq.s32 s10, $0x1;
	s10 =	sld [smem:$0x3FB9];
	_ =	sdelay $0x3  }
0x34: {  	[smem:$0x3FB9] =	sst s10  }
0x35: {  	s10 =	sld [smem:$0x3FB8];
	_ =	sdelay $0x3  }
0x36: {  	p1 =	seq.s32 s10, $0x1;
	s10 =	sld [smem:$0x3FB9];
	_ =	sdelay $0x3  }
0x37: {  	[smem:$0x3FB9] =	sst s10  }
0x38: {  	s10 =	sld [smem:$0x3FBA]  }
0x39: {  	_ = 	snop;
	(pc) =	sbr.ind lr, $3  }
0x3a: {  	_ = 	snop  }
0x3b: {  	_ = 	snop  }
0x3c: {  	p2 =	seq.s32 s10, $0x1;
	s10 =	sld [smem:$0x3FB9]  }
0x3d: {  	_ =	shalt  }
0x3e: {  	_ =	shalt  }
0x3f: {  	_ =	shalt  }
0x40: {  	_ =	shalt  }
0x41: {  	_ =	shalt  }
0x42: {  	_ =	shalt  }
0x43: {  	_ =	shalt  }
0x44: {  	_ =	shalt  }
0x45: {  	_ =	shalt  }
0x46: {  	_ =	shalt  }
0x47: {  	_ =	shalt  }
0x48: {  	_ =	shalt  }
0x49: {  	_ =	shalt  }
0x4a: {  	_ =	shalt  }
0x4b: {  	_ =	shalt  }
0x4c: {  	_ =	shalt  }
0x4d: {  	_ =	shalt  }
0x4e: {  	_ =	shalt  }
0x4f: {  	_ =	shalt  }
0x50: {  	_ =	shalt  }
0x51: {  	_ =	shalt  }
0x52: {  	_ =	shalt  }
0x53: {  	_ =	shalt  }
0x54: {  	_ =	shalt  }
0x55: {  	_ =	shalt  }
0x56: {  	_ =	shalt  }
0x57: {  	_ =	shalt  }
0x58: {  	_ =	shalt  }
0x59: {  	_ =	shalt  }
0x5a: {  	_ =	shalt  }
0x5b: {  	_ =	shalt  }
0x5c: {  	_ =	shalt  }
0x5d: {  	_ =	shalt  }
0x5e: {  	_ =	shalt  }
0x5f: {  	_ =	shalt  }
0x60: {  	_ =	shalt  }
0x61: {  	_ =	shalt  }
0x62: {  	_ =	shalt  }
0x63: {  	_ =	shalt  }
0x64: {  	_ =	shalt  }
0x65: {  	_ =	shalt  }
0x66: {  	_ =	shalt  }
0x67: {  	_ =	shalt  }
0x68: {  	_ =	shalt  }
0x69: {  	_ =	shalt  }
0x6a: {  	_ =	shalt  }
0x6b: {  	_ =	shalt  }
0x6c: {  	_ =	shalt  }
0x6d: {  	_ =	shalt  }
0x6e: {  	_ =	shalt  }
0x6f: {  	_ =	shalt  }
0x70: {  	_ =	shalt  }
0x71: {  	_ =	shalt  }
0x72: {  	_ =	shalt  }
0x73: {  	_ =	shalt  }
0x74: {  	_ =	shalt  }
0x75: {  	_ =	shalt  }
0x76: {  	_ =	shalt  }
0x77: {  	_ =	shalt  }
0x78: {  	_ =	shalt  }
0x79: {  	_ =	shalt  }
0x7a: {  	_ =	shalt  }
0x7b: {  	_ =	shalt  }
0x7c: {  	_ =	shalt  }
0x7d: {  	_ =	shalt  }
0x7e: {  	_ =	shalt  }
0x7f: {  	_ =	shalt  }
0x80: {  	_ =	shalt  }
0x81: {  	_ =	shalt  }
0x82: {  	_ =	shalt  }
0x83: {  	_ =	shalt  }
0x84: {  	_ =	shalt  }
0x85: {  	_ =	shalt  }
0x86: {  	_ =	shalt  }
0x87: {  	_ =	shalt  }
.Lfunc_end0:
.L_simem_size_0:
called_computation.1_lowered:
.L_overlay_start_0:
0x88: {  	s2 =	sld [smem:$0x3FD9]  }
0x89: {  	s3 =	sld [smem:$0x3FFE];
	_ =	sdelay $0x1  }
0x8a: {  	s1 =	srdreg.scid  }
0x8b: {  	s0 =	sand.u32 $0x1, s1  }
0x8c: {  	s17 =	sshll.u32 s0, $0xA;
	s2 =	sadd.s32 s3, s2  }
0x8d: {  	s2 =	sadd.s32 s2, s17  }
0x8e: {  	[smem:$0x3FC5] =	sst s2  }
0x8f: {  	_ = 	snop  }
0x90: {  	s2 =	sld [smem:$0x3FC7];
	(tm) =	ssettm $0x1  }
0x91: {  	s18 =	sld [smem:$0x3FFB];
	_ =	sdelay $0x3  }
0x92: {  	_ =	strace s18  }
0x93: {  	s3 =	sld [smem:$0x3FFC];
	_ =	sdelay $0x3  }
0x94: {  	_ =	strace s3  }
0x95: {  	s3 =	sld [smem:$0x3FFD];
	_ =	sdelay $0x3  }
0x96: {  	_ =	strace s3  }
0x97: {  	_ =	strace $0x8FFFFFFF  }
0x98: {  	s19 =	sld [smem:$0x3FDB];
	_ =	sdelay $0x1  }
0x99: {  	s4 =	simm.s32 $_scs_section_size  }
0x9a: {  	s5 =	simm.s32 $_size__tile_overlayer_lowered;
	s6 =	simm.s32 $_tile_overlayer_lowered  }
0x9b: {  	s22 =	simm.s32 $0x1BFF;
	s21 =	sshll.u32 s6, $0x1;
	s3 =	sadd.s32 s4, s19  }
0x9c: {  	s7 =	simm.s32 $0x0;
	s20 =	sshll.u32 s5, $0x1;
	s5 =	sadd.s32 s21, s3  }
0x9d: {  	[timem:s7], [sflag:s22] =	dma.local [hbm:s5], s20  }
0x9e: {  	_ =	swait.ge [sflag:s22], s20  }
0x9f: {  	s4 =	ssub.s32 $0x0, s20;
	[sflag:s22] =	ssyncset.done $0x0  }
0xa0: {  	[sflag:s22] =	ssyncadd.s32 s4;
	_ =	sdelay $0x1  }
0xa1: {  	s23 =	simm.s32 $0x1B8B  }
0xa2: {  	_ =	swait.ge [sflag:s23], $0x1  }
0xa3: {  	[sflag:s23] =	ssyncset.done $0x0  }
0xa4: {  	s25 =	simm.s32 $0x1B8E;
	s24 =	sld [smem:$0x3FFE];
	[sflag:s23] =	ssyncadd.s32 $0xFFFFFFFF  }
0xa5: {  	s26 =	simm.s32 $execute0_lowered;
	[smem:$0x3FD2] =	sst s25  }
0xa6: {  	s5 =	sshll.u32 s26, $0x1;
	_ =	strace $0x80000049;
	[dreg:$0x1] =	wrdreg $0xFFFFFFFF  }
0xa7: {  	s28 =	simm.s32 $_size_execute0_lowered;
	s3 =	sadd.s32 s3, s5;
	[dreg:$0x0] =	wrdreg $0x0  }
0xa8: {  	s5 =	sshll.u32 s28, $0x1;
	[dreg:$0x2] =	wrdreg s3  }
0xa9: {  	[dreg:$0x3] =	wrdreg s5  }
0xaa: {  	[dreg:$0x4] =	wrdreg $0xC0  }
0xab: {  	_ =	task [dreg:s7], $0x5FFFF  }
0xac: {  	[dreg:$0x1] =	wrdreg $0xFFFFFFFF  }
0xad: {  	[dreg:$0x0] =	wrdreg $0x60  }
0xae: {  	[dreg:$0x2] =	wrdreg s24  }
0xaf: {  	[dreg:$0x3] =	wrdreg s2  }
0xb0: {  	[dreg:$0x4] =	wrdreg $0x9  }
0xb1: {  	_ =	task.clear_ibuf [dreg:s7], $0x5FFFF;
	_ =	strace $0x90000049  }
0xb2: {  	s29 =	simm.s32 $0x9;
	_ =	strace $0x8000004B  }
0xb3: {  	_ =	swait.ge [sflag:s29], $0x1  }
0xb4: {  	[sflag:s29] =	ssyncadd.s32 $0xFFFFFFFF  }
0xb5: {  	_ =	strace $0x9000004B  }
0xb6: {  	_ =	sfence  }
0xb7: {  	s30 =	sld [smem:$0x0];
	_ =	sdelay $0x2  }
0xb8: {  	s31 =	sshll.u32 s1, $0xD;
	s1 =	sshrl.u32 s1, $0x2  }
0xb9: {  	s3 =	sand.u32 $0x4000, s31;
	s1 =	sadd.s32 s1, s30  }
0xba: {  	s0 =	sor.u32 s3, s0;
	s1 =	sshll.u32 s1, $0x11  }
0xbb: {  	s0 =	sor.u32 s1, s0  }
0xbc: {  	s0 =	sadd.s32 $0x8F2B, s0  }
0xbd: {  	[sflag:s0] =	ssyncadd.remote.s32 $0x1  }
0xbe: {  	_ =	sfence.sel $0xFFFF  }
0xbf: {  	[dreg:$0x0] =	wrdreg $0xFFFFFFFF;
	(pc) =	sbr.abs _section_cstart, $3  }
0xc0: {  	[dreg:$0x1] =	wrdreg $0xFFFFFFFF  }
0xc1: {  	_ =	task.clear_ibuf [dreg:s7], $0x2FFFF;
	_ =	strace $0x9FFFFFFF  }
0xc2: {  	(tm) =	ssettm $0x7FFFFFFF  }
0xc3: {  	_ =	shalt  }
tec
execute0_lowered:
.L_overlay_start_1:
0x0: {  	(tag) =	ssettag $0x1  }
0x1: {  	s1 =	rddreg [dreg:$0x0]  }
0x2: {  	s0 =	rddreg [dreg:$0x1]  }
0x3: {  	s2 =	simm.s32 $0x0;
	s3 =	srdreg.scid;
	s4 =	stileid.u32  }
0x4: {  	p0 =	por $0x0, $0x0;
	s31 =	simm.s32 $0x3;
	[dreg:$0x4] =	wrdreg s0  }
0x5: {  	[smem:$0x7FF] =	sst s2;
	s14 =	sadd.s32 $0x276000, s1;
	s5 =	sand.u32 $0x1, s3  }
0x6: {  	s15 =	sadd.s32 $0x271000, s1;
	s4 =	sshll.u32 s4, $0x7;
	s3 =	sadd.s32 $0x1000, s1  }
0x7: {  	s0 =	sadd.s32 $0x27B000, s1;
	_ =	strace $0x8000004A;
	s6 =	sshll.u32 s5, $0x6  }
0x8: {  	[dreg:$0x3] =	wrdreg s14;
	s5 =	ssub.s32 $0x2, s5;
	s28 =	sor.u32 s6, s4  }
0x9: {  	[dreg:$0x5] =	wrdreg s15;
	s14 =	sshrl.u32 s5, $0x1;
	s4 =	sshll.u32 s28, $0x4  }
0xa: {  	s6 =	sor.u32 $0x4, s28;
	s7 =	sshll.u32 s28, $0x1;
	s17 =	sshll.u32 s28, $0x8  }
0xb: {  	s9 =	sor.u32 $0x8, s28;
	s19 =	sor.u32 $0xC, s28;
	s25 =	sor.u32 $0x10, s28  }
0xc: {  	s30 =	sor.u32 $0x14, s28;
	s13 =	sor.u32 $0x18, s28;
	s5 =	ssub.s32 s5, s14  }
0xd: {  	s14 =	sor.u32 $0x30, s28;
	s4 =	sadd.s32 s3, s4;
	s8 =	sshll.u32 s6, $0x4  }
0xe: {  	s18 =	sshll.u32 s9, $0x4;
	s6 =	sshll.u32 s6, $0x8;
	s21 =	sshll.u32 s19, $0x4  }
0xf: {  	s23 =	sshll.u32 s9, $0x8;
	s26 =	sshll.u32 s25, $0x4;
	s10 =	sshll.u32 s30, $0x4  }
0x10: {  	s15 =	sshll.u32 s13, $0x4;
	[dreg:$0x6] =	wrdreg s4;
	s16 =	sadd.s32 s3, s8  }
0x11: {  	s8 =	sadd.s32 s0, s17;
	s4 =	sadd.s32 s7, s1;
	[dreg:$0x7] =	wrdreg s16  }
0x12: {  	s1 =	sadd.s32 s3, s18;
	s20 =	sadd.s32 s0, s6;
	[dreg:$0x8] =	wrdreg s8  }
0x13: {  	s22 =	sadd.s32 s3, s21;
	s24 =	sadd.s32 s0, s23;
	[dreg:$0x9] =	wrdreg s1  }
0x14: {  	s7 =	sshll.u32 s19, $0x8;
	s11 =	sadd.s32 s3, s10;
	[dreg:$0xa] =	wrdreg s20  }
0x15: {  	s6 =	sshll.u32 s25, $0x8;
	s21 =	sor.u32 $0x20, s28;
	[dreg:$0xb] =	wrdreg s22  }
0x16: {  	[dreg:$0xc] =	wrdreg s24;
	s1 =	sadd.s32 s3, s26;
	s9 =	sadd.s32 s0, s7  }
0x17: {  	[dreg:$0xf] =	wrdreg s11;
	s12 =	sadd.s32 s0, s6;
	s8 =	sshll.u32 s30, $0x8  }
0x18: {  	s16 =	sor.u32 $0x1C, s28;
	s6 =	sshll.u32 s13, $0x8;
	[dreg:$0xd] =	wrdreg s1  }
0x19: {  	s22 =	sshll.u32 s21, $0x4;
	s24 =	sor.u32 $0x24, s28;
	[dreg:$0xe] =	wrdreg s9  }
0x1a: {  	s4 =	sadd.s32 $0x2FB000, s4;
	[dreg:$0x10] =	wrdreg s12;
	s1 =	sadd.s32 s3, s15  }
0x1b: {  	s17 =	sadd.s32 s0, s8;
	s18 =	sshll.u32 s16, $0x4;
	s20 =	sadd.s32 s0, s6  }
0x1c: {  	s23 =	sshll.u32 s16, $0x8;
	s26 =	sshll.u32 s24, $0x4;
	s6 =	sshll.u32 s21, $0x8  }
0x1d: {  	s9 =	sor.u32 $0x28, s28;
	s11 =	sshll.u32 s24, $0x8;
	[dreg:$0x11] =	wrdreg s1  }
0x1e: {  	s12 =	sor.u32 $0x2C, s28;
	s15 =	sshll.u32 s14, $0x4;
	[dreg:$0x12] =	wrdreg s17  }
0x1f: {  	s16 =	sor.u32 $0x34, s28;
	s19 =	sadd.s32 s3, s18;
	[dreg:$0x14] =	wrdreg s20  }
0x20: {  	s1 =	sadd.s32 s3, s22;
	s25 =	sadd.s32 s0, s23;
	s30 =	sadd.s32 s3, s26  }
0x21: {  	s7 =	sadd.s32 s0, s6;
	s10 =	sshll.u32 s9, $0x4;
	[dreg:$0x13] =	wrdreg s19  }
0x22: {  	s22 =	sadd.s32 s0, s11;
	s13 =	sshll.u32 s12, $0x4;
	[dreg:$0x15] =	wrdreg s1  }
0x23: {  	s6 =	sshll.u32 s9, $0x8;
	s17 =	sadd.s32 s3, s15;
	[dreg:$0x16] =	wrdreg s25  }
0x24: {  	s18 =	sshll.u32 s16, $0x4;
	s20 =	sor.u32 $0x38, s28;
	[dreg:$0x17] =	wrdreg s30  }
0x25: {  	[dreg:$0x18] =	wrdreg s7;
	s29 =	sadd.s32 s3, s10;
	s23 =	sadd.s32 s3, s13  }
0x26: {  	s21 =	sadd.s32 s0, s6;
	s1 =	sshll.u32 s12, $0x8;
	s19 =	sshll.u32 s14, $0x8  }
0x27: {  	s14 =	sadd.s32 s3, s18;
	s24 =	sshll.u32 s20, $0x4;
	s6 =	sshll.u32 s16, $0x8  }
0x28: {  	s12 =	sor.u32 $0x3C, s28;
	s30 =	smax.u32 s5, $0x1;
	s5 =	simm.s32 $0x16400  }
0x29: {  	s18 =	simm.s32 $0x200;
	s16 =	simm.s32 $0x14400;
	s15 =	sadd.s32 s0, s1  }
0x2a: {  	s11 =	sadd.s32 s0, s19;
	s13 =	sadd.s32 s3, s24;
	s10 =	sadd.s32 s0, s6  }
0x2b: {  	s25 =	sshll.u32 s12, $0x4;
	s1 =	sshll.u32 s20, $0x8;
	p1 =	sne.s32 s30, $0x1  }
.Ltmp0:
0x2c: {  	s26 =	sshll.u32 s12, $0x8;
	s6 =	simm.s32 $0x40;
	(pc) =	sbr.rel @!p1 .LBB2_4-.Ltmp0, $4  }
0x2d: {  	s20 =	simm.s32 $0x40000;
	s24 =	simm.s32 $0x1;
	s19 =	simm.s32 $0x2  }
0x2e: {  	s12 =	simm.s32 $0x4;
	s9 =	sadd.s32 s3, s25;
	s8 =	sadd.s32 s0, s1  }
0x2f: {  	s7 =	sadd.s32 s0, s26;
	s3 =	simm.s32 $0x5;
	s26 =	simm.s32 $0x800  }
0x30: {  	s0 =	sadd.s32 $0xFFFFFFFF, s30;
	s25 =	simm.s32 $0xA400;
	s1 =	rddreg [dreg:$0x4]  }
0x31: {  	[tilespmem:s2], [sflag:$0x5] =	stream.linear.gather [hbm4b:s1+s2], $0x800, $0x38;
	[tilespmem:$0x16800] =	vst v63  }
0x32: {  	_ =	swait.ge [sflag:s3], $0x800  }
0x33: {  	[dreg:$0x19] =	wrdreg s4;
	[sflag:s3] =	ssyncset.done $0x0  }
0x34: {  	s30 =	smov.u32 s0;
	s1 =	rddreg [dreg:$0x5];
	[sflag:s3] =	ssyncadd.s32 $0xFFFFF800  }
0x35: {  	[tilespmem:s5], [sflag:$0x4] =	stream.indirect.gather [hbm4b:s1+s6], $0x10, s28, s6, $0xb8;
	[tilespmem:$0x16800] =	vst v63  }
0x36: {  	s4 =	simm.s32 $0x14000;
	s0 =	rddreg [dreg:$0x3];
	s6 =	simm.s32 $0x40  }
0x37: {  	[tilespmem:s4], [sflag:$0x3] =	stream.indirect.gather [hbm4b:s0+s6], $0x10, s28, s6, $0xb8;
	[tilespmem:$0x16800] =	vst v63  }
0x38: {  	s1 =	rddreg [dreg:$0x6]  }
0x39: {  	[tilespmem:s26], [sflag:$0x1] =	stream.strided.gather [hbm4b:s1+s18], $0x9C00, s20, s18, $0x38;
	[tilespmem:$0x16800] =	vst v63  }
0x3a: {  	s4 =	rddreg [dreg:$0x19];
	_ =	swait.ge [sflag:s31], $0x400  }
0x3b: {  	[sflag:s31] =	ssyncset.done $0x0  }
0x3c: {  	s1 =	rddreg [dreg:$0x7];
	[sflag:s31] =	ssyncadd.s32 $0xFFFFFC00  }
0x3d: {  	[tilespmem:s25], [sflag:$0x2] =	stream.strided.gather [hbm4b:s1+s18], $0x9C00, s20, s18, $0x38;
	[tilespmem:$0x16800] =	vst v63  }
0x3e: {  	_ =	swait.ge [sflag:s24], $0x9C00  }
0x3f: {  	[sflag:s24] =	ssyncset.done $0x0  }
0x40: {  	s1 =	rddreg [dreg:$0x8];
	[sflag:s24] =	ssyncadd.s32 $0xFFFF6400  }
0x41: {  	[hbm4b:s1+s2] =	stream.linear.scatter [tilespmem:s16], [sflag:$0x5], $0x2000, $0x38;
	[tilespmem:$0x16800] =	vst v63  }
0x42: {  	_ =	swait.ge [sflag:s3], $0x2000  }
0x43: {  	[sflag:s3] =	ssyncset.done $0x0  }
0x44: {  	s1 =	rddreg [dreg:$0x9];
	[sflag:s3] =	ssyncadd.s32 $0xFFFFE000  }
0x45: {  	[tilespmem:s26], [sflag:$0x1] =	stream.strided.gather [hbm4b:s1+s18], $0x9C00, s20, s18, $0x38;
	[tilespmem:$0x16800] =	vst v63  }
0x46: {  	_ =	swait.ge [sflag:s19], $0x9C00  }
0x47: {  	[sflag:s19] =	ssyncset.done $0x0  }
0x48: {  	s1 =	rddreg [dreg:$0xa];
	[sflag:s19] =	ssyncadd.s32 $0xFFFF6400  }
0x49: {  	[hbm4b:s1+s2] =	stream.linear.scatter [tilespmem:s16], [sflag:$0x5], $0x2000, $0x38;
	[tilespmem:$0x16800] =	vst v63  }
0x4a: {  	_ =	swait.ge [sflag:s3], $0x2000  }
0x4b: {  	[sflag:s3] =	ssyncset.done $0x0  }
0x4c: {  	s1 =	rddreg [dreg:$0xb];
	[sflag:s3] =	ssyncadd.s32 $0xFFFFE000  }
0x4d: {  	[tilespmem:s25], [sflag:$0x2] =	stream.strided.gather [hbm4b:s1+s18], $0x9C00, s20, s18, $0x38;
	[tilespmem:$0x16800] =	vst v63  }
0x4e: {  	_ =	swait.ge [sflag:s24], $0x9C00  }
0x4f: {  	[sflag:s24] =	ssyncset.done $0x0  }
0x50: {  	s1 =	rddreg [dreg:$0xc];
	[sflag:s24] =	ssyncadd.s32 $0xFFFF6400  }
0x51: {  	[hbm4b:s1+s2] =	stream.linear.scatter [tilespmem:s16], [sflag:$0x5], $0x2000, $0x38;
	[tilespmem:$0x16800] =	vst v63  }
0x52: {  	_ =	swait.ge [sflag:s3], $0x2000  }
0x53: {  	[sflag:s3] =	ssyncset.done $0x0  }
0x54: {  	s1 =	rddreg [dreg:$0xd];
	[sflag:s3] =	ssyncadd.s32 $0xFFFFE000  }
0x55: {  	[tilespmem:s26], [sflag:$0x1] =	stream.strided.gather [hbm4b:s1+s18], $0x9C00, s20, s18, $0x38;
	[tilespmem:$0x16800] =	vst v63  }
0x56: {  	_ =	swait.ge [sflag:s19], $0x9C00  }
0x57: {  	[sflag:s19] =	ssyncset.done $0x0  }
0x58: {  	s1 =	rddreg [dreg:$0xe];
	[sflag:s19] =	ssyncadd.s32 $0xFFFF6400  }
0x59: {  	[hbm4b:s1+s2] =	stream.linear.scatter [tilespmem:s16], [sflag:$0x5], $0x2000, $0x38;
	[tilespmem:$0x16800] =	vst v63  }
0x5a: {  	_ =	swait.ge [sflag:s3], $0x2000  }
0x5b: {  	[sflag:s3] =	ssyncset.done $0x0  }
0x5c: {  	s1 =	rddreg [dreg:$0xf];
	[sflag:s3] =	ssyncadd.s32 $0xFFFFE000  }
0x5d: {  	[tilespmem:s25], [sflag:$0x2] =	stream.strided.gather [hbm4b:s1+s18], $0x9C00, s20, s18, $0x38;
	[tilespmem:$0x16800] =	vst v63  }
0x5e: {  	_ =	swait.ge [sflag:s24], $0x9C00  }
0x5f: {  	[sflag:s24] =	ssyncset.done $0x0  }
0x60: {  	s1 =	rddreg [dreg:$0x10];
	[sflag:s24] =	ssyncadd.s32 $0xFFFF6400  }
0x61: {  	[hbm4b:s1+s2] =	stream.linear.scatter [tilespmem:s16], [sflag:$0x5], $0x2000, $0x38;
	[tilespmem:$0x16800] =	vst v63  }
0x62: {  	_ =	swait.ge [sflag:s3], $0x2000  }
0x63: {  	[sflag:s3] =	ssyncset.done $0x0  }
0x64: {  	s1 =	rddreg [dreg:$0x11];
	[sflag:s3] =	ssyncadd.s32 $0xFFFFE000  }
0x65: {  	[tilespmem:s26], [sflag:$0x1] =	stream.strided.gather [hbm4b:s1+s18], $0x9C00, s20, s18, $0x38;
	[tilespmem:$0x16800] =	vst v63  }
0x66: {  	_ =	swait.ge [sflag:s19], $0x9C00  }
0x67: {  	[sflag:s19] =	ssyncset.done $0x0  }
0x68: {  	s1 =	rddreg [dreg:$0x12];
	[sflag:s19] =	ssyncadd.s32 $0xFFFF6400  }
0x69: {  	[hbm4b:s1+s2] =	stream.linear.scatter [tilespmem:s16], [sflag:$0x5], $0x2000, $0x38;
	[tilespmem:$0x16800] =	vst v63  }
0x6a: {  	_ =	swait.ge [sflag:s3], $0x2000  }
0x6b: {  	[sflag:s3] =	ssyncset.done $0x0  }
0x6c: {  	s1 =	rddreg [dreg:$0x13];
	[sflag:s3] =	ssyncadd.s32 $0xFFFFE000  }
0x6d: {  	[tilespmem:s25], [sflag:$0x2] =	stream.strided.gather [hbm4b:s1+s18], $0x9C00, s20, s18, $0x38;
	[tilespmem:$0x16800] =	vst v63  }
0x6e: {  	_ =	swait.ge [sflag:s24], $0x9C00  }
0x6f: {  	[sflag:s24] =	ssyncset.done $0x0  }
0x70: {  	s1 =	rddreg [dreg:$0x14];
	[sflag:s24] =	ssyncadd.s32 $0xFFFF6400  }
0x71: {  	[hbm4b:s1+s2] =	stream.linear.scatter [tilespmem:s16], [sflag:$0x5], $0x2000, $0x38;
	[tilespmem:$0x16800] =	vst v63  }
0x72: {  	_ =	swait.ge [sflag:s3], $0x2000  }
0x73: {  	[sflag:s3] =	ssyncset.done $0x0  }
0x74: {  	s1 =	rddreg [dreg:$0x15];
	[sflag:s3] =	ssyncadd.s32 $0xFFFFE000  }
0x75: {  	[tilespmem:s26], [sflag:$0x1] =	stream.strided.gather [hbm4b:s1+s18], $0x9C00, s20, s18, $0x38;
	[tilespmem:$0x16800] =	vst v63  }
0x76: {  	_ =	swait.ge [sflag:s19], $0x9C00  }
0x77: {  	[sflag:s19] =	ssyncset.done $0x0  }
0x78: {  	s1 =	rddreg [dreg:$0x16];
	[sflag:s19] =	ssyncadd.s32 $0xFFFF6400  }
0x79: {  	[hbm4b:s1+s2] =	stream.linear.scatter [tilespmem:s16], [sflag:$0x5], $0x2000, $0x38;
	[tilespmem:$0x16800] =	vst v63  }
0x7a: {  	_ =	swait.ge [sflag:s3], $0x2000  }
0x7b: {  	[sflag:s3] =	ssyncset.done $0x0  }
0x7c: {  	s1 =	rddreg [dreg:$0x17];
	[sflag:s3] =	ssyncadd.s32 $0xFFFFE000  }
0x7d: {  	[tilespmem:s25], [sflag:$0x2] =	stream.strided.gather [hbm4b:s1+s18], $0x9C00, s20, s18, $0x38;
	[tilespmem:$0x16800] =	vst v63  }
0x7e: {  	_ =	swait.ge [sflag:s24], $0x9C00  }
0x7f: {  	[sflag:s24] =	ssyncset.done $0x0  }
0x80: {  	s1 =	rddreg [dreg:$0x18];
	[sflag:s24] =	ssyncadd.s32 $0xFFFF6400  }
0x81: {  	[hbm4b:s1+s2] =	stream.linear.scatter [tilespmem:s16], [sflag:$0x5], $0x2000, $0x38;
	[tilespmem:$0x16800] =	vst v63  }
0x82: {  	_ =	swait.ge [sflag:s3], $0x2000  }
0x83: {  	[sflag:s3] =	ssyncset.done $0x0  }
0x84: {  	[sflag:s3] =	ssyncadd.s32 $0xFFFFE000  }
0x85: {  	[tilespmem:s26], [sflag:$0x1] =	stream.strided.gather [hbm4b:s29+s18], $0x9C00, s20, s18, $0x38;
	[tilespmem:$0x16800] =	vst v63  }
0x86: {  	_ =	swait.ge [sflag:s19], $0x9C00  }
0x87: {  	[sflag:s19] =	ssyncset.done $0x0  }
0x88: {  	[sflag:s19] =	ssyncadd.s32 $0xFFFF6400  }
0x89: {  	[hbm4b:s22+s2] =	stream.linear.scatter [tilespmem:s16], [sflag:$0x5], $0x2000, $0x38;
	[tilespmem:$0x16800] =	vst v63  }
0x8a: {  	_ =	swait.ge [sflag:s3], $0x2000  }
0x8b: {  	[sflag:s3] =	ssyncset.done $0x0  }
0x8c: {  	[sflag:s3] =	ssyncadd.s32 $0xFFFFE000  }
0x8d: {  	[tilespmem:s25], [sflag:$0x2] =	stream.strided.gather [hbm4b:s23+s18], $0x9C00, s20, s18, $0x38;
	[tilespmem:$0x16800] =	vst v63  }
0x8e: {  	_ =	swait.ge [sflag:s24], $0x9C00  }
0x8f: {  	[sflag:s24] =	ssyncset.done $0x0  }
0x90: {  	[sflag:s24] =	ssyncadd.s32 $0xFFFF6400  }
0x91: {  	[hbm4b:s21+s2] =	stream.linear.scatter [tilespmem:s16], [sflag:$0x5], $0x2000, $0x38;
	[tilespmem:$0x16800] =	vst v63  }
0x92: {  	_ =	swait.ge [sflag:s3], $0x2000  }
0x93: {  	[sflag:s3] =	ssyncset.done $0x0  }
0x94: {  	[sflag:s3] =	ssyncadd.s32 $0xFFFFE000  }
0x95: {  	[tilespmem:s26], [sflag:$0x1] =	stream.strided.gather [hbm4b:s17+s18], $0x9C00, s20, s18, $0x38;
	[tilespmem:$0x16800] =	vst v63  }
0x96: {  	_ =	swait.ge [sflag:s19], $0x9C00  }
0x97: {  	[sflag:s19] =	ssyncset.done $0x0  }
0x98: {  	[sflag:s19] =	ssyncadd.s32 $0xFFFF6400  }
0x99: {  	[hbm4b:s15+s2] =	stream.linear.scatter [tilespmem:s16], [sflag:$0x5], $0x2000, $0x38;
	[tilespmem:$0x16800] =	vst v63  }
0x9a: {  	_ =	swait.ge [sflag:s3], $0x2000  }
0x9b: {  	[sflag:s3] =	ssyncset.done $0x0  }
0x9c: {  	[sflag:s3] =	ssyncadd.s32 $0xFFFFE000  }
0x9d: {  	[tilespmem:s25], [sflag:$0x2] =	stream.strided.gather [hbm4b:s14+s18], $0x9C00, s20, s18, $0x38;
	[tilespmem:$0x16800] =	vst v63  }
0x9e: {  	_ =	swait.ge [sflag:s24], $0x9C00  }
0x9f: {  	[sflag:s24] =	ssyncset.done $0x0  }
0xa0: {  	[sflag:s24] =	ssyncadd.s32 $0xFFFF6400  }
0xa1: {  	[hbm4b:s11+s2] =	stream.linear.scatter [tilespmem:s16], [sflag:$0x5], $0x2000, $0x38;
	[tilespmem:$0x16800] =	vst v63  }
0xa2: {  	_ =	swait.ge [sflag:s3], $0x2000  }
0xa3: {  	[sflag:s3] =	ssyncset.done $0x0  }
0xa4: {  	[sflag:s3] =	ssyncadd.s32 $0xFFFFE000  }
0xa5: {  	[tilespmem:s26], [sflag:$0x1] =	stream.strided.gather [hbm4b:s13+s18], $0x9C00, s20, s18, $0x38;
	[tilespmem:$0x16800] =	vst v63  }
0xa6: {  	_ =	swait.ge [sflag:s19], $0x9C00  }
0xa7: {  	[sflag:s19] =	ssyncset.done $0x0  }
0xa8: {  	[sflag:s19] =	ssyncadd.s32 $0xFFFF6400  }
0xa9: {  	[hbm4b:s10+s2] =	stream.linear.scatter [tilespmem:s16], [sflag:$0x5], $0x2000, $0x38;
	[tilespmem:$0x16800] =	vst v63  }
0xaa: {  	_ =	swait.ge [sflag:s3], $0x2000  }
0xab: {  	[sflag:s3] =	ssyncset.done $0x0  }
0xac: {  	[sflag:s3] =	ssyncadd.s32 $0xFFFFE000  }
0xad: {  	[tilespmem:s25], [sflag:$0x2] =	stream.strided.gather [hbm4b:s9+s18], $0x9C00, s20, s18, $0x38;
	[tilespmem:$0x16800] =	vst v63  }
0xae: {  	_ =	swait.ge [sflag:s24], $0x9C00  }
0xaf: {  	[sflag:s24] =	ssyncset.done $0x0  }
0xb0: {  	[sflag:s24] =	ssyncadd.s32 $0xFFFF6400  }
0xb1: {  	[hbm4b:s8+s2] =	stream.linear.scatter [tilespmem:s16], [sflag:$0x5], $0x2000, $0x38;
	[tilespmem:$0x16800] =	vst v63  }
0xb2: {  	_ =	swait.ge [sflag:s3], $0x2000  }
0xb3: {  	[sflag:s3] =	ssyncset.done $0x0  }
0xb4: {  	[sflag:s3] =	ssyncadd.s32 $0xFFFFE000  }
0xb5: {  	_ =	swait.ge [sflag:s19], $0x9C00  }
0xb6: {  	[sflag:s19] =	ssyncset.done $0x0  }
0xb7: {  	[sflag:s19] =	ssyncadd.s32 $0xFFFF6400  }
0xb8: {  	[hbm4b:s7+s2] =	stream.linear.scatter [tilespmem:s16], [sflag:$0x5], $0x2000, $0x38;
	[tilespmem:$0x16800] =	vst v63  }
0xb9: {  	_ =	swait.ge [sflag:s3], $0x2000  }
0xba: {  	[sflag:s3] =	ssyncset.done $0x0  }
0xbb: {  	[sflag:s3] =	ssyncadd.s32 $0xFFFFE000  }
0xbc: {  	p1 =	sne.s32 s30, $0x1;
	_ =	swait.ge [sflag:s12], $0x400  }
.Ltmp1:
0xbd: {  	[sflag:s12] =	ssyncset.done $0x0;
	(pc) =	sbr.rel @!p1 .LBB2_5-.Ltmp1, $4  }
0xbe: {  	s5 =	simm.s32 $0x16400;
	[sflag:s12] =	ssyncadd.s32 $0xFFFFFC00  }
0xbf: {  	[hbm4b:s4+s2] =	stream.linear.scatter [tilespmem:s5], [sflag:$0x5], $0x400, $0x38;
	[tilespmem:$0x16800] =	vst v63  }
0xc0: {  	p0 =	por $0x1, $0x1;
	s0 =	sadd.s32 $0xFFFFFFFF, s30;
	_ =	swait.ge [sflag:s3], $0x400  }
0xc1: {  	s5 =	simm.s32 $0x16400;
	s1 =	rddreg [dreg:$0x4];
	[sflag:s3] =	ssyncset.done $0x0  }
.LBB2_2:
0xc2: {  	[sflag:s3] =	ssyncadd.s32 $0xFFFFFC00  }
0xc3: {  	[tilespmem:s2], [sflag:$0x5] =	stream.linear.gather [hbm4b:s1+s2], $0x800, $0x38;
	[tilespmem:$0x16800] =	vst v63  }
0xc4: {  	_ =	swait.ge [sflag:s3], $0x800  }
0xc5: {  	[sflag:s3] =	ssyncset.done $0x0  }
0xc6: {  	s4 =	rddreg [dreg:$0x5];
	[sflag:s3] =	ssyncadd.s32 $0xFFFFF800  }
0xc7: {  	[tilespmem:s5], [sflag:$0x4] =	stream.indirect.gather [hbm4b:s4+s6], $0x10, s28, s6, $0xb8;
	[tilespmem:$0x16800] =	vst v63  }
0xc8: {  	s30 =	rddreg [dreg:$0x3];
	s4 =	simm.s32 $0x14000  }
0xc9: {  	[tilespmem:s4], [sflag:$0x3] =	stream.indirect.gather [hbm4b:s30+s6], $0x10, s28, s6, $0xb8;
	[tilespmem:$0x16800] =	vst v63  }
0xca: {  	s1 =	rddreg [dreg:$0x6]  }
0xcb: {  	[tilespmem:s26], [sflag:$0x1] =	stream.strided.gather [hbm4b:s1+s18], $0x9C00, s20, s18, $0x38;
	[tilespmem:$0x16800] =	vst v63  }
0xcc: {  	s4 =	rddreg [dreg:$0x19];
	_ =	swait.ge [sflag:s31], $0x400  }
0xcd: {  	[sflag:s31] =	ssyncset.done $0x0  }
0xce: {  	s30 =	rddreg [dreg:$0x7];
	[sflag:s31] =	ssyncadd.s32 $0xFFFFFC00  }
0xcf: {  	[tilespmem:s25], [sflag:$0x2] =	stream.strided.gather [hbm4b:s30+s18], $0x9C00, s20, s18, $0x38;
	[tilespmem:$0x16800] =	vst v63  }
0xd0: {  	_ =	swait.ge [sflag:s24], $0x9C00  }
0xd1: {  	[sflag:s24] =	ssyncset.done $0x0  }
0xd2: {  	s30 =	rddreg [dreg:$0x8];
	[sflag:s24] =	ssyncadd.s32 $0xFFFF6400  }
0xd3: {  	[hbm4b:s30+s2] =	stream.linear.scatter [tilespmem:s16], [sflag:$0x5], $0x2000, $0x38;
	[tilespmem:$0x16800] =	vst v63  }
0xd4: {  	_ =	swait.ge [sflag:s3], $0x2000  }
0xd5: {  	[sflag:s3] =	ssyncset.done $0x0  }
0xd6: {  	s30 =	rddreg [dreg:$0x9];
	[sflag:s3] =	ssyncadd.s32 $0xFFFFE000  }
0xd7: {  	[tilespmem:s26], [sflag:$0x1] =	stream.strided.gather [hbm4b:s30+s18], $0x9C00, s20, s18, $0x38;
	[tilespmem:$0x16800] =	vst v63  }
0xd8: {  	_ =	swait.ge [sflag:s19], $0x9C00  }
0xd9: {  	[sflag:s19] =	ssyncset.done $0x0  }
0xda: {  	s30 =	rddreg [dreg:$0xa];
	[sflag:s19] =	ssyncadd.s32 $0xFFFF6400  }
0xdb: {  	[hbm4b:s30+s2] =	stream.linear.scatter [tilespmem:s16], [sflag:$0x5], $0x2000, $0x38;
	[tilespmem:$0x16800] =	vst v63  }
0xdc: {  	_ =	swait.ge [sflag:s3], $0x2000  }
0xdd: {  	[sflag:s3] =	ssyncset.done $0x0  }
0xde: {  	s30 =	rddreg [dreg:$0xb];
	[sflag:s3] =	ssyncadd.s32 $0xFFFFE000  }
0xdf: {  	[tilespmem:s25], [sflag:$0x2] =	stream.strided.gather [hbm4b:s30+s18], $0x9C00, s20, s18, $0x38;
	[tilespmem:$0x16800] =	vst v63  }
0xe0: {  	_ =	swait.ge [sflag:s24], $0x9C00  }
0xe1: {  	[sflag:s24] =	ssyncset.done $0x0  }
0xe2: {  	s30 =	rddreg [dreg:$0xc];
	[sflag:s24] =	ssyncadd.s32 $0xFFFF6400  }
0xe3: {  	[hbm4b:s30+s2] =	stream.linear.scatter [tilespmem:s16], [sflag:$0x5], $0x2000, $0x38;
	[tilespmem:$0x16800] =	vst v63  }
0xe4: {  	_ =	swait.ge [sflag:s3], $0x2000  }
0xe5: {  	[sflag:s3] =	ssyncset.done $0x0  }
0xe6: {  	s30 =	rddreg [dreg:$0xd];
	[sflag:s3] =	ssyncadd.s32 $0xFFFFE000  }
0xe7: {  	[tilespmem:s26], [sflag:$0x1] =	stream.strided.gather [hbm4b:s30+s18], $0x9C00, s20, s18, $0x38;
	[tilespmem:$0x16800] =	vst v63  }
0xe8: {  	_ =	swait.ge [sflag:s19], $0x9C00  }
0xe9: {  	[sflag:s19] =	ssyncset.done $0x0  }
0xea: {  	s30 =	rddreg [dreg:$0xe];
	[sflag:s19] =	ssyncadd.s32 $0xFFFF6400  }
0xeb: {  	[hbm4b:s30+s2] =	stream.linear.scatter [tilespmem:s16], [sflag:$0x5], $0x2000, $0x38;
	[tilespmem:$0x16800] =	vst v63  }
0xec: {  	_ =	swait.ge [sflag:s3], $0x2000  }
0xed: {  	[sflag:s3] =	ssyncset.done $0x0  }
0xee: {  	s30 =	rddreg [dreg:$0xf];
	[sflag:s3] =	ssyncadd.s32 $0xFFFFE000  }
0xef: {  	[tilespmem:s25], [sflag:$0x2] =	stream.strided.gather [hbm4b:s30+s18], $0x9C00, s20, s18, $0x38;
	[tilespmem:$0x16800] =	vst v63  }
0xf0: {  	_ =	swait.ge [sflag:s24], $0x9C00  }
0xf1: {  	[sflag:s24] =	ssyncset.done $0x0  }
0xf2: {  	s30 =	rddreg [dreg:$0x10];
	[sflag:s24] =	ssyncadd.s32 $0xFFFF6400  }
0xf3: {  	[hbm4b:s30+s2] =	stream.linear.scatter [tilespmem:s16], [sflag:$0x5], $0x2000, $0x38;
	[tilespmem:$0x16800] =	vst v63  }
0xf4: {  	_ =	swait.ge [sflag:s3], $0x2000  }
0xf5: {  	[sflag:s3] =	ssyncset.done $0x0  }
0xf6: {  	s30 =	rddreg [dreg:$0x11];
	[sflag:s3] =	ssyncadd.s32 $0xFFFFE000  }
0xf7: {  	[tilespmem:s26], [sflag:$0x1] =	stream.strided.gather [hbm4b:s30+s18], $0x9C00, s20, s18, $0x38;
	[tilespmem:$0x16800] =	vst v63  }
0xf8: {  	_ =	swait.ge [sflag:s19], $0x9C00  }
0xf9: {  	[sflag:s19] =	ssyncset.done $0x0  }
0xfa: {  	s30 =	rddreg [dreg:$0x12];
	[sflag:s19] =	ssyncadd.s32 $0xFFFF6400  }
0xfb: {  	[hbm4b:s30+s2] =	stream.linear.scatter [tilespmem:s16], [sflag:$0x5], $0x2000, $0x38;
	[tilespmem:$0x16800] =	vst v63  }
0xfc: {  	_ =	swait.ge [sflag:s3], $0x2000  }
0xfd: {  	[sflag:s3] =	ssyncset.done $0x0  }
0xfe: {  	s30 =	rddreg [dreg:$0x13];
	[sflag:s3] =	ssyncadd.s32 $0xFFFFE000  }
0xff: {  	[tilespmem:s25], [sflag:$0x2] =	stream.strided.gather [hbm4b:s30+s18], $0x9C00, s20, s18, $0x38;
	[tilespmem:$0x16800] =	vst v63  }
0x100: {  	_ =	swait.ge [sflag:s24], $0x9C00  }
0x101: {  	[sflag:s24] =	ssyncset.done $0x0  }
0x102: {  	s30 =	rddreg [dreg:$0x14];
	[sflag:s24] =	ssyncadd.s32 $0xFFFF6400  }
0x103: {  	[hbm4b:s30+s2] =	stream.linear.scatter [tilespmem:s16], [sflag:$0x5], $0x2000, $0x38;
	[tilespmem:$0x16800] =	vst v63  }
0x104: {  	_ =	swait.ge [sflag:s3], $0x2000  }
0x105: {  	[sflag:s3] =	ssyncset.done $0x0  }
0x106: {  	s30 =	rddreg [dreg:$0x15];
	[sflag:s3] =	ssyncadd.s32 $0xFFFFE000  }
0x107: {  	[tilespmem:s26], [sflag:$0x1] =	stream.strided.gather [hbm4b:s30+s18], $0x9C00, s20, s18, $0x38;
	[tilespmem:$0x16800] =	vst v63  }
0x108: {  	_ =	swait.ge [sflag:s19], $0x9C00  }
0x109: {  	[sflag:s19] =	ssyncset.done $0x0  }
0x10a: {  	s30 =	rddreg [dreg:$0x16];
	[sflag:s19] =	ssyncadd.s32 $0xFFFF6400  }
0x10b: {  	[hbm4b:s30+s2] =	stream.linear.scatter [tilespmem:s16], [sflag:$0x5], $0x2000, $0x38;
	[tilespmem:$0x16800] =	vst v63  }
0x10c: {  	_ =	swait.ge [sflag:s3], $0x2000  }
0x10d: {  	[sflag:s3] =	ssyncset.done $0x0  }
0x10e: {  	s30 =	rddreg [dreg:$0x17];
	[sflag:s3] =	ssyncadd.s32 $0xFFFFE000  }
0x10f: {  	[tilespmem:s25], [sflag:$0x2] =	stream.strided.gather [hbm4b:s30+s18], $0x9C00, s20, s18, $0x38;
	[tilespmem:$0x16800] =	vst v63  }
0x110: {  	_ =	swait.ge [sflag:s24], $0x9C00  }
0x111: {  	[sflag:s24] =	ssyncset.done $0x0  }
0x112: {  	s30 =	rddreg [dreg:$0x18];
	[sflag:s24] =	ssyncadd.s32 $0xFFFF6400  }
0x113: {  	[hbm4b:s30+s2] =	stream.linear.scatter [tilespmem:s16], [sflag:$0x5], $0x2000, $0x38;
	[tilespmem:$0x16800] =	vst v63  }
0x114: {  	_ =	swait.ge [sflag:s3], $0x2000  }
0x115: {  	[sflag:s3] =	ssyncset.done $0x0  }
0x116: {  	[sflag:s3] =	ssyncadd.s32 $0xFFFFE000  }
0x117: {  	[tilespmem:s26], [sflag:$0x1] =	stream.strided.gather [hbm4b:s29+s18], $0x9C00, s20, s18, $0x38;
	[tilespmem:$0x16800] =	vst v63  }
0x118: {  	_ =	swait.ge [sflag:s19], $0x9C00  }
0x119: {  	[sflag:s19] =	ssyncset.done $0x0  }
0x11a: {  	[sflag:s19] =	ssyncadd.s32 $0xFFFF6400  }
0x11b: {  	[hbm4b:s22+s2] =	stream.linear.scatter [tilespmem:s16], [sflag:$0x5], $0x2000, $0x38;
	[tilespmem:$0x16800] =	vst v63  }
0x11c: {  	_ =	swait.ge [sflag:s3], $0x2000  }
0x11d: {  	[sflag:s3] =	ssyncset.done $0x0  }
0x11e: {  	[sflag:s3] =	ssyncadd.s32 $0xFFFFE000  }
0x11f: {  	[tilespmem:s25], [sflag:$0x2] =	stream.strided.gather [hbm4b:s23+s18], $0x9C00, s20, s18, $0x38;
	[tilespmem:$0x16800] =	vst v63  }
0x120: {  	_ =	swait.ge [sflag:s24], $0x9C00  }
0x121: {  	[sflag:s24] =	ssyncset.done $0x0  }
0x122: {  	[sflag:s24] =	ssyncadd.s32 $0xFFFF6400  }
0x123: {  	[hbm4b:s21+s2] =	stream.linear.scatter [tilespmem:s16], [sflag:$0x5], $0x2000, $0x38;
	[tilespmem:$0x16800] =	vst v63  }
0x124: {  	_ =	swait.ge [sflag:s3], $0x2000  }
0x125: {  	[sflag:s3] =	ssyncset.done $0x0  }
0x126: {  	[sflag:s3] =	ssyncadd.s32 $0xFFFFE000  }
0x127: {  	[tilespmem:s26], [sflag:$0x1] =	stream.strided.gather [hbm4b:s17+s18], $0x9C00, s20, s18, $0x38;
	[tilespmem:$0x16800] =	vst v63  }
0x128: {  	_ =	swait.ge [sflag:s19], $0x9C00  }
0x129: {  	[sflag:s19] =	ssyncset.done $0x0  }
0x12a: {  	[sflag:s19] =	ssyncadd.s32 $0xFFFF6400  }
0x12b: {  	[hbm4b:s15+s2] =	stream.linear.scatter [tilespmem:s16], [sflag:$0x5], $0x2000, $0x38;
	[tilespmem:$0x16800] =	vst v63  }
0x12c: {  	_ =	swait.ge [sflag:s3], $0x2000  }
0x12d: {  	[sflag:s3] =	ssyncset.done $0x0  }
0x12e: {  	[sflag:s3] =	ssyncadd.s32 $0xFFFFE000  }
0x12f: {  	[tilespmem:s25], [sflag:$0x2] =	stream.strided.gather [hbm4b:s14+s18], $0x9C00, s20, s18, $0x38;
	[tilespmem:$0x16800] =	vst v63  }
0x130: {  	_ =	swait.ge [sflag:s24], $0x9C00  }
0x131: {  	[sflag:s24] =	ssyncset.done $0x0  }
0x132: {  	[sflag:s24] =	ssyncadd.s32 $0xFFFF6400  }
0x133: {  	[hbm4b:s11+s2] =	stream.linear.scatter [tilespmem:s16], [sflag:$0x5], $0x2000, $0x38;
	[tilespmem:$0x16800] =	vst v63  }
0x134: {  	_ =	swait.ge [sflag:s3], $0x2000  }
0x135: {  	[sflag:s3] =	ssyncset.done $0x0  }
0x136: {  	[sflag:s3] =	ssyncadd.s32 $0xFFFFE000  }
0x137: {  	[tilespmem:s26], [sflag:$0x1] =	stream.strided.gather [hbm4b:s13+s18], $0x9C00, s20, s18, $0x38;
	[tilespmem:$0x16800] =	vst v63  }
0x138: {  	_ =	swait.ge [sflag:s19], $0x9C00  }
0x139: {  	[sflag:s19] =	ssyncset.done $0x0  }
0x13a: {  	[sflag:s19] =	ssyncadd.s32 $0xFFFF6400  }
0x13b: {  	[hbm4b:s10+s2] =	stream.linear.scatter [tilespmem:s16], [sflag:$0x5], $0x2000, $0x38;
	[tilespmem:$0x16800] =	vst v63  }
0x13c: {  	_ =	swait.ge [sflag:s3], $0x2000  }
0x13d: {  	[sflag:s3] =	ssyncset.done $0x0  }
0x13e: {  	[sflag:s3] =	ssyncadd.s32 $0xFFFFE000  }
0x13f: {  	[tilespmem:s25], [sflag:$0x2] =	stream.strided.gather [hbm4b:s9+s18], $0x9C00, s20, s18, $0x38;
	[tilespmem:$0x16800] =	vst v63  }
0x140: {  	_ =	swait.ge [sflag:s24], $0x9C00  }
0x141: {  	[sflag:s24] =	ssyncset.done $0x0  }
0x142: {  	[sflag:s24] =	ssyncadd.s32 $0xFFFF6400  }
0x143: {  	[hbm4b:s8+s2] =	stream.linear.scatter [tilespmem:s16], [sflag:$0x5], $0x2000, $0x38;
	[tilespmem:$0x16800] =	vst v63  }
0x144: {  	_ =	swait.ge [sflag:s3], $0x2000  }
0x145: {  	[sflag:s3] =	ssyncset.done $0x0  }
0x146: {  	[sflag:s3] =	ssyncadd.s32 $0xFFFFE000  }
0x147: {  	_ =	swait.ge [sflag:s19], $0x9C00  }
0x148: {  	[sflag:s19] =	ssyncset.done $0x0  }
0x149: {  	[sflag:s19] =	ssyncadd.s32 $0xFFFF6400  }
0x14a: {  	[hbm4b:s7+s2] =	stream.linear.scatter [tilespmem:s16], [sflag:$0x5], $0x2000, $0x38;
	[tilespmem:$0x16800] =	vst v63  }
0x14b: {  	_ =	swait.ge [sflag:s3], $0x2000  }
0x14c: {  	[sflag:s3] =	ssyncset.done $0x0  }
0x14d: {  	[sflag:s3] =	ssyncadd.s32 $0xFFFFE000  }
0x14e: {  	p1 =	sne.s32 s0, $0x1;
	_ =	swait.ge [sflag:s12], $0x400  }
.Ltmp2:
0x14f: {  	[sflag:s12] =	ssyncset.done $0x0;
	(pc) =	sbr.rel @p1 .LBB2_2-.Ltmp2, $4  }
0x150: {  	[sflag:s12] =	ssyncadd.s32 $0xFFFFFC00  }
0x151: {  	[hbm4b:s4+s2] =	stream.linear.scatter [tilespmem:s5], [sflag:$0x5], $0x400, $0x38;
	[tilespmem:$0x16800] =	vst v63  }
0x152: {  	_ =	swait.ge [sflag:s3], $0x400  }
0x153: {  	s0 =	sadd.s32 $0xFFFFFFFF, s0;
	s1 =	rddreg [dreg:$0x4];
	[sflag:s3] =	ssyncset.done $0x0  }
0x154: {  	s5 =	simm.s32 $0x16400;
	s6 =	simm.s32 $0x40  }
.LBB2_4:
0x155: {  	[sflag:s3] =	ssyncadd.s32 @p0 $0xFFFFFC00  }
0x156: {  	[tilespmem:s2], [sflag:$0x5] =	stream.linear.gather [hbm4b:s1+s2], $0x800, $0x38;
	[tilespmem:$0x16800] =	vst v63  }
0x157: {  	_ =	swait.ge [sflag:s3], $0x800  }
0x158: {  	[sflag:s3] =	ssyncset.done $0x0  }
0x159: {  	s0 =	rddreg [dreg:$0x5];
	[sflag:s3] =	ssyncadd.s32 $0xFFFFF800  }
0x15a: {  	[tilespmem:s5], [sflag:$0x4] =	stream.indirect.gather [hbm4b:s0+s6], $0x10, s28, s6, $0xb8;
	[tilespmem:$0x16800] =	vst v63  }
0x15b: {  	s30 =	simm.s32 $0x14000;
	s1 =	rddreg [dreg:$0x3]  }
0x15c: {  	[tilespmem:s30], [sflag:$0x3] =	stream.indirect.gather [hbm4b:s1+s6], $0x10, s28, s6, $0xb8;
	[tilespmem:$0x16800] =	vst v63  }
0x15d: {  	s0 =	rddreg [dreg:$0x6]  }
0x15e: {  	[tilespmem:s26], [sflag:$0x1] =	stream.strided.gather [hbm4b:s0+s18], $0x9C00, s20, s18, $0x38;
	[tilespmem:$0x16800] =	vst v63  }
0x15f: {  	_ =	swait.ge [sflag:s31], $0x400  }
0x160: {  	[sflag:s31] =	ssyncset.done $0x0  }
0x161: {  	s6 =	rddreg [dreg:$0x7];
	[sflag:s31] =	ssyncadd.s32 $0xFFFFFC00  }
0x162: {  	[tilespmem:s25], [sflag:$0x2] =	stream.strided.gather [hbm4b:s6+s18], $0x9C00, s20, s18, $0x38;
	[tilespmem:$0x16800] =	vst v63  }
0x163: {  	_ =	swait.ge [sflag:s24], $0x9C00  }
0x164: {  	[sflag:s24] =	ssyncset.done $0x0  }
0x165: {  	s28 =	rddreg [dreg:$0x8];
	[sflag:s24] =	ssyncadd.s32 $0xFFFF6400  }
0x166: {  	[hbm4b:s28+s2] =	stream.linear.scatter [tilespmem:s16], [sflag:$0x5], $0x2000, $0x38;
	[tilespmem:$0x16800] =	vst v63  }
0x167: {  	_ =	swait.ge [sflag:s3], $0x2000  }
0x168: {  	[sflag:s3] =	ssyncset.done $0x0  }
0x169: {  	s30 =	rddreg [dreg:$0x9];
	[sflag:s3] =	ssyncadd.s32 $0xFFFFE000  }
0x16a: {  	[tilespmem:s26], [sflag:$0x1] =	stream.strided.gather [hbm4b:s30+s18], $0x9C00, s20, s18, $0x38;
	[tilespmem:$0x16800] =	vst v63  }
0x16b: {  	_ =	swait.ge [sflag:s19], $0x9C00  }
0x16c: {  	[sflag:s19] =	ssyncset.done $0x0  }
0x16d: {  	s31 =	rddreg [dreg:$0xa];
	[sflag:s19] =	ssyncadd.s32 $0xFFFF6400  }
0x16e: {  	[hbm4b:s31+s2] =	stream.linear.scatter [tilespmem:s16], [sflag:$0x5], $0x2000, $0x38;
	[tilespmem:$0x16800] =	vst v63  }
0x16f: {  	_ =	swait.ge [sflag:s3], $0x2000  }
0x170: {  	[sflag:s3] =	ssyncset.done $0x0  }
0x171: {  	s1 =	rddreg [dreg:$0xb];
	[sflag:s3] =	ssyncadd.s32 $0xFFFFE000  }
0x172: {  	[tilespmem:s25], [sflag:$0x2] =	stream.strided.gather [hbm4b:s1+s18], $0x9C00, s20, s18, $0x38;
	[tilespmem:$0x16800] =	vst v63  }
0x173: {  	_ =	swait.ge [sflag:s24], $0x9C00  }
0x174: {  	[sflag:s24] =	ssyncset.done $0x0  }
0x175: {  	s6 =	rddreg [dreg:$0xc];
	[sflag:s24] =	ssyncadd.s32 $0xFFFF6400  }
0x176: {  	[hbm4b:s6+s2] =	stream.linear.scatter [tilespmem:s16], [sflag:$0x5], $0x2000, $0x38;
	[tilespmem:$0x16800] =	vst v63  }
0x177: {  	_ =	swait.ge [sflag:s3], $0x2000  }
0x178: {  	[sflag:s3] =	ssyncset.done $0x0  }
0x179: {  	s28 =	rddreg [dreg:$0xd];
	[sflag:s3] =	ssyncadd.s32 $0xFFFFE000  }
0x17a: {  	[tilespmem:s26], [sflag:$0x1] =	stream.strided.gather [hbm4b:s28+s18], $0x9C00, s20, s18, $0x38;
	[tilespmem:$0x16800] =	vst v63  }
0x17b: {  	_ =	swait.ge [sflag:s19], $0x9C00  }
0x17c: {  	[sflag:s19] =	ssyncset.done $0x0  }
0x17d: {  	s30 =	rddreg [dreg:$0xe];
	[sflag:s19] =	ssyncadd.s32 $0xFFFF6400  }
0x17e: {  	[hbm4b:s30+s2] =	stream.linear.scatter [tilespmem:s16], [sflag:$0x5], $0x2000, $0x38;
	[tilespmem:$0x16800] =	vst v63  }
0x17f: {  	_ =	swait.ge [sflag:s3], $0x2000  }
0x180: {  	[sflag:s3] =	ssyncset.done $0x0  }
0x181: {  	s31 =	rddreg [dreg:$0xf];
	[sflag:s3] =	ssyncadd.s32 $0xFFFFE000  }
0x182: {  	[tilespmem:s25], [sflag:$0x2] =	stream.strided.gather [hbm4b:s31+s18], $0x9C00, s20, s18, $0x38;
	[tilespmem:$0x16800] =	vst v63  }
0x183: {  	_ =	swait.ge [sflag:s24], $0x9C00  }
0x184: {  	[sflag:s24] =	ssyncset.done $0x0  }
0x185: {  	s1 =	rddreg [dreg:$0x10];
	[sflag:s24] =	ssyncadd.s32 $0xFFFF6400  }
0x186: {  	[hbm4b:s1+s2] =	stream.linear.scatter [tilespmem:s16], [sflag:$0x5], $0x2000, $0x38;
	[tilespmem:$0x16800] =	vst v63  }
0x187: {  	_ =	swait.ge [sflag:s3], $0x2000  }
0x188: {  	[sflag:s3] =	ssyncset.done $0x0  }
0x189: {  	s6 =	rddreg [dreg:$0x11];
	[sflag:s3] =	ssyncadd.s32 $0xFFFFE000  }
0x18a: {  	[tilespmem:s26], [sflag:$0x1] =	stream.strided.gather [hbm4b:s6+s18], $0x9C00, s20, s18, $0x38;
	[tilespmem:$0x16800] =	vst v63  }
0x18b: {  	_ =	swait.ge [sflag:s19], $0x9C00  }
0x18c: {  	[sflag:s19] =	ssyncset.done $0x0  }
0x18d: {  	s28 =	rddreg [dreg:$0x12];
	[sflag:s19] =	ssyncadd.s32 $0xFFFF6400  }
0x18e: {  	[hbm4b:s28+s2] =	stream.linear.scatter [tilespmem:s16], [sflag:$0x5], $0x2000, $0x38;
	[tilespmem:$0x16800] =	vst v63  }
0x18f: {  	_ =	swait.ge [sflag:s3], $0x2000  }
0x190: {  	[sflag:s3] =	ssyncset.done $0x0  }
0x191: {  	s30 =	rddreg [dreg:$0x13];
	[sflag:s3] =	ssyncadd.s32 $0xFFFFE000  }
0x192: {  	[tilespmem:s25], [sflag:$0x2] =	stream.strided.gather [hbm4b:s30+s18], $0x9C00, s20, s18, $0x38;
	[tilespmem:$0x16800] =	vst v63  }
0x193: {  	_ =	swait.ge [sflag:s24], $0x9C00  }
0x194: {  	[sflag:s24] =	ssyncset.done $0x0  }
0x195: {  	s31 =	rddreg [dreg:$0x14];
	[sflag:s24] =	ssyncadd.s32 $0xFFFF6400  }
0x196: {  	[hbm4b:s31+s2] =	stream.linear.scatter [tilespmem:s16], [sflag:$0x5], $0x2000, $0x38;
	[tilespmem:$0x16800] =	vst v63  }
0x197: {  	_ =	swait.ge [sflag:s3], $0x2000  }
0x198: {  	[sflag:s3] =	ssyncset.done $0x0  }
0x199: {  	s1 =	rddreg [dreg:$0x15];
	[sflag:s3] =	ssyncadd.s32 $0xFFFFE000  }
0x19a: {  	[tilespmem:s26], [sflag:$0x1] =	stream.strided.gather [hbm4b:s1+s18], $0x9C00, s20, s18, $0x38;
	[tilespmem:$0x16800] =	vst v63  }
0x19b: {  	_ =	swait.ge [sflag:s19], $0x9C00  }
0x19c: {  	[sflag:s19] =	ssyncset.done $0x0  }
0x19d: {  	s6 =	rddreg [dreg:$0x16];
	[sflag:s19] =	ssyncadd.s32 $0xFFFF6400  }
0x19e: {  	[hbm4b:s6+s2] =	stream.linear.scatter [tilespmem:s16], [sflag:$0x5], $0x2000, $0x38;
	[tilespmem:$0x16800] =	vst v63  }
0x19f: {  	_ =	swait.ge [sflag:s3], $0x2000  }
0x1a0: {  	[sflag:s3] =	ssyncset.done $0x0  }
0x1a1: {  	s28 =	rddreg [dreg:$0x17];
	[sflag:s3] =	ssyncadd.s32 $0xFFFFE000  }
0x1a2: {  	[tilespmem:s25], [sflag:$0x2] =	stream.strided.gather [hbm4b:s28+s18], $0x9C00, s20, s18, $0x38;
	[tilespmem:$0x16800] =	vst v63  }
0x1a3: {  	_ =	swait.ge [sflag:s24], $0x9C00  }
0x1a4: {  	[sflag:s24] =	ssyncset.done $0x0  }
0x1a5: {  	s30 =	rddreg [dreg:$0x18];
	[sflag:s24] =	ssyncadd.s32 $0xFFFF6400  }
0x1a6: {  	[hbm4b:s30+s2] =	stream.linear.scatter [tilespmem:s16], [sflag:$0x5], $0x2000, $0x38;
	[tilespmem:$0x16800] =	vst v63  }
0x1a7: {  	_ =	swait.ge [sflag:s3], $0x2000  }
0x1a8: {  	[sflag:s3] =	ssyncset.done $0x0  }
0x1a9: {  	[sflag:s3] =	ssyncadd.s32 $0xFFFFE000  }
0x1aa: {  	[tilespmem:s26], [sflag:$0x1] =	stream.strided.gather [hbm4b:s29+s18], $0x9C00, s20, s18, $0x38;
	[tilespmem:$0x16800] =	vst v63  }
0x1ab: {  	_ =	swait.ge [sflag:s19], $0x9C00  }
0x1ac: {  	[sflag:s19] =	ssyncset.done $0x0  }
0x1ad: {  	[sflag:s19] =	ssyncadd.s32 $0xFFFF6400  }
0x1ae: {  	[hbm4b:s22+s2] =	stream.linear.scatter [tilespmem:s16], [sflag:$0x5], $0x2000, $0x38;
	[tilespmem:$0x16800] =	vst v63  }
0x1af: {  	_ =	swait.ge [sflag:s3], $0x2000  }
0x1b0: {  	[sflag:s3] =	ssyncset.done $0x0  }
0x1b1: {  	[sflag:s3] =	ssyncadd.s32 $0xFFFFE000  }
0x1b2: {  	[tilespmem:s25], [sflag:$0x2] =	stream.strided.gather [hbm4b:s23+s18], $0x9C00, s20, s18, $0x38;
	[tilespmem:$0x16800] =	vst v63  }
0x1b3: {  	_ =	swait.ge [sflag:s24], $0x9C00  }
0x1b4: {  	[sflag:s24] =	ssyncset.done $0x0  }
0x1b5: {  	[sflag:s24] =	ssyncadd.s32 $0xFFFF6400  }
0x1b6: {  	[hbm4b:s21+s2] =	stream.linear.scatter [tilespmem:s16], [sflag:$0x5], $0x2000, $0x38;
	[tilespmem:$0x16800] =	vst v63  }
0x1b7: {  	_ =	swait.ge [sflag:s3], $0x2000  }
0x1b8: {  	[sflag:s3] =	ssyncset.done $0x0  }
0x1b9: {  	[sflag:s3] =	ssyncadd.s32 $0xFFFFE000  }
0x1ba: {  	[tilespmem:s26], [sflag:$0x1] =	stream.strided.gather [hbm4b:s17+s18], $0x9C00, s20, s18, $0x38;
	[tilespmem:$0x16800] =	vst v63  }
0x1bb: {  	_ =	swait.ge [sflag:s19], $0x9C00  }
0x1bc: {  	[sflag:s19] =	ssyncset.done $0x0  }
0x1bd: {  	[sflag:s19] =	ssyncadd.s32 $0xFFFF6400  }
0x1be: {  	[hbm4b:s15+s2] =	stream.linear.scatter [tilespmem:s16], [sflag:$0x5], $0x2000, $0x38;
	[tilespmem:$0x16800] =	vst v63  }
0x1bf: {  	_ =	swait.ge [sflag:s3], $0x2000  }
0x1c0: {  	[sflag:s3] =	ssyncset.done $0x0  }
0x1c1: {  	[sflag:s3] =	ssyncadd.s32 $0xFFFFE000  }
0x1c2: {  	[tilespmem:s25], [sflag:$0x2] =	stream.strided.gather [hbm4b:s14+s18], $0x9C00, s20, s18, $0x38;
	[tilespmem:$0x16800] =	vst v63  }
0x1c3: {  	_ =	swait.ge [sflag:s24], $0x9C00  }
0x1c4: {  	[sflag:s24] =	ssyncset.done $0x0  }
0x1c5: {  	[sflag:s24] =	ssyncadd.s32 $0xFFFF6400  }
0x1c6: {  	[hbm4b:s11+s2] =	stream.linear.scatter [tilespmem:s16], [sflag:$0x5], $0x2000, $0x38;
	[tilespmem:$0x16800] =	vst v63  }
0x1c7: {  	_ =	swait.ge [sflag:s3], $0x2000  }
0x1c8: {  	[sflag:s3] =	ssyncset.done $0x0  }
0x1c9: {  	[sflag:s3] =	ssyncadd.s32 $0xFFFFE000  }
0x1ca: {  	[tilespmem:s26], [sflag:$0x1] =	stream.strided.gather [hbm4b:s13+s18], $0x9C00, s20, s18, $0x38;
	[tilespmem:$0x16800] =	vst v63  }
0x1cb: {  	_ =	swait.ge [sflag:s19], $0x9C00  }
0x1cc: {  	[sflag:s19] =	ssyncset.done $0x0  }
0x1cd: {  	[sflag:s19] =	ssyncadd.s32 $0xFFFF6400  }
0x1ce: {  	[hbm4b:s10+s2] =	stream.linear.scatter [tilespmem:s16], [sflag:$0x5], $0x2000, $0x38;
	[tilespmem:$0x16800] =	vst v63  }
0x1cf: {  	_ =	swait.ge [sflag:s3], $0x2000  }
0x1d0: {  	[sflag:s3] =	ssyncset.done $0x0  }
0x1d1: {  	[sflag:s3] =	ssyncadd.s32 $0xFFFFE000  }
0x1d2: {  	[tilespmem:s25], [sflag:$0x2] =	stream.strided.gather [hbm4b:s9+s18], $0x9C00, s20, s18, $0x38;
	[tilespmem:$0x16800] =	vst v63  }
0x1d3: {  	_ =	swait.ge [sflag:s24], $0x9C00  }
0x1d4: {  	[sflag:s24] =	ssyncset.done $0x0  }
0x1d5: {  	[sflag:s24] =	ssyncadd.s32 $0xFFFF6400  }
0x1d6: {  	[hbm4b:s8+s2] =	stream.linear.scatter [tilespmem:s16], [sflag:$0x5], $0x2000, $0x38;
	[tilespmem:$0x16800] =	vst v63  }
0x1d7: {  	_ =	swait.ge [sflag:s3], $0x2000  }
0x1d8: {  	[sflag:s3] =	ssyncset.done $0x0  }
0x1d9: {  	[sflag:s3] =	ssyncadd.s32 $0xFFFFE000  }
0x1da: {  	_ =	swait.ge [sflag:s19], $0x9C00  }
0x1db: {  	[sflag:s19] =	ssyncset.done $0x0  }
0x1dc: {  	[sflag:s19] =	ssyncadd.s32 $0xFFFF6400  }
0x1dd: {  	[hbm4b:s7+s2] =	stream.linear.scatter [tilespmem:s16], [sflag:$0x5], $0x2000, $0x38;
	[tilespmem:$0x16800] =	vst v63  }
0x1de: {  	_ =	swait.ge [sflag:s3], $0x2000  }
0x1df: {  	[sflag:s3] =	ssyncset.done $0x0  }
0x1e0: {  	[sflag:s3] =	ssyncadd.s32 $0xFFFFE000  }
0x1e1: {  	_ =	swait.ge [sflag:s12], $0x400  }
0x1e2: {  	[sflag:s12] =	ssyncset.done $0x0  }
0x1e3: {  	[sflag:s12] =	ssyncadd.s32 $0xFFFFFC00  }
0x1e4: {  	[hbm4b:s4+s2] =	stream.linear.scatter [tilespmem:s5], [sflag:$0x5], $0x400, $0x38;
	[tilespmem:$0x16800] =	vst v63  }
0x1e5: {  	_ =	swait.ge [sflag:s3], $0x400  }
0x1e6: {  	[sflag:s3] =	ssyncset.done $0x0  }
0x1e7: {  	[sflag:s3] =	ssyncadd.s32 $0xFFFFFC00  }
0x1e8: {  	_ =	sfence.sel $0x180000  }
0x1e9: {  	[bflag:$0x0] =	sbarrier.arrive $0xFFFF  }
0x1ea: {  	_ =	strace $0x9000004A  }
0x1eb: {  	s31 =	stileid.u32;
	[bflag:$0x2] =	sbarrier.arrive $0xFFFF  }
0x1ec: {  	p0 =	sne.s32 s31, $0x0;
	s0 =	rddreg [dreg:$0x2]  }
0x1ed: {  	s0 =	sadd.s32 @!p0 $0x100000, s0  }
0x1ee: {  	[sflag:s0] =	ssyncadd.tile.s32 @!p0 $0x1;
	_ =	shalt  }
.LBB2_5:
.Ltmp3:
0x1ef: {  	(pc) =	sbr.rel .LBB2_4-.Ltmp3, $2  }
0x1f0: {  	_ =	sdelay $0x2  }
0x1f1: {  	s6 =	simm.s32 $0x40  }
.Lfunc_end2:
_tile_overlayer_lowered:
.L_overlay_start_2:
0x1f2: {  	(tag) =	ssettag $0x2  }
0x1f3: {  	s0 =	rddreg [dreg:$0x0];
	s2 =	stileid.u32  }
0x1f4: {  	s1 =	rddreg [dreg:$0x1];
	p0 =	sne.s32 s2, $0x0  }
0x1f5: {  	s3 =	rddreg [dreg:$0x2];
	[bflag:$0x3] =	sbarrier.arrive $0xFFFF;
	s2 =	simm.s32 @!p0 $0x1C05  }
0x1f6: {  	[timem:s3], [sflag:s2] =	dma.local @!p0 [hbm:s0], s1  }
0x1f7: {  	s0 =	simm.s32 @!p0 $0x5  }
0x1f8: {  	_ =	swait.ge @!p0 [sflag:s0], s1  }
0x1f9: {  	s1 =	ssub.s32 @!p0 $0x0, s1;
	[sflag:s0] =	ssyncset.done @!p0 $0x0  }
0x1fa: {  	[sflag:s0] =	ssyncadd.s32 @!p0 s1  }
0x1fb: {  	[bflag:$0x3] =	sbarrier.arrive $0xFFFF  }
0x1fc: {  	_ =	shalt  }

</sc_bundles>
